<compile_context>
chip_gen: v7x
topology: tpu7x:2x2x1
jax: 0.10.2.dev20260603
libtpu: 0.0.44.dev20260713+nightly
codegen_flags: <defaults>
</compile_context>

<pallas_src>
import functools

import jax
import jax.numpy as jnp
from jax import lax
from jax.experimental import pallas as pl
from jax.experimental.pallas import tpu as pltpu
from jax.experimental.pallas import tpu_sc as plsc

N = 10000
E = 320000
IN_DIM = 128
HID1 = 32
HID2 = 16

NC = 2
NS = 16
LANES = 16
NW = NC * NS

CHUNK = 128
NCHG = E // CHUNK
NCH_LO = NCHG // NW
NCH_REM = NCHG - NCH_LO * NW
NPIPE = 6
_PIPE = 13

RPT = 632
NROWS = RPT * NS

_mesh = plsc.VectorSubcoreMesh(
    core_axis_name="c", subcore_axis_name="s", num_cores=NC, num_subcores=NS
)

_sc_params = pltpu.CompilerParams(use_tc_tiling_on_sc=False,
                                  disable_bounds_checks=True)


def _slab_range(wid):
    base = wid * NCH_LO + jnp.minimum(wid, NCH_REM)
    nch = NCH_LO + jnp.where(wid < NCH_REM, 1, 0)
    return base, nch


HLN = 8


@functools.partial(
    pl.kernel,
    out_type=jax.ShapeDtypeStruct((NC, NROWS, HLN), jnp.float32),
    mesh=_mesh,
    scratch_types=[
        pltpu.VMEM((NCH_LO + 1, 2, CHUNK), jnp.int32),
        pltpu.VMEM((CHUNK, HLN), jnp.float32),
        pltpu.VMEM_SHARED((NROWS, HLN), jnp.float32),
    ],
    compiler_params=_sc_params,
)
def _deg_kernel(ei_hbm, ones_hbm, zeros_hbm, hist_hbm, ei_v, ones_v, acc):
    c = lax.axis_index("c")
    s = lax.axis_index("s")
    wid = c * NS + s
    base, nch = _slab_range(wid)
    pltpu.sync_copy(ei_hbm.at[pl.ds(base, NCH_LO)], ei_v.at[pl.ds(0, NCH_LO)])

    @pl.when(wid < NCH_REM)
    def _():
        pltpu.sync_copy(ei_hbm.at[pl.ds(base + NCH_LO, 1)],
                        ei_v.at[pl.ds(NCH_LO, 1)])

    pltpu.sync_copy(ones_hbm, ones_v)
    pltpu.sync_copy(zeros_hbm, acc.at[pl.ds(s * RPT, RPT)])
    plsc.subcore_barrier()

    @pl.loop(0, nch)
    def _(j):
        pltpu.sync_copy(ones_v, acc.at[ei_v.at[j, 1]], add=True)

    plsc.subcore_barrier()
    pltpu.sync_copy(acc.at[pl.ds(s * RPT, RPT)], hist_hbm.at[c, pl.ds(s * RPT, RPT)])


def _make_scatter(D):
    @functools.partial(
        pl.kernel,
        out_type=jax.ShapeDtypeStruct((NC, NROWS, D), jnp.float32),
        mesh=_mesh,
        scratch_types=[
            pltpu.VMEM((NCH_LO + 1, 2, CHUNK), jnp.int32),
            pltpu.VMEM((_PIPE, CHUNK, D), jnp.float32),
            pltpu.VMEM_SHARED((NROWS, D), jnp.float32),
            pltpu.VMEM_SHARED((N, D), jnp.float32),
            pltpu.SemaphoreType.DMA((_PIPE,)),
            pltpu.SemaphoreType.DMA((_PIPE,)),
        ],
        compiler_params=_sc_params,
    )
    def scatter_kernel(g_hbm, ei_hbm, zeros_hbm, tmp_hbm,
                       ei_v, rows_v, acc, g_spm, gsem, ssem):
        c = lax.axis_index("c")
        s = lax.axis_index("s")
        wid = c * NS + s
        base, nch = _slab_range(wid)
        pltpu.sync_copy(ei_hbm.at[pl.ds(base, NCH_LO)],
                        ei_v.at[pl.ds(0, NCH_LO)])

        @pl.when(wid < NCH_REM)
        def _():
            pltpu.sync_copy(ei_hbm.at[pl.ds(base + NCH_LO, 1)],
                            ei_v.at[pl.ds(NCH_LO, 1)])

        pltpu.sync_copy(zeros_hbm, acc.at[pl.ds(s * RPT, RPT)])
        pltpu.sync_copy(g_hbm.at[pl.ds(s * (N // NS), N // NS)],
                        g_spm.at[pl.ds(s * (N // NS), N // NS)])
        plsc.subcore_barrier()

        @pl.loop(0, NPIPE)
        def _(jj):
            bb = jj * _PIPE
            for b in range(_PIPE):
                pltpu.async_copy(g_spm.at[ei_v.at[bb + b, 0]], rows_v.at[b],
                                 gsem.at[b])
            for b in range(_PIPE):
                pltpu.make_async_copy(g_spm.at[ei_v.at[bb + b, 0]],
                                      rows_v.at[b], gsem.at[b]).wait()
                pltpu.async_copy(rows_v.at[b], acc.at[ei_v.at[bb + b, 1]],
                                 ssem.at[b], add=True)
            for b in range(_PIPE):
                pltpu.make_async_copy(rows_v.at[b],
                                      acc.at[ei_v.at[bb + b, 1]],
                                      ssem.at[b]).wait()

        @pl.loop(NPIPE * _PIPE, nch)
        def _(j):
            pltpu.async_copy(g_spm.at[ei_v.at[j, 0]], rows_v.at[0],
                             gsem.at[0]).wait()
            pltpu.sync_copy(rows_v.at[0], acc.at[ei_v.at[j, 1]], add=True)

        plsc.subcore_barrier()
        pltpu.sync_copy(acc.at[pl.ds(s * RPT, RPT)],
                        tmp_hbm.at[c, pl.ds(s * RPT, RPT)])

    return scatter_kernel


_scatter_h1 = _make_scatter(HID1)
_scatter_h2 = _make_scatter(HID2)


BLK = 2000
GRID = N // BLK


def _tcmm_body(x_ref, w_ref, h_ref):
    h_ref[...] = jnp.dot(x_ref[...], w_ref[...],
                         preferred_element_type=jnp.float32)


_tc_mm = pl.pallas_call(
    _tcmm_body,
    grid=(GRID,),
    in_specs=[
        pl.BlockSpec((BLK, IN_DIM), lambda i: (i, 0)),
        pl.BlockSpec((IN_DIM, HID1), lambda i: (0, 0)),
    ],
    out_specs=pl.BlockSpec((BLK, HID1), lambda i: (i, 0)),
    out_shape=jax.ShapeDtypeStruct((N, HID1), jnp.float32),
)


def _tcs_body(hist_ref, h_ref, g_ref, dis_ref):
    deg = (hist_ref[0].sum(axis=1, keepdims=True)
           + hist_ref[1].sum(axis=1, keepdims=True) + 1.0)
    dis = lax.rsqrt(deg)
    g_ref[...] = h_ref[...] * dis
    dis_ref[...] = dis


_tc_scale = pl.pallas_call(
    _tcs_body,
    grid=(GRID,),
    in_specs=[
        pl.BlockSpec((2, BLK, HLN), lambda i: (0, i, 0)),
        pl.BlockSpec((BLK, HID1), lambda i: (i, 0)),
    ],
    out_specs=(
        pl.BlockSpec((BLK, HID1), lambda i: (i, 0)),
        pl.BlockSpec((BLK, 1), lambda i: (i, 0)),
    ),
    out_shape=(
        jax.ShapeDtypeStruct((N, HID1), jnp.float32),
        jax.ShapeDtypeStruct((N, 1), jnp.float32),
    ),
)


def _tcd_body(t_ref, g1_ref, dis_ref, b_ref, w_ref, g2_ref):
    h = jnp.maximum(
        (t_ref[0] + t_ref[1] + g1_ref[...]) * dis_ref[...] + b_ref[...],
        0.0,
    )
    g2_ref[...] = jnp.dot(h, w_ref[...], preferred_element_type=jnp.float32) * dis_ref[...]


_tc_mid = pl.pallas_call(
    _tcd_body,
    grid=(GRID,),
    in_specs=[
        pl.BlockSpec((2, BLK, HID1), lambda i: (0, i, 0)),
        pl.BlockSpec((BLK, HID1), lambda i: (i, 0)),
        pl.BlockSpec((BLK, 1), lambda i: (i, 0)),
        pl.BlockSpec((1, HID1), lambda i: (0, 0)),
        pl.BlockSpec((HID1, HID2), lambda i: (0, 0)),
    ],
    out_specs=pl.BlockSpec((BLK, HID2), lambda i: (i, 0)),
    out_shape=jax.ShapeDtypeStruct((N, HID2), jnp.float32),
)


def _tcf_body(t_ref, g2_ref, dis_ref, b_ref, out_ref):
    out_ref[...] = ((t_ref[0] + t_ref[1] + g2_ref[...])
                    * dis_ref[...] + b_ref[...])


_tc_last = pl.pallas_call(
    _tcf_body,
    grid=(GRID,),
    in_specs=[
        pl.BlockSpec((2, BLK, HID2), lambda i: (0, i, 0)),
        pl.BlockSpec((BLK, HID2), lambda i: (i, 0)),
        pl.BlockSpec((BLK, 1), lambda i: (i, 0)),
        pl.BlockSpec((1, HID2), lambda i: (0, 0)),
    ],
    out_specs=pl.BlockSpec((BLK, HID2), lambda i: (i, 0)),
    out_shape=jax.ShapeDtypeStruct((N, HID2), jnp.float32),
)


def kernel(x, edge_index, W1, b1, W2, b2):
    ei3 = jnp.swapaxes(edge_index.reshape(2, NCHG, CHUNK), 0, 1)

    ones = jnp.zeros((CHUNK, HLN), jnp.float32).at[:, 0].set(1.0)
    z16 = jnp.zeros((RPT, HLN), jnp.float32)
    z32 = jnp.zeros((RPT, HID1), jnp.float32)
    zh2 = jnp.zeros((RPT, HID2), jnp.float32)

    h1 = _tc_mm(x, W1)
    hist = _deg_kernel(ei3, ones, z16)
    g1, dis = _tc_scale(hist, h1)
    t1 = _scatter_h1(g1, ei3, z32)
    g2 = _tc_mid(t1, g1, dis, b1.reshape(1, HID1), W2)
    t2 = _scatter_h2(g2, ei3, zh2)
    out = _tc_last(t2, g2, dis, b2.reshape(1, HID2))
    return out

# --- scband reference (transcript-rebuilt; emitter-appended) ---
"""Pipeline reference for scband-ppencoder-47751446397029 (READ-ONLY COPY).

The authoritative reference and input builder live on the scoring server;
editing this copy changes nothing except your own understanding.
"""

import jax, jax.numpy as jnp
import numpy as np

N = 10000
E = 320000
IN_DIM = 128
HID1 = 32
HID2 = 16


def gcn_conv(x, edge_index, W, b, num_nodes):
    # Faithful PyG GCNConv (normalize=True, add_self_loops=True, bias=True)
    src = edge_index[0]
    dst = edge_index[1]
    loop = jnp.arange(num_nodes, dtype=src.dtype)
    src = jnp.concatenate([src, loop], axis=0)
    dst = jnp.concatenate([dst, loop], axis=0)
    # symmetric normalization: deg computed on destination nodes
    deg = jnp.zeros((num_nodes,), dtype=x.dtype).at[dst].add(1.0)
    deg_inv_sqrt = jnp.where(deg > 0, deg ** -0.5, 0.0)
    norm = deg_inv_sqrt[src] * deg_inv_sqrt[dst]
    h = x @ W  # linear transform (no bias inside lin)
    msg = h[src] * norm[:, None]  # gather + scale
    out = jax.ops.segment_sum(msg, dst, num_segments=num_nodes)  # scatter-add
    return out + b


def setup_inputs(seed: int = 0) -> dict:
    key = jax.random.key(seed)
    k1, k2, k3, k4 = jax.random.split(key, 4)
    x = jax.random.normal(k1, (N, IN_DIM), dtype=jnp.float32)
    edge_index = jax.random.randint(k2, (2, E), 0, N, dtype=jnp.int32)
    # glorot-style init for GCN weights, zero bias (matches PyG defaults)
    W1 = jax.random.normal(k3, (IN_DIM, HID1), dtype=jnp.float32) * np.sqrt(2.0 / (IN_DIM + HID1))
    b1 = jnp.zeros((HID1,), dtype=jnp.float32)
    W2 = jax.random.normal(k4, (HID1, HID2), dtype=jnp.float32) * np.sqrt(2.0 / (HID1 + HID2))
    b2 = jnp.zeros((HID2,), dtype=jnp.float32)
    return {"x": x, "edge_index": edge_index, "W1": W1, "b1": b1, "W2": W2, "b2": b2}


def reference(x, edge_index, W1, b1, W2, b2):
    h = gcn_conv(x, edge_index, W1, b1, N)
    h = jax.nn.relu(h)
    out = gcn_conv(h, edge_index, W2, b2, N)
    return out

if __name__ == "__main__":
    import jax
    _d = setup_inputs()
    print(jax.jit(kernel)(*tuple(_d.values())))

</pallas_src>

<mosaic_0001>
#map = affine_map<(d0, d1) -> (0, 0)>
#map1 = affine_map<(d0, d1) -> (0, 0, 0)>
module attributes {stable_mosaic.version = 14 : i64} {
  func.func @scatter_kernel(%arg0: i32, %arg1: i32, %arg2: memref<10000x32xf32, #tpu.memory_space<hbm>>, %arg3: memref<2500x2x128xi32, #tpu.memory_space<hbm>>, %arg4: memref<632x32xf32, #tpu.memory_space<hbm>>, %arg5: memref<2x10112x32xf32, #tpu.memory_space<hbm>>, %arg6: memref<79x2x128xi32, #tpu.memory_space<vmem>>, %arg7: memref<13x128x32xf32, #tpu.memory_space<vmem>>, %arg8: memref<10112x32xf32, #tpu.memory_space<vmem_shared>>, %arg9: memref<10000x32xf32, #tpu.memory_space<vmem_shared>>, %arg10: memref<13x!tpu.dma_semaphore, #tpu.memory_space<semaphore_mem>>, %arg11: memref<13x!tpu.dma_semaphore, #tpu.memory_space<semaphore_mem>>) attributes {dimension_semantics = [#tpu.dimension_semantics<core_parallel>, #tpu.dimension_semantics<subcore_parallel>], iteration_bounds = array<i64: 2, 16>, scalar_prefetch = 0 : i64, scratch_operands = 6 : i64, tpu.core_type = #tpu.core_type<sc_vector_subcore>, window_params = [{transform_indices = #map}, {transform_indices = #map1}, {transform_indices = #map}, {transform_indices = #map1}]} {
    %mul3A = arith.constant 16 : i32
    %mul3A_0 = arith.muli %arg0, %mul3A : i32
    %add3A = arith.addi %mul3A_0, %arg1 : i32
    %mul3A_1 = arith.constant 78 : i32
    %mul3A_2 = arith.muli %add3A, %mul3A_1 : i32
    %min3A = arith.constant 4 : i32
    %min3A_3 = arith.minsi %add3A, %min3A : i32
    %add3A_4 = arith.addi %mul3A_2, %min3A_3 : i32
    %lt3A = arith.constant 4 : i32
    %lt3A_5 = arith.cmpi slt, %add3A, %lt3A : i32
    %jit3A = arith.constant 1 : i32
    %jit3A_6 = arith.constant 0 : i32
    %select_n3A = arith.select %lt3A_5, %jit3A, %jit3A_6 : i32
    %add3A_7 = arith.constant 78 : i32
    %add3A_8 = arith.addi %add3A_7, %select_n3A : i32
    "tpu.region"() ({
      %run_scoped3A = tpu.sem_alloc : memref<!tpu.dma_semaphore, #tpu.memory_space<semaphore_mem>>
      %dma_start3A = arith.constant 0 : i32
      %dma_start3A_43 = arith.constant 0 : i32
      %dma_start3A_44 = arith.constant 0 : i32
      %dma_start3A_45 = tpu.memref_slice %arg6[%dma_start3A, %dma_start3A_43, %dma_start3A_44] : memref<79x2x128xi32, #tpu.memory_space<vmem>> -> memref<78x2x128xi32, #tpu.memory_space<vmem>>
      %dma_start3A_46 = arith.constant 0 : i32
      %dma_start3A_47 = arith.constant 0 : i32
      %dma_start3A_48 = tpu.memref_slice %arg3[%add3A_4, %dma_start3A_46, %dma_start3A_47] : memref<2500x2x128xi32, #tpu.memory_space<hbm>> -> memref<78x2x128xi32, #tpu.memory_space<hbm>>
      %dma_start3A_49 = arith.constant 0 : i32
      %dma_start3A_50 = arith.constant 0 : i32
      %dma_start3A_51 = arith.constant 0 : i32
      %dma_start3A_52 = tpu.memref_slice %arg6[%dma_start3A_49, %dma_start3A_50, %dma_start3A_51] : memref<79x2x128xi32, #tpu.memory_space<vmem>> -> memref<78x2x128xi32, #tpu.memory_space<vmem>>
      %dma_start3A_53 = arith.constant 0 : i32
      %dma_start3A_54 = arith.constant 0 : i32
      %dma_start3A_55 = tpu.memref_slice %arg3[%add3A_4, %dma_start3A_53, %dma_start3A_54] : memref<2500x2x128xi32, #tpu.memory_space<hbm>> -> memref<78x2x128xi32, #tpu.memory_space<hbm>>
      tpu.enqueue_dma source(%dma_start3A_55 : memref<78x2x128xi32, #tpu.memory_space<hbm>>) target(%dma_start3A_52 : memref<78x2x128xi32, #tpu.memory_space<vmem>>) target_semaphore(%run_scoped3A : memref<!tpu.dma_semaphore, #tpu.memory_space<semaphore_mem>>)
      %dma_wait3A = arith.constant 0 : i32
      %dma_wait3A_56 = arith.constant 0 : i32
      %dma_wait3A_57 = arith.constant 0 : i32
      %dma_wait3A_58 = tpu.memref_slice %arg6[%dma_wait3A, %dma_wait3A_56, %dma_wait3A_57] : memref<79x2x128xi32, #tpu.memory_space<vmem>> -> memref<78x2x128xi32, #tpu.memory_space<vmem>>
      %dma_wait3A_59 = arith.constant 0 : i32
      %dma_wait3A_60 = arith.constant 0 : i32
      %dma_wait3A_61 = tpu.memref_slice %arg3[%add3A_4, %dma_wait3A_59, %dma_wait3A_60] : memref<2500x2x128xi32, #tpu.memory_space<hbm>> -> memref<78x2x128xi32, #tpu.memory_space<hbm>>
      %dma_wait3A_62 = arith.constant 0 : i32
      %dma_wait3A_63 = arith.constant 0 : i32
      %dma_wait3A_64 = arith.constant 0 : i32
      %dma_wait3A_65 = tpu.memref_slice %arg6[%dma_wait3A_62, %dma_wait3A_63, %dma_wait3A_64] : memref<79x2x128xi32, #tpu.memory_space<vmem>> -> memref<78x2x128xi32, #tpu.memory_space<vmem>>
      %dma_wait3A_66 = arith.constant 0 : i32
      %dma_wait3A_67 = arith.constant 0 : i32
      %dma_wait3A_68 = tpu.memref_slice %arg3[%add3A_4, %dma_wait3A_66, %dma_wait3A_67] : memref<2500x2x128xi32, #tpu.memory_space<hbm>> -> memref<78x2x128xi32, #tpu.memory_space<hbm>>
      tpu.wait_dma2 semaphore(%run_scoped3A : memref<!tpu.dma_semaphore, #tpu.memory_space<semaphore_mem>>) src(%dma_wait3A_68 : memref<78x2x128xi32, #tpu.memory_space<hbm>>) dst(%dma_wait3A_65 : memref<78x2x128xi32, #tpu.memory_space<vmem>>)
      tpu.yield
    }) : () -> ()
    %lt3A_9 = arith.constant 4 : i32
    %lt3A_10 = arith.cmpi slt, %add3A, %lt3A_9 : i32
    %convert_element_type3A = arith.extui %lt3A_10 : i1 to i32
    %cond3A = arith.constant 0 : i32
    %cond3A_11 = arith.cmpi ne, %convert_element_type3A, %cond3A : i32
    scf.if %cond3A_11 {
      %add3A_43 = arith.constant 78 : i32
      %add3A_44 = arith.addi %add3A_4, %add3A_43 : i32
      "tpu.region"() ({
        %run_scoped3A = tpu.sem_alloc : memref<!tpu.dma_semaphore, #tpu.memory_space<semaphore_mem>>
        %dma_start3A = arith.constant 78 : i32
        %dma_start3A_45 = arith.constant 0 : i32
        %dma_start3A_46 = arith.constant 0 : i32
        %dma_start3A_47 = tpu.memref_slice %arg6[%dma_start3A, %dma_start3A_45, %dma_start3A_46] : memref<79x2x128xi32, #tpu.memory_space<vmem>> -> memref<1x2x128xi32, #tpu.memory_space<vmem>>
        %dma_start3A_48 = arith.constant 0 : i32
        %dma_start3A_49 = arith.constant 0 : i32
        %dma_start3A_50 = tpu.memref_slice %arg3[%add3A_44, %dma_start3A_48, %dma_start3A_49] : memref<2500x2x128xi32, #tpu.memory_space<hbm>> -> memref<1x2x128xi32, #tpu.memory_space<hbm>>
        %dma_start3A_51 = arith.constant 78 : i32
        %dma_start3A_52 = arith.constant 0 : i32
        %dma_start3A_53 = arith.constant 0 : i32
        %dma_start3A_54 = tpu.memref_slice %arg6[%dma_start3A_51, %dma_start3A_52, %dma_start3A_53] : memref<79x2x128xi32, #tpu.memory_space<vmem>> -> memref<1x2x128xi32, #tpu.memory_space<vmem>>
        %dma_start3A_55 = arith.constant 0 : i32
        %dma_start3A_56 = arith.constant 0 : i32
        %dma_start3A_57 = tpu.memref_slice %arg3[%add3A_44, %dma_start3A_55, %dma_start3A_56] : memref<2500x2x128xi32, #tpu.memory_space<hbm>> -> memref<1x2x128xi32, #tpu.memory_space<hbm>>
        tpu.enqueue_dma source(%dma_start3A_57 : memref<1x2x128xi32, #tpu.memory_space<hbm>>) target(%dma_start3A_54 : memref<1x2x128xi32, #tpu.memory_space<vmem>>) target_semaphore(%run_scoped3A : memref<!tpu.dma_semaphore, #tpu.memory_space<semaphore_mem>>)
        %dma_wait3A = arith.constant 78 : i32
        %dma_wait3A_58 = arith.constant 0 : i32
        %dma_wait3A_59 = arith.constant 0 : i32
        %dma_wait3A_60 = tpu.memref_slice %arg6[%dma_wait3A, %dma_wait3A_58, %dma_wait3A_59] : memref<79x2x128xi32, #tpu.memory_space<vmem>> -> memref<1x2x128xi32, #tpu.memory_space<vmem>>
        %dma_wait3A_61 = arith.constant 0 : i32
        %dma_wait3A_62 = arith.constant 0 : i32
        %dma_wait3A_63 = tpu.memref_slice %arg3[%add3A_44, %dma_wait3A_61, %dma_wait3A_62] : memref<2500x2x128xi32, #tpu.memory_space<hbm>> -> memref<1x2x128xi32, #tpu.memory_space<hbm>>
        %dma_wait3A_64 = arith.constant 78 : i32
        %dma_wait3A_65 = arith.constant 0 : i32
        %dma_wait3A_66 = arith.constant 0 : i32
        %dma_wait3A_67 = tpu.memref_slice %arg6[%dma_wait3A_64, %dma_wait3A_65, %dma_wait3A_66] : memref<79x2x128xi32, #tpu.memory_space<vmem>> -> memref<1x2x128xi32, #tpu.memory_space<vmem>>
        %dma_wait3A_68 = arith.constant 0 : i32
        %dma_wait3A_69 = arith.constant 0 : i32
        %dma_wait3A_70 = tpu.memref_slice %arg3[%add3A_44, %dma_wait3A_68, %dma_wait3A_69] : memref<2500x2x128xi32, #tpu.memory_space<hbm>> -> memref<1x2x128xi32, #tpu.memory_space<hbm>>
        tpu.wait_dma2 semaphore(%run_scoped3A : memref<!tpu.dma_semaphore, #tpu.memory_space<semaphore_mem>>) src(%dma_wait3A_70 : memref<1x2x128xi32, #tpu.memory_space<hbm>>) dst(%dma_wait3A_67 : memref<1x2x128xi32, #tpu.memory_space<vmem>>)
        tpu.yield
      }) : () -> ()
    } else {
    }
    %mul3A_12 = arith.constant 632 : i32
    %mul3A_13 = arith.muli %arg1, %mul3A_12 : i32
    "tpu.region"() ({
      %run_scoped3A = tpu.sem_alloc : memref<!tpu.dma_semaphore, #tpu.memory_space<semaphore_mem>>
      %dma_start3A = arith.constant 0 : i32
      %dma_start3A_43 = tpu.memref_slice %arg8[%mul3A_13, %dma_start3A] : memref<10112x32xf32, #tpu.memory_space<vmem_shared>> -> memref<632x32xf32, #tpu.memory_space<vmem_shared>>
      tpu.enqueue_dma source(%arg4 : memref<632x32xf32, #tpu.memory_space<hbm>>) target(%dma_start3A_43 : memref<632x32xf32, #tpu.memory_space<vmem_shared>>) target_semaphore(%run_scoped3A : memref<!tpu.dma_semaphore, #tpu.memory_space<semaphore_mem>>)
      %dma_wait3A = arith.constant 0 : i32
      %dma_wait3A_44 = tpu.memref_slice %arg8[%mul3A_13, %dma_wait3A] : memref<10112x32xf32, #tpu.memory_space<vmem_shared>> -> memref<632x32xf32, #tpu.memory_space<vmem_shared>>
      tpu.wait_dma2 semaphore(%run_scoped3A : memref<!tpu.dma_semaphore, #tpu.memory_space<semaphore_mem>>) src(%arg4 : memref<632x32xf32, #tpu.memory_space<hbm>>) dst(%dma_wait3A_44 : memref<632x32xf32, #tpu.memory_space<vmem_shared>>)
      tpu.yield
    }) : () -> ()
    %mul3A_14 = arith.constant 625 : i32
    %mul3A_15 = arith.muli %arg1, %mul3A_14 : i32
    %mul3A_16 = arith.constant 625 : i32
    %mul3A_17 = arith.muli %arg1, %mul3A_16 : i32
    "tpu.region"() ({
      %run_scoped3A = tpu.sem_alloc : memref<!tpu.dma_semaphore, #tpu.memory_space<semaphore_mem>>
      %dma_start3A = arith.constant 0 : i32
      %dma_start3A_43 = tpu.memref_slice %arg9[%mul3A_17, %dma_start3A] : memref<10000x32xf32, #tpu.memory_space<vmem_shared>> -> memref<625x32xf32, #tpu.memory_space<vmem_shared>>
      %dma_start3A_44 = arith.constant 0 : i32
      %dma_start3A_45 = tpu.memref_slice %arg2[%mul3A_15, %dma_start3A_44] : memref<10000x32xf32, #tpu.memory_space<hbm>> -> memref<625x32xf32, #tpu.memory_space<hbm>>
      tpu.enqueue_dma source(%dma_start3A_45 : memref<625x32xf32, #tpu.memory_space<hbm>>) target(%dma_start3A_43 : memref<625x32xf32, #tpu.memory_space<vmem_shared>>) target_semaphore(%run_scoped3A : memref<!tpu.dma_semaphore, #tpu.memory_space<semaphore_mem>>)
      %dma_wait3A = arith.constant 0 : i32
      %dma_wait3A_46 = tpu.memref_slice %arg9[%mul3A_17, %dma_wait3A] : memref<10000x32xf32, #tpu.memory_space<vmem_shared>> -> memref<625x32xf32, #tpu.memory_space<vmem_shared>>
      %dma_wait3A_47 = arith.constant 0 : i32
      %dma_wait3A_48 = tpu.memref_slice %arg2[%mul3A_15, %dma_wait3A_47] : memref<10000x32xf32, #tpu.memory_space<hbm>> -> memref<625x32xf32, #tpu.memory_space<hbm>>
      tpu.wait_dma2 semaphore(%run_scoped3A : memref<!tpu.dma_semaphore, #tpu.memory_space<semaphore_mem>>) src(%dma_wait3A_48 : memref<625x32xf32, #tpu.memory_space<hbm>>) dst(%dma_wait3A_46 : memref<625x32xf32, #tpu.memory_space<vmem_shared>>)
      tpu.yield
    }) : () -> ()
    %barrier3A = arith.constant 0 : index
    tpu.barrier barrier_id(%barrier3A)
    %scan3A = arith.constant 0 : i32
    %scan3A_18 = arith.constant 6 : i32
    %scan3A_19 = arith.addi %scan3A, %scan3A_18 : i32
    %scan3A_20 = arith.constant 1 : i32
    scf.for %scan3A_43 = %scan3A to %scan3A_19 step %scan3A_20  : i32 {
      %mul3A_44 = arith.constant 1 : i32
      %mul3A_45 = arith.muli %scan3A_43, %mul3A_44 : i32
      %add3A_46 = arith.constant 0 : i32
      %add3A_47 = arith.addi %add3A_46, %mul3A_45 : i32
      %mul3A_48 = arith.constant 13 : i32
      %mul3A_49 = arith.muli %add3A_47, %mul3A_48 : i32
      %add3A_50 = arith.constant 0 : i32
      %add3A_51 = arith.addi %mul3A_49, %add3A_50 : i32
      %dma_start3A = arith.constant 0 : i32
      %dma_start3A_52 = arith.constant 0 : i32
      %dma_start3A_53 = arith.constant 0 : i32
      %dma_start3A_54 = arith.constant 0 : i32
      %dma_start3A_55 = arith.constant 0 : i32
      %dma_start3A_56 = tpu.memref_slice %arg7[%dma_start3A_52, %dma_start3A_54, %dma_start3A_55] : memref<13x128x32xf32, #tpu.memory_space<vmem>> -> memref<1x128x32xf32, #tpu.memory_space<vmem>>
      %dma_start3A_57 = tpu.memref_squeeze %dma_start3A_56 : memref<1x128x32xf32, #tpu.memory_space<vmem>> -> memref<128x32xf32, #tpu.memory_space<vmem>>
      %dma_start3A_58 = arith.constant 0 : i32
      %dma_start3A_59 = tpu.memref_slice %arg6[%add3A_51, %dma_start3A, %dma_start3A_58] : memref<79x2x128xi32, #tpu.memory_space<vmem>> -> memref<1x1x128xi32, #tpu.memory_space<vmem>>
      %dma_start3A_60 = tpu.memref_squeeze %dma_start3A_59 : memref<1x1x128xi32, #tpu.memory_space<vmem>> -> memref<128xi32, #tpu.memory_space<vmem>>
      %dma_start3A_61 = arith.constant 0 : i32
      %dma_start3A_62 = arith.constant 0 : i32
      %dma_start3A_63 = tpu.memref_slice %arg9[%dma_start3A_61, %dma_start3A_62] : memref<10000x32xf32, #tpu.memory_space<vmem_shared>> -> memref<10000x32xf32, #tpu.memory_space<vmem_shared>>
      %dma_start3A_64 = tpu.memref_slice %arg10[%dma_start3A_53] : memref<13x!tpu.dma_semaphore, #tpu.memory_space<semaphore_mem>> -> memref<1x!tpu.dma_semaphore, #tpu.memory_space<semaphore_mem>>
      %dma_start3A_65 = tpu.memref_squeeze %dma_start3A_64 : memref<1x!tpu.dma_semaphore, #tpu.memory_space<semaphore_mem>> -> memref<!tpu.dma_semaphore, #tpu.memory_space<semaphore_mem>>
      tpu.enqueue_indirect_dma source(%dma_start3A_63 : memref<10000x32xf32, #tpu.memory_space<vmem_shared>>) target(%dma_start3A_57 : memref<128x32xf32, #tpu.memory_space<vmem>>) offsets(%dma_start3A_60 : memref<128xi32, #tpu.memory_space<vmem>>) semaphore(%dma_start3A_65 : memref<!tpu.dma_semaphore, #tpu.memory_space<semaphore_mem>>)
      %add3A_66 = arith.constant 1 : i32
      %add3A_67 = arith.addi %mul3A_49, %add3A_66 : i32
      %dma_start3A_68 = arith.constant 0 : i32
      %dma_start3A_69 = arith.constant 1 : i32
      %dma_start3A_70 = arith.constant 1 : i32
      %dma_start3A_71 = arith.constant 0 : i32
      %dma_start3A_72 = arith.constant 0 : i32
      %dma_start3A_73 = tpu.memref_slice %arg7[%dma_start3A_69, %dma_start3A_71, %dma_start3A_72] : memref<13x128x32xf32, #tpu.memory_space<vmem>> -> memref<1x128x32xf32, #tpu.memory_space<vmem>>
      %dma_start3A_74 = tpu.memref_squeeze %dma_start3A_73 : memref<1x128x32xf32, #tpu.memory_space<vmem>> -> memref<128x32xf32, #tpu.memory_space<vmem>>
      %dma_start3A_75 = arith.constant 0 : i32
      %dma_start3A_76 = tpu.memref_slice %arg6[%add3A_67, %dma_start3A_68, %dma_start3A_75] : memref<79x2x128xi32, #tpu.memory_space<vmem>> -> memref<1x1x128xi32, #tpu.memory_space<vmem>>
      %dma_start3A_77 = tpu.memref_squeeze %dma_start3A_76 : memref<1x1x128xi32, #tpu.memory_space<vmem>> -> memref<128xi32, #tpu.memory_space<vmem>>
      %dma_start3A_78 = arith.constant 0 : i32
      %dma_start3A_79 = arith.constant 0 : i32
      %dma_start3A_80 = tpu.memref_slice %arg9[%dma_start3A_78, %dma_start3A_79] : memref<10000x32xf32, #tpu.memory_space<vmem_shared>> -> memref<10000x32xf32, #tpu.memory_space<vmem_shared>>
      %dma_start3A_81 = tpu.memref_slice %arg10[%dma_start3A_70] : memref<13x!tpu.dma_semaphore, #tpu.memory_space<semaphore_mem>> -> memref<1x!tpu.dma_semaphore, #tpu.memory_space<semaphore_mem>>
      %dma_start3A_82 = tpu.memref_squeeze %dma_start3A_81 : memref<1x!tpu.dma_semaphore, #tpu.memory_space<semaphore_mem>> -> memref<!tpu.dma_semaphore, #tpu.memory_space<semaphore_mem>>
      tpu.enqueue_indirect_dma source(%dma_start3A_80 : memref<10000x32xf32, #tpu.memory_space<vmem_shared>>) target(%dma_start3A_74 : memref<128x32xf32, #tpu.memory_space<vmem>>) offsets(%dma_start3A_77 : memref<128xi32, #tpu.memory_space<vmem>>) semaphore(%dma_start3A_82 : memref<!tpu.dma_semaphore, #tpu.memory_space<semaphore_mem>>)
      %add3A_83 = arith.constant 2 : i32
      %add3A_84 = arith.addi %mul3A_49, %add3A_83 : i32
      %dma_start3A_85 = arith.constant 0 : i32
      %dma_start3A_86 = arith.constant 2 : i32
      %dma_start3A_87 = arith.constant 2 : i32
      %dma_start3A_88 = arith.constant 0 : i32
      %dma_start3A_89 = arith.constant 0 : i32
      %dma_start3A_90 = tpu.memref_slice %arg7[%dma_start3A_86, %dma_start3A_88, %dma_start3A_89] : memref<13x128x32xf32, #tpu.memory_space<vmem>> -> memref<1x128x32xf32, #tpu.memory_space<vmem>>
      %dma_start3A_91 = tpu.memref_squeeze %dma_start3A_90 : memref<1x128x32xf32, #tpu.memory_space<vmem>> -> memref<128x32xf32, #tpu.memory_space<vmem>>
      %dma_start3A_92 = arith.constant 0 : i32
      %dma_start3A_93 = tpu.memref_slice %arg6[%add3A_84, %dma_start3A_85, %dma_start3A_92] : memref<79x2x128xi32, #tpu.memory_space<vmem>> -> memref<1x1x128xi32, #tpu.memory_space<vmem>>
      %dma_start3A_94 = tpu.memref_squeeze %dma_start3A_93 : memref<1x1x128xi32, #tpu.memory_space<vmem>> -> memref<128xi32, #tpu.memory_space<vmem>>
      %dma_start3A_95 = arith.constant 0 : i32
      %dma_start3A_96 = arith.constant 0 : i32
      %dma_start3A_97 = tpu.memref_slice %arg9[%dma_start3A_95, %dma_start3A_96] : memref<10000x32xf32, #tpu.memory_space<vmem_shared>> -> memref<10000x32xf32, #tpu.memory_space<vmem_shared>>
      %dma_start3A_98 = tpu.memref_slice %arg10[%dma_start3A_87] : memref<13x!tpu.dma_semaphore, #tpu.memory_space<semaphore_mem>> -> memref<1x!tpu.dma_semaphore, #tpu.memory_space<semaphore_mem>>
      %dma_start3A_99 = tpu.memref_squeeze %dma_start3A_98 : memref<1x!tpu.dma_semaphore, #tpu.memory_space<semaphore_mem>> -> memref<!tpu.dma_semaphore, #tpu.memory_space<semaphore_mem>>
      tpu.enqueue_indirect_dma source(%dma_start3A_97 : memref<10000x32xf32, #tpu.memory_space<vmem_shared>>) target(%dma_start3A_91 : memref<128x32xf32, #tpu.memory_space<vmem>>) offsets(%dma_start3A_94 : memref<128xi32, #tpu.memory_space<vmem>>) semaphore(%dma_start3A_99 : memref<!tpu.dma_semaphore, #tpu.memory_space<semaphore_mem>>)
      %add3A_100 = arith.constant 3 : i32
      %add3A_101 = arith.addi %mul3A_49, %add3A_100 : i32
      %dma_start3A_102 = arith.constant 0 : i32
      %dma_start3A_103 = arith.constant 3 : i32
      %dma_start3A_104 = arith.constant 3 : i32
      %dma_start3A_105 = arith.constant 0 : i32
      %dma_start3A_106 = arith.constant 0 : i32
      %dma_start3A_107 = tpu.memref_slice %arg7[%dma_start3A_103, %dma_start3A_105, %dma_start3A_106] : memref<13x128x32xf32, #tpu.memory_space<vmem>> -> memref<1x128x32xf32, #tpu.memory_space<vmem>>
      %dma_start3A_108 = tpu.memref_squeeze %dma_start3A_107 : memref<1x128x32xf32, #tpu.memory_space<vmem>> -> memref<128x32xf32, #tpu.memory_space<vmem>>
      %dma_start3A_109 = arith.constant 0 : i32
      %dma_start3A_110 = tpu.memref_slice %arg6[%add3A_101, %dma_start3A_102, %dma_start3A_109] : memref<79x2x128xi32, #tpu.memory_space<vmem>> -> memref<1x1x128xi32, #tpu.memory_space<vmem>>
      %dma_start3A_111 = tpu.memref_squeeze %dma_start3A_110 : memref<1x1x128xi32, #tpu.memory_space<vmem>> -> memref<128xi32, #tpu.memory_space<vmem>>
      %dma_start3A_112 = arith.constant 0 : i32
      %dma_start3A_113 = arith.constant 0 : i32
      %dma_start3A_114 = tpu.memref_slice %arg9[%dma_start3A_112, %dma_start3A_113] : memref<10000x32xf32, #tpu.memory_space<vmem_shared>> -> memref<10000x32xf32, #tpu.memory_space<vmem_shared>>
      %dma_start3A_115 = tpu.memref_slice %arg10[%dma_start3A_104] : memref<13x!tpu.dma_semaphore, #tpu.memory_space<semaphore_mem>> -> memref<1x!tpu.dma_semaphore, #tpu.memory_space<semaphore_mem>>
      %dma_start3A_116 = tpu.memref_squeeze %dma_start3A_115 : memref<1x!tpu.dma_semaphore, #tpu.memory_space<semaphore_mem>> -> memref<!tpu.dma_semaphore, #tpu.memory_space<semaphore_mem>>
      tpu.enqueue_indirect_dma source(%dma_start3A_114 : memref<10000x32xf32, #tpu.memory_space<vmem_shared>>) target(%dma_start3A_108 : memref<128x32xf32, #tpu.memory_space<vmem>>) offsets(%dma_start3A_111 : memref<128xi32, #tpu.memory_space<vmem>>) semaphore(%dma_start3A_116 : memref<!tpu.dma_semaphore, #tpu.memory_space<semaphore_mem>>)
      %add3A_117 = arith.constant 4 : i32
      %add3A_118 = arith.addi %mul3A_49, %add3A_117 : i32
      %dma_start3A_119 = arith.constant 0 : i32
      %dma_start3A_120 = arith.constant 4 : i32
      %dma_start3A_121 = arith.constant 4 : i32
      %dma_start3A_122 = arith.constant 0 : i32
      %dma_start3A_123 = arith.constant 0 : i32
      %dma_start3A_124 = tpu.memref_slice %arg7[%dma_start3A_120, %dma_start3A_122, %dma_start3A_123] : memref<13x128x32xf32, #tpu.memory_space<vmem>> -> memref<1x128x32xf32, #tpu.memory_space<vmem>>
      %dma_start3A_125 = tpu.memref_squeeze %dma_start3A_124 : memref<1x128x32xf32, #tpu.memory_space<vmem>> -> memref<128x32xf32, #tpu.memory_space<vmem>>
      %dma_start3A_126 = arith.constant 0 : i32
      %dma_start3A_127 = tpu.memref_slice %arg6[%add3A_118, %dma_start3A_119, %dma_start3A_126] : memref<79x2x128xi32, #tpu.memory_space<vmem>> -> memref<1x1x128xi32, #tpu.memory_space<vmem>>
      %dma_start3A_128 = tpu.memref_squeeze %dma_start3A_127 : memref<1x1x128xi32, #tpu.memory_space<vmem>> -> memref<128xi32, #tpu.memory_space<vmem>>
      %dma_start3A_129 = arith.constant 0 : i32
      %dma_start3A_130 = arith.constant 0 : i32
      %dma_start3A_131 = tpu.memref_slice %arg9[%dma_start3A_129, %dma_start3A_130] : memref<10000x32xf32, #tpu.memory_space<vmem_shared>> -> memref<10000x32xf32, #tpu.memory_space<vmem_shared>>
      %dma_start3A_132 = tpu.memref_slice %arg10[%dma_start3A_121] : memref<13x!tpu.dma_semaphore, #tpu.memory_space<semaphore_mem>> -> memref<1x!tpu.dma_semaphore, #tpu.memory_space<semaphore_mem>>
      %dma_start3A_133 = tpu.memref_squeeze %dma_start3A_132 : memref<1x!tpu.dma_semaphore, #tpu.memory_space<semaphore_mem>> -> memref<!tpu.dma_semaphore, #tpu.memory_space<semaphore_mem>>
      tpu.enqueue_indirect_dma source(%dma_start3A_131 : memref<10000x32xf32, #tpu.memory_space<vmem_shared>>) target(%dma_start3A_125 : memref<128x32xf32, #tpu.memory_space<vmem>>) offsets(%dma_start3A_128 : memref<128xi32, #tpu.memory_space<vmem>>) semaphore(%dma_start3A_133 : memref<!tpu.dma_semaphore, #tpu.memory_space<semaphore_mem>>)
      %add3A_134 = arith.constant 5 : i32
      %add3A_135 = arith.addi %mul3A_49, %add3A_134 : i32
      %dma_start3A_136 = arith.constant 0 : i32
      %dma_start3A_137 = arith.constant 5 : i32
      %dma_start3A_138 = arith.constant 5 : i32
      %dma_start3A_139 = arith.constant 0 : i32
      %dma_start3A_140 = arith.constant 0 : i32
      %dma_start3A_141 = tpu.memref_slice %arg7[%dma_start3A_137, %dma_start3A_139, %dma_start3A_140] : memref<13x128x32xf32, #tpu.memory_space<vmem>> -> memref<1x128x32xf32, #tpu.memory_space<vmem>>
      %dma_start3A_142 = tpu.memref_squeeze %dma_start3A_141 : memref<1x128x32xf32, #tpu.memory_space<vmem>> -> memref<128x32xf32, #tpu.memory_space<vmem>>
      %dma_start3A_143 = arith.constant 0 : i32
      %dma_start3A_144 = tpu.memref_slice %arg6[%add3A_135, %dma_start3A_136, %dma_start3A_143] : memref<79x2x128xi32, #tpu.memory_space<vmem>> -> memref<1x1x128xi32, #tpu.memory_space<vmem>>
      %dma_start3A_145 = tpu.memref_squeeze %dma_start3A_144 : memref<1x1x128xi32, #tpu.memory_space<vmem>> -> memref<128xi32, #tpu.memory_space<vmem>>
      %dma_start3A_146 = arith.constant 0 : i32
      %dma_start3A_147 = arith.constant 0 : i32
      %dma_start3A_148 = tpu.memref_slice %arg9[%dma_start3A_146, %dma_start3A_147] : memref<10000x32xf32, #tpu.memory_space<vmem_shared>> -> memref<10000x32xf32, #tpu.memory_space<vmem_shared>>
      %dma_start3A_149 = tpu.memref_slice %arg10[%dma_start3A_138] : memref<13x!tpu.dma_semaphore, #tpu.memory_space<semaphore_mem>> -> memref<1x!tpu.dma_semaphore, #tpu.memory_space<semaphore_mem>>
      %dma_start3A_150 = tpu.memref_squeeze %dma_start3A_149 : memref<1x!tpu.dma_semaphore, #tpu.memory_space<semaphore_mem>> -> memref<!tpu.dma_semaphore, #tpu.memory_space<semaphore_mem>>
      tpu.enqueue_indirect_dma source(%dma_start3A_148 : memref<10000x32xf32, #tpu.memory_space<vmem_shared>>) target(%dma_start3A_142 : memref<128x32xf32, #tpu.memory_space<vmem>>) offsets(%dma_start3A_145 : memref<128xi32, #tpu.memory_space<vmem>>) semaphore(%dma_start3A_150 : memref<!tpu.dma_semaphore, #tpu.memory_space<semaphore_mem>>)
      %add3A_151 = arith.constant 6 : i32
      %add3A_152 = arith.addi %mul3A_49, %add3A_151 : i32
      %dma_start3A_153 = arith.constant 0 : i32
      %dma_start3A_154 = arith.constant 6 : i32
      %dma_start3A_155 = arith.constant 6 : i32
      %dma_start3A_156 = arith.constant 0 : i32
      %dma_start3A_157 = arith.constant 0 : i32
      %dma_start3A_158 = tpu.memref_slice %arg7[%dma_start3A_154, %dma_start3A_156, %dma_start3A_157] : memref<13x128x32xf32, #tpu.memory_space<vmem>> -> memref<1x128x32xf32, #tpu.memory_space<vmem>>
      %dma_start3A_159 = tpu.memref_squeeze %dma_start3A_158 : memref<1x128x32xf32, #tpu.memory_space<vmem>> -> memref<128x32xf32, #tpu.memory_space<vmem>>
      %dma_start3A_160 = arith.constant 0 : i32
      %dma_start3A_161 = tpu.memref_slice %arg6[%add3A_152, %dma_start3A_153, %dma_start3A_160] : memref<79x2x128xi32, #tpu.memory_space<vmem>> -> memref<1x1x128xi32, #tpu.memory_space<vmem>>
      %dma_start3A_162 = tpu.memref_squeeze %dma_start3A_161 : memref<1x1x128xi32, #tpu.memory_space<vmem>> -> memref<128xi32, #tpu.memory_space<vmem>>
      %dma_start3A_163 = arith.constant 0 : i32
      %dma_start3A_164 = arith.constant 0 : i32
      %dma_start3A_165 = tpu.memref_slice %arg9[%dma_start3A_163, %dma_start3A_164] : memref<10000x32xf32, #tpu.memory_space<vmem_shared>> -> memref<10000x32xf32, #tpu.memory_space<vmem_shared>>
      %dma_start3A_166 = tpu.memref_slice %arg10[%dma_start3A_155] : memref<13x!tpu.dma_semaphore, #tpu.memory_space<semaphore_mem>> -> memref<1x!tpu.dma_semaphore, #tpu.memory_space<semaphore_mem>>
      %dma_start3A_167 = tpu.memref_squeeze %dma_start3A_166 : memref<1x!tpu.dma_semaphore, #tpu.memory_space<semaphore_mem>> -> memref<!tpu.dma_semaphore, #tpu.memory_space<semaphore_mem>>
      tpu.enqueue_indirect_dma source(%dma_start3A_165 : memref<10000x32xf32, #tpu.memory_space<vmem_shared>>) target(%dma_start3A_159 : memref<128x32xf32, #tpu.memory_space<vmem>>) offsets(%dma_start3A_162 : memref<128xi32, #tpu.memory_space<vmem>>) semaphore(%dma_start3A_167 : memref<!tpu.dma_semaphore, #tpu.memory_space<semaphore_mem>>)
      %add3A_168 = arith.constant 7 : i32
      %add3A_169 = arith.addi %mul3A_49, %add3A_168 : i32
      %dma_start3A_170 = arith.constant 0 : i32
      %dma_start3A_171 = arith.constant 7 : i32
      %dma_start3A_172 = arith.constant 7 : i32
      %dma_start3A_173 = arith.constant 0 : i32
      %dma_start3A_174 = arith.constant 0 : i32
      %dma_start3A_175 = tpu.memref_slice %arg7[%dma_start3A_171, %dma_start3A_173, %dma_start3A_174] : memref<13x128x32xf32, #tpu.memory_space<vmem>> -> memref<1x128x32xf32, #tpu.memory_space<vmem>>
      %dma_start3A_176 = tpu.memref_squeeze %dma_start3A_175 : memref<1x128x32xf32, #tpu.memory_space<vmem>> -> memref<128x32xf32, #tpu.memory_space<vmem>>
      %dma_start3A_177 = arith.constant 0 : i32
      %dma_start3A_178 = tpu.memref_slice %arg6[%add3A_169, %dma_start3A_170, %dma_start3A_177] : memref<79x2x128xi32, #tpu.memory_space<vmem>> -> memref<1x1x128xi32, #tpu.memory_space<vmem>>
      %dma_start3A_179 = tpu.memref_squeeze %dma_start3A_178 : memref<1x1x128xi32, #tpu.memory_space<vmem>> -> memref<128xi32, #tpu.memory_space<vmem>>
      %dma_start3A_180 = arith.constant 0 : i32
      %dma_start3A_181 = arith.constant 0 : i32
      %dma_start3A_182 = tpu.memref_slice %arg9[%dma_start3A_180, %dma_start3A_181] : memref<10000x32xf32, #tpu.memory_space<vmem_shared>> -> memref<10000x32xf32, #tpu.memory_space<vmem_shared>>
      %dma_start3A_183 = tpu.memref_slice %arg10[%dma_start3A_172] : memref<13x!tpu.dma_semaphore, #tpu.memory_space<semaphore_mem>> -> memref<1x!tpu.dma_semaphore, #tpu.memory_space<semaphore_mem>>
      %dma_start3A_184 = tpu.memref_squeeze %dma_start3A_183 : memref<1x!tpu.dma_semaphore, #tpu.memory_space<semaphore_mem>> -> memref<!tpu.dma_semaphore, #tpu.memory_space<semaphore_mem>>
      tpu.enqueue_indirect_dma source(%dma_start3A_182 : memref<10000x32xf32, #tpu.memory_space<vmem_shared>>) target(%dma_start3A_176 : memref<128x32xf32, #tpu.memory_space<vmem>>) offsets(%dma_start3A_179 : memref<128xi32, #tpu.memory_space<vmem>>) semaphore(%dma_start3A_184 : memref<!tpu.dma_semaphore, #tpu.memory_space<semaphore_mem>>)
      %add3A_185 = arith.constant 8 : i32
      %add3A_186 = arith.addi %mul3A_49, %add3A_185 : i32
      %dma_start3A_187 = arith.constant 0 : i32
      %dma_start3A_188 = arith.constant 8 : i32
      %dma_start3A_189 = arith.constant 8 : i32
      %dma_start3A_190 = arith.constant 0 : i32
      %dma_start3A_191 = arith.constant 0 : i32
      %dma_start3A_192 = tpu.memref_slice %arg7[%dma_start3A_188, %dma_start3A_190, %dma_start3A_191] : memref<13x128x32xf32, #tpu.memory_space<vmem>> -> memref<1x128x32xf32, #tpu.memory_space<vmem>>
      %dma_start3A_193 = tpu.memref_squeeze %dma_start3A_192 : memref<1x128x32xf32, #tpu.memory_space<vmem>> -> memref<128x32xf32, #tpu.memory_space<vmem>>
      %dma_start3A_194 = arith.constant 0 : i32
      %dma_start3A_195 = tpu.memref_slice %arg6[%add3A_186, %dma_start3A_187, %dma_start3A_194] : memref<79x2x128xi32, #tpu.memory_space<vmem>> -> memref<1x1x128xi32, #tpu.memory_space<vmem>>
      %dma_start3A_196 = tpu.memref_squeeze %dma_start3A_195 : memref<1x1x128xi32, #tpu.memory_space<vmem>> -> memref<128xi32, #tpu.memory_space<vmem>>
      %dma_start3A_197 = arith.constant 0 : i32
      %dma_start3A_198 = arith.constant 0 : i32
      %dma_start3A_199 = tpu.memref_slice %arg9[%dma_start3A_197, %dma_start3A_198] : memref<10000x32xf32, #tpu.memory_space<vmem_shared>> -> memref<10000x32xf32, #tpu.memory_space<vmem_shared>>
      %dma_start3A_200 = tpu.memref_slice %arg10[%dma_start3A_189] : memref<13x!tpu.dma_semaphore, #tpu.memory_space<semaphore_mem>> -> memref<1x!tpu.dma_semaphore, #tpu.memory_space<semaphore_mem>>
      %dma_start3A_201 = tpu.memref_squeeze %dma_start3A_200 : memref<1x!tpu.dma_semaphore, #tpu.memory_space<semaphore_mem>> -> memref<!tpu.dma_semaphore, #tpu.memory_space<semaphore_mem>>
      tpu.enqueue_indirect_dma source(%dma_start3A_199 : memref<10000x32xf32, #tpu.memory_space<vmem_shared>>) target(%dma_start3A_193 : memref<128x32xf32, #tpu.memory_space<vmem>>) offsets(%dma_start3A_196 : memref<128xi32, #tpu.memory_space<vmem>>) semaphore(%dma_start3A_201 : memref<!tpu.dma_semaphore, #tpu.memory_space<semaphore_mem>>)
      %add3A_202 = arith.constant 9 : i32
      %add3A_203 = arith.addi %mul3A_49, %add3A_202 : i32
      %dma_start3A_204 = arith.constant 0 : i32
      %dma_start3A_205 = arith.constant 9 : i32
      %dma_start3A_206 = arith.constant 9 : i32
      %dma_start3A_207 = arith.constant 0 : i32
      %dma_start3A_208 = arith.constant 0 : i32
      %dma_start3A_209 = tpu.memref_slice %arg7[%dma_start3A_205, %dma_start3A_207, %dma_start3A_208] : memref<13x128x32xf32, #tpu.memory_space<vmem>> -> memref<1x128x32xf32, #tpu.memory_space<vmem>>
      %dma_start3A_210 = tpu.memref_squeeze %dma_start3A_209 : memref<1x128x32xf32, #tpu.memory_space<vmem>> -> memref<128x32xf32, #tpu.memory_space<vmem>>
      %dma_start3A_211 = arith.constant 0 : i32
      %dma_start3A_212 = tpu.memref_slice %arg6[%add3A_203, %dma_start3A_204, %dma_start3A_211] : memref<79x2x128xi32, #tpu.memory_space<vmem>> -> memref<1x1x128xi32, #tpu.memory_space<vmem>>
      %dma_start3A_213 = tpu.memref_squeeze %dma_start3A_212 : memref<1x1x128xi32, #tpu.memory_space<vmem>> -> memref<128xi32, #tpu.memory_space<vmem>>
      %dma_start3A_214 = arith.constant 0 : i32
      %dma_start3A_215 = arith.constant 0 : i32
      %dma_start3A_216 = tpu.memref_slice %arg9[%dma_start3A_214, %dma_start3A_215] : memref<10000x32xf32, #tpu.memory_space<vmem_shared>> -> memref<10000x32xf32, #tpu.memory_space<vmem_shared>>
      %dma_start3A_217 = tpu.memref_slice %arg10[%dma_start3A_206] : memref<13x!tpu.dma_semaphore, #tpu.memory_space<semaphore_mem>> -> memref<1x!tpu.dma_semaphore, #tpu.memory_space<semaphore_mem>>
      %dma_start3A_218 = tpu.memref_squeeze %dma_start3A_217 : memref<1x!tpu.dma_semaphore, #tpu.memory_space<semaphore_mem>> -> memref<!tpu.dma_semaphore, #tpu.memory_space<semaphore_mem>>
      tpu.enqueue_indirect_dma source(%dma_start3A_216 : memref<10000x32xf32, #tpu.memory_space<vmem_shared>>) target(%dma_start3A_210 : memref<128x32xf32, #tpu.memory_space<vmem>>) offsets(%dma_start3A_213 : memref<128xi32, #tpu.memory_space<vmem>>) semaphore(%dma_start3A_218 : memref<!tpu.dma_semaphore, #tpu.memory_space<semaphore_mem>>)
      %add3A_219 = arith.constant 10 : i32
      %add3A_220 = arith.addi %mul3A_49, %add3A_219 : i32
      %dma_start3A_221 = arith.constant 0 : i32
      %dma_start3A_222 = arith.constant 10 : i32
      %dma_start3A_223 = arith.constant 10 : i32
      %dma_start3A_224 = arith.constant 0 : i32
      %dma_start3A_225 = arith.constant 0 : i32
      %dma_start3A_226 = tpu.memref_slice %arg7[%dma_start3A_222, %dma_start3A_224, %dma_start3A_225] : memref<13x128x32xf32, #tpu.memory_space<vmem>> -> memref<1x128x32xf32, #tpu.memory_space<vmem>>
      %dma_start3A_227 = tpu.memref_squeeze %dma_start3A_226 : memref<1x128x32xf32, #tpu.memory_space<vmem>> -> memref<128x32xf32, #tpu.memory_space<vmem>>
      %dma_start3A_228 = arith.constant 0 : i32
      %dma_start3A_229 = tpu.memref_slice %arg6[%add3A_220, %dma_start3A_221, %dma_start3A_228] : memref<79x2x128xi32, #tpu.memory_space<vmem>> -> memref<1x1x128xi32, #tpu.memory_space<vmem>>
      %dma_start3A_230 = tpu.memref_squeeze %dma_start3A_229 : memref<1x1x128xi32, #tpu.memory_space<vmem>> -> memref<128xi32, #tpu.memory_space<vmem>>
      %dma_start3A_231 = arith.constant 0 : i32
      %dma_start3A_232 = arith.constant 0 : i32
      %dma_start3A_233 = tpu.memref_slice %arg9[%dma_start3A_231, %dma_start3A_232] : memref<10000x32xf32, #tpu.memory_space<vmem_shared>> -> memref<10000x32xf32, #tpu.memory_space<vmem_shared>>
      %dma_start3A_234 = tpu.memref_slice %arg10[%dma_start3A_223] : memref<13x!tpu.dma_semaphore, #tpu.memory_space<semaphore_mem>> -> memref<1x!tpu.dma_semaphore, #tpu.memory_space<semaphore_mem>>
      %dma_start3A_235 = tpu.memref_squeeze %dma_start3A_234 : memref<1x!tpu.dma_semaphore, #tpu.memory_space<semaphore_mem>> -> memref<!tpu.dma_semaphore, #tpu.memory_space<semaphore_mem>>
      tpu.enqueue_indirect_dma source(%dma_start3A_233 : memref<10000x32xf32, #tpu.memory_space<vmem_shared>>) target(%dma_start3A_227 : memref<128x32xf32, #tpu.memory_space<vmem>>) offsets(%dma_start3A_230 : memref<128xi32, #tpu.memory_space<vmem>>) semaphore(%dma_start3A_235 : memref<!tpu.dma_semaphore, #tpu.memory_space<semaphore_mem>>)
      %add3A_236 = arith.constant 11 : i32
      %add3A_237 = arith.addi %mul3A_49, %add3A_236 : i32
      %dma_start3A_238 = arith.constant 0 : i32
      %dma_start3A_239 = arith.constant 11 : i32
      %dma_start3A_240 = arith.constant 11 : i32
      %dma_start3A_241 = arith.constant 0 : i32
      %dma_start3A_242 = arith.constant 0 : i32
      %dma_start3A_243 = tpu.memref_slice %arg7[%dma_start3A_239, %dma_start3A_241, %dma_start3A_242] : memref<13x128x32xf32, #tpu.memory_space<vmem>> -> memref<1x128x32xf32, #tpu.memory_space<vmem>>
      %dma_start3A_244 = tpu.memref_squeeze %dma_start3A_243 : memref<1x128x32xf32, #tpu.memory_space<vmem>> -> memref<128x32xf32, #tpu.memory_space<vmem>>
      %dma_start3A_245 = arith.constant 0 : i32
      %dma_start3A_246 = tpu.memref_slice %arg6[%add3A_237, %dma_start3A_238, %dma_start3A_245] : memref<79x2x128xi32, #tpu.memory_space<vmem>> -> memref<1x1x128xi32, #tpu.memory_space<vmem>>
      %dma_start3A_247 = tpu.memref_squeeze %dma_start3A_246 : memref<1x1x128xi32, #tpu.memory_space<vmem>> -> memref<128xi32, #tpu.memory_space<vmem>>
      %dma_start3A_248 = arith.constant 0 : i32
      %dma_start3A_249 = arith.constant 0 : i32
      %dma_start3A_250 = tpu.memref_slice %arg9[%dma_start3A_248, %dma_start3A_249] : memref<10000x32xf32, #tpu.memory_space<vmem_shared>> -> memref<10000x32xf32, #tpu.memory_space<vmem_shared>>
      %dma_start3A_251 = tpu.memref_slice %arg10[%dma_start3A_240] : memref<13x!tpu.dma_semaphore, #tpu.memory_space<semaphore_mem>> -> memref<1x!tpu.dma_semaphore, #tpu.memory_space<semaphore_mem>>
      %dma_start3A_252 = tpu.memref_squeeze %dma_start3A_251 : memref<1x!tpu.dma_semaphore, #tpu.memory_space<semaphore_mem>> -> memref<!tpu.dma_semaphore, #tpu.memory_space<semaphore_mem>>
      tpu.enqueue_indirect_dma source(%dma_start3A_250 : memref<10000x32xf32, #tpu.memory_space<vmem_shared>>) target(%dma_start3A_244 : memref<128x32xf32, #tpu.memory_space<vmem>>) offsets(%dma_start3A_247 : memref<128xi32, #tpu.memory_space<vmem>>) semaphore(%dma_start3A_252 : memref<!tpu.dma_semaphore, #tpu.memory_space<semaphore_mem>>)
      %add3A_253 = arith.constant 12 : i32
      %add3A_254 = arith.addi %mul3A_49, %add3A_253 : i32
      %dma_start3A_255 = arith.constant 0 : i32
      %dma_start3A_256 = arith.constant 12 : i32
      %dma_start3A_257 = arith.constant 12 : i32
      %dma_start3A_258 = arith.constant 0 : i32
      %dma_start3A_259 = arith.constant 0 : i32
      %dma_start3A_260 = tpu.memref_slice %arg7[%dma_start3A_256, %dma_start3A_258, %dma_start3A_259] : memref<13x128x32xf32, #tpu.memory_space<vmem>> -> memref<1x128x32xf32, #tpu.memory_space<vmem>>
      %dma_start3A_261 = tpu.memref_squeeze %dma_start3A_260 : memref<1x128x32xf32, #tpu.memory_space<vmem>> -> memref<128x32xf32, #tpu.memory_space<vmem>>
      %dma_start3A_262 = arith.constant 0 : i32
      %dma_start3A_263 = tpu.memref_slice %arg6[%add3A_254, %dma_start3A_255, %dma_start3A_262] : memref<79x2x128xi32, #tpu.memory_space<vmem>> -> memref<1x1x128xi32, #tpu.memory_space<vmem>>
      %dma_start3A_264 = tpu.memref_squeeze %dma_start3A_263 : memref<1x1x128xi32, #tpu.memory_space<vmem>> -> memref<128xi32, #tpu.memory_space<vmem>>
      %dma_start3A_265 = arith.constant 0 : i32
      %dma_start3A_266 = arith.constant 0 : i32
      %dma_start3A_267 = tpu.memref_slice %arg9[%dma_start3A_265, %dma_start3A_266] : memref<10000x32xf32, #tpu.memory_space<vmem_shared>> -> memref<10000x32xf32, #tpu.memory_space<vmem_shared>>
      %dma_start3A_268 = tpu.memref_slice %arg10[%dma_start3A_257] : memref<13x!tpu.dma_semaphore, #tpu.memory_space<semaphore_mem>> -> memref<1x!tpu.dma_semaphore, #tpu.memory_space<semaphore_mem>>
      %dma_start3A_269 = tpu.memref_squeeze %dma_start3A_268 : memref<1x!tpu.dma_semaphore, #tpu.memory_space<semaphore_mem>> -> memref<!tpu.dma_semaphore, #tpu.memory_space<semaphore_mem>>
      tpu.enqueue_indirect_dma source(%dma_start3A_267 : memref<10000x32xf32, #tpu.memory_space<vmem_shared>>) target(%dma_start3A_261 : memref<128x32xf32, #tpu.memory_space<vmem>>) offsets(%dma_start3A_264 : memref<128xi32, #tpu.memory_space<vmem>>) semaphore(%dma_start3A_269 : memref<!tpu.dma_semaphore, #tpu.memory_space<semaphore_mem>>)
      %add3A_270 = arith.constant 0 : i32
      %add3A_271 = arith.addi %mul3A_49, %add3A_270 : i32
      %dma_wait3A = arith.constant 0 : i32
      %dma_wait3A_272 = arith.constant 0 : i32
      %dma_wait3A_273 = arith.constant 0 : i32
      %dma_wait3A_274 = arith.constant 0 : i32
      %dma_wait3A_275 = arith.constant 0 : i32
      %dma_wait3A_276 = tpu.memref_slice %arg7[%dma_wait3A_272, %dma_wait3A_274, %dma_wait3A_275] : memref<13x128x32xf32, #tpu.memory_space<vmem>> -> memref<1x128x32xf32, #tpu.memory_space<vmem>>
      %dma_wait3A_277 = tpu.memref_squeeze %dma_wait3A_276 : memref<1x128x32xf32, #tpu.memory_space<vmem>> -> memref<128x32xf32, #tpu.memory_space<vmem>>
      %dma_wait3A_278 = arith.constant 0 : i32
      %dma_wait3A_279 = tpu.memref_slice %arg6[%add3A_271, %dma_wait3A, %dma_wait3A_278] : memref<79x2x128xi32, #tpu.memory_space<vmem>> -> memref<1x1x128xi32, #tpu.memory_space<vmem>>
      %dma_wait3A_280 = tpu.memref_squeeze %dma_wait3A_279 : memref<1x1x128xi32, #tpu.memory_space<vmem>> -> memref<128xi32, #tpu.memory_space<vmem>>
      %dma_wait3A_281 = arith.constant 0 : i32
      %dma_wait3A_282 = arith.constant 0 : i32
      %dma_wait3A_283 = tpu.memref_slice %arg9[%dma_wait3A_281, %dma_wait3A_282] : memref<10000x32xf32, #tpu.memory_space<vmem_shared>> -> memref<10000x32xf32, #tpu.memory_space<vmem_shared>>
      %dma_wait3A_284 = tpu.memref_slice %arg10[%dma_wait3A_273] : memref<13x!tpu.dma_semaphore, #tpu.memory_space<semaphore_mem>> -> memref<1x!tpu.dma_semaphore, #tpu.memory_space<semaphore_mem>>
      %dma_wait3A_285 = tpu.memref_squeeze %dma_wait3A_284 : memref<1x!tpu.dma_semaphore, #tpu.memory_space<semaphore_mem>> -> memref<!tpu.dma_semaphore, #tpu.memory_space<semaphore_mem>>
      tpu.wait_indirect_dma semaphore(%dma_wait3A_285 : memref<!tpu.dma_semaphore, #tpu.memory_space<semaphore_mem>>) src(%dma_wait3A_283 : memref<10000x32xf32, #tpu.memory_space<vmem_shared>>) dst(%dma_wait3A_277 : memref<128x32xf32, #tpu.memory_space<vmem>>)
      %add3A_286 = arith.constant 0 : i32
      %add3A_287 = arith.addi %mul3A_49, %add3A_286 : i32
      %dma_start3A_288 = arith.constant 0 : i32
      %dma_start3A_289 = arith.constant 1 : i32
      %dma_start3A_290 = arith.constant 0 : i32
      %dma_start3A_291 = arith.constant 0 : i32
      %dma_start3A_292 = arith.constant 0 : i32
      %dma_start3A_293 = tpu.memref_slice %arg7[%dma_start3A_288, %dma_start3A_291, %dma_start3A_292] : memref<13x128x32xf32, #tpu.memory_space<vmem>> -> memref<1x128x32xf32, #tpu.memory_space<vmem>>
      %dma_start3A_294 = tpu.memref_squeeze %dma_start3A_293 : memref<1x128x32xf32, #tpu.memory_space<vmem>> -> memref<128x32xf32, #tpu.memory_space<vmem>>
      %dma_start3A_295 = arith.constant 0 : i32
      %dma_start3A_296 = tpu.memref_slice %arg6[%add3A_287, %dma_start3A_289, %dma_start3A_295] : memref<79x2x128xi32, #tpu.memory_space<vmem>> -> memref<1x1x128xi32, #tpu.memory_space<vmem>>
      %dma_start3A_297 = tpu.memref_squeeze %dma_start3A_296 : memref<1x1x128xi32, #tpu.memory_space<vmem>> -> memref<128xi32, #tpu.memory_space<vmem>>
      %dma_start3A_298 = arith.constant 0 : i32
      %dma_start3A_299 = arith.constant 0 : i32
      %dma_start3A_300 = tpu.memref_slice %arg8[%dma_start3A_298, %dma_start3A_299] : memref<10112x32xf32, #tpu.memory_space<vmem_shared>> -> memref<10112x32xf32, #tpu.memory_space<vmem_shared>>
      %dma_start3A_301 = tpu.memref_slice %arg11[%dma_start3A_290] : memref<13x!tpu.dma_semaphore, #tpu.memory_space<semaphore_mem>> -> memref<1x!tpu.dma_semaphore, #tpu.memory_space<semaphore_mem>>
      %dma_start3A_302 = tpu.memref_squeeze %dma_start3A_301 : memref<1x!tpu.dma_semaphore, #tpu.memory_space<semaphore_mem>> -> memref<!tpu.dma_semaphore, #tpu.memory_space<semaphore_mem>>
      tpu.enqueue_indirect_dma source(%dma_start3A_294 : memref<128x32xf32, #tpu.memory_space<vmem>>) target(%dma_start3A_300 : memref<10112x32xf32, #tpu.memory_space<vmem_shared>>) offsets(%dma_start3A_297 : memref<128xi32, #tpu.memory_space<vmem>>) semaphore(%dma_start3A_302 : memref<!tpu.dma_semaphore, #tpu.memory_space<semaphore_mem>>) {add = true}
      %add3A_303 = arith.constant 1 : i32
      %add3A_304 = arith.addi %mul3A_49, %add3A_303 : i32
      %dma_wait3A_305 = arith.constant 0 : i32
      %dma_wait3A_306 = arith.constant 1 : i32
      %dma_wait3A_307 = arith.constant 1 : i32
      %dma_wait3A_308 = arith.constant 0 : i32
      %dma_wait3A_309 = arith.constant 0 : i32
      %dma_wait3A_310 = tpu.memref_slice %arg7[%dma_wait3A_306, %dma_wait3A_308, %dma_wait3A_309] : memref<13x128x32xf32, #tpu.memory_space<vmem>> -> memref<1x128x32xf32, #tpu.memory_space<vmem>>
      %dma_wait3A_311 = tpu.memref_squeeze %dma_wait3A_310 : memref<1x128x32xf32, #tpu.memory_space<vmem>> -> memref<128x32xf32, #tpu.memory_space<vmem>>
      %dma_wait3A_312 = arith.constant 0 : i32
      %dma_wait3A_313 = tpu.memref_slice %arg6[%add3A_304, %dma_wait3A_305, %dma_wait3A_312] : memref<79x2x128xi32, #tpu.memory_space<vmem>> -> memref<1x1x128xi32, #tpu.memory_space<vmem>>
      %dma_wait3A_314 = tpu.memref_squeeze %dma_wait3A_313 : memref<1x1x128xi32, #tpu.memory_space<vmem>> -> memref<128xi32, #tpu.memory_space<vmem>>
      %dma_wait3A_315 = arith.constant 0 : i32
      %dma_wait3A_316 = arith.constant 0 : i32
      %dma_wait3A_317 = tpu.memref_slice %arg9[%dma_wait3A_315, %dma_wait3A_316] : memref<10000x32xf32, #tpu.memory_space<vmem_shared>> -> memref<10000x32xf32, #tpu.memory_space<vmem_shared>>
      %dma_wait3A_318 = tpu.memref_slice %arg10[%dma_wait3A_307] : memref<13x!tpu.dma_semaphore, #tpu.memory_space<semaphore_mem>> -> memref<1x!tpu.dma_semaphore, #tpu.memory_space<semaphore_mem>>
      %dma_wait3A_319 = tpu.memref_squeeze %dma_wait3A_318 : memref<1x!tpu.dma_semaphore, #tpu.memory_space<semaphore_mem>> -> memref<!tpu.dma_semaphore, #tpu.memory_space<semaphore_mem>>
      tpu.wait_indirect_dma semaphore(%dma_wait3A_319 : memref<!tpu.dma_semaphore, #tpu.memory_space<semaphore_mem>>) src(%dma_wait3A_317 : memref<10000x32xf32, #tpu.memory_space<vmem_shared>>) dst(%dma_wait3A_311 : memref<128x32xf32, #tpu.memory_space<vmem>>)
      %add3A_320 = arith.constant 1 : i32
      %add3A_321 = arith.addi %mul3A_49, %add3A_320 : i32
      %dma_start3A_322 = arith.constant 1 : i32
      %dma_start3A_323 = arith.constant 1 : i32
      %dma_start3A_324 = arith.constant 1 : i32
      %dma_start3A_325 = arith.constant 0 : i32
      %dma_start3A_326 = arith.constant 0 : i32
      %dma_start3A_327 = tpu.memref_slice %arg7[%dma_start3A_322, %dma_start3A_325, %dma_start3A_326] : memref<13x128x32xf32, #tpu.memory_space<vmem>> -> memref<1x128x32xf32, #tpu.memory_space<vmem>>
      %dma_start3A_328 = tpu.memref_squeeze %dma_start3A_327 : memref<1x128x32xf32, #tpu.memory_space<vmem>> -> memref<128x32xf32, #tpu.memory_space<vmem>>
      %dma_start3A_329 = arith.constant 0 : i32
      %dma_start3A_330 = tpu.memref_slice %arg6[%add3A_321, %dma_start3A_323, %dma_start3A_329] : memref<79x2x128xi32, #tpu.memory_space<vmem>> -> memref<1x1x128xi32, #tpu.memory_space<vmem>>
      %dma_start3A_331 = tpu.memref_squeeze %dma_start3A_330 : memref<1x1x128xi32, #tpu.memory_space<vmem>> -> memref<128xi32, #tpu.memory_space<vmem>>
      %dma_start3A_332 = arith.constant 0 : i32
      %dma_start3A_333 = arith.constant 0 : i32
      %dma_start3A_334 = tpu.memref_slice %arg8[%dma_start3A_332, %dma_start3A_333] : memref<10112x32xf32, #tpu.memory_space<vmem_shared>> -> memref<10112x32xf32, #tpu.memory_space<vmem_shared>>
      %dma_start3A_335 = tpu.memref_slice %arg11[%dma_start3A_324] : memref<13x!tpu.dma_semaphore, #tpu.memory_space<semaphore_mem>> -> memref<1x!tpu.dma_semaphore, #tpu.memory_space<semaphore_mem>>
      %dma_start3A_336 = tpu.memref_squeeze %dma_start3A_335 : memref<1x!tpu.dma_semaphore, #tpu.memory_space<semaphore_mem>> -> memref<!tpu.dma_semaphore, #tpu.memory_space<semaphore_mem>>
      tpu.enqueue_indirect_dma source(%dma_start3A_328 : memref<128x32xf32, #tpu.memory_space<vmem>>) target(%dma_start3A_334 : memref<10112x32xf32, #tpu.memory_space<vmem_shared>>) offsets(%dma_start3A_331 : memref<128xi32, #tpu.memory_space<vmem>>) semaphore(%dma_start3A_336 : memref<!tpu.dma_semaphore, #tpu.memory_space<semaphore_mem>>) {add = true}
      %add3A_337 = arith.constant 2 : i32
      %add3A_338 = arith.addi %mul3A_49, %add3A_337 : i32
      %dma_wait3A_339 = arith.constant 0 : i32
      %dma_wait3A_340 = arith.constant 2 : i32
      %dma_wait3A_341 = arith.constant 2 : i32
      %dma_wait3A_342 = arith.constant 0 : i32
      %dma_wait3A_343 = arith.constant 0 : i32
      %dma_wait3A_344 = tpu.memref_slice %arg7[%dma_wait3A_340, %dma_wait3A_342, %dma_wait3A_343] : memref<13x128x32xf32, #tpu.memory_space<vmem>> -> memref<1x128x32xf32, #tpu.memory_space<vmem>>
      %dma_wait3A_345 = tpu.memref_squeeze %dma_wait3A_344 : memref<1x128x32xf32, #tpu.memory_space<vmem>> -> memref<128x32xf32, #tpu.memory_space<vmem>>
      %dma_wait3A_346 = arith.constant 0 : i32
      %dma_wait3A_347 = tpu.memref_slice %arg6[%add3A_338, %dma_wait3A_339, %dma_wait3A_346] : memref<79x2x128xi32, #tpu.memory_space<vmem>> -> memref<1x1x128xi32, #tpu.memory_space<vmem>>
      %dma_wait3A_348 = tpu.memref_squeeze %dma_wait3A_347 : memref<1x1x128xi32, #tpu.memory_space<vmem>> -> memref<128xi32, #tpu.memory_space<vmem>>
      %dma_wait3A_349 = arith.constant 0 : i32
      %dma_wait3A_350 = arith.constant 0 : i32
      %dma_wait3A_351 = tpu.memref_slice %arg9[%dma_wait3A_349, %dma_wait3A_350] : memref<10000x32xf32, #tpu.memory_space<vmem_shared>> -> memref<10000x32xf32, #tpu.memory_space<vmem_shared>>
      %dma_wait3A_352 = tpu.memref_slice %arg10[%dma_wait3A_341] : memref<13x!tpu.dma_semaphore, #tpu.memory_space<semaphore_mem>> -> memref<1x!tpu.dma_semaphore, #tpu.memory_space<semaphore_mem>>
      %dma_wait3A_353 = tpu.memref_squeeze %dma_wait3A_352 : memref<1x!tpu.dma_semaphore, #tpu.memory_space<semaphore_mem>> -> memref<!tpu.dma_semaphore, #tpu.memory_space<semaphore_mem>>
      tpu.wait_indirect_dma semaphore(%dma_wait3A_353 : memref<!tpu.dma_semaphore, #tpu.memory_space<semaphore_mem>>) src(%dma_wait3A_351 : memref<10000x32xf32, #tpu.memory_space<vmem_shared>>) dst(%dma_wait3A_345 : memref<128x32xf32, #tpu.memory_space<vmem>>)
      %add3A_354 = arith.constant 2 : i32
      %add3A_355 = arith.addi %mul3A_49, %add3A_354 : i32
      %dma_start3A_356 = arith.constant 2 : i32
      %dma_start3A_357 = arith.constant 1 : i32
      %dma_start3A_358 = arith.constant 2 : i32
      %dma_start3A_359 = arith.constant 0 : i32
      %dma_start3A_360 = arith.constant 0 : i32
      %dma_start3A_361 = tpu.memref_slice %arg7[%dma_start3A_356, %dma_start3A_359, %dma_start3A_360] : memref<13x128x32xf32, #tpu.memory_space<vmem>> -> memref<1x128x32xf32, #tpu.memory_space<vmem>>
      %dma_start3A_362 = tpu.memref_squeeze %dma_start3A_361 : memref<1x128x32xf32, #tpu.memory_space<vmem>> -> memref<128x32xf32, #tpu.memory_space<vmem>>
      %dma_start3A_363 = arith.constant 0 : i32
      %dma_start3A_364 = tpu.memref_slice %arg6[%add3A_355, %dma_start3A_357, %dma_start3A_363] : memref<79x2x128xi32, #tpu.memory_space<vmem>> -> memref<1x1x128xi32, #tpu.memory_space<vmem>>
      %dma_start3A_365 = tpu.memref_squeeze %dma_start3A_364 : memref<1x1x128xi32, #tpu.memory_space<vmem>> -> memref<128xi32, #tpu.memory_space<vmem>>
      %dma_start3A_366 = arith.constant 0 : i32
      %dma_start3A_367 = arith.constant 0 : i32
      %dma_start3A_368 = tpu.memref_slice %arg8[%dma_start3A_366, %dma_start3A_367] : memref<10112x32xf32, #tpu.memory_space<vmem_shared>> -> memref<10112x32xf32, #tpu.memory_space<vmem_shared>>
      %dma_start3A_369 = tpu.memref_slice %arg11[%dma_start3A_358] : memref<13x!tpu.dma_semaphore, #tpu.memory_space<semaphore_mem>> -> memref<1x!tpu.dma_semaphore, #tpu.memory_space<semaphore_mem>>
      %dma_start3A_370 = tpu.memref_squeeze %dma_start3A_369 : memref<1x!tpu.dma_semaphore, #tpu.memory_space<semaphore_mem>> -> memref<!tpu.dma_semaphore, #tpu.memory_space<semaphore_mem>>
      tpu.enqueue_indirect_dma source(%dma_start3A_362 : memref<128x32xf32, #tpu.memory_space<vmem>>) target(%dma_start3A_368 : memref<10112x32xf32, #tpu.memory_space<vmem_shared>>) offsets(%dma_start3A_365 : memref<128xi32, #tpu.memory_space<vmem>>) semaphore(%dma_start3A_370 : memref<!tpu.dma_semaphore, #tpu.memory_space<semaphore_mem>>) {add = true}
      %add3A_371 = arith.constant 3 : i32
      %add3A_372 = arith.addi %mul3A_49, %add3A_371 : i32
      %dma_wait3A_373 = arith.constant 0 : i32
      %dma_wait3A_374 = arith.constant 3 : i32
      %dma_wait3A_375 = arith.constant 3 : i32
      %dma_wait3A_376 = arith.constant 0 : i32
      %dma_wait3A_377 = arith.constant 0 : i32
      %dma_wait3A_378 = tpu.memref_slice %arg7[%dma_wait3A_374, %dma_wait3A_376, %dma_wait3A_377] : memref<13x128x32xf32, #tpu.memory_space<vmem>> -> memref<1x128x32xf32, #tpu.memory_space<vmem>>
      %dma_wait3A_379 = tpu.memref_squeeze %dma_wait3A_378 : memref<1x128x32xf32, #tpu.memory_space<vmem>> -> memref<128x32xf32, #tpu.memory_space<vmem>>
      %dma_wait3A_380 = arith.constant 0 : i32
      %dma_wait3A_381 = tpu.memref_slice %arg6[%add3A_372, %dma_wait3A_373, %dma_wait3A_380] : memref<79x2x128xi32, #tpu.memory_space<vmem>> -> memref<1x1x128xi32, #tpu.memory_space<vmem>>
      %dma_wait3A_382 = tpu.memref_squeeze %dma_wait3A_381 : memref<1x1x128xi32, #tpu.memory_space<vmem>> -> memref<128xi32, #tpu.memory_space<vmem>>
      %dma_wait3A_383 = arith.constant 0 : i32
      %dma_wait3A_384 = arith.constant 0 : i32
      %dma_wait3A_385 = tpu.memref_slice %arg9[%dma_wait3A_383, %dma_wait3A_384] : memref<10000x32xf32, #tpu.memory_space<vmem_shared>> -> memref<10000x32xf32, #tpu.memory_space<vmem_shared>>
      %dma_wait3A_386 = tpu.memref_slice %arg10[%dma_wait3A_375] : memref<13x!tpu.dma_semaphore, #tpu.memory_space<semaphore_mem>> -> memref<1x!tpu.dma_semaphore, #tpu.memory_space<semaphore_mem>>
      %dma_wait3A_387 = tpu.memref_squeeze %dma_wait3A_386 : memref<1x!tpu.dma_semaphore, #tpu.memory_space<semaphore_mem>> -> memref<!tpu.dma_semaphore, #tpu.memory_space<semaphore_mem>>
      tpu.wait_indirect_dma semaphore(%dma_wait3A_387 : memref<!tpu.dma_semaphore, #tpu.memory_space<semaphore_mem>>) src(%dma_wait3A_385 : memref<10000x32xf32, #tpu.memory_space<vmem_shared>>) dst(%dma_wait3A_379 : memref<128x32xf32, #tpu.memory_space<vmem>>)
      %add3A_388 = arith.constant 3 : i32
      %add3A_389 = arith.addi %mul3A_49, %add3A_388 : i32
      %dma_start3A_390 = arith.constant 3 : i32
      %dma_start3A_391 = arith.constant 1 : i32
      %dma_start3A_392 = arith.constant 3 : i32
      %dma_start3A_393 = arith.constant 0 : i32
      %dma_start3A_394 = arith.constant 0 : i32
      %dma_start3A_395 = tpu.memref_slice %arg7[%dma_start3A_390, %dma_start3A_393, %dma_start3A_394] : memref<13x128x32xf32, #tpu.memory_space<vmem>> -> memref<1x128x32xf32, #tpu.memory_space<vmem>>
      %dma_start3A_396 = tpu.memref_squeeze %dma_start3A_395 : memref<1x128x32xf32, #tpu.memory_space<vmem>> -> memref<128x32xf32, #tpu.memory_space<vmem>>
      %dma_start3A_397 = arith.constant 0 : i32
      %dma_start3A_398 = tpu.memref_slice %arg6[%add3A_389, %dma_start3A_391, %dma_start3A_397] : memref<79x2x128xi32, #tpu.memory_space<vmem>> -> memref<1x1x128xi32, #tpu.memory_space<vmem>>
      %dma_start3A_399 = tpu.memref_squeeze %dma_start3A_398 : memref<1x1x128xi32, #tpu.memory_space<vmem>> -> memref<128xi32, #tpu.memory_space<vmem>>
      %dma_start3A_400 = arith.constant 0 : i32
      %dma_start3A_401 = arith.constant 0 : i32
      %dma_start3A_402 = tpu.memref_slice %arg8[%dma_start3A_400, %dma_start3A_401] : memref<10112x32xf32, #tpu.memory_space<vmem_shared>> -> memref<10112x32xf32, #tpu.memory_space<vmem_shared>>
      %dma_start3A_403 = tpu.memref_slice %arg11[%dma_start3A_392] : memref<13x!tpu.dma_semaphore, #tpu.memory_space<semaphore_mem>> -> memref<1x!tpu.dma_semaphore, #tpu.memory_space<semaphore_mem>>
      %dma_start3A_404 = tpu.memref_squeeze %dma_start3A_403 : memref<1x!tpu.dma_semaphore, #tpu.memory_space<semaphore_mem>> -> memref<!tpu.dma_semaphore, #tpu.memory_space<semaphore_mem>>
      tpu.enqueue_indirect_dma source(%dma_start3A_396 : memref<128x32xf32, #tpu.memory_space<vmem>>) target(%dma_start3A_402 : memref<10112x32xf32, #tpu.memory_space<vmem_shared>>) offsets(%dma_start3A_399 : memref<128xi32, #tpu.memory_space<vmem>>) semaphore(%dma_start3A_404 : memref<!tpu.dma_semaphore, #tpu.memory_space<semaphore_mem>>) {add = true}
      %add3A_405 = arith.constant 4 : i32
      %add3A_406 = arith.addi %mul3A_49, %add3A_405 : i32
      %dma_wait3A_407 = arith.constant 0 : i32
      %dma_wait3A_408 = arith.constant 4 : i32
      %dma_wait3A_409 = arith.constant 4 : i32
      %dma_wait3A_410 = arith.constant 0 : i32
      %dma_wait3A_411 = arith.constant 0 : i32
      %dma_wait3A_412 = tpu.memref_slice %arg7[%dma_wait3A_408, %dma_wait3A_410, %dma_wait3A_411] : memref<13x128x32xf32, #tpu.memory_space<vmem>> -> memref<1x128x32xf32, #tpu.memory_space<vmem>>
      %dma_wait3A_413 = tpu.memref_squeeze %dma_wait3A_412 : memref<1x128x32xf32, #tpu.memory_space<vmem>> -> memref<128x32xf32, #tpu.memory_space<vmem>>
      %dma_wait3A_414 = arith.constant 0 : i32
      %dma_wait3A_415 = tpu.memref_slice %arg6[%add3A_406, %dma_wait3A_407, %dma_wait3A_414] : memref<79x2x128xi32, #tpu.memory_space<vmem>> -> memref<1x1x128xi32, #tpu.memory_space<vmem>>
      %dma_wait3A_416 = tpu.memref_squeeze %dma_wait3A_415 : memref<1x1x128xi32, #tpu.memory_space<vmem>> -> memref<128xi32, #tpu.memory_space<vmem>>
      %dma_wait3A_417 = arith.constant 0 : i32
      %dma_wait3A_418 = arith.constant 0 : i32
      %dma_wait3A_419 = tpu.memref_slice %arg9[%dma_wait3A_417, %dma_wait3A_418] : memref<10000x32xf32, #tpu.memory_space<vmem_shared>> -> memref<10000x32xf32, #tpu.memory_space<vmem_shared>>
      %dma_wait3A_420 = tpu.memref_slice %arg10[%dma_wait3A_409] : memref<13x!tpu.dma_semaphore, #tpu.memory_space<semaphore_mem>> -> memref<1x!tpu.dma_semaphore, #tpu.memory_space<semaphore_mem>>
      %dma_wait3A_421 = tpu.memref_squeeze %dma_wait3A_420 : memref<1x!tpu.dma_semaphore, #tpu.memory_space<semaphore_mem>> -> memref<!tpu.dma_semaphore, #tpu.memory_space<semaphore_mem>>
      tpu.wait_indirect_dma semaphore(%dma_wait3A_421 : memref<!tpu.dma_semaphore, #tpu.memory_space<semaphore_mem>>) src(%dma_wait3A_419 : memref<10000x32xf32, #tpu.memory_space<vmem_shared>>) dst(%dma_wait3A_413 : memref<128x32xf32, #tpu.memory_space<vmem>>)
      %add3A_422 = arith.constant 4 : i32
      %add3A_423 = arith.addi %mul3A_49, %add3A_422 : i32
      %dma_start3A_424 = arith.constant 4 : i32
      %dma_start3A_425 = arith.constant 1 : i32
      %dma_start3A_426 = arith.constant 4 : i32
      %dma_start3A_427 = arith.constant 0 : i32
      %dma_start3A_428 = arith.constant 0 : i32
      %dma_start3A_429 = tpu.memref_slice %arg7[%dma_start3A_424, %dma_start3A_427, %dma_start3A_428] : memref<13x128x32xf32, #tpu.memory_space<vmem>> -> memref<1x128x32xf32, #tpu.memory_space<vmem>>
      %dma_start3A_430 = tpu.memref_squeeze %dma_start3A_429 : memref<1x128x32xf32, #tpu.memory_space<vmem>> -> memref<128x32xf32, #tpu.memory_space<vmem>>
      %dma_start3A_431 = arith.constant 0 : i32
      %dma_start3A_432 = tpu.memref_slice %arg6[%add3A_423, %dma_start3A_425, %dma_start3A_431] : memref<79x2x128xi32, #tpu.memory_space<vmem>> -> memref<1x1x128xi32, #tpu.memory_space<vmem>>
      %dma_start3A_433 = tpu.memref_squeeze %dma_start3A_432 : memref<1x1x128xi32, #tpu.memory_space<vmem>> -> memref<128xi32, #tpu.memory_space<vmem>>
      %dma_start3A_434 = arith.constant 0 : i32
      %dma_start3A_435 = arith.constant 0 : i32
      %dma_start3A_436 = tpu.memref_slice %arg8[%dma_start3A_434, %dma_start3A_435] : memref<10112x32xf32, #tpu.memory_space<vmem_shared>> -> memref<10112x32xf32, #tpu.memory_space<vmem_shared>>
      %dma_start3A_437 = tpu.memref_slice %arg11[%dma_start3A_426] : memref<13x!tpu.dma_semaphore, #tpu.memory_space<semaphore_mem>> -> memref<1x!tpu.dma_semaphore, #tpu.memory_space<semaphore_mem>>
      %dma_start3A_438 = tpu.memref_squeeze %dma_start3A_437 : memref<1x!tpu.dma_semaphore, #tpu.memory_space<semaphore_mem>> -> memref<!tpu.dma_semaphore, #tpu.memory_space<semaphore_mem>>
      tpu.enqueue_indirect_dma source(%dma_start3A_430 : memref<128x32xf32, #tpu.memory_space<vmem>>) target(%dma_start3A_436 : memref<10112x32xf32, #tpu.memory_space<vmem_shared>>) offsets(%dma_start3A_433 : memref<128xi32, #tpu.memory_space<vmem>>) semaphore(%dma_start3A_438 : memref<!tpu.dma_semaphore, #tpu.memory_space<semaphore_mem>>) {add = true}
      %add3A_439 = arith.constant 5 : i32
      %add3A_440 = arith.addi %mul3A_49, %add3A_439 : i32
      %dma_wait3A_441 = arith.constant 0 : i32
      %dma_wait3A_442 = arith.constant 5 : i32
      %dma_wait3A_443 = arith.constant 5 : i32
      %dma_wait3A_444 = arith.constant 0 : i32
      %dma_wait3A_445 = arith.constant 0 : i32
      %dma_wait3A_446 = tpu.memref_slice %arg7[%dma_wait3A_442, %dma_wait3A_444, %dma_wait3A_445] : memref<13x128x32xf32, #tpu.memory_space<vmem>> -> memref<1x128x32xf32, #tpu.memory_space<vmem>>
      %dma_wait3A_447 = tpu.memref_squeeze %dma_wait3A_446 : memref<1x128x32xf32, #tpu.memory_space<vmem>> -> memref<128x32xf32, #tpu.memory_space<vmem>>
      %dma_wait3A_448 = arith.constant 0 : i32
      %dma_wait3A_449 = tpu.memref_slice %arg6[%add3A_440, %dma_wait3A_441, %dma_wait3A_448] : memref<79x2x128xi32, #tpu.memory_space<vmem>> -> memref<1x1x128xi32, #tpu.memory_space<vmem>>
      %dma_wait3A_450 = tpu.memref_squeeze %dma_wait3A_449 : memref<1x1x128xi32, #tpu.memory_space<vmem>> -> memref<128xi32, #tpu.memory_space<vmem>>
      %dma_wait3A_451 = arith.constant 0 : i32
      %dma_wait3A_452 = arith.constant 0 : i32
      %dma_wait3A_453 = tpu.memref_slice %arg9[%dma_wait3A_451, %dma_wait3A_452] : memref<10000x32xf32, #tpu.memory_space<vmem_shared>> -> memref<10000x32xf32, #tpu.memory_space<vmem_shared>>
      %dma_wait3A_454 = tpu.memref_slice %arg10[%dma_wait3A_443] : memref<13x!tpu.dma_semaphore, #tpu.memory_space<semaphore_mem>> -> memref<1x!tpu.dma_semaphore, #tpu.memory_space<semaphore_mem>>
      %dma_wait3A_455 = tpu.memref_squeeze %dma_wait3A_454 : memref<1x!tpu.dma_semaphore, #tpu.memory_space<semaphore_mem>> -> memref<!tpu.dma_semaphore, #tpu.memory_space<semaphore_mem>>
      tpu.wait_indirect_dma semaphore(%dma_wait3A_455 : memref<!tpu.dma_semaphore, #tpu.memory_space<semaphore_mem>>) src(%dma_wait3A_453 : memref<10000x32xf32, #tpu.memory_space<vmem_shared>>) dst(%dma_wait3A_447 : memref<128x32xf32, #tpu.memory_space<vmem>>)
      %add3A_456 = arith.constant 5 : i32
      %add3A_457 = arith.addi %mul3A_49, %add3A_456 : i32
      %dma_start3A_458 = arith.constant 5 : i32
      %dma_start3A_459 = arith.constant 1 : i32
      %dma_start3A_460 = arith.constant 5 : i32
      %dma_start3A_461 = arith.constant 0 : i32
      %dma_start3A_462 = arith.constant 0 : i32
      %dma_start3A_463 = tpu.memref_slice %arg7[%dma_start3A_458, %dma_start3A_461, %dma_start3A_462] : memref<13x128x32xf32, #tpu.memory_space<vmem>> -> memref<1x128x32xf32, #tpu.memory_space<vmem>>
      %dma_start3A_464 = tpu.memref_squeeze %dma_start3A_463 : memref<1x128x32xf32, #tpu.memory_space<vmem>> -> memref<128x32xf32, #tpu.memory_space<vmem>>
      %dma_start3A_465 = arith.constant 0 : i32
      %dma_start3A_466 = tpu.memref_slice %arg6[%add3A_457, %dma_start3A_459, %dma_start3A_465] : memref<79x2x128xi32, #tpu.memory_space<vmem>> -> memref<1x1x128xi32, #tpu.memory_space<vmem>>
      %dma_start3A_467 = tpu.memref_squeeze %dma_start3A_466 : memref<1x1x128xi32, #tpu.memory_space<vmem>> -> memref<128xi32, #tpu.memory_space<vmem>>
      %dma_start3A_468 = arith.constant 0 : i32
      %dma_start3A_469 = arith.constant 0 : i32
      %dma_start3A_470 = tpu.memref_slice %arg8[%dma_start3A_468, %dma_start3A_469] : memref<10112x32xf32, #tpu.memory_space<vmem_shared>> -> memref<10112x32xf32, #tpu.memory_space<vmem_shared>>
      %dma_start3A_471 = tpu.memref_slice %arg11[%dma_start3A_460] : memref<13x!tpu.dma_semaphore, #tpu.memory_space<semaphore_mem>> -> memref<1x!tpu.dma_semaphore, #tpu.memory_space<semaphore_mem>>
      %dma_start3A_472 = tpu.memref_squeeze %dma_start3A_471 : memref<1x!tpu.dma_semaphore, #tpu.memory_space<semaphore_mem>> -> memref<!tpu.dma_semaphore, #tpu.memory_space<semaphore_mem>>
      tpu.enqueue_indirect_dma source(%dma_start3A_464 : memref<128x32xf32, #tpu.memory_space<vmem>>) target(%dma_start3A_470 : memref<10112x32xf32, #tpu.memory_space<vmem_shared>>) offsets(%dma_start3A_467 : memref<128xi32, #tpu.memory_space<vmem>>) semaphore(%dma_start3A_472 : memref<!tpu.dma_semaphore, #tpu.memory_space<semaphore_mem>>) {add = true}
      %add3A_473 = arith.constant 6 : i32
      %add3A_474 = arith.addi %mul3A_49, %add3A_473 : i32
      %dma_wait3A_475 = arith.constant 0 : i32
      %dma_wait3A_476 = arith.constant 6 : i32
      %dma_wait3A_477 = arith.constant 6 : i32
      %dma_wait3A_478 = arith.constant 0 : i32
      %dma_wait3A_479 = arith.constant 0 : i32
      %dma_wait3A_480 = tpu.memref_slice %arg7[%dma_wait3A_476, %dma_wait3A_478, %dma_wait3A_479] : memref<13x128x32xf32, #tpu.memory_space<vmem>> -> memref<1x128x32xf32, #tpu.memory_space<vmem>>
      %dma_wait3A_481 = tpu.memref_squeeze %dma_wait3A_480 : memref<1x128x32xf32, #tpu.memory_space<vmem>> -> memref<128x32xf32, #tpu.memory_space<vmem>>
      %dma_wait3A_482 = arith.constant 0 : i32
      %dma_wait3A_483 = tpu.memref_slice %arg6[%add3A_474, %dma_wait3A_475, %dma_wait3A_482] : memref<79x2x128xi32, #tpu.memory_space<vmem>> -> memref<1x1x128xi32, #tpu.memory_space<vmem>>
      %dma_wait3A_484 = tpu.memref_squeeze %dma_wait3A_483 : memref<1x1x128xi32, #tpu.memory_space<vmem>> -> memref<128xi32, #tpu.memory_space<vmem>>
      %dma_wait3A_485 = arith.constant 0 : i32
      %dma_wait3A_486 = arith.constant 0 : i32
      %dma_wait3A_487 = tpu.memref_slice %arg9[%dma_wait3A_485, %dma_wait3A_486] : memref<10000x32xf32, #tpu.memory_space<vmem_shared>> -> memref<10000x32xf32, #tpu.memory_space<vmem_shared>>
      %dma_wait3A_488 = tpu.memref_slice %arg10[%dma_wait3A_477] : memref<13x!tpu.dma_semaphore, #tpu.memory_space<semaphore_mem>> -> memref<1x!tpu.dma_semaphore, #tpu.memory_space<semaphore_mem>>
      %dma_wait3A_489 = tpu.memref_squeeze %dma_wait3A_488 : memref<1x!tpu.dma_semaphore, #tpu.memory_space<semaphore_mem>> -> memref<!tpu.dma_semaphore, #tpu.memory_space<semaphore_mem>>
      tpu.wait_indirect_dma semaphore(%dma_wait3A_489 : memref<!tpu.dma_semaphore, #tpu.memory_space<semaphore_mem>>) src(%dma_wait3A_487 : memref<10000x32xf32, #tpu.memory_space<vmem_shared>>) dst(%dma_wait3A_481 : memref<128x32xf32, #tpu.memory_space<vmem>>)
      %add3A_490 = arith.constant 6 : i32
      %add3A_491 = arith.addi %mul3A_49, %add3A_490 : i32
      %dma_start3A_492 = arith.constant 6 : i32
      %dma_start3A_493 = arith.constant 1 : i32
      %dma_start3A_494 = arith.constant 6 : i32
      %dma_start3A_495 = arith.constant 0 : i32
      %dma_start3A_496 = arith.constant 0 : i32
      %dma_start3A_497 = tpu.memref_slice %arg7[%dma_start3A_492, %dma_start3A_495, %dma_start3A_496] : memref<13x128x32xf32, #tpu.memory_space<vmem>> -> memref<1x128x32xf32, #tpu.memory_space<vmem>>
      %dma_start3A_498 = tpu.memref_squeeze %dma_start3A_497 : memref<1x128x32xf32, #tpu.memory_space<vmem>> -> memref<128x32xf32, #tpu.memory_space<vmem>>
      %dma_start3A_499 = arith.constant 0 : i32
      %dma_start3A_500 = tpu.memref_slice %arg6[%add3A_491, %dma_start3A_493, %dma_start3A_499] : memref<79x2x128xi32, #tpu.memory_space<vmem>> -> memref<1x1x128xi32, #tpu.memory_space<vmem>>
      %dma_start3A_501 = tpu.memref_squeeze %dma_start3A_500 : memref<1x1x128xi32, #tpu.memory_space<vmem>> -> memref<128xi32, #tpu.memory_space<vmem>>
      %dma_start3A_502 = arith.constant 0 : i32
      %dma_start3A_503 = arith.constant 0 : i32
      %dma_start3A_504 = tpu.memref_slice %arg8[%dma_start3A_502, %dma_start3A_503] : memref<10112x32xf32, #tpu.memory_space<vmem_shared>> -> memref<10112x32xf32, #tpu.memory_space<vmem_shared>>
      %dma_start3A_505 = tpu.memref_slice %arg11[%dma_start3A_494] : memref<13x!tpu.dma_semaphore, #tpu.memory_space<semaphore_mem>> -> memref<1x!tpu.dma_semaphore, #tpu.memory_space<semaphore_mem>>
      %dma_start3A_506 = tpu.memref_squeeze %dma_start3A_505 : memref<1x!tpu.dma_semaphore, #tpu.memory_space<semaphore_mem>> -> memref<!tpu.dma_semaphore, #tpu.memory_space<semaphore_mem>>
      tpu.enqueue_indirect_dma source(%dma_start3A_498 : memref<128x32xf32, #tpu.memory_space<vmem>>) target(%dma_start3A_504 : memref<10112x32xf32, #tpu.memory_space<vmem_shared>>) offsets(%dma_start3A_501 : memref<128xi32, #tpu.memory_space<vmem>>) semaphore(%dma_start3A_506 : memref<!tpu.dma_semaphore, #tpu.memory_space<semaphore_mem>>) {add = true}
      %add3A_507 = arith.constant 7 : i32
      %add3A_508 = arith.addi %mul3A_49, %add3A_507 : i32
      %dma_wait3A_509 = arith.constant 0 : i32
      %dma_wait3A_510 = arith.constant 7 : i32
      %dma_wait3A_511 = arith.constant 7 : i32
      %dma_wait3A_512 = arith.constant 0 : i32
      %dma_wait3A_513 = arith.constant 0 : i32
      %dma_wait3A_514 = tpu.memref_slice %arg7[%dma_wait3A_510, %dma_wait3A_512, %dma_wait3A_513] : memref<13x128x32xf32, #tpu.memory_space<vmem>> -> memref<1x128x32xf32, #tpu.memory_space<vmem>>
      %dma_wait3A_515 = tpu.memref_squeeze %dma_wait3A_514 : memref<1x128x32xf32, #tpu.memory_space<vmem>> -> memref<128x32xf32, #tpu.memory_space<vmem>>
      %dma_wait3A_516 = arith.constant 0 : i32
      %dma_wait3A_517 = tpu.memref_slice %arg6[%add3A_508, %dma_wait3A_509, %dma_wait3A_516] : memref<79x2x128xi32, #tpu.memory_space<vmem>> -> memref<1x1x128xi32, #tpu.memory_space<vmem>>
      %dma_wait3A_518 = tpu.memref_squeeze %dma_wait3A_517 : memref<1x1x128xi32, #tpu.memory_space<vmem>> -> memref<128xi32, #tpu.memory_space<vmem>>
      %dma_wait3A_519 = arith.constant 0 : i32
      %dma_wait3A_520 = arith.constant 0 : i32
      %dma_wait3A_521 = tpu.memref_slice %arg9[%dma_wait3A_519, %dma_wait3A_520] : memref<10000x32xf32, #tpu.memory_space<vmem_shared>> -> memref<10000x32xf32, #tpu.memory_space<vmem_shared>>
      %dma_wait3A_522 = tpu.memref_slice %arg10[%dma_wait3A_511] : memref<13x!tpu.dma_semaphore, #tpu.memory_space<semaphore_mem>> -> memref<1x!tpu.dma_semaphore, #tpu.memory_space<semaphore_mem>>
      %dma_wait3A_523 = tpu.memref_squeeze %dma_wait3A_522 : memref<1x!tpu.dma_semaphore, #tpu.memory_space<semaphore_mem>> -> memref<!tpu.dma_semaphore, #tpu.memory_space<semaphore_mem>>
      tpu.wait_indirect_dma semaphore(%dma_wait3A_523 : memref<!tpu.dma_semaphore, #tpu.memory_space<semaphore_mem>>) src(%dma_wait3A_521 : memref<10000x32xf32, #tpu.memory_space<vmem_shared>>) dst(%dma_wait3A_515 : memref<128x32xf32, #tpu.memory_space<vmem>>)
      %add3A_524 = arith.constant 7 : i32
      %add3A_525 = arith.addi %mul3A_49, %add3A_524 : i32
      %dma_start3A_526 = arith.constant 7 : i32
      %dma_start3A_527 = arith.constant 1 : i32
      %dma_start3A_528 = arith.constant 7 : i32
      %dma_start3A_529 = arith.constant 0 : i32
      %dma_start3A_530 = arith.constant 0 : i32
      %dma_start3A_531 = tpu.memref_slice %arg7[%dma_start3A_526, %dma_start3A_529, %dma_start3A_530] : memref<13x128x32xf32, #tpu.memory_space<vmem>> -> memref<1x128x32xf32, #tpu.memory_space<vmem>>
      %dma_start3A_532 = tpu.memref_squeeze %dma_start3A_531 : memref<1x128x32xf32, #tpu.memory_space<vmem>> -> memref<128x32xf32, #tpu.memory_space<vmem>>
      %dma_start3A_533 = arith.constant 0 : i32
      %dma_start3A_534 = tpu.memref_slice %arg6[%add3A_525, %dma_start3A_527, %dma_start3A_533] : memref<79x2x128xi32, #tpu.memory_space<vmem>> -> memref<1x1x128xi32, #tpu.memory_space<vmem>>
      %dma_start3A_535 = tpu.memref_squeeze %dma_start3A_534 : memref<1x1x128xi32, #tpu.memory_space<vmem>> -> memref<128xi32, #tpu.memory_space<vmem>>
      %dma_start3A_536 = arith.constant 0 : i32
      %dma_start3A_537 = arith.constant 0 : i32
      %dma_start3A_538 = tpu.memref_slice %arg8[%dma_start3A_536, %dma_start3A_537] : memref<10112x32xf32, #tpu.memory_space<vmem_shared>> -> memref<10112x32xf32, #tpu.memory_space<vmem_shared>>
      %dma_start3A_539 = tpu.memref_slice %arg11[%dma_start3A_528] : memref<13x!tpu.dma_semaphore, #tpu.memory_space<semaphore_mem>> -> memref<1x!tpu.dma_semaphore, #tpu.memory_space<semaphore_mem>>
      %dma_start3A_540 = tpu.memref_squeeze %dma_start3A_539 : memref<1x!tpu.dma_semaphore, #tpu.memory_space<semaphore_mem>> -> memref<!tpu.dma_semaphore, #tpu.memory_space<semaphore_mem>>
      tpu.enqueue_indirect_dma source(%dma_start3A_532 : memref<128x32xf32, #tpu.memory_space<vmem>>) target(%dma_start3A_538 : memref<10112x32xf32, #tpu.memory_space<vmem_shared>>) offsets(%dma_start3A_535 : memref<128xi32, #tpu.memory_space<vmem>>) semaphore(%dma_start3A_540 : memref<!tpu.dma_semaphore, #tpu.memory_space<semaphore_mem>>) {add = true}
      %add3A_541 = arith.constant 8 : i32
      %add3A_542 = arith.addi %mul3A_49, %add3A_541 : i32
      %dma_wait3A_543 = arith.constant 0 : i32
      %dma_wait3A_544 = arith.constant 8 : i32
      %dma_wait3A_545 = arith.constant 8 : i32
      %dma_wait3A_546 = arith.constant 0 : i32
      %dma_wait3A_547 = arith.constant 0 : i32
      %dma_wait3A_548 = tpu.memref_slice %arg7[%dma_wait3A_544, %dma_wait3A_546, %dma_wait3A_547] : memref<13x128x32xf32, #tpu.memory_space<vmem>> -> memref<1x128x32xf32, #tpu.memory_space<vmem>>
      %dma_wait3A_549 = tpu.memref_squeeze %dma_wait3A_548 : memref<1x128x32xf32, #tpu.memory_space<vmem>> -> memref<128x32xf32, #tpu.memory_space<vmem>>
      %dma_wait3A_550 = arith.constant 0 : i32
      %dma_wait3A_551 = tpu.memref_slice %arg6[%add3A_542, %dma_wait3A_543, %dma_wait3A_550] : memref<79x2x128xi32, #tpu.memory_space<vmem>> -> memref<1x1x128xi32, #tpu.memory_space<vmem>>
      %dma_wait3A_552 = tpu.memref_squeeze %dma_wait3A_551 : memref<1x1x128xi32, #tpu.memory_space<vmem>> -> memref<128xi32, #tpu.memory_space<vmem>>
      %dma_wait3A_553 = arith.constant 0 : i32
      %dma_wait3A_554 = arith.constant 0 : i32
      %dma_wait3A_555 = tpu.memref_slice %arg9[%dma_wait3A_553, %dma_wait3A_554] : memref<10000x32xf32, #tpu.memory_space<vmem_shared>> -> memref<10000x32xf32, #tpu.memory_space<vmem_shared>>
      %dma_wait3A_556 = tpu.memref_slice %arg10[%dma_wait3A_545] : memref<13x!tpu.dma_semaphore, #tpu.memory_space<semaphore_mem>> -> memref<1x!tpu.dma_semaphore, #tpu.memory_space<semaphore_mem>>
      %dma_wait3A_557 = tpu.memref_squeeze %dma_wait3A_556 : memref<1x!tpu.dma_semaphore, #tpu.memory_space<semaphore_mem>> -> memref<!tpu.dma_semaphore, #tpu.memory_space<semaphore_mem>>
      tpu.wait_indirect_dma semaphore(%dma_wait3A_557 : memref<!tpu.dma_semaphore, #tpu.memory_space<semaphore_mem>>) src(%dma_wait3A_555 : memref<10000x32xf32, #tpu.memory_space<vmem_shared>>) dst(%dma_wait3A_549 : memref<128x32xf32, #tpu.memory_space<vmem>>)
      %add3A_558 = arith.constant 8 : i32
      %add3A_559 = arith.addi %mul3A_49, %add3A_558 : i32
      %dma_start3A_560 = arith.constant 8 : i32
      %dma_start3A_561 = arith.constant 1 : i32
      %dma_start3A_562 = arith.constant 8 : i32
      %dma_start3A_563 = arith.constant 0 : i32
      %dma_start3A_564 = arith.constant 0 : i32
      %dma_start3A_565 = tpu.memref_slice %arg7[%dma_start3A_560, %dma_start3A_563, %dma_start3A_564] : memref<13x128x32xf32, #tpu.memory_space<vmem>> -> memref<1x128x32xf32, #tpu.memory_space<vmem>>
      %dma_start3A_566 = tpu.memref_squeeze %dma_start3A_565 : memref<1x128x32xf32, #tpu.memory_space<vmem>> -> memref<128x32xf32, #tpu.memory_space<vmem>>
      %dma_start3A_567 = arith.constant 0 : i32
      %dma_start3A_568 = tpu.memref_slice %arg6[%add3A_559, %dma_start3A_561, %dma_start3A_567] : memref<79x2x128xi32, #tpu.memory_space<vmem>> -> memref<1x1x128xi32, #tpu.memory_space<vmem>>
      %dma_start3A_569 = tpu.memref_squeeze %dma_start3A_568 : memref<1x1x128xi32, #tpu.memory_space<vmem>> -> memref<128xi32, #tpu.memory_space<vmem>>
      %dma_start3A_570 = arith.constant 0 : i32
      %dma_start3A_571 = arith.constant 0 : i32
      %dma_start3A_572 = tpu.memref_slice %arg8[%dma_start3A_570, %dma_start3A_571] : memref<10112x32xf32, #tpu.memory_space<vmem_shared>> -> memref<10112x32xf32, #tpu.memory_space<vmem_shared>>
      %dma_start3A_573 = tpu.memref_slice %arg11[%dma_start3A_562] : memref<13x!tpu.dma_semaphore, #tpu.memory_space<semaphore_mem>> -> memref<1x!tpu.dma_semaphore, #tpu.memory_space<semaphore_mem>>
      %dma_start3A_574 = tpu.memref_squeeze %dma_start3A_573 : memref<1x!tpu.dma_semaphore, #tpu.memory_space<semaphore_mem>> -> memref<!tpu.dma_semaphore, #tpu.memory_space<semaphore_mem>>
      tpu.enqueue_indirect_dma source(%dma_start3A_566 : memref<128x32xf32, #tpu.memory_space<vmem>>) target(%dma_start3A_572 : memref<10112x32xf32, #tpu.memory_space<vmem_shared>>) offsets(%dma_start3A_569 : memref<128xi32, #tpu.memory_space<vmem>>) semaphore(%dma_start3A_574 : memref<!tpu.dma_semaphore, #tpu.memory_space<semaphore_mem>>) {add = true}
      %add3A_575 = arith.constant 9 : i32
      %add3A_576 = arith.addi %mul3A_49, %add3A_575 : i32
      %dma_wait3A_577 = arith.constant 0 : i32
      %dma_wait3A_578 = arith.constant 9 : i32
      %dma_wait3A_579 = arith.constant 9 : i32
      %dma_wait3A_580 = arith.constant 0 : i32
      %dma_wait3A_581 = arith.constant 0 : i32
      %dma_wait3A_582 = tpu.memref_slice %arg7[%dma_wait3A_578, %dma_wait3A_580, %dma_wait3A_581] : memref<13x128x32xf32, #tpu.memory_space<vmem>> -> memref<1x128x32xf32, #tpu.memory_space<vmem>>
      %dma_wait3A_583 = tpu.memref_squeeze %dma_wait3A_582 : memref<1x128x32xf32, #tpu.memory_space<vmem>> -> memref<128x32xf32, #tpu.memory_space<vmem>>
      %dma_wait3A_584 = arith.constant 0 : i32
      %dma_wait3A_585 = tpu.memref_slice %arg6[%add3A_576, %dma_wait3A_577, %dma_wait3A_584] : memref<79x2x128xi32, #tpu.memory_space<vmem>> -> memref<1x1x128xi32, #tpu.memory_space<vmem>>
      %dma_wait3A_586 = tpu.memref_squeeze %dma_wait3A_585 : memref<1x1x128xi32, #tpu.memory_space<vmem>> -> memref<128xi32, #tpu.memory_space<vmem>>
      %dma_wait3A_587 = arith.constant 0 : i32
      %dma_wait3A_588 = arith.constant 0 : i32
      %dma_wait3A_589 = tpu.memref_slice %arg9[%dma_wait3A_587, %dma_wait3A_588] : memref<10000x32xf32, #tpu.memory_space<vmem_shared>> -> memref<10000x32xf32, #tpu.memory_space<vmem_shared>>
      %dma_wait3A_590 = tpu.memref_slice %arg10[%dma_wait3A_579] : memref<13x!tpu.dma_semaphore, #tpu.memory_space<semaphore_mem>> -> memref<1x!tpu.dma_semaphore, #tpu.memory_space<semaphore_mem>>
      %dma_wait3A_591 = tpu.memref_squeeze %dma_wait3A_590 : memref<1x!tpu.dma_semaphore, #tpu.memory_space<semaphore_mem>> -> memref<!tpu.dma_semaphore, #tpu.memory_space<semaphore_mem>>
      tpu.wait_indirect_dma semaphore(%dma_wait3A_591 : memref<!tpu.dma_semaphore, #tpu.memory_space<semaphore_mem>>) src(%dma_wait3A_589 : memref<10000x32xf32, #tpu.memory_space<vmem_shared>>) dst(%dma_wait3A_583 : memref<128x32xf32, #tpu.memory_space<vmem>>)
      %add3A_592 = arith.constant 9 : i32
      %add3A_593 = arith.addi %mul3A_49, %add3A_592 : i32
      %dma_start3A_594 = arith.constant 9 : i32
      %dma_start3A_595 = arith.constant 1 : i32
      %dma_start3A_596 = arith.constant 9 : i32
      %dma_start3A_597 = arith.constant 0 : i32
      %dma_start3A_598 = arith.constant 0 : i32
      %dma_start3A_599 = tpu.memref_slice %arg7[%dma_start3A_594, %dma_start3A_597, %dma_start3A_598] : memref<13x128x32xf32, #tpu.memory_space<vmem>> -> memref<1x128x32xf32, #tpu.memory_space<vmem>>
      %dma_start3A_600 = tpu.memref_squeeze %dma_start3A_599 : memref<1x128x32xf32, #tpu.memory_space<vmem>> -> memref<128x32xf32, #tpu.memory_space<vmem>>
      %dma_start3A_601 = arith.constant 0 : i32
      %dma_start3A_602 = tpu.memref_slice %arg6[%add3A_593, %dma_start3A_595, %dma_start3A_601] : memref<79x2x128xi32, #tpu.memory_space<vmem>> -> memref<1x1x128xi32, #tpu.memory_space<vmem>>
      %dma_start3A_603 = tpu.memref_squeeze %dma_start3A_602 : memref<1x1x128xi32, #tpu.memory_space<vmem>> -> memref<128xi32, #tpu.memory_space<vmem>>
      %dma_start3A_604 = arith.constant 0 : i32
      %dma_start3A_605 = arith.constant 0 : i32
      %dma_start3A_606 = tpu.memref_slice %arg8[%dma_start3A_604, %dma_start3A_605] : memref<10112x32xf32, #tpu.memory_space<vmem_shared>> -> memref<10112x32xf32, #tpu.memory_space<vmem_shared>>
      %dma_start3A_607 = tpu.memref_slice %arg11[%dma_start3A_596] : memref<13x!tpu.dma_semaphore, #tpu.memory_space<semaphore_mem>> -> memref<1x!tpu.dma_semaphore, #tpu.memory_space<semaphore_mem>>
      %dma_start3A_608 = tpu.memref_squeeze %dma_start3A_607 : memref<1x!tpu.dma_semaphore, #tpu.memory_space<semaphore_mem>> -> memref<!tpu.dma_semaphore, #tpu.memory_space<semaphore_mem>>
      tpu.enqueue_indirect_dma source(%dma_start3A_600 : memref<128x32xf32, #tpu.memory_space<vmem>>) target(%dma_start3A_606 : memref<10112x32xf32, #tpu.memory_space<vmem_shared>>) offsets(%dma_start3A_603 : memref<128xi32, #tpu.memory_space<vmem>>) semaphore(%dma_start3A_608 : memref<!tpu.dma_semaphore, #tpu.memory_space<semaphore_mem>>) {add = true}
      %add3A_609 = arith.constant 10 : i32
      %add3A_610 = arith.addi %mul3A_49, %add3A_609 : i32
      %dma_wait3A_611 = arith.constant 0 : i32
      %dma_wait3A_612 = arith.constant 10 : i32
      %dma_wait3A_613 = arith.constant 10 : i32
      %dma_wait3A_614 = arith.constant 0 : i32
      %dma_wait3A_615 = arith.constant 0 : i32
      %dma_wait3A_616 = tpu.memref_slice %arg7[%dma_wait3A_612, %dma_wait3A_614, %dma_wait3A_615] : memref<13x128x32xf32, #tpu.memory_space<vmem>> -> memref<1x128x32xf32, #tpu.memory_space<vmem>>
      %dma_wait3A_617 = tpu.memref_squeeze %dma_wait3A_616 : memref<1x128x32xf32, #tpu.memory_space<vmem>> -> memref<128x32xf32, #tpu.memory_space<vmem>>
      %dma_wait3A_618 = arith.constant 0 : i32
      %dma_wait3A_619 = tpu.memref_slice %arg6[%add3A_610, %dma_wait3A_611, %dma_wait3A_618] : memref<79x2x128xi32, #tpu.memory_space<vmem>> -> memref<1x1x128xi32, #tpu.memory_space<vmem>>
      %dma_wait3A_620 = tpu.memref_squeeze %dma_wait3A_619 : memref<1x1x128xi32, #tpu.memory_space<vmem>> -> memref<128xi32, #tpu.memory_space<vmem>>
      %dma_wait3A_621 = arith.constant 0 : i32
      %dma_wait3A_622 = arith.constant 0 : i32
      %dma_wait3A_623 = tpu.memref_slice %arg9[%dma_wait3A_621, %dma_wait3A_622] : memref<10000x32xf32, #tpu.memory_space<vmem_shared>> -> memref<10000x32xf32, #tpu.memory_space<vmem_shared>>
      %dma_wait3A_624 = tpu.memref_slice %arg10[%dma_wait3A_613] : memref<13x!tpu.dma_semaphore, #tpu.memory_space<semaphore_mem>> -> memref<1x!tpu.dma_semaphore, #tpu.memory_space<semaphore_mem>>
      %dma_wait3A_625 = tpu.memref_squeeze %dma_wait3A_624 : memref<1x!tpu.dma_semaphore, #tpu.memory_space<semaphore_mem>> -> memref<!tpu.dma_semaphore, #tpu.memory_space<semaphore_mem>>
      tpu.wait_indirect_dma semaphore(%dma_wait3A_625 : memref<!tpu.dma_semaphore, #tpu.memory_space<semaphore_mem>>) src(%dma_wait3A_623 : memref<10000x32xf32, #tpu.memory_space<vmem_shared>>) dst(%dma_wait3A_617 : memref<128x32xf32, #tpu.memory_space<vmem>>)
      %add3A_626 = arith.constant 10 : i32
      %add3A_627 = arith.addi %mul3A_49, %add3A_626 : i32
      %dma_start3A_628 = arith.constant 10 : i32
      %dma_start3A_629 = arith.constant 1 : i32
      %dma_start3A_630 = arith.constant 10 : i32
      %dma_start3A_631 = arith.constant 0 : i32
      %dma_start3A_632 = arith.constant 0 : i32
      %dma_start3A_633 = tpu.memref_slice %arg7[%dma_start3A_628, %dma_start3A_631, %dma_start3A_632] : memref<13x128x32xf32, #tpu.memory_space<vmem>> -> memref<1x128x32xf32, #tpu.memory_space<vmem>>
      %dma_start3A_634 = tpu.memref_squeeze %dma_start3A_633 : memref<1x128x32xf32, #tpu.memory_space<vmem>> -> memref<128x32xf32, #tpu.memory_space<vmem>>
      %dma_start3A_635 = arith.constant 0 : i32
      %dma_start3A_636 = tpu.memref_slice %arg6[%add3A_627, %dma_start3A_629, %dma_start3A_635] : memref<79x2x128xi32, #tpu.memory_space<vmem>> -> memref<1x1x128xi32, #tpu.memory_space<vmem>>
      %dma_start3A_637 = tpu.memref_squeeze %dma_start3A_636 : memref<1x1x128xi32, #tpu.memory_space<vmem>> -> memref<128xi32, #tpu.memory_space<vmem>>
      %dma_start3A_638 = arith.constant 0 : i32
      %dma_start3A_639 = arith.constant 0 : i32
      %dma_start3A_640 = tpu.memref_slice %arg8[%dma_start3A_638, %dma_start3A_639] : memref<10112x32xf32, #tpu.memory_space<vmem_shared>> -> memref<10112x32xf32, #tpu.memory_space<vmem_shared>>
      %dma_start3A_641 = tpu.memref_slice %arg11[%dma_start3A_630] : memref<13x!tpu.dma_semaphore, #tpu.memory_space<semaphore_mem>> -> memref<1x!tpu.dma_semaphore, #tpu.memory_space<semaphore_mem>>
      %dma_start3A_642 = tpu.memref_squeeze %dma_start3A_641 : memref<1x!tpu.dma_semaphore, #tpu.memory_space<semaphore_mem>> -> memref<!tpu.dma_semaphore, #tpu.memory_space<semaphore_mem>>
      tpu.enqueue_indirect_dma source(%dma_start3A_634 : memref<128x32xf32, #tpu.memory_space<vmem>>) target(%dma_start3A_640 : memref<10112x32xf32, #tpu.memory_space<vmem_shared>>) offsets(%dma_start3A_637 : memref<128xi32, #tpu.memory_space<vmem>>) semaphore(%dma_start3A_642 : memref<!tpu.dma_semaphore, #tpu.memory_space<semaphore_mem>>) {add = true}
      %add3A_643 = arith.constant 11 : i32
      %add3A_644 = arith.addi %mul3A_49, %add3A_643 : i32
      %dma_wait3A_645 = arith.constant 0 : i32
      %dma_wait3A_646 = arith.constant 11 : i32
      %dma_wait3A_647 = arith.constant 11 : i32
      %dma_wait3A_648 = arith.constant 0 : i32
      %dma_wait3A_649 = arith.constant 0 : i32
      %dma_wait3A_650 = tpu.memref_slice %arg7[%dma_wait3A_646, %dma_wait3A_648, %dma_wait3A_649] : memref<13x128x32xf32, #tpu.memory_space<vmem>> -> memref<1x128x32xf32, #tpu.memory_space<vmem>>
      %dma_wait3A_651 = tpu.memref_squeeze %dma_wait3A_650 : memref<1x128x32xf32, #tpu.memory_space<vmem>> -> memref<128x32xf32, #tpu.memory_space<vmem>>
      %dma_wait3A_652 = arith.constant 0 : i32
      %dma_wait3A_653 = tpu.memref_slice %arg6[%add3A_644, %dma_wait3A_645, %dma_wait3A_652] : memref<79x2x128xi32, #tpu.memory_space<vmem>> -> memref<1x1x128xi32, #tpu.memory_space<vmem>>
      %dma_wait3A_654 = tpu.memref_squeeze %dma_wait3A_653 : memref<1x1x128xi32, #tpu.memory_space<vmem>> -> memref<128xi32, #tpu.memory_space<vmem>>
      %dma_wait3A_655 = arith.constant 0 : i32
      %dma_wait3A_656 = arith.constant 0 : i32
      %dma_wait3A_657 = tpu.memref_slice %arg9[%dma_wait3A_655, %dma_wait3A_656] : memref<10000x32xf32, #tpu.memory_space<vmem_shared>> -> memref<10000x32xf32, #tpu.memory_space<vmem_shared>>
      %dma_wait3A_658 = tpu.memref_slice %arg10[%dma_wait3A_647] : memref<13x!tpu.dma_semaphore, #tpu.memory_space<semaphore_mem>> -> memref<1x!tpu.dma_semaphore, #tpu.memory_space<semaphore_mem>>
      %dma_wait3A_659 = tpu.memref_squeeze %dma_wait3A_658 : memref<1x!tpu.dma_semaphore, #tpu.memory_space<semaphore_mem>> -> memref<!tpu.dma_semaphore, #tpu.memory_space<semaphore_mem>>
      tpu.wait_indirect_dma semaphore(%dma_wait3A_659 : memref<!tpu.dma_semaphore, #tpu.memory_space<semaphore_mem>>) src(%dma_wait3A_657 : memref<10000x32xf32, #tpu.memory_space<vmem_shared>>) dst(%dma_wait3A_651 : memref<128x32xf32, #tpu.memory_space<vmem>>)
      %add3A_660 = arith.constant 11 : i32
      %add3A_661 = arith.addi %mul3A_49, %add3A_660 : i32
      %dma_start3A_662 = arith.constant 11 : i32
      %dma_start3A_663 = arith.constant 1 : i32
      %dma_start3A_664 = arith.constant 11 : i32
      %dma_start3A_665 = arith.constant 0 : i32
      %dma_start3A_666 = arith.constant 0 : i32
      %dma_start3A_667 = tpu.memref_slice %arg7[%dma_start3A_662, %dma_start3A_665, %dma_start3A_666] : memref<13x128x32xf32, #tpu.memory_space<vmem>> -> memref<1x128x32xf32, #tpu.memory_space<vmem>>
      %dma_start3A_668 = tpu.memref_squeeze %dma_start3A_667 : memref<1x128x32xf32, #tpu.memory_space<vmem>> -> memref<128x32xf32, #tpu.memory_space<vmem>>
      %dma_start3A_669 = arith.constant 0 : i32
      %dma_start3A_670 = tpu.memref_slice %arg6[%add3A_661, %dma_start3A_663, %dma_start3A_669] : memref<79x2x128xi32, #tpu.memory_space<vmem>> -> memref<1x1x128xi32, #tpu.memory_space<vmem>>
      %dma_start3A_671 = tpu.memref_squeeze %dma_start3A_670 : memref<1x1x128xi32, #tpu.memory_space<vmem>> -> memref<128xi32, #tpu.memory_space<vmem>>
      %dma_start3A_672 = arith.constant 0 : i32
      %dma_start3A_673 = arith.constant 0 : i32
      %dma_start3A_674 = tpu.memref_slice %arg8[%dma_start3A_672, %dma_start3A_673] : memref<10112x32xf32, #tpu.memory_space<vmem_shared>> -> memref<10112x32xf32, #tpu.memory_space<vmem_shared>>
      %dma_start3A_675 = tpu.memref_slice %arg11[%dma_start3A_664] : memref<13x!tpu.dma_semaphore, #tpu.memory_space<semaphore_mem>> -> memref<1x!tpu.dma_semaphore, #tpu.memory_space<semaphore_mem>>
      %dma_start3A_676 = tpu.memref_squeeze %dma_start3A_675 : memref<1x!tpu.dma_semaphore, #tpu.memory_space<semaphore_mem>> -> memref<!tpu.dma_semaphore, #tpu.memory_space<semaphore_mem>>
      tpu.enqueue_indirect_dma source(%dma_start3A_668 : memref<128x32xf32, #tpu.memory_space<vmem>>) target(%dma_start3A_674 : memref<10112x32xf32, #tpu.memory_space<vmem_shared>>) offsets(%dma_start3A_671 : memref<128xi32, #tpu.memory_space<vmem>>) semaphore(%dma_start3A_676 : memref<!tpu.dma_semaphore, #tpu.memory_space<semaphore_mem>>) {add = true}
      %add3A_677 = arith.constant 12 : i32
      %add3A_678 = arith.addi %mul3A_49, %add3A_677 : i32
      %dma_wait3A_679 = arith.constant 0 : i32
      %dma_wait3A_680 = arith.constant 12 : i32
      %dma_wait3A_681 = arith.constant 12 : i32
      %dma_wait3A_682 = arith.constant 0 : i32
      %dma_wait3A_683 = arith.constant 0 : i32
      %dma_wait3A_684 = tpu.memref_slice %arg7[%dma_wait3A_680, %dma_wait3A_682, %dma_wait3A_683] : memref<13x128x32xf32, #tpu.memory_space<vmem>> -> memref<1x128x32xf32, #tpu.memory_space<vmem>>
      %dma_wait3A_685 = tpu.memref_squeeze %dma_wait3A_684 : memref<1x128x32xf32, #tpu.memory_space<vmem>> -> memref<128x32xf32, #tpu.memory_space<vmem>>
      %dma_wait3A_686 = arith.constant 0 : i32
      %dma_wait3A_687 = tpu.memref_slice %arg6[%add3A_678, %dma_wait3A_679, %dma_wait3A_686] : memref<79x2x128xi32, #tpu.memory_space<vmem>> -> memref<1x1x128xi32, #tpu.memory_space<vmem>>
      %dma_wait3A_688 = tpu.memref_squeeze %dma_wait3A_687 : memref<1x1x128xi32, #tpu.memory_space<vmem>> -> memref<128xi32, #tpu.memory_space<vmem>>
      %dma_wait3A_689 = arith.constant 0 : i32
      %dma_wait3A_690 = arith.constant 0 : i32
      %dma_wait3A_691 = tpu.memref_slice %arg9[%dma_wait3A_689, %dma_wait3A_690] : memref<10000x32xf32, #tpu.memory_space<vmem_shared>> -> memref<10000x32xf32, #tpu.memory_space<vmem_shared>>
      %dma_wait3A_692 = tpu.memref_slice %arg10[%dma_wait3A_681] : memref<13x!tpu.dma_semaphore, #tpu.memory_space<semaphore_mem>> -> memref<1x!tpu.dma_semaphore, #tpu.memory_space<semaphore_mem>>
      %dma_wait3A_693 = tpu.memref_squeeze %dma_wait3A_692 : memref<1x!tpu.dma_semaphore, #tpu.memory_space<semaphore_mem>> -> memref<!tpu.dma_semaphore, #tpu.memory_space<semaphore_mem>>
      tpu.wait_indirect_dma semaphore(%dma_wait3A_693 : memref<!tpu.dma_semaphore, #tpu.memory_space<semaphore_mem>>) src(%dma_wait3A_691 : memref<10000x32xf32, #tpu.memory_space<vmem_shared>>) dst(%dma_wait3A_685 : memref<128x32xf32, #tpu.memory_space<vmem>>)
      %add3A_694 = arith.constant 12 : i32
      %add3A_695 = arith.addi %mul3A_49, %add3A_694 : i32
      %dma_start3A_696 = arith.constant 12 : i32
      %dma_start3A_697 = arith.constant 1 : i32
      %dma_start3A_698 = arith.constant 12 : i32
      %dma_start3A_699 = arith.constant 0 : i32
      %dma_start3A_700 = arith.constant 0 : i32
      %dma_start3A_701 = tpu.memref_slice %arg7[%dma_start3A_696, %dma_start3A_699, %dma_start3A_700] : memref<13x128x32xf32, #tpu.memory_space<vmem>> -> memref<1x128x32xf32, #tpu.memory_space<vmem>>
      %dma_start3A_702 = tpu.memref_squeeze %dma_start3A_701 : memref<1x128x32xf32, #tpu.memory_space<vmem>> -> memref<128x32xf32, #tpu.memory_space<vmem>>
      %dma_start3A_703 = arith.constant 0 : i32
      %dma_start3A_704 = tpu.memref_slice %arg6[%add3A_695, %dma_start3A_697, %dma_start3A_703] : memref<79x2x128xi32, #tpu.memory_space<vmem>> -> memref<1x1x128xi32, #tpu.memory_space<vmem>>
      %dma_start3A_705 = tpu.memref_squeeze %dma_start3A_704 : memref<1x1x128xi32, #tpu.memory_space<vmem>> -> memref<128xi32, #tpu.memory_space<vmem>>
      %dma_start3A_706 = arith.constant 0 : i32
      %dma_start3A_707 = arith.constant 0 : i32
      %dma_start3A_708 = tpu.memref_slice %arg8[%dma_start3A_706, %dma_start3A_707] : memref<10112x32xf32, #tpu.memory_space<vmem_shared>> -> memref<10112x32xf32, #tpu.memory_space<vmem_shared>>
      %dma_start3A_709 = tpu.memref_slice %arg11[%dma_start3A_698] : memref<13x!tpu.dma_semaphore, #tpu.memory_space<semaphore_mem>> -> memref<1x!tpu.dma_semaphore, #tpu.memory_space<semaphore_mem>>
      %dma_start3A_710 = tpu.memref_squeeze %dma_start3A_709 : memref<1x!tpu.dma_semaphore, #tpu.memory_space<semaphore_mem>> -> memref<!tpu.dma_semaphore, #tpu.memory_space<semaphore_mem>>
      tpu.enqueue_indirect_dma source(%dma_start3A_702 : memref<128x32xf32, #tpu.memory_space<vmem>>) target(%dma_start3A_708 : memref<10112x32xf32, #tpu.memory_space<vmem_shared>>) offsets(%dma_start3A_705 : memref<128xi32, #tpu.memory_space<vmem>>) semaphore(%dma_start3A_710 : memref<!tpu.dma_semaphore, #tpu.memory_space<semaphore_mem>>) {add = true}
      %add3A_711 = arith.constant 0 : i32
      %add3A_712 = arith.addi %mul3A_49, %add3A_711 : i32
      %dma_wait3A_713 = arith.constant 0 : i32
      %dma_wait3A_714 = arith.constant 1 : i32
      %dma_wait3A_715 = arith.constant 0 : i32
      %dma_wait3A_716 = arith.constant 0 : i32
      %dma_wait3A_717 = arith.constant 0 : i32
      %dma_wait3A_718 = tpu.memref_slice %arg7[%dma_wait3A_713, %dma_wait3A_716, %dma_wait3A_717] : memref<13x128x32xf32, #tpu.memory_space<vmem>> -> memref<1x128x32xf32, #tpu.memory_space<vmem>>
      %dma_wait3A_719 = tpu.memref_squeeze %dma_wait3A_718 : memref<1x128x32xf32, #tpu.memory_space<vmem>> -> memref<128x32xf32, #tpu.memory_space<vmem>>
      %dma_wait3A_720 = arith.constant 0 : i32
      %dma_wait3A_721 = tpu.memref_slice %arg6[%add3A_712, %dma_wait3A_714, %dma_wait3A_720] : memref<79x2x128xi32, #tpu.memory_space<vmem>> -> memref<1x1x128xi32, #tpu.memory_space<vmem>>
      %dma_wait3A_722 = tpu.memref_squeeze %dma_wait3A_721 : memref<1x1x128xi32, #tpu.memory_space<vmem>> -> memref<128xi32, #tpu.memory_space<vmem>>
      %dma_wait3A_723 = arith.constant 0 : i32
      %dma_wait3A_724 = arith.constant 0 : i32
      %dma_wait3A_725 = tpu.memref_slice %arg8[%dma_wait3A_723, %dma_wait3A_724] : memref<10112x32xf32, #tpu.memory_space<vmem_shared>> -> memref<10112x32xf32, #tpu.memory_space<vmem_shared>>
      %dma_wait3A_726 = tpu.memref_slice %arg11[%dma_wait3A_715] : memref<13x!tpu.dma_semaphore, #tpu.memory_space<semaphore_mem>> -> memref<1x!tpu.dma_semaphore, #tpu.memory_space<semaphore_mem>>
      %dma_wait3A_727 = tpu.memref_squeeze %dma_wait3A_726 : memref<1x!tpu.dma_semaphore, #tpu.memory_space<semaphore_mem>> -> memref<!tpu.dma_semaphore, #tpu.memory_space<semaphore_mem>>
      tpu.wait_indirect_dma semaphore(%dma_wait3A_727 : memref<!tpu.dma_semaphore, #tpu.memory_space<semaphore_mem>>) src(%dma_wait3A_719 : memref<128x32xf32, #tpu.memory_space<vmem>>) dst(%dma_wait3A_725 : memref<10112x32xf32, #tpu.memory_space<vmem_shared>>)
      %add3A_728 = arith.constant 1 : i32
      %add3A_729 = arith.addi %mul3A_49, %add3A_728 : i32
      %dma_wait3A_730 = arith.constant 1 : i32
      %dma_wait3A_731 = arith.constant 1 : i32
      %dma_wait3A_732 = arith.constant 1 : i32
      %dma_wait3A_733 = arith.constant 0 : i32
      %dma_wait3A_734 = arith.constant 0 : i32
      %dma_wait3A_735 = tpu.memref_slice %arg7[%dma_wait3A_730, %dma_wait3A_733, %dma_wait3A_734] : memref<13x128x32xf32, #tpu.memory_space<vmem>> -> memref<1x128x32xf32, #tpu.memory_space<vmem>>
      %dma_wait3A_736 = tpu.memref_squeeze %dma_wait3A_735 : memref<1x128x32xf32, #tpu.memory_space<vmem>> -> memref<128x32xf32, #tpu.memory_space<vmem>>
      %dma_wait3A_737 = arith.constant 0 : i32
      %dma_wait3A_738 = tpu.memref_slice %arg6[%add3A_729, %dma_wait3A_731, %dma_wait3A_737] : memref<79x2x128xi32, #tpu.memory_space<vmem>> -> memref<1x1x128xi32, #tpu.memory_space<vmem>>
      %dma_wait3A_739 = tpu.memref_squeeze %dma_wait3A_738 : memref<1x1x128xi32, #tpu.memory_space<vmem>> -> memref<128xi32, #tpu.memory_space<vmem>>
      %dma_wait3A_740 = arith.constant 0 : i32
      %dma_wait3A_741 = arith.constant 0 : i32
      %dma_wait3A_742 = tpu.memref_slice %arg8[%dma_wait3A_740, %dma_wait3A_741] : memref<10112x32xf32, #tpu.memory_space<vmem_shared>> -> memref<10112x32xf32, #tpu.memory_space<vmem_shared>>
      %dma_wait3A_743 = tpu.memref_slice %arg11[%dma_wait3A_732] : memref<13x!tpu.dma_semaphore, #tpu.memory_space<semaphore_mem>> -> memref<1x!tpu.dma_semaphore, #tpu.memory_space<semaphore_mem>>
      %dma_wait3A_744 = tpu.memref_squeeze %dma_wait3A_743 : memref<1x!tpu.dma_semaphore, #tpu.memory_space<semaphore_mem>> -> memref<!tpu.dma_semaphore, #tpu.memory_space<semaphore_mem>>
      tpu.wait_indirect_dma semaphore(%dma_wait3A_744 : memref<!tpu.dma_semaphore, #tpu.memory_space<semaphore_mem>>) src(%dma_wait3A_736 : memref<128x32xf32, #tpu.memory_space<vmem>>) dst(%dma_wait3A_742 : memref<10112x32xf32, #tpu.memory_space<vmem_shared>>)
      %add3A_745 = arith.constant 2 : i32
      %add3A_746 = arith.addi %mul3A_49, %add3A_745 : i32
      %dma_wait3A_747 = arith.constant 2 : i32
      %dma_wait3A_748 = arith.constant 1 : i32
      %dma_wait3A_749 = arith.constant 2 : i32
      %dma_wait3A_750 = arith.constant 0 : i32
      %dma_wait3A_751 = arith.constant 0 : i32
      %dma_wait3A_752 = tpu.memref_slice %arg7[%dma_wait3A_747, %dma_wait3A_750, %dma_wait3A_751] : memref<13x128x32xf32, #tpu.memory_space<vmem>> -> memref<1x128x32xf32, #tpu.memory_space<vmem>>
      %dma_wait3A_753 = tpu.memref_squeeze %dma_wait3A_752 : memref<1x128x32xf32, #tpu.memory_space<vmem>> -> memref<128x32xf32, #tpu.memory_space<vmem>>
      %dma_wait3A_754 = arith.constant 0 : i32
      %dma_wait3A_755 = tpu.memref_slice %arg6[%add3A_746, %dma_wait3A_748, %dma_wait3A_754] : memref<79x2x128xi32, #tpu.memory_space<vmem>> -> memref<1x1x128xi32, #tpu.memory_space<vmem>>
      %dma_wait3A_756 = tpu.memref_squeeze %dma_wait3A_755 : memref<1x1x128xi32, #tpu.memory_space<vmem>> -> memref<128xi32, #tpu.memory_space<vmem>>
      %dma_wait3A_757 = arith.constant 0 : i32
      %dma_wait3A_758 = arith.constant 0 : i32
      %dma_wait3A_759 = tpu.memref_slice %arg8[%dma_wait3A_757, %dma_wait3A_758] : memref<10112x32xf32, #tpu.memory_space<vmem_shared>> -> memref<10112x32xf32, #tpu.memory_space<vmem_shared>>
      %dma_wait3A_760 = tpu.memref_slice %arg11[%dma_wait3A_749] : memref<13x!tpu.dma_semaphore, #tpu.memory_space<semaphore_mem>> -> memref<1x!tpu.dma_semaphore, #tpu.memory_space<semaphore_mem>>
      %dma_wait3A_761 = tpu.memref_squeeze %dma_wait3A_760 : memref<1x!tpu.dma_semaphore, #tpu.memory_space<semaphore_mem>> -> memref<!tpu.dma_semaphore, #tpu.memory_space<semaphore_mem>>
      tpu.wait_indirect_dma semaphore(%dma_wait3A_761 : memref<!tpu.dma_semaphore, #tpu.memory_space<semaphore_mem>>) src(%dma_wait3A_753 : memref<128x32xf32, #tpu.memory_space<vmem>>) dst(%dma_wait3A_759 : memref<10112x32xf32, #tpu.memory_space<vmem_shared>>)
      %add3A_762 = arith.constant 3 : i32
      %add3A_763 = arith.addi %mul3A_49, %add3A_762 : i32
      %dma_wait3A_764 = arith.constant 3 : i32
      %dma_wait3A_765 = arith.constant 1 : i32
      %dma_wait3A_766 = arith.constant 3 : i32
      %dma_wait3A_767 = arith.constant 0 : i32
      %dma_wait3A_768 = arith.constant 0 : i32
      %dma_wait3A_769 = tpu.memref_slice %arg7[%dma_wait3A_764, %dma_wait3A_767, %dma_wait3A_768] : memref<13x128x32xf32, #tpu.memory_space<vmem>> -> memref<1x128x32xf32, #tpu.memory_space<vmem>>
      %dma_wait3A_770 = tpu.memref_squeeze %dma_wait3A_769 : memref<1x128x32xf32, #tpu.memory_space<vmem>> -> memref<128x32xf32, #tpu.memory_space<vmem>>
      %dma_wait3A_771 = arith.constant 0 : i32
      %dma_wait3A_772 = tpu.memref_slice %arg6[%add3A_763, %dma_wait3A_765, %dma_wait3A_771] : memref<79x2x128xi32, #tpu.memory_space<vmem>> -> memref<1x1x128xi32, #tpu.memory_space<vmem>>
      %dma_wait3A_773 = tpu.memref_squeeze %dma_wait3A_772 : memref<1x1x128xi32, #tpu.memory_space<vmem>> -> memref<128xi32, #tpu.memory_space<vmem>>
      %dma_wait3A_774 = arith.constant 0 : i32
      %dma_wait3A_775 = arith.constant 0 : i32
      %dma_wait3A_776 = tpu.memref_slice %arg8[%dma_wait3A_774, %dma_wait3A_775] : memref<10112x32xf32, #tpu.memory_space<vmem_shared>> -> memref<10112x32xf32, #tpu.memory_space<vmem_shared>>
      %dma_wait3A_777 = tpu.memref_slice %arg11[%dma_wait3A_766] : memref<13x!tpu.dma_semaphore, #tpu.memory_space<semaphore_mem>> -> memref<1x!tpu.dma_semaphore, #tpu.memory_space<semaphore_mem>>
      %dma_wait3A_778 = tpu.memref_squeeze %dma_wait3A_777 : memref<1x!tpu.dma_semaphore, #tpu.memory_space<semaphore_mem>> -> memref<!tpu.dma_semaphore, #tpu.memory_space<semaphore_mem>>
      tpu.wait_indirect_dma semaphore(%dma_wait3A_778 : memref<!tpu.dma_semaphore, #tpu.memory_space<semaphore_mem>>) src(%dma_wait3A_770 : memref<128x32xf32, #tpu.memory_space<vmem>>) dst(%dma_wait3A_776 : memref<10112x32xf32, #tpu.memory_space<vmem_shared>>)
      %add3A_779 = arith.constant 4 : i32
      %add3A_780 = arith.addi %mul3A_49, %add3A_779 : i32
      %dma_wait3A_781 = arith.constant 4 : i32
      %dma_wait3A_782 = arith.constant 1 : i32
      %dma_wait3A_783 = arith.constant 4 : i32
      %dma_wait3A_784 = arith.constant 0 : i32
      %dma_wait3A_785 = arith.constant 0 : i32
      %dma_wait3A_786 = tpu.memref_slice %arg7[%dma_wait3A_781, %dma_wait3A_784, %dma_wait3A_785] : memref<13x128x32xf32, #tpu.memory_space<vmem>> -> memref<1x128x32xf32, #tpu.memory_space<vmem>>
      %dma_wait3A_787 = tpu.memref_squeeze %dma_wait3A_786 : memref<1x128x32xf32, #tpu.memory_space<vmem>> -> memref<128x32xf32, #tpu.memory_space<vmem>>
      %dma_wait3A_788 = arith.constant 0 : i32
      %dma_wait3A_789 = tpu.memref_slice %arg6[%add3A_780, %dma_wait3A_782, %dma_wait3A_788] : memref<79x2x128xi32, #tpu.memory_space<vmem>> -> memref<1x1x128xi32, #tpu.memory_space<vmem>>
      %dma_wait3A_790 = tpu.memref_squeeze %dma_wait3A_789 : memref<1x1x128xi32, #tpu.memory_space<vmem>> -> memref<128xi32, #tpu.memory_space<vmem>>
      %dma_wait3A_791 = arith.constant 0 : i32
      %dma_wait3A_792 = arith.constant 0 : i32
      %dma_wait3A_793 = tpu.memref_slice %arg8[%dma_wait3A_791, %dma_wait3A_792] : memref<10112x32xf32, #tpu.memory_space<vmem_shared>> -> memref<10112x32xf32, #tpu.memory_space<vmem_shared>>
      %dma_wait3A_794 = tpu.memref_slice %arg11[%dma_wait3A_783] : memref<13x!tpu.dma_semaphore, #tpu.memory_space<semaphore_mem>> -> memref<1x!tpu.dma_semaphore, #tpu.memory_space<semaphore_mem>>
      %dma_wait3A_795 = tpu.memref_squeeze %dma_wait3A_794 : memref<1x!tpu.dma_semaphore, #tpu.memory_space<semaphore_mem>> -> memref<!tpu.dma_semaphore, #tpu.memory_space<semaphore_mem>>
      tpu.wait_indirect_dma semaphore(%dma_wait3A_795 : memref<!tpu.dma_semaphore, #tpu.memory_space<semaphore_mem>>) src(%dma_wait3A_787 : memref<128x32xf32, #tpu.memory_space<vmem>>) dst(%dma_wait3A_793 : memref<10112x32xf32, #tpu.memory_space<vmem_shared>>)
      %add3A_796 = arith.constant 5 : i32
      %add3A_797 = arith.addi %mul3A_49, %add3A_796 : i32
      %dma_wait3A_798 = arith.constant 5 : i32
      %dma_wait3A_799 = arith.constant 1 : i32
      %dma_wait3A_800 = arith.constant 5 : i32
      %dma_wait3A_801 = arith.constant 0 : i32
      %dma_wait3A_802 = arith.constant 0 : i32
      %dma_wait3A_803 = tpu.memref_slice %arg7[%dma_wait3A_798, %dma_wait3A_801, %dma_wait3A_802] : memref<13x128x32xf32, #tpu.memory_space<vmem>> -> memref<1x128x32xf32, #tpu.memory_space<vmem>>
      %dma_wait3A_804 = tpu.memref_squeeze %dma_wait3A_803 : memref<1x128x32xf32, #tpu.memory_space<vmem>> -> memref<128x32xf32, #tpu.memory_space<vmem>>
      %dma_wait3A_805 = arith.constant 0 : i32
      %dma_wait3A_806 = tpu.memref_slice %arg6[%add3A_797, %dma_wait3A_799, %dma_wait3A_805] : memref<79x2x128xi32, #tpu.memory_space<vmem>> -> memref<1x1x128xi32, #tpu.memory_space<vmem>>
      %dma_wait3A_807 = tpu.memref_squeeze %dma_wait3A_806 : memref<1x1x128xi32, #tpu.memory_space<vmem>> -> memref<128xi32, #tpu.memory_space<vmem>>
      %dma_wait3A_808 = arith.constant 0 : i32
      %dma_wait3A_809 = arith.constant 0 : i32
      %dma_wait3A_810 = tpu.memref_slice %arg8[%dma_wait3A_808, %dma_wait3A_809] : memref<10112x32xf32, #tpu.memory_space<vmem_shared>> -> memref<10112x32xf32, #tpu.memory_space<vmem_shared>>
      %dma_wait3A_811 = tpu.memref_slice %arg11[%dma_wait3A_800] : memref<13x!tpu.dma_semaphore, #tpu.memory_space<semaphore_mem>> -> memref<1x!tpu.dma_semaphore, #tpu.memory_space<semaphore_mem>>
      %dma_wait3A_812 = tpu.memref_squeeze %dma_wait3A_811 : memref<1x!tpu.dma_semaphore, #tpu.memory_space<semaphore_mem>> -> memref<!tpu.dma_semaphore, #tpu.memory_space<semaphore_mem>>
      tpu.wait_indirect_dma semaphore(%dma_wait3A_812 : memref<!tpu.dma_semaphore, #tpu.memory_space<semaphore_mem>>) src(%dma_wait3A_804 : memref<128x32xf32, #tpu.memory_space<vmem>>) dst(%dma_wait3A_810 : memref<10112x32xf32, #tpu.memory_space<vmem_shared>>)
      %add3A_813 = arith.constant 6 : i32
      %add3A_814 = arith.addi %mul3A_49, %add3A_813 : i32
      %dma_wait3A_815 = arith.constant 6 : i32
      %dma_wait3A_816 = arith.constant 1 : i32
      %dma_wait3A_817 = arith.constant 6 : i32
      %dma_wait3A_818 = arith.constant 0 : i32
      %dma_wait3A_819 = arith.constant 0 : i32
      %dma_wait3A_820 = tpu.memref_slice %arg7[%dma_wait3A_815, %dma_wait3A_818, %dma_wait3A_819] : memref<13x128x32xf32, #tpu.memory_space<vmem>> -> memref<1x128x32xf32, #tpu.memory_space<vmem>>
      %dma_wait3A_821 = tpu.memref_squeeze %dma_wait3A_820 : memref<1x128x32xf32, #tpu.memory_space<vmem>> -> memref<128x32xf32, #tpu.memory_space<vmem>>
      %dma_wait3A_822 = arith.constant 0 : i32
      %dma_wait3A_823 = tpu.memref_slice %arg6[%add3A_814, %dma_wait3A_816, %dma_wait3A_822] : memref<79x2x128xi32, #tpu.memory_space<vmem>> -> memref<1x1x128xi32, #tpu.memory_space<vmem>>
      %dma_wait3A_824 = tpu.memref_squeeze %dma_wait3A_823 : memref<1x1x128xi32, #tpu.memory_space<vmem>> -> memref<128xi32, #tpu.memory_space<vmem>>
      %dma_wait3A_825 = arith.constant 0 : i32
      %dma_wait3A_826 = arith.constant 0 : i32
      %dma_wait3A_827 = tpu.memref_slice %arg8[%dma_wait3A_825, %dma_wait3A_826] : memref<10112x32xf32, #tpu.memory_space<vmem_shared>> -> memref<10112x32xf32, #tpu.memory_space<vmem_shared>>
      %dma_wait3A_828 = tpu.memref_slice %arg11[%dma_wait3A_817] : memref<13x!tpu.dma_semaphore, #tpu.memory_space<semaphore_mem>> -> memref<1x!tpu.dma_semaphore, #tpu.memory_space<semaphore_mem>>
      %dma_wait3A_829 = tpu.memref_squeeze %dma_wait3A_828 : memref<1x!tpu.dma_semaphore, #tpu.memory_space<semaphore_mem>> -> memref<!tpu.dma_semaphore, #tpu.memory_space<semaphore_mem>>
      tpu.wait_indirect_dma semaphore(%dma_wait3A_829 : memref<!tpu.dma_semaphore, #tpu.memory_space<semaphore_mem>>) src(%dma_wait3A_821 : memref<128x32xf32, #tpu.memory_space<vmem>>) dst(%dma_wait3A_827 : memref<10112x32xf32, #tpu.memory_space<vmem_shared>>)
      %add3A_830 = arith.constant 7 : i32
      %add3A_831 = arith.addi %mul3A_49, %add3A_830 : i32
      %dma_wait3A_832 = arith.constant 7 : i32
      %dma_wait3A_833 = arith.constant 1 : i32
      %dma_wait3A_834 = arith.constant 7 : i32
      %dma_wait3A_835 = arith.constant 0 : i32
      %dma_wait3A_836 = arith.constant 0 : i32
      %dma_wait3A_837 = tpu.memref_slice %arg7[%dma_wait3A_832, %dma_wait3A_835, %dma_wait3A_836] : memref<13x128x32xf32, #tpu.memory_space<vmem>> -> memref<1x128x32xf32, #tpu.memory_space<vmem>>
      %dma_wait3A_838 = tpu.memref_squeeze %dma_wait3A_837 : memref<1x128x32xf32, #tpu.memory_space<vmem>> -> memref<128x32xf32, #tpu.memory_space<vmem>>
      %dma_wait3A_839 = arith.constant 0 : i32
      %dma_wait3A_840 = tpu.memref_slice %arg6[%add3A_831, %dma_wait3A_833, %dma_wait3A_839] : memref<79x2x128xi32, #tpu.memory_space<vmem>> -> memref<1x1x128xi32, #tpu.memory_space<vmem>>
      %dma_wait3A_841 = tpu.memref_squeeze %dma_wait3A_840 : memref<1x1x128xi32, #tpu.memory_space<vmem>> -> memref<128xi32, #tpu.memory_space<vmem>>
      %dma_wait3A_842 = arith.constant 0 : i32
      %dma_wait3A_843 = arith.constant 0 : i32
      %dma_wait3A_844 = tpu.memref_slice %arg8[%dma_wait3A_842, %dma_wait3A_843] : memref<10112x32xf32, #tpu.memory_space<vmem_shared>> -> memref<10112x32xf32, #tpu.memory_space<vmem_shared>>
      %dma_wait3A_845 = tpu.memref_slice %arg11[%dma_wait3A_834] : memref<13x!tpu.dma_semaphore, #tpu.memory_space<semaphore_mem>> -> memref<1x!tpu.dma_semaphore, #tpu.memory_space<semaphore_mem>>
      %dma_wait3A_846 = tpu.memref_squeeze %dma_wait3A_845 : memref<1x!tpu.dma_semaphore, #tpu.memory_space<semaphore_mem>> -> memref<!tpu.dma_semaphore, #tpu.memory_space<semaphore_mem>>
      tpu.wait_indirect_dma semaphore(%dma_wait3A_846 : memref<!tpu.dma_semaphore, #tpu.memory_space<semaphore_mem>>) src(%dma_wait3A_838 : memref<128x32xf32, #tpu.memory_space<vmem>>) dst(%dma_wait3A_844 : memref<10112x32xf32, #tpu.memory_space<vmem_shared>>)
      %add3A_847 = arith.constant 8 : i32
      %add3A_848 = arith.addi %mul3A_49, %add3A_847 : i32
      %dma_wait3A_849 = arith.constant 8 : i32
      %dma_wait3A_850 = arith.constant 1 : i32
      %dma_wait3A_851 = arith.constant 8 : i32
      %dma_wait3A_852 = arith.constant 0 : i32
      %dma_wait3A_853 = arith.constant 0 : i32
      %dma_wait3A_854 = tpu.memref_slice %arg7[%dma_wait3A_849, %dma_wait3A_852, %dma_wait3A_853] : memref<13x128x32xf32, #tpu.memory_space<vmem>> -> memref<1x128x32xf32, #tpu.memory_space<vmem>>
      %dma_wait3A_855 = tpu.memref_squeeze %dma_wait3A_854 : memref<1x128x32xf32, #tpu.memory_space<vmem>> -> memref<128x32xf32, #tpu.memory_space<vmem>>
      %dma_wait3A_856 = arith.constant 0 : i32
      %dma_wait3A_857 = tpu.memref_slice %arg6[%add3A_848, %dma_wait3A_850, %dma_wait3A_856] : memref<79x2x128xi32, #tpu.memory_space<vmem>> -> memref<1x1x128xi32, #tpu.memory_space<vmem>>
      %dma_wait3A_858 = tpu.memref_squeeze %dma_wait3A_857 : memref<1x1x128xi32, #tpu.memory_space<vmem>> -> memref<128xi32, #tpu.memory_space<vmem>>
      %dma_wait3A_859 = arith.constant 0 : i32
      %dma_wait3A_860 = arith.constant 0 : i32
      %dma_wait3A_861 = tpu.memref_slice %arg8[%dma_wait3A_859, %dma_wait3A_860] : memref<10112x32xf32, #tpu.memory_space<vmem_shared>> -> memref<10112x32xf32, #tpu.memory_space<vmem_shared>>
      %dma_wait3A_862 = tpu.memref_slice %arg11[%dma_wait3A_851] : memref<13x!tpu.dma_semaphore, #tpu.memory_space<semaphore_mem>> -> memref<1x!tpu.dma_semaphore, #tpu.memory_space<semaphore_mem>>
      %dma_wait3A_863 = tpu.memref_squeeze %dma_wait3A_862 : memref<1x!tpu.dma_semaphore, #tpu.memory_space<semaphore_mem>> -> memref<!tpu.dma_semaphore, #tpu.memory_space<semaphore_mem>>
      tpu.wait_indirect_dma semaphore(%dma_wait3A_863 : memref<!tpu.dma_semaphore, #tpu.memory_space<semaphore_mem>>) src(%dma_wait3A_855 : memref<128x32xf32, #tpu.memory_space<vmem>>) dst(%dma_wait3A_861 : memref<10112x32xf32, #tpu.memory_space<vmem_shared>>)
      %add3A_864 = arith.constant 9 : i32
      %add3A_865 = arith.addi %mul3A_49, %add3A_864 : i32
      %dma_wait3A_866 = arith.constant 9 : i32
      %dma_wait3A_867 = arith.constant 1 : i32
      %dma_wait3A_868 = arith.constant 9 : i32
      %dma_wait3A_869 = arith.constant 0 : i32
      %dma_wait3A_870 = arith.constant 0 : i32
      %dma_wait3A_871 = tpu.memref_slice %arg7[%dma_wait3A_866, %dma_wait3A_869, %dma_wait3A_870] : memref<13x128x32xf32, #tpu.memory_space<vmem>> -> memref<1x128x32xf32, #tpu.memory_space<vmem>>
      %dma_wait3A_872 = tpu.memref_squeeze %dma_wait3A_871 : memref<1x128x32xf32, #tpu.memory_space<vmem>> -> memref<128x32xf32, #tpu.memory_space<vmem>>
      %dma_wait3A_873 = arith.constant 0 : i32
      %dma_wait3A_874 = tpu.memref_slice %arg6[%add3A_865, %dma_wait3A_867, %dma_wait3A_873] : memref<79x2x128xi32, #tpu.memory_space<vmem>> -> memref<1x1x128xi32, #tpu.memory_space<vmem>>
      %dma_wait3A_875 = tpu.memref_squeeze %dma_wait3A_874 : memref<1x1x128xi32, #tpu.memory_space<vmem>> -> memref<128xi32, #tpu.memory_space<vmem>>
      %dma_wait3A_876 = arith.constant 0 : i32
      %dma_wait3A_877 = arith.constant 0 : i32
      %dma_wait3A_878 = tpu.memref_slice %arg8[%dma_wait3A_876, %dma_wait3A_877] : memref<10112x32xf32, #tpu.memory_space<vmem_shared>> -> memref<10112x32xf32, #tpu.memory_space<vmem_shared>>
      %dma_wait3A_879 = tpu.memref_slice %arg11[%dma_wait3A_868] : memref<13x!tpu.dma_semaphore, #tpu.memory_space<semaphore_mem>> -> memref<1x!tpu.dma_semaphore, #tpu.memory_space<semaphore_mem>>
      %dma_wait3A_880 = tpu.memref_squeeze %dma_wait3A_879 : memref<1x!tpu.dma_semaphore, #tpu.memory_space<semaphore_mem>> -> memref<!tpu.dma_semaphore, #tpu.memory_space<semaphore_mem>>
      tpu.wait_indirect_dma semaphore(%dma_wait3A_880 : memref<!tpu.dma_semaphore, #tpu.memory_space<semaphore_mem>>) src(%dma_wait3A_872 : memref<128x32xf32, #tpu.memory_space<vmem>>) dst(%dma_wait3A_878 : memref<10112x32xf32, #tpu.memory_space<vmem_shared>>)
      %add3A_881 = arith.constant 10 : i32
      %add3A_882 = arith.addi %mul3A_49, %add3A_881 : i32
      %dma_wait3A_883 = arith.constant 10 : i32
      %dma_wait3A_884 = arith.constant 1 : i32
      %dma_wait3A_885 = arith.constant 10 : i32
      %dma_wait3A_886 = arith.constant 0 : i32
      %dma_wait3A_887 = arith.constant 0 : i32
      %dma_wait3A_888 = tpu.memref_slice %arg7[%dma_wait3A_883, %dma_wait3A_886, %dma_wait3A_887] : memref<13x128x32xf32, #tpu.memory_space<vmem>> -> memref<1x128x32xf32, #tpu.memory_space<vmem>>
      %dma_wait3A_889 = tpu.memref_squeeze %dma_wait3A_888 : memref<1x128x32xf32, #tpu.memory_space<vmem>> -> memref<128x32xf32, #tpu.memory_space<vmem>>
      %dma_wait3A_890 = arith.constant 0 : i32
      %dma_wait3A_891 = tpu.memref_slice %arg6[%add3A_882, %dma_wait3A_884, %dma_wait3A_890] : memref<79x2x128xi32, #tpu.memory_space<vmem>> -> memref<1x1x128xi32, #tpu.memory_space<vmem>>
      %dma_wait3A_892 = tpu.memref_squeeze %dma_wait3A_891 : memref<1x1x128xi32, #tpu.memory_space<vmem>> -> memref<128xi32, #tpu.memory_space<vmem>>
      %dma_wait3A_893 = arith.constant 0 : i32
      %dma_wait3A_894 = arith.constant 0 : i32
      %dma_wait3A_895 = tpu.memref_slice %arg8[%dma_wait3A_893, %dma_wait3A_894] : memref<10112x32xf32, #tpu.memory_space<vmem_shared>> -> memref<10112x32xf32, #tpu.memory_space<vmem_shared>>
      %dma_wait3A_896 = tpu.memref_slice %arg11[%dma_wait3A_885] : memref<13x!tpu.dma_semaphore, #tpu.memory_space<semaphore_mem>> -> memref<1x!tpu.dma_semaphore, #tpu.memory_space<semaphore_mem>>
      %dma_wait3A_897 = tpu.memref_squeeze %dma_wait3A_896 : memref<1x!tpu.dma_semaphore, #tpu.memory_space<semaphore_mem>> -> memref<!tpu.dma_semaphore, #tpu.memory_space<semaphore_mem>>
      tpu.wait_indirect_dma semaphore(%dma_wait3A_897 : memref<!tpu.dma_semaphore, #tpu.memory_space<semaphore_mem>>) src(%dma_wait3A_889 : memref<128x32xf32, #tpu.memory_space<vmem>>) dst(%dma_wait3A_895 : memref<10112x32xf32, #tpu.memory_space<vmem_shared>>)
      %add3A_898 = arith.constant 11 : i32
      %add3A_899 = arith.addi %mul3A_49, %add3A_898 : i32
      %dma_wait3A_900 = arith.constant 11 : i32
      %dma_wait3A_901 = arith.constant 1 : i32
      %dma_wait3A_902 = arith.constant 11 : i32
      %dma_wait3A_903 = arith.constant 0 : i32
      %dma_wait3A_904 = arith.constant 0 : i32
      %dma_wait3A_905 = tpu.memref_slice %arg7[%dma_wait3A_900, %dma_wait3A_903, %dma_wait3A_904] : memref<13x128x32xf32, #tpu.memory_space<vmem>> -> memref<1x128x32xf32, #tpu.memory_space<vmem>>
      %dma_wait3A_906 = tpu.memref_squeeze %dma_wait3A_905 : memref<1x128x32xf32, #tpu.memory_space<vmem>> -> memref<128x32xf32, #tpu.memory_space<vmem>>
      %dma_wait3A_907 = arith.constant 0 : i32
      %dma_wait3A_908 = tpu.memref_slice %arg6[%add3A_899, %dma_wait3A_901, %dma_wait3A_907] : memref<79x2x128xi32, #tpu.memory_space<vmem>> -> memref<1x1x128xi32, #tpu.memory_space<vmem>>
      %dma_wait3A_909 = tpu.memref_squeeze %dma_wait3A_908 : memref<1x1x128xi32, #tpu.memory_space<vmem>> -> memref<128xi32, #tpu.memory_space<vmem>>
      %dma_wait3A_910 = arith.constant 0 : i32
      %dma_wait3A_911 = arith.constant 0 : i32
      %dma_wait3A_912 = tpu.memref_slice %arg8[%dma_wait3A_910, %dma_wait3A_911] : memref<10112x32xf32, #tpu.memory_space<vmem_shared>> -> memref<10112x32xf32, #tpu.memory_space<vmem_shared>>
      %dma_wait3A_913 = tpu.memref_slice %arg11[%dma_wait3A_902] : memref<13x!tpu.dma_semaphore, #tpu.memory_space<semaphore_mem>> -> memref<1x!tpu.dma_semaphore, #tpu.memory_space<semaphore_mem>>
      %dma_wait3A_914 = tpu.memref_squeeze %dma_wait3A_913 : memref<1x!tpu.dma_semaphore, #tpu.memory_space<semaphore_mem>> -> memref<!tpu.dma_semaphore, #tpu.memory_space<semaphore_mem>>
      tpu.wait_indirect_dma semaphore(%dma_wait3A_914 : memref<!tpu.dma_semaphore, #tpu.memory_space<semaphore_mem>>) src(%dma_wait3A_906 : memref<128x32xf32, #tpu.memory_space<vmem>>) dst(%dma_wait3A_912 : memref<10112x32xf32, #tpu.memory_space<vmem_shared>>)
      %add3A_915 = arith.constant 12 : i32
      %add3A_916 = arith.addi %mul3A_49, %add3A_915 : i32
      %dma_wait3A_917 = arith.constant 12 : i32
      %dma_wait3A_918 = arith.constant 1 : i32
      %dma_wait3A_919 = arith.constant 12 : i32
      %dma_wait3A_920 = arith.constant 0 : i32
      %dma_wait3A_921 = arith.constant 0 : i32
      %dma_wait3A_922 = tpu.memref_slice %arg7[%dma_wait3A_917, %dma_wait3A_920, %dma_wait3A_921] : memref<13x128x32xf32, #tpu.memory_space<vmem>> -> memref<1x128x32xf32, #tpu.memory_space<vmem>>
      %dma_wait3A_923 = tpu.memref_squeeze %dma_wait3A_922 : memref<1x128x32xf32, #tpu.memory_space<vmem>> -> memref<128x32xf32, #tpu.memory_space<vmem>>
      %dma_wait3A_924 = arith.constant 0 : i32
      %dma_wait3A_925 = tpu.memref_slice %arg6[%add3A_916, %dma_wait3A_918, %dma_wait3A_924] : memref<79x2x128xi32, #tpu.memory_space<vmem>> -> memref<1x1x128xi32, #tpu.memory_space<vmem>>
      %dma_wait3A_926 = tpu.memref_squeeze %dma_wait3A_925 : memref<1x1x128xi32, #tpu.memory_space<vmem>> -> memref<128xi32, #tpu.memory_space<vmem>>
      %dma_wait3A_927 = arith.constant 0 : i32
      %dma_wait3A_928 = arith.constant 0 : i32
      %dma_wait3A_929 = tpu.memref_slice %arg8[%dma_wait3A_927, %dma_wait3A_928] : memref<10112x32xf32, #tpu.memory_space<vmem_shared>> -> memref<10112x32xf32, #tpu.memory_space<vmem_shared>>
      %dma_wait3A_930 = tpu.memref_slice %arg11[%dma_wait3A_919] : memref<13x!tpu.dma_semaphore, #tpu.memory_space<semaphore_mem>> -> memref<1x!tpu.dma_semaphore, #tpu.memory_space<semaphore_mem>>
      %dma_wait3A_931 = tpu.memref_squeeze %dma_wait3A_930 : memref<1x!tpu.dma_semaphore, #tpu.memory_space<semaphore_mem>> -> memref<!tpu.dma_semaphore, #tpu.memory_space<semaphore_mem>>
      tpu.wait_indirect_dma semaphore(%dma_wait3A_931 : memref<!tpu.dma_semaphore, #tpu.memory_space<semaphore_mem>>) src(%dma_wait3A_923 : memref<128x32xf32, #tpu.memory_space<vmem>>) dst(%dma_wait3A_929 : memref<10112x32xf32, #tpu.memory_space<vmem_shared>>)
    }
    %scan3A_21 = arith.constant 6 : i32
    %sub3A = arith.constant 78 : i32
    %sub3A_22 = arith.subi %add3A_8, %sub3A : i32
    %sub3A_23 = arith.constant 1 : i32
    %sub3A_24 = arith.constant 1 : i32
    %sub3A_25 = arith.subi %sub3A_23, %sub3A_24 : i32
    %add3A_26 = arith.addi %sub3A_22, %sub3A_25 : i32
    %div3A = arith.constant 1 : i32
    %div3A_27 = arith.divsi %add3A_26, %div3A : i32
    %while3A = arith.constant 1 : i32
    %while3A_28 = arith.constant 78 : i32
    %while3A_29 = arith.constant 0 : i32
    %while3A_30 = arith.subi %div3A_27, %while3A_29 : i32
    %while3A_31 = arith.addi %while3A_29, %while3A_30 : i32
    %while3A_32 = arith.constant 1 : i32
    %while3A_33 = arith.divsi %while3A_30, %while3A_32 : i32
    %while3A_34 = arith.muli %while3A_33, %while3A_32 : i32
    %while3A_35 = arith.addi %while3A_29, %while3A_34 : i32
    %while3A_36 = arith.constant 1 : i32
    scf.for %while3A_43 = %while3A_29 to %while3A_35 step %while3A_36  : i32 {
      %mul3A_44 = arith.muli %while3A_43, %while3A : i32
      %add3A_45 = arith.addi %while3A_28, %mul3A_44 : i32
      %dma_start3A = arith.constant 0 : i32
      %dma_start3A_46 = arith.constant 0 : i32
      %dma_start3A_47 = arith.constant 0 : i32
      %dma_start3A_48 = arith.constant 0 : i32
      %dma_start3A_49 = arith.constant 0 : i32
      %dma_start3A_50 = tpu.memref_slice %arg7[%dma_start3A_46, %dma_start3A_48, %dma_start3A_49] : memref<13x128x32xf32, #tpu.memory_space<vmem>> -> memref<1x128x32xf32, #tpu.memory_space<vmem>>
      %dma_start3A_51 = tpu.memref_squeeze %dma_start3A_50 : memref<1x128x32xf32, #tpu.memory_space<vmem>> -> memref<128x32xf32, #tpu.memory_space<vmem>>
      %dma_start3A_52 = arith.constant 0 : i32
      %dma_start3A_53 = tpu.memref_slice %arg6[%add3A_45, %dma_start3A, %dma_start3A_52] : memref<79x2x128xi32, #tpu.memory_space<vmem>> -> memref<1x1x128xi32, #tpu.memory_space<vmem>>
      %dma_start3A_54 = tpu.memref_squeeze %dma_start3A_53 : memref<1x1x128xi32, #tpu.memory_space<vmem>> -> memref<128xi32, #tpu.memory_space<vmem>>
      %dma_start3A_55 = arith.constant 0 : i32
      %dma_start3A_56 = arith.constant 0 : i32
      %dma_start3A_57 = tpu.memref_slice %arg9[%dma_start3A_55, %dma_start3A_56] : memref<10000x32xf32, #tpu.memory_space<vmem_shared>> -> memref<10000x32xf32, #tpu.memory_space<vmem_shared>>
      %dma_start3A_58 = tpu.memref_slice %arg10[%dma_start3A_47] : memref<13x!tpu.dma_semaphore, #tpu.memory_space<semaphore_mem>> -> memref<1x!tpu.dma_semaphore, #tpu.memory_space<semaphore_mem>>
      %dma_start3A_59 = tpu.memref_squeeze %dma_start3A_58 : memref<1x!tpu.dma_semaphore, #tpu.memory_space<semaphore_mem>> -> memref<!tpu.dma_semaphore, #tpu.memory_space<semaphore_mem>>
      tpu.enqueue_indirect_dma source(%dma_start3A_57 : memref<10000x32xf32, #tpu.memory_space<vmem_shared>>) target(%dma_start3A_51 : memref<128x32xf32, #tpu.memory_space<vmem>>) offsets(%dma_start3A_54 : memref<128xi32, #tpu.memory_space<vmem>>) semaphore(%dma_start3A_59 : memref<!tpu.dma_semaphore, #tpu.memory_space<semaphore_mem>>)
      %dma_wait3A = arith.constant 0 : i32
      %dma_wait3A_60 = arith.constant 0 : i32
      %dma_wait3A_61 = arith.constant 0 : i32
      %dma_wait3A_62 = arith.constant 0 : i32
      %dma_wait3A_63 = arith.constant 0 : i32
      %dma_wait3A_64 = tpu.memref_slice %arg7[%dma_wait3A_60, %dma_wait3A_62, %dma_wait3A_63] : memref<13x128x32xf32, #tpu.memory_space<vmem>> -> memref<1x128x32xf32, #tpu.memory_space<vmem>>
      %dma_wait3A_65 = tpu.memref_squeeze %dma_wait3A_64 : memref<1x128x32xf32, #tpu.memory_space<vmem>> -> memref<128x32xf32, #tpu.memory_space<vmem>>
      %dma_wait3A_66 = arith.constant 0 : i32
      %dma_wait3A_67 = tpu.memref_slice %arg6[%add3A_45, %dma_wait3A, %dma_wait3A_66] : memref<79x2x128xi32, #tpu.memory_space<vmem>> -> memref<1x1x128xi32, #tpu.memory_space<vmem>>
      %dma_wait3A_68 = tpu.memref_squeeze %dma_wait3A_67 : memref<1x1x128xi32, #tpu.memory_space<vmem>> -> memref<128xi32, #tpu.memory_space<vmem>>
      %dma_wait3A_69 = arith.constant 0 : i32
      %dma_wait3A_70 = arith.constant 0 : i32
      %dma_wait3A_71 = tpu.memref_slice %arg9[%dma_wait3A_69, %dma_wait3A_70] : memref<10000x32xf32, #tpu.memory_space<vmem_shared>> -> memref<10000x32xf32, #tpu.memory_space<vmem_shared>>
      %dma_wait3A_72 = tpu.memref_slice %arg10[%dma_wait3A_61] : memref<13x!tpu.dma_semaphore, #tpu.memory_space<semaphore_mem>> -> memref<1x!tpu.dma_semaphore, #tpu.memory_space<semaphore_mem>>
      %dma_wait3A_73 = tpu.memref_squeeze %dma_wait3A_72 : memref<1x!tpu.dma_semaphore, #tpu.memory_space<semaphore_mem>> -> memref<!tpu.dma_semaphore, #tpu.memory_space<semaphore_mem>>
      tpu.wait_indirect_dma semaphore(%dma_wait3A_73 : memref<!tpu.dma_semaphore, #tpu.memory_space<semaphore_mem>>) src(%dma_wait3A_71 : memref<10000x32xf32, #tpu.memory_space<vmem_shared>>) dst(%dma_wait3A_65 : memref<128x32xf32, #tpu.memory_space<vmem>>)
      %run_scoped3A = arith.constant 0 : i32
      %run_scoped3A_74 = arith.constant 1 : i32
      "tpu.region"() ({
        %run_scoped3A_75 = tpu.sem_alloc : memref<!tpu.dma_semaphore, #tpu.memory_space<semaphore_mem>>
        %dma_start3A_76 = arith.constant 0 : i32
        %dma_start3A_77 = arith.constant 0 : i32
        %dma_start3A_78 = tpu.memref_slice %arg7[%run_scoped3A, %dma_start3A_76, %dma_start3A_77] : memref<13x128x32xf32, #tpu.memory_space<vmem>> -> memref<1x128x32xf32, #tpu.memory_space<vmem>>
        %dma_start3A_79 = tpu.memref_squeeze %dma_start3A_78 : memref<1x128x32xf32, #tpu.memory_space<vmem>> -> memref<128x32xf32, #tpu.memory_space<vmem>>
        %dma_start3A_80 = arith.constant 0 : i32
        %dma_start3A_81 = tpu.memref_slice %arg6[%add3A_45, %run_scoped3A_74, %dma_start3A_80] : memref<79x2x128xi32, #tpu.memory_space<vmem>> -> memref<1x1x128xi32, #tpu.memory_space<vmem>>
        %dma_start3A_82 = tpu.memref_squeeze %dma_start3A_81 : memref<1x1x128xi32, #tpu.memory_space<vmem>> -> memref<128xi32, #tpu.memory_space<vmem>>
        %dma_start3A_83 = arith.constant 0 : i32
        %dma_start3A_84 = arith.constant 0 : i32
        %dma_start3A_85 = tpu.memref_slice %arg8[%dma_start3A_83, %dma_start3A_84] : memref<10112x32xf32, #tpu.memory_space<vmem_shared>> -> memref<10112x32xf32, #tpu.memory_space<vmem_shared>>
        tpu.enqueue_indirect_dma source(%dma_start3A_79 : memref<128x32xf32, #tpu.memory_space<vmem>>) target(%dma_start3A_85 : memref<10112x32xf32, #tpu.memory_space<vmem_shared>>) offsets(%dma_start3A_82 : memref<128xi32, #tpu.memory_space<vmem>>) semaphore(%run_scoped3A_75 : memref<!tpu.dma_semaphore, #tpu.memory_space<semaphore_mem>>) {add = true}
        %dma_wait3A_86 = arith.constant 0 : i32
        %dma_wait3A_87 = arith.constant 0 : i32
        %dma_wait3A_88 = tpu.memref_slice %arg7[%run_scoped3A, %dma_wait3A_86, %dma_wait3A_87] : memref<13x128x32xf32, #tpu.memory_space<vmem>> -> memref<1x128x32xf32, #tpu.memory_space<vmem>>
        %dma_wait3A_89 = tpu.memref_squeeze %dma_wait3A_88 : memref<1x128x32xf32, #tpu.memory_space<vmem>> -> memref<128x32xf32, #tpu.memory_space<vmem>>
        %dma_wait3A_90 = arith.constant 0 : i32
        %dma_wait3A_91 = tpu.memref_slice %arg6[%add3A_45, %run_scoped3A_74, %dma_wait3A_90] : memref<79x2x128xi32, #tpu.memory_space<vmem>> -> memref<1x1x128xi32, #tpu.memory_space<vmem>>
        %dma_wait3A_92 = tpu.memref_squeeze %dma_wait3A_91 : memref<1x1x128xi32, #tpu.memory_space<vmem>> -> memref<128xi32, #tpu.memory_space<vmem>>
        %dma_wait3A_93 = arith.constant 0 : i32
        %dma_wait3A_94 = arith.constant 0 : i32
        %dma_wait3A_95 = tpu.memref_slice %arg8[%dma_wait3A_93, %dma_wait3A_94] : memref<10112x32xf32, #tpu.memory_space<vmem_shared>> -> memref<10112x32xf32, #tpu.memory_space<vmem_shared>>
        tpu.wait_indirect_dma semaphore(%run_scoped3A_75 : memref<!tpu.dma_semaphore, #tpu.memory_space<semaphore_mem>>) src(%dma_wait3A_89 : memref<128x32xf32, #tpu.memory_space<vmem>>) dst(%dma_wait3A_95 : memref<10112x32xf32, #tpu.memory_space<vmem_shared>>)
        tpu.yield
      }) : () -> ()
    }
    %while3A_37 = arith.constant 1 : i32
    scf.for %while3A_43 = %while3A_35 to %while3A_31 step %while3A_37  : i32 {
      %mul3A_44 = arith.muli %while3A_43, %while3A : i32
      %add3A_45 = arith.addi %while3A_28, %mul3A_44 : i32
      %dma_start3A = arith.constant 0 : i32
      %dma_start3A_46 = arith.constant 0 : i32
      %dma_start3A_47 = arith.constant 0 : i32
      %dma_start3A_48 = arith.constant 0 : i32
      %dma_start3A_49 = arith.constant 0 : i32
      %dma_start3A_50 = tpu.memref_slice %arg7[%dma_start3A_46, %dma_start3A_48, %dma_start3A_49] : memref<13x128x32xf32, #tpu.memory_space<vmem>> -> memref<1x128x32xf32, #tpu.memory_space<vmem>>
      %dma_start3A_51 = tpu.memref_squeeze %dma_start3A_50 : memref<1x128x32xf32, #tpu.memory_space<vmem>> -> memref<128x32xf32, #tpu.memory_space<vmem>>
      %dma_start3A_52 = arith.constant 0 : i32
      %dma_start3A_53 = tpu.memref_slice %arg6[%add3A_45, %dma_start3A, %dma_start3A_52] : memref<79x2x128xi32, #tpu.memory_space<vmem>> -> memref<1x1x128xi32, #tpu.memory_space<vmem>>
      %dma_start3A_54 = tpu.memref_squeeze %dma_start3A_53 : memref<1x1x128xi32, #tpu.memory_space<vmem>> -> memref<128xi32, #tpu.memory_space<vmem>>
      %dma_start3A_55 = arith.constant 0 : i32
      %dma_start3A_56 = arith.constant 0 : i32
      %dma_start3A_57 = tpu.memref_slice %arg9[%dma_start3A_55, %dma_start3A_56] : memref<10000x32xf32, #tpu.memory_space<vmem_shared>> -> memref<10000x32xf32, #tpu.memory_space<vmem_shared>>
      %dma_start3A_58 = tpu.memref_slice %arg10[%dma_start3A_47] : memref<13x!tpu.dma_semaphore, #tpu.memory_space<semaphore_mem>> -> memref<1x!tpu.dma_semaphore, #tpu.memory_space<semaphore_mem>>
      %dma_start3A_59 = tpu.memref_squeeze %dma_start3A_58 : memref<1x!tpu.dma_semaphore, #tpu.memory_space<semaphore_mem>> -> memref<!tpu.dma_semaphore, #tpu.memory_space<semaphore_mem>>
      tpu.enqueue_indirect_dma source(%dma_start3A_57 : memref<10000x32xf32, #tpu.memory_space<vmem_shared>>) target(%dma_start3A_51 : memref<128x32xf32, #tpu.memory_space<vmem>>) offsets(%dma_start3A_54 : memref<128xi32, #tpu.memory_space<vmem>>) semaphore(%dma_start3A_59 : memref<!tpu.dma_semaphore, #tpu.memory_space<semaphore_mem>>)
      %dma_wait3A = arith.constant 0 : i32
      %dma_wait3A_60 = arith.constant 0 : i32
      %dma_wait3A_61 = arith.constant 0 : i32
      %dma_wait3A_62 = arith.constant 0 : i32
      %dma_wait3A_63 = arith.constant 0 : i32
      %dma_wait3A_64 = tpu.memref_slice %arg7[%dma_wait3A_60, %dma_wait3A_62, %dma_wait3A_63] : memref<13x128x32xf32, #tpu.memory_space<vmem>> -> memref<1x128x32xf32, #tpu.memory_space<vmem>>
      %dma_wait3A_65 = tpu.memref_squeeze %dma_wait3A_64 : memref<1x128x32xf32, #tpu.memory_space<vmem>> -> memref<128x32xf32, #tpu.memory_space<vmem>>
      %dma_wait3A_66 = arith.constant 0 : i32
      %dma_wait3A_67 = tpu.memref_slice %arg6[%add3A_45, %dma_wait3A, %dma_wait3A_66] : memref<79x2x128xi32, #tpu.memory_space<vmem>> -> memref<1x1x128xi32, #tpu.memory_space<vmem>>
      %dma_wait3A_68 = tpu.memref_squeeze %dma_wait3A_67 : memref<1x1x128xi32, #tpu.memory_space<vmem>> -> memref<128xi32, #tpu.memory_space<vmem>>
      %dma_wait3A_69 = arith.constant 0 : i32
      %dma_wait3A_70 = arith.constant 0 : i32
      %dma_wait3A_71 = tpu.memref_slice %arg9[%dma_wait3A_69, %dma_wait3A_70] : memref<10000x32xf32, #tpu.memory_space<vmem_shared>> -> memref<10000x32xf32, #tpu.memory_space<vmem_shared>>
      %dma_wait3A_72 = tpu.memref_slice %arg10[%dma_wait3A_61] : memref<13x!tpu.dma_semaphore, #tpu.memory_space<semaphore_mem>> -> memref<1x!tpu.dma_semaphore, #tpu.memory_space<semaphore_mem>>
      %dma_wait3A_73 = tpu.memref_squeeze %dma_wait3A_72 : memref<1x!tpu.dma_semaphore, #tpu.memory_space<semaphore_mem>> -> memref<!tpu.dma_semaphore, #tpu.memory_space<semaphore_mem>>
      tpu.wait_indirect_dma semaphore(%dma_wait3A_73 : memref<!tpu.dma_semaphore, #tpu.memory_space<semaphore_mem>>) src(%dma_wait3A_71 : memref<10000x32xf32, #tpu.memory_space<vmem_shared>>) dst(%dma_wait3A_65 : memref<128x32xf32, #tpu.memory_space<vmem>>)
      %run_scoped3A = arith.constant 0 : i32
      %run_scoped3A_74 = arith.constant 1 : i32
      "tpu.region"() ({
        %run_scoped3A_75 = tpu.sem_alloc : memref<!tpu.dma_semaphore, #tpu.memory_space<semaphore_mem>>
        %dma_start3A_76 = arith.constant 0 : i32
        %dma_start3A_77 = arith.constant 0 : i32
        %dma_start3A_78 = tpu.memref_slice %arg7[%run_scoped3A, %dma_start3A_76, %dma_start3A_77] : memref<13x128x32xf32, #tpu.memory_space<vmem>> -> memref<1x128x32xf32, #tpu.memory_space<vmem>>
        %dma_start3A_79 = tpu.memref_squeeze %dma_start3A_78 : memref<1x128x32xf32, #tpu.memory_space<vmem>> -> memref<128x32xf32, #tpu.memory_space<vmem>>
        %dma_start3A_80 = arith.constant 0 : i32
        %dma_start3A_81 = tpu.memref_slice %arg6[%add3A_45, %run_scoped3A_74, %dma_start3A_80] : memref<79x2x128xi32, #tpu.memory_space<vmem>> -> memref<1x1x128xi32, #tpu.memory_space<vmem>>
        %dma_start3A_82 = tpu.memref_squeeze %dma_start3A_81 : memref<1x1x128xi32, #tpu.memory_space<vmem>> -> memref<128xi32, #tpu.memory_space<vmem>>
        %dma_start3A_83 = arith.constant 0 : i32
        %dma_start3A_84 = arith.constant 0 : i32
        %dma_start3A_85 = tpu.memref_slice %arg8[%dma_start3A_83, %dma_start3A_84] : memref<10112x32xf32, #tpu.memory_space<vmem_shared>> -> memref<10112x32xf32, #tpu.memory_space<vmem_shared>>
        tpu.enqueue_indirect_dma source(%dma_start3A_79 : memref<128x32xf32, #tpu.memory_space<vmem>>) target(%dma_start3A_85 : memref<10112x32xf32, #tpu.memory_space<vmem_shared>>) offsets(%dma_start3A_82 : memref<128xi32, #tpu.memory_space<vmem>>) semaphore(%run_scoped3A_75 : memref<!tpu.dma_semaphore, #tpu.memory_space<semaphore_mem>>) {add = true}
        %dma_wait3A_86 = arith.constant 0 : i32
        %dma_wait3A_87 = arith.constant 0 : i32
        %dma_wait3A_88 = tpu.memref_slice %arg7[%run_scoped3A, %dma_wait3A_86, %dma_wait3A_87] : memref<13x128x32xf32, #tpu.memory_space<vmem>> -> memref<1x128x32xf32, #tpu.memory_space<vmem>>
        %dma_wait3A_89 = tpu.memref_squeeze %dma_wait3A_88 : memref<1x128x32xf32, #tpu.memory_space<vmem>> -> memref<128x32xf32, #tpu.memory_space<vmem>>
        %dma_wait3A_90 = arith.constant 0 : i32
        %dma_wait3A_91 = tpu.memref_slice %arg6[%add3A_45, %run_scoped3A_74, %dma_wait3A_90] : memref<79x2x128xi32, #tpu.memory_space<vmem>> -> memref<1x1x128xi32, #tpu.memory_space<vmem>>
        %dma_wait3A_92 = tpu.memref_squeeze %dma_wait3A_91 : memref<1x1x128xi32, #tpu.memory_space<vmem>> -> memref<128xi32, #tpu.memory_space<vmem>>
        %dma_wait3A_93 = arith.constant 0 : i32
        %dma_wait3A_94 = arith.constant 0 : i32
        %dma_wait3A_95 = tpu.memref_slice %arg8[%dma_wait3A_93, %dma_wait3A_94] : memref<10112x32xf32, #tpu.memory_space<vmem_shared>> -> memref<10112x32xf32, #tpu.memory_space<vmem_shared>>
        tpu.wait_indirect_dma semaphore(%run_scoped3A_75 : memref<!tpu.dma_semaphore, #tpu.memory_space<semaphore_mem>>) src(%dma_wait3A_89 : memref<128x32xf32, #tpu.memory_space<vmem>>) dst(%dma_wait3A_95 : memref<10112x32xf32, #tpu.memory_space<vmem_shared>>)
        tpu.yield
      }) : () -> ()
    }
    %barrier3A_38 = arith.constant 0 : index
    tpu.barrier barrier_id(%barrier3A_38)
    %mul3A_39 = arith.constant 632 : i32
    %mul3A_40 = arith.muli %arg1, %mul3A_39 : i32
    %mul3A_41 = arith.constant 632 : i32
    %mul3A_42 = arith.muli %arg1, %mul3A_41 : i32
    "tpu.region"() ({
      %run_scoped3A = tpu.sem_alloc : memref<!tpu.dma_semaphore, #tpu.memory_space<semaphore_mem>>
      %dma_start3A = arith.constant 0 : i32
      %dma_start3A_43 = tpu.memref_slice %arg5[%arg0, %mul3A_42, %dma_start3A] : memref<2x10112x32xf32, #tpu.memory_space<hbm>> -> memref<1x632x32xf32, #tpu.memory_space<hbm>>
      %dma_start3A_44 = tpu.memref_squeeze %dma_start3A_43 : memref<1x632x32xf32, #tpu.memory_space<hbm>> -> memref<632x32xf32, #tpu.memory_space<hbm>>
      %dma_start3A_45 = arith.constant 0 : i32
      %dma_start3A_46 = tpu.memref_slice %arg8[%mul3A_40, %dma_start3A_45] : memref<10112x32xf32, #tpu.memory_space<vmem_shared>> -> memref<632x32xf32, #tpu.memory_space<vmem_shared>>
      tpu.enqueue_dma source(%dma_start3A_46 : memref<632x32xf32, #tpu.memory_space<vmem_shared>>) target(%dma_start3A_44 : memref<632x32xf32, #tpu.memory_space<hbm>>) target_semaphore(%run_scoped3A : memref<!tpu.dma_semaphore, #tpu.memory_space<semaphore_mem>>)
      %dma_wait3A = arith.constant 0 : i32
      %dma_wait3A_47 = tpu.memref_slice %arg5[%arg0, %mul3A_42, %dma_wait3A] : memref<2x10112x32xf32, #tpu.memory_space<hbm>> -> memref<1x632x32xf32, #tpu.memory_space<hbm>>
      %dma_wait3A_48 = tpu.memref_squeeze %dma_wait3A_47 : memref<1x632x32xf32, #tpu.memory_space<hbm>> -> memref<632x32xf32, #tpu.memory_space<hbm>>
      %dma_wait3A_49 = arith.constant 0 : i32
      %dma_wait3A_50 = tpu.memref_slice %arg8[%mul3A_40, %dma_wait3A_49] : memref<10112x32xf32, #tpu.memory_space<vmem_shared>> -> memref<632x32xf32, #tpu.memory_space<vmem_shared>>
      tpu.wait_dma2 semaphore(%run_scoped3A : memref<!tpu.dma_semaphore, #tpu.memory_space<semaphore_mem>>) src(%dma_wait3A_50 : memref<632x32xf32, #tpu.memory_space<vmem_shared>>) dst(%dma_wait3A_48 : memref<632x32xf32, #tpu.memory_space<hbm>>)
      tpu.yield
    }) : () -> ()
    return
  }
}

#map = affine_map<(d0, d1) -> (0, 0, 0)>
#map1 = affine_map<(d0, d1) -> (0, 0)>
module attributes {stable_mosaic.version = 14 : i64} {
  func.func @_deg_kernel(%arg0: i32, %arg1: i32, %arg2: memref<2500x2x128xi32, #tpu.memory_space<hbm>>, %arg3: memref<128x8xf32, #tpu.memory_space<hbm>>, %arg4: memref<632x8xf32, #tpu.memory_space<hbm>>, %arg5: memref<2x10112x8xf32, #tpu.memory_space<hbm>>, %arg6: memref<79x2x128xi32, #tpu.memory_space<vmem>>, %arg7: memref<128x8xf32, #tpu.memory_space<vmem>>, %arg8: memref<10112x8xf32, #tpu.memory_space<vmem_shared>>) attributes {dimension_semantics = [#tpu.dimension_semantics<core_parallel>, #tpu.dimension_semantics<subcore_parallel>], iteration_bounds = array<i64: 2, 16>, scalar_prefetch = 0 : i64, scratch_operands = 3 : i64, tpu.core_type = #tpu.core_type<sc_vector_subcore>, window_params = [{transform_indices = #map}, {transform_indices = #map1}, {transform_indices = #map1}, {transform_indices = #map}]} {
    %mul3A = arith.constant 16 : i32
    %mul3A_0 = arith.muli %arg0, %mul3A : i32
    %add3A = arith.addi %mul3A_0, %arg1 : i32
    %mul3A_1 = arith.constant 78 : i32
    %mul3A_2 = arith.muli %add3A, %mul3A_1 : i32
    %min3A = arith.constant 4 : i32
    %min3A_3 = arith.minsi %add3A, %min3A : i32
    %add3A_4 = arith.addi %mul3A_2, %min3A_3 : i32
    %lt3A = arith.constant 4 : i32
    %lt3A_5 = arith.cmpi slt, %add3A, %lt3A : i32
    %jit3A = arith.constant 1 : i32
    %jit3A_6 = arith.constant 0 : i32
    %select_n3A = arith.select %lt3A_5, %jit3A, %jit3A_6 : i32
    %add3A_7 = arith.constant 78 : i32
    %add3A_8 = arith.addi %add3A_7, %select_n3A : i32
    "tpu.region"() ({
      %run_scoped3A = tpu.sem_alloc : memref<!tpu.dma_semaphore, #tpu.memory_space<semaphore_mem>>
      %dma_start3A = arith.constant 0 : i32
      %dma_start3A_35 = arith.constant 0 : i32
      %dma_start3A_36 = arith.constant 0 : i32
      %dma_start3A_37 = tpu.memref_slice %arg6[%dma_start3A, %dma_start3A_35, %dma_start3A_36] : memref<79x2x128xi32, #tpu.memory_space<vmem>> -> memref<78x2x128xi32, #tpu.memory_space<vmem>>
      %dma_start3A_38 = arith.constant 0 : i32
      %dma_start3A_39 = arith.constant 0 : i32
      %dma_start3A_40 = tpu.memref_slice %arg2[%add3A_4, %dma_start3A_38, %dma_start3A_39] : memref<2500x2x128xi32, #tpu.memory_space<hbm>> -> memref<78x2x128xi32, #tpu.memory_space<hbm>>
      %dma_start3A_41 = arith.constant 0 : i32
      %dma_start3A_42 = arith.constant 0 : i32
      %dma_start3A_43 = arith.constant 0 : i32
      %dma_start3A_44 = tpu.memref_slice %arg6[%dma_start3A_41, %dma_start3A_42, %dma_start3A_43] : memref<79x2x128xi32, #tpu.memory_space<vmem>> -> memref<78x2x128xi32, #tpu.memory_space<vmem>>
      %dma_start3A_45 = arith.constant 0 : i32
      %dma_start3A_46 = arith.constant 0 : i32
      %dma_start3A_47 = tpu.memref_slice %arg2[%add3A_4, %dma_start3A_45, %dma_start3A_46] : memref<2500x2x128xi32, #tpu.memory_space<hbm>> -> memref<78x2x128xi32, #tpu.memory_space<hbm>>
      tpu.enqueue_dma source(%dma_start3A_47 : memref<78x2x128xi32, #tpu.memory_space<hbm>>) target(%dma_start3A_44 : memref<78x2x128xi32, #tpu.memory_space<vmem>>) target_semaphore(%run_scoped3A : memref<!tpu.dma_semaphore, #tpu.memory_space<semaphore_mem>>)
      %dma_wait3A = arith.constant 0 : i32
      %dma_wait3A_48 = arith.constant 0 : i32
      %dma_wait3A_49 = arith.constant 0 : i32
      %dma_wait3A_50 = tpu.memref_slice %arg6[%dma_wait3A, %dma_wait3A_48, %dma_wait3A_49] : memref<79x2x128xi32, #tpu.memory_space<vmem>> -> memref<78x2x128xi32, #tpu.memory_space<vmem>>
      %dma_wait3A_51 = arith.constant 0 : i32
      %dma_wait3A_52 = arith.constant 0 : i32
      %dma_wait3A_53 = tpu.memref_slice %arg2[%add3A_4, %dma_wait3A_51, %dma_wait3A_52] : memref<2500x2x128xi32, #tpu.memory_space<hbm>> -> memref<78x2x128xi32, #tpu.memory_space<hbm>>
      %dma_wait3A_54 = arith.constant 0 : i32
      %dma_wait3A_55 = arith.constant 0 : i32
      %dma_wait3A_56 = arith.constant 0 : i32
      %dma_wait3A_57 = tpu.memref_slice %arg6[%dma_wait3A_54, %dma_wait3A_55, %dma_wait3A_56] : memref<79x2x128xi32, #tpu.memory_space<vmem>> -> memref<78x2x128xi32, #tpu.memory_space<vmem>>
      %dma_wait3A_58 = arith.constant 0 : i32
      %dma_wait3A_59 = arith.constant 0 : i32
      %dma_wait3A_60 = tpu.memref_slice %arg2[%add3A_4, %dma_wait3A_58, %dma_wait3A_59] : memref<2500x2x128xi32, #tpu.memory_space<hbm>> -> memref<78x2x128xi32, #tpu.memory_space<hbm>>
      tpu.wait_dma2 semaphore(%run_scoped3A : memref<!tpu.dma_semaphore, #tpu.memory_space<semaphore_mem>>) src(%dma_wait3A_60 : memref<78x2x128xi32, #tpu.memory_space<hbm>>) dst(%dma_wait3A_57 : memref<78x2x128xi32, #tpu.memory_space<vmem>>)
      tpu.yield
    }) : () -> ()
    %lt3A_9 = arith.constant 4 : i32
    %lt3A_10 = arith.cmpi slt, %add3A, %lt3A_9 : i32
    %convert_element_type3A = arith.extui %lt3A_10 : i1 to i32
    %cond3A = arith.constant 0 : i32
    %cond3A_11 = arith.cmpi ne, %convert_element_type3A, %cond3A : i32
    scf.if %cond3A_11 {
      %add3A_35 = arith.constant 78 : i32
      %add3A_36 = arith.addi %add3A_4, %add3A_35 : i32
      "tpu.region"() ({
        %run_scoped3A = tpu.sem_alloc : memref<!tpu.dma_semaphore, #tpu.memory_space<semaphore_mem>>
        %dma_start3A = arith.constant 78 : i32
        %dma_start3A_37 = arith.constant 0 : i32
        %dma_start3A_38 = arith.constant 0 : i32
        %dma_start3A_39 = tpu.memref_slice %arg6[%dma_start3A, %dma_start3A_37, %dma_start3A_38] : memref<79x2x128xi32, #tpu.memory_space<vmem>> -> memref<1x2x128xi32, #tpu.memory_space<vmem>>
        %dma_start3A_40 = arith.constant 0 : i32
        %dma_start3A_41 = arith.constant 0 : i32
        %dma_start3A_42 = tpu.memref_slice %arg2[%add3A_36, %dma_start3A_40, %dma_start3A_41] : memref<2500x2x128xi32, #tpu.memory_space<hbm>> -> memref<1x2x128xi32, #tpu.memory_space<hbm>>
        %dma_start3A_43 = arith.constant 78 : i32
        %dma_start3A_44 = arith.constant 0 : i32
        %dma_start3A_45 = arith.constant 0 : i32
        %dma_start3A_46 = tpu.memref_slice %arg6[%dma_start3A_43, %dma_start3A_44, %dma_start3A_45] : memref<79x2x128xi32, #tpu.memory_space<vmem>> -> memref<1x2x128xi32, #tpu.memory_space<vmem>>
        %dma_start3A_47 = arith.constant 0 : i32
        %dma_start3A_48 = arith.constant 0 : i32
        %dma_start3A_49 = tpu.memref_slice %arg2[%add3A_36, %dma_start3A_47, %dma_start3A_48] : memref<2500x2x128xi32, #tpu.memory_space<hbm>> -> memref<1x2x128xi32, #tpu.memory_space<hbm>>
        tpu.enqueue_dma source(%dma_start3A_49 : memref<1x2x128xi32, #tpu.memory_space<hbm>>) target(%dma_start3A_46 : memref<1x2x128xi32, #tpu.memory_space<vmem>>) target_semaphore(%run_scoped3A : memref<!tpu.dma_semaphore, #tpu.memory_space<semaphore_mem>>)
        %dma_wait3A = arith.constant 78 : i32
        %dma_wait3A_50 = arith.constant 0 : i32
        %dma_wait3A_51 = arith.constant 0 : i32
        %dma_wait3A_52 = tpu.memref_slice %arg6[%dma_wait3A, %dma_wait3A_50, %dma_wait3A_51] : memref<79x2x128xi32, #tpu.memory_space<vmem>> -> memref<1x2x128xi32, #tpu.memory_space<vmem>>
        %dma_wait3A_53 = arith.constant 0 : i32
        %dma_wait3A_54 = arith.constant 0 : i32
        %dma_wait3A_55 = tpu.memref_slice %arg2[%add3A_36, %dma_wait3A_53, %dma_wait3A_54] : memref<2500x2x128xi32, #tpu.memory_space<hbm>> -> memref<1x2x128xi32, #tpu.memory_space<hbm>>
        %dma_wait3A_56 = arith.constant 78 : i32
        %dma_wait3A_57 = arith.constant 0 : i32
        %dma_wait3A_58 = arith.constant 0 : i32
        %dma_wait3A_59 = tpu.memref_slice %arg6[%dma_wait3A_56, %dma_wait3A_57, %dma_wait3A_58] : memref<79x2x128xi32, #tpu.memory_space<vmem>> -> memref<1x2x128xi32, #tpu.memory_space<vmem>>
        %dma_wait3A_60 = arith.constant 0 : i32
        %dma_wait3A_61 = arith.constant 0 : i32
        %dma_wait3A_62 = tpu.memref_slice %arg2[%add3A_36, %dma_wait3A_60, %dma_wait3A_61] : memref<2500x2x128xi32, #tpu.memory_space<hbm>> -> memref<1x2x128xi32, #tpu.memory_space<hbm>>
        tpu.wait_dma2 semaphore(%run_scoped3A : memref<!tpu.dma_semaphore, #tpu.memory_space<semaphore_mem>>) src(%dma_wait3A_62 : memref<1x2x128xi32, #tpu.memory_space<hbm>>) dst(%dma_wait3A_59 : memref<1x2x128xi32, #tpu.memory_space<vmem>>)
        tpu.yield
      }) : () -> ()
    } else {
    }
    "tpu.region"() ({
      %run_scoped3A = tpu.sem_alloc : memref<!tpu.dma_semaphore, #tpu.memory_space<semaphore_mem>>
      tpu.enqueue_dma source(%arg3 : memref<128x8xf32, #tpu.memory_space<hbm>>) target(%arg7 : memref<128x8xf32, #tpu.memory_space<vmem>>) target_semaphore(%run_scoped3A : memref<!tpu.dma_semaphore, #tpu.memory_space<semaphore_mem>>)
      tpu.wait_dma2 semaphore(%run_scoped3A : memref<!tpu.dma_semaphore, #tpu.memory_space<semaphore_mem>>) src(%arg3 : memref<128x8xf32, #tpu.memory_space<hbm>>) dst(%arg7 : memref<128x8xf32, #tpu.memory_space<vmem>>)
      tpu.yield
    }) : () -> ()
    %mul3A_12 = arith.constant 632 : i32
    %mul3A_13 = arith.muli %arg1, %mul3A_12 : i32
    "tpu.region"() ({
      %run_scoped3A = tpu.sem_alloc : memref<!tpu.dma_semaphore, #tpu.memory_space<semaphore_mem>>
      %dma_start3A = arith.constant 0 : i32
      %dma_start3A_35 = tpu.memref_slice %arg8[%mul3A_13, %dma_start3A] : memref<10112x8xf32, #tpu.memory_space<vmem_shared>> -> memref<632x8xf32, #tpu.memory_space<vmem_shared>>
      tpu.enqueue_dma source(%arg4 : memref<632x8xf32, #tpu.memory_space<hbm>>) target(%dma_start3A_35 : memref<632x8xf32, #tpu.memory_space<vmem_shared>>) target_semaphore(%run_scoped3A : memref<!tpu.dma_semaphore, #tpu.memory_space<semaphore_mem>>)
      %dma_wait3A = arith.constant 0 : i32
      %dma_wait3A_36 = tpu.memref_slice %arg8[%mul3A_13, %dma_wait3A] : memref<10112x8xf32, #tpu.memory_space<vmem_shared>> -> memref<632x8xf32, #tpu.memory_space<vmem_shared>>
      tpu.wait_dma2 semaphore(%run_scoped3A : memref<!tpu.dma_semaphore, #tpu.memory_space<semaphore_mem>>) src(%arg4 : memref<632x8xf32, #tpu.memory_space<hbm>>) dst(%dma_wait3A_36 : memref<632x8xf32, #tpu.memory_space<vmem_shared>>)
      tpu.yield
    }) : () -> ()
    %barrier3A = arith.constant 0 : index
    tpu.barrier barrier_id(%barrier3A)
    %sub3A = arith.constant 0 : i32
    %sub3A_14 = arith.subi %add3A_8, %sub3A : i32
    %sub3A_15 = arith.constant 1 : i32
    %sub3A_16 = arith.constant 1 : i32
    %sub3A_17 = arith.subi %sub3A_15, %sub3A_16 : i32
    %add3A_18 = arith.addi %sub3A_14, %sub3A_17 : i32
    %div3A = arith.constant 1 : i32
    %div3A_19 = arith.divsi %add3A_18, %div3A : i32
    %while3A = arith.constant 1 : i32
    %while3A_20 = arith.constant 0 : i32
    %while3A_21 = arith.constant 0 : i32
    %while3A_22 = arith.subi %div3A_19, %while3A_21 : i32
    %while3A_23 = arith.addi %while3A_21, %while3A_22 : i32
    %while3A_24 = arith.constant 1 : i32
    %while3A_25 = arith.divsi %while3A_22, %while3A_24 : i32
    %while3A_26 = arith.muli %while3A_25, %while3A_24 : i32
    %while3A_27 = arith.addi %while3A_21, %while3A_26 : i32
    %while3A_28 = arith.constant 1 : i32
    scf.for %while3A_35 = %while3A_21 to %while3A_27 step %while3A_28  : i32 {
      %mul3A_36 = arith.muli %while3A_35, %while3A : i32
      %add3A_37 = arith.addi %while3A_20, %mul3A_36 : i32
      %run_scoped3A = arith.constant 1 : i32
      "tpu.region"() ({
        %run_scoped3A_38 = tpu.sem_alloc : memref<!tpu.dma_semaphore, #tpu.memory_space<semaphore_mem>>
        %dma_start3A = arith.constant 0 : i32
        %dma_start3A_39 = tpu.memref_slice %arg6[%add3A_37, %run_scoped3A, %dma_start3A] : memref<79x2x128xi32, #tpu.memory_space<vmem>> -> memref<1x1x128xi32, #tpu.memory_space<vmem>>
        %dma_start3A_40 = tpu.memref_squeeze %dma_start3A_39 : memref<1x1x128xi32, #tpu.memory_space<vmem>> -> memref<128xi32, #tpu.memory_space<vmem>>
        %dma_start3A_41 = arith.constant 0 : i32
        %dma_start3A_42 = arith.constant 0 : i32
        %dma_start3A_43 = tpu.memref_slice %arg8[%dma_start3A_41, %dma_start3A_42] : memref<10112x8xf32, #tpu.memory_space<vmem_shared>> -> memref<10112x8xf32, #tpu.memory_space<vmem_shared>>
        tpu.enqueue_indirect_dma source(%arg7 : memref<128x8xf32, #tpu.memory_space<vmem>>) target(%dma_start3A_43 : memref<10112x8xf32, #tpu.memory_space<vmem_shared>>) offsets(%dma_start3A_40 : memref<128xi32, #tpu.memory_space<vmem>>) semaphore(%run_scoped3A_38 : memref<!tpu.dma_semaphore, #tpu.memory_space<semaphore_mem>>) {add = true}
        %dma_wait3A = arith.constant 0 : i32
        %dma_wait3A_44 = tpu.memref_slice %arg6[%add3A_37, %run_scoped3A, %dma_wait3A] : memref<79x2x128xi32, #tpu.memory_space<vmem>> -> memref<1x1x128xi32, #tpu.memory_space<vmem>>
        %dma_wait3A_45 = tpu.memref_squeeze %dma_wait3A_44 : memref<1x1x128xi32, #tpu.memory_space<vmem>> -> memref<128xi32, #tpu.memory_space<vmem>>
        %dma_wait3A_46 = arith.constant 0 : i32
        %dma_wait3A_47 = arith.constant 0 : i32
        %dma_wait3A_48 = tpu.memref_slice %arg8[%dma_wait3A_46, %dma_wait3A_47] : memref<10112x8xf32, #tpu.memory_space<vmem_shared>> -> memref<10112x8xf32, #tpu.memory_space<vmem_shared>>
        tpu.wait_indirect_dma semaphore(%run_scoped3A_38 : memref<!tpu.dma_semaphore, #tpu.memory_space<semaphore_mem>>) src(%arg7 : memref<128x8xf32, #tpu.memory_space<vmem>>) dst(%dma_wait3A_48 : memref<10112x8xf32, #tpu.memory_space<vmem_shared>>)
        tpu.yield
      }) : () -> ()
    }
    %while3A_29 = arith.constant 1 : i32
    scf.for %while3A_35 = %while3A_27 to %while3A_23 step %while3A_29  : i32 {
      %mul3A_36 = arith.muli %while3A_35, %while3A : i32
      %add3A_37 = arith.addi %while3A_20, %mul3A_36 : i32
      %run_scoped3A = arith.constant 1 : i32
      "tpu.region"() ({
        %run_scoped3A_38 = tpu.sem_alloc : memref<!tpu.dma_semaphore, #tpu.memory_space<semaphore_mem>>
        %dma_start3A = arith.constant 0 : i32
        %dma_start3A_39 = tpu.memref_slice %arg6[%add3A_37, %run_scoped3A, %dma_start3A] : memref<79x2x128xi32, #tpu.memory_space<vmem>> -> memref<1x1x128xi32, #tpu.memory_space<vmem>>
        %dma_start3A_40 = tpu.memref_squeeze %dma_start3A_39 : memref<1x1x128xi32, #tpu.memory_space<vmem>> -> memref<128xi32, #tpu.memory_space<vmem>>
        %dma_start3A_41 = arith.constant 0 : i32
        %dma_start3A_42 = arith.constant 0 : i32
        %dma_start3A_43 = tpu.memref_slice %arg8[%dma_start3A_41, %dma_start3A_42] : memref<10112x8xf32, #tpu.memory_space<vmem_shared>> -> memref<10112x8xf32, #tpu.memory_space<vmem_shared>>
        tpu.enqueue_indirect_dma source(%arg7 : memref<128x8xf32, #tpu.memory_space<vmem>>) target(%dma_start3A_43 : memref<10112x8xf32, #tpu.memory_space<vmem_shared>>) offsets(%dma_start3A_40 : memref<128xi32, #tpu.memory_space<vmem>>) semaphore(%run_scoped3A_38 : memref<!tpu.dma_semaphore, #tpu.memory_space<semaphore_mem>>) {add = true}
        %dma_wait3A = arith.constant 0 : i32
        %dma_wait3A_44 = tpu.memref_slice %arg6[%add3A_37, %run_scoped3A, %dma_wait3A] : memref<79x2x128xi32, #tpu.memory_space<vmem>> -> memref<1x1x128xi32, #tpu.memory_space<vmem>>
        %dma_wait3A_45 = tpu.memref_squeeze %dma_wait3A_44 : memref<1x1x128xi32, #tpu.memory_space<vmem>> -> memref<128xi32, #tpu.memory_space<vmem>>
        %dma_wait3A_46 = arith.constant 0 : i32
        %dma_wait3A_47 = arith.constant 0 : i32
        %dma_wait3A_48 = tpu.memref_slice %arg8[%dma_wait3A_46, %dma_wait3A_47] : memref<10112x8xf32, #tpu.memory_space<vmem_shared>> -> memref<10112x8xf32, #tpu.memory_space<vmem_shared>>
        tpu.wait_indirect_dma semaphore(%run_scoped3A_38 : memref<!tpu.dma_semaphore, #tpu.memory_space<semaphore_mem>>) src(%arg7 : memref<128x8xf32, #tpu.memory_space<vmem>>) dst(%dma_wait3A_48 : memref<10112x8xf32, #tpu.memory_space<vmem_shared>>)
        tpu.yield
      }) : () -> ()
    }
    %barrier3A_30 = arith.constant 0 : index
    tpu.barrier barrier_id(%barrier3A_30)
    %mul3A_31 = arith.constant 632 : i32
    %mul3A_32 = arith.muli %arg1, %mul3A_31 : i32
    %mul3A_33 = arith.constant 632 : i32
    %mul3A_34 = arith.muli %arg1, %mul3A_33 : i32
    "tpu.region"() ({
      %run_scoped3A = tpu.sem_alloc : memref<!tpu.dma_semaphore, #tpu.memory_space<semaphore_mem>>
      %dma_start3A = arith.constant 0 : i32
      %dma_start3A_35 = tpu.memref_slice %arg5[%arg0, %mul3A_34, %dma_start3A] : memref<2x10112x8xf32, #tpu.memory_space<hbm>> -> memref<1x632x8xf32, #tpu.memory_space<hbm>>
      %dma_start3A_36 = tpu.memref_squeeze %dma_start3A_35 : memref<1x632x8xf32, #tpu.memory_space<hbm>> -> memref<632x8xf32, #tpu.memory_space<hbm>>
      %dma_start3A_37 = arith.constant 0 : i32
      %dma_start3A_38 = tpu.memref_slice %arg8[%mul3A_32, %dma_start3A_37] : memref<10112x8xf32, #tpu.memory_space<vmem_shared>> -> memref<632x8xf32, #tpu.memory_space<vmem_shared>>
      tpu.enqueue_dma source(%dma_start3A_38 : memref<632x8xf32, #tpu.memory_space<vmem_shared>>) target(%dma_start3A_36 : memref<632x8xf32, #tpu.memory_space<hbm>>) target_semaphore(%run_scoped3A : memref<!tpu.dma_semaphore, #tpu.memory_space<semaphore_mem>>)
      %dma_wait3A = arith.constant 0 : i32
      %dma_wait3A_39 = tpu.memref_slice %arg5[%arg0, %mul3A_34, %dma_wait3A] : memref<2x10112x8xf32, #tpu.memory_space<hbm>> -> memref<1x632x8xf32, #tpu.memory_space<hbm>>
      %dma_wait3A_40 = tpu.memref_squeeze %dma_wait3A_39 : memref<1x632x8xf32, #tpu.memory_space<hbm>> -> memref<632x8xf32, #tpu.memory_space<hbm>>
      %dma_wait3A_41 = arith.constant 0 : i32
      %dma_wait3A_42 = tpu.memref_slice %arg8[%mul3A_32, %dma_wait3A_41] : memref<10112x8xf32, #tpu.memory_space<vmem_shared>> -> memref<632x8xf32, #tpu.memory_space<vmem_shared>>
      tpu.wait_dma2 semaphore(%run_scoped3A : memref<!tpu.dma_semaphore, #tpu.memory_space<semaphore_mem>>) src(%dma_wait3A_42 : memref<632x8xf32, #tpu.memory_space<vmem_shared>>) dst(%dma_wait3A_40 : memref<632x8xf32, #tpu.memory_space<hbm>>)
      tpu.yield
    }) : () -> ()
    return
  }
}

#map = affine_map<(d0, d1) -> (0, 0)>
#map1 = affine_map<(d0, d1) -> (0, 0, 0)>
module attributes {stable_mosaic.version = 14 : i64} {
  func.func @scatter_kernel(%arg0: i32, %arg1: i32, %arg2: memref<10000x16xf32, #tpu.memory_space<hbm>>, %arg3: memref<2500x2x128xi32, #tpu.memory_space<hbm>>, %arg4: memref<632x16xf32, #tpu.memory_space<hbm>>, %arg5: memref<2x10112x16xf32, #tpu.memory_space<hbm>>, %arg6: memref<79x2x128xi32, #tpu.memory_space<vmem>>, %arg7: memref<13x128x16xf32, #tpu.memory_space<vmem>>, %arg8: memref<10112x16xf32, #tpu.memory_space<vmem_shared>>, %arg9: memref<10000x16xf32, #tpu.memory_space<vmem_shared>>, %arg10: memref<13x!tpu.dma_semaphore, #tpu.memory_space<semaphore_mem>>, %arg11: memref<13x!tpu.dma_semaphore, #tpu.memory_space<semaphore_mem>>) attributes {dimension_semantics = [#tpu.dimension_semantics<core_parallel>, #tpu.dimension_semantics<subcore_parallel>], iteration_bounds = array<i64: 2, 16>, scalar_prefetch = 0 : i64, scratch_operands = 6 : i64, tpu.core_type = #tpu.core_type<sc_vector_subcore>, window_params = [{transform_indices = #map}, {transform_indices = #map1}, {transform_indices = #map}, {transform_indices = #map1}]} {
    %mul3A = arith.constant 16 : i32
    %mul3A_0 = arith.muli %arg0, %mul3A : i32
    %add3A = arith.addi %mul3A_0, %arg1 : i32
    %mul3A_1 = arith.constant 78 : i32
    %mul3A_2 = arith.muli %add3A, %mul3A_1 : i32
    %min3A = arith.constant 4 : i32
    %min3A_3 = arith.minsi %add3A, %min3A : i32
    %add3A_4 = arith.addi %mul3A_2, %min3A_3 : i32
    %lt3A = arith.constant 4 : i32
    %lt3A_5 = arith.cmpi slt, %add3A, %lt3A : i32
    %jit3A = arith.constant 1 : i32
    %jit3A_6 = arith.constant 0 : i32
    %select_n3A = arith.select %lt3A_5, %jit3A, %jit3A_6 : i32
    %add3A_7 = arith.constant 78 : i32
    %add3A_8 = arith.addi %add3A_7, %select_n3A : i32
    "tpu.region"() ({
      %run_scoped3A = tpu.sem_alloc : memref<!tpu.dma_semaphore, #tpu.memory_space<semaphore_mem>>
      %dma_start3A = arith.constant 0 : i32
      %dma_start3A_43 = arith.constant 0 : i32
      %dma_start3A_44 = arith.constant 0 : i32
      %dma_start3A_45 = tpu.memref_slice %arg6[%dma_start3A, %dma_start3A_43, %dma_start3A_44] : memref<79x2x128xi32, #tpu.memory_space<vmem>> -> memref<78x2x128xi32, #tpu.memory_space<vmem>>
      %dma_start3A_46 = arith.constant 0 : i32
      %dma_start3A_47 = arith.constant 0 : i32
      %dma_start3A_48 = tpu.memref_slice %arg3[%add3A_4, %dma_start3A_46, %dma_start3A_47] : memref<2500x2x128xi32, #tpu.memory_space<hbm>> -> memref<78x2x128xi32, #tpu.memory_space<hbm>>
      %dma_start3A_49 = arith.constant 0 : i32
      %dma_start3A_50 = arith.constant 0 : i32
      %dma_start3A_51 = arith.constant 0 : i32
      %dma_start3A_52 = tpu.memref_slice %arg6[%dma_start3A_49, %dma_start3A_50, %dma_start3A_51] : memref<79x2x128xi32, #tpu.memory_space<vmem>> -> memref<78x2x128xi32, #tpu.memory_space<vmem>>
      %dma_start3A_53 = arith.constant 0 : i32
      %dma_start3A_54 = arith.constant 0 : i32
      %dma_start3A_55 = tpu.memref_slice %arg3[%add3A_4, %dma_start3A_53, %dma_start3A_54] : memref<2500x2x128xi32, #tpu.memory_space<hbm>> -> memref<78x2x128xi32, #tpu.memory_space<hbm>>
      tpu.enqueue_dma source(%dma_start3A_55 : memref<78x2x128xi32, #tpu.memory_space<hbm>>) target(%dma_start3A_52 : memref<78x2x128xi32, #tpu.memory_space<vmem>>) target_semaphore(%run_scoped3A : memref<!tpu.dma_semaphore, #tpu.memory_space<semaphore_mem>>)
      %dma_wait3A = arith.constant 0 : i32
      %dma_wait3A_56 = arith.constant 0 : i32
      %dma_wait3A_57 = arith.constant 0 : i32
      %dma_wait3A_58 = tpu.memref_slice %arg6[%dma_wait3A, %dma_wait3A_56, %dma_wait3A_57] : memref<79x2x128xi32, #tpu.memory_space<vmem>> -> memref<78x2x128xi32, #tpu.memory_space<vmem>>
      %dma_wait3A_59 = arith.constant 0 : i32
      %dma_wait3A_60 = arith.constant 0 : i32
      %dma_wait3A_61 = tpu.memref_slice %arg3[%add3A_4, %dma_wait3A_59, %dma_wait3A_60] : memref<2500x2x128xi32, #tpu.memory_space<hbm>> -> memref<78x2x128xi32, #tpu.memory_space<hbm>>
      %dma_wait3A_62 = arith.constant 0 : i32
      %dma_wait3A_63 = arith.constant 0 : i32
      %dma_wait3A_64 = arith.constant 0 : i32
      %dma_wait3A_65 = tpu.memref_slice %arg6[%dma_wait3A_62, %dma_wait3A_63, %dma_wait3A_64] : memref<79x2x128xi32, #tpu.memory_space<vmem>> -> memref<78x2x128xi32, #tpu.memory_space<vmem>>
      %dma_wait3A_66 = arith.constant 0 : i32
      %dma_wait3A_67 = arith.constant 0 : i32
      %dma_wait3A_68 = tpu.memref_slice %arg3[%add3A_4, %dma_wait3A_66, %dma_wait3A_67] : memref<2500x2x128xi32, #tpu.memory_space<hbm>> -> memref<78x2x128xi32, #tpu.memory_space<hbm>>
      tpu.wait_dma2 semaphore(%run_scoped3A : memref<!tpu.dma_semaphore, #tpu.memory_space<semaphore_mem>>) src(%dma_wait3A_68 : memref<78x2x128xi32, #tpu.memory_space<hbm>>) dst(%dma_wait3A_65 : memref<78x2x128xi32, #tpu.memory_space<vmem>>)
      tpu.yield
    }) : () -> ()
    %lt3A_9 = arith.constant 4 : i32
    %lt3A_10 = arith.cmpi slt, %add3A, %lt3A_9 : i32
    %convert_element_type3A = arith.extui %lt3A_10 : i1 to i32
    %cond3A = arith.constant 0 : i32
    %cond3A_11 = arith.cmpi ne, %convert_element_type3A, %cond3A : i32
    scf.if %cond3A_11 {
      %add3A_43 = arith.constant 78 : i32
      %add3A_44 = arith.addi %add3A_4, %add3A_43 : i32
      "tpu.region"() ({
        %run_scoped3A = tpu.sem_alloc : memref<!tpu.dma_semaphore, #tpu.memory_space<semaphore_mem>>
        %dma_start3A = arith.constant 78 : i32
        %dma_start3A_45 = arith.constant 0 : i32
        %dma_start3A_46 = arith.constant 0 : i32
        %dma_start3A_47 = tpu.memref_slice %arg6[%dma_start3A, %dma_start3A_45, %dma_start3A_46] : memref<79x2x128xi32, #tpu.memory_space<vmem>> -> memref<1x2x128xi32, #tpu.memory_space<vmem>>
        %dma_start3A_48 = arith.constant 0 : i32
        %dma_start3A_49 = arith.constant 0 : i32
        %dma_start3A_50 = tpu.memref_slice %arg3[%add3A_44, %dma_start3A_48, %dma_start3A_49] : memref<2500x2x128xi32, #tpu.memory_space<hbm>> -> memref<1x2x128xi32, #tpu.memory_space<hbm>>
        %dma_start3A_51 = arith.constant 78 : i32
        %dma_start3A_52 = arith.constant 0 : i32
        %dma_start3A_53 = arith.constant 0 : i32
        %dma_start3A_54 = tpu.memref_slice %arg6[%dma_start3A_51, %dma_start3A_52, %dma_start3A_53] : memref<79x2x128xi32, #tpu.memory_space<vmem>> -> memref<1x2x128xi32, #tpu.memory_space<vmem>>
        %dma_start3A_55 = arith.constant 0 : i32
        %dma_start3A_56 = arith.constant 0 : i32
        %dma_start3A_57 = tpu.memref_slice %arg3[%add3A_44, %dma_start3A_55, %dma_start3A_56] : memref<2500x2x128xi32, #tpu.memory_space<hbm>> -> memref<1x2x128xi32, #tpu.memory_space<hbm>>
        tpu.enqueue_dma source(%dma_start3A_57 : memref<1x2x128xi32, #tpu.memory_space<hbm>>) target(%dma_start3A_54 : memref<1x2x128xi32, #tpu.memory_space<vmem>>) target_semaphore(%run_scoped3A : memref<!tpu.dma_semaphore, #tpu.memory_space<semaphore_mem>>)
        %dma_wait3A = arith.constant 78 : i32
        %dma_wait3A_58 = arith.constant 0 : i32
        %dma_wait3A_59 = arith.constant 0 : i32
        %dma_wait3A_60 = tpu.memref_slice %arg6[%dma_wait3A, %dma_wait3A_58, %dma_wait3A_59] : memref<79x2x128xi32, #tpu.memory_space<vmem>> -> memref<1x2x128xi32, #tpu.memory_space<vmem>>
        %dma_wait3A_61 = arith.constant 0 : i32
        %dma_wait3A_62 = arith.constant 0 : i32
        %dma_wait3A_63 = tpu.memref_slice %arg3[%add3A_44, %dma_wait3A_61, %dma_wait3A_62] : memref<2500x2x128xi32, #tpu.memory_space<hbm>> -> memref<1x2x128xi32, #tpu.memory_space<hbm>>
        %dma_wait3A_64 = arith.constant 78 : i32
        %dma_wait3A_65 = arith.constant 0 : i32
        %dma_wait3A_66 = arith.constant 0 : i32
        %dma_wait3A_67 = tpu.memref_slice %arg6[%dma_wait3A_64, %dma_wait3A_65, %dma_wait3A_66] : memref<79x2x128xi32, #tpu.memory_space<vmem>> -> memref<1x2x128xi32, #tpu.memory_space<vmem>>
        %dma_wait3A_68 = arith.constant 0 : i32
        %dma_wait3A_69 = arith.constant 0 : i32
        %dma_wait3A_70 = tpu.memref_slice %arg3[%add3A_44, %dma_wait3A_68, %dma_wait3A_69] : memref<2500x2x128xi32, #tpu.memory_space<hbm>> -> memref<1x2x128xi32, #tpu.memory_space<hbm>>
        tpu.wait_dma2 semaphore(%run_scoped3A : memref<!tpu.dma_semaphore, #tpu.memory_space<semaphore_mem>>) src(%dma_wait3A_70 : memref<1x2x128xi32, #tpu.memory_space<hbm>>) dst(%dma_wait3A_67 : memref<1x2x128xi32, #tpu.memory_space<vmem>>)
        tpu.yield
      }) : () -> ()
    } else {
    }
    %mul3A_12 = arith.constant 632 : i32
    %mul3A_13 = arith.muli %arg1, %mul3A_12 : i32
    "tpu.region"() ({
      %run_scoped3A = tpu.sem_alloc : memref<!tpu.dma_semaphore, #tpu.memory_space<semaphore_mem>>
      %dma_start3A = arith.constant 0 : i32
      %dma_start3A_43 = tpu.memref_slice %arg8[%mul3A_13, %dma_start3A] : memref<10112x16xf32, #tpu.memory_space<vmem_shared>> -> memref<632x16xf32, #tpu.memory_space<vmem_shared>>
      tpu.enqueue_dma source(%arg4 : memref<632x16xf32, #tpu.memory_space<hbm>>) target(%dma_start3A_43 : memref<632x16xf32, #tpu.memory_space<vmem_shared>>) target_semaphore(%run_scoped3A : memref<!tpu.dma_semaphore, #tpu.memory_space<semaphore_mem>>)
      %dma_wait3A = arith.constant 0 : i32
      %dma_wait3A_44 = tpu.memref_slice %arg8[%mul3A_13, %dma_wait3A] : memref<10112x16xf32, #tpu.memory_space<vmem_shared>> -> memref<632x16xf32, #tpu.memory_space<vmem_shared>>
      tpu.wait_dma2 semaphore(%run_scoped3A : memref<!tpu.dma_semaphore, #tpu.memory_space<semaphore_mem>>) src(%arg4 : memref<632x16xf32, #tpu.memory_space<hbm>>) dst(%dma_wait3A_44 : memref<632x16xf32, #tpu.memory_space<vmem_shared>>)
      tpu.yield
    }) : () -> ()
    %mul3A_14 = arith.constant 625 : i32
    %mul3A_15 = arith.muli %arg1, %mul3A_14 : i32
    %mul3A_16 = arith.constant 625 : i32
    %mul3A_17 = arith.muli %arg1, %mul3A_16 : i32
    "tpu.region"() ({
      %run_scoped3A = tpu.sem_alloc : memref<!tpu.dma_semaphore, #tpu.memory_space<semaphore_mem>>
      %dma_start3A = arith.constant 0 : i32
      %dma_start3A_43 = tpu.memref_slice %arg9[%mul3A_17, %dma_start3A] : memref<10000x16xf32, #tpu.memory_space<vmem_shared>> -> memref<625x16xf32, #tpu.memory_space<vmem_shared>>
      %dma_start3A_44 = arith.constant 0 : i32
      %dma_start3A_45 = tpu.memref_slice %arg2[%mul3A_15, %dma_start3A_44] : memref<10000x16xf32, #tpu.memory_space<hbm>> -> memref<625x16xf32, #tpu.memory_space<hbm>>
      tpu.enqueue_dma source(%dma_start3A_45 : memref<625x16xf32, #tpu.memory_space<hbm>>) target(%dma_start3A_43 : memref<625x16xf32, #tpu.memory_space<vmem_shared>>) target_semaphore(%run_scoped3A : memref<!tpu.dma_semaphore, #tpu.memory_space<semaphore_mem>>)
      %dma_wait3A = arith.constant 0 : i32
      %dma_wait3A_46 = tpu.memref_slice %arg9[%mul3A_17, %dma_wait3A] : memref<10000x16xf32, #tpu.memory_space<vmem_shared>> -> memref<625x16xf32, #tpu.memory_space<vmem_shared>>
      %dma_wait3A_47 = arith.constant 0 : i32
      %dma_wait3A_48 = tpu.memref_slice %arg2[%mul3A_15, %dma_wait3A_47] : memref<10000x16xf32, #tpu.memory_space<hbm>> -> memref<625x16xf32, #tpu.memory_space<hbm>>
      tpu.wait_dma2 semaphore(%run_scoped3A : memref<!tpu.dma_semaphore, #tpu.memory_space<semaphore_mem>>) src(%dma_wait3A_48 : memref<625x16xf32, #tpu.memory_space<hbm>>) dst(%dma_wait3A_46 : memref<625x16xf32, #tpu.memory_space<vmem_shared>>)
      tpu.yield
    }) : () -> ()
    %barrier3A = arith.constant 0 : index
    tpu.barrier barrier_id(%barrier3A)
    %scan3A = arith.constant 0 : i32
    %scan3A_18 = arith.constant 6 : i32
    %scan3A_19 = arith.addi %scan3A, %scan3A_18 : i32
    %scan3A_20 = arith.constant 1 : i32
    scf.for %scan3A_43 = %scan3A to %scan3A_19 step %scan3A_20  : i32 {
      %mul3A_44 = arith.constant 1 : i32
      %mul3A_45 = arith.muli %scan3A_43, %mul3A_44 : i32
      %add3A_46 = arith.constant 0 : i32
      %add3A_47 = arith.addi %add3A_46, %mul3A_45 : i32
      %mul3A_48 = arith.constant 13 : i32
      %mul3A_49 = arith.muli %add3A_47, %mul3A_48 : i32
      %add3A_50 = arith.constant 0 : i32
      %add3A_51 = arith.addi %mul3A_49, %add3A_50 : i32
      %dma_start3A = arith.constant 0 : i32
      %dma_start3A_52 = arith.constant 0 : i32
      %dma_start3A_53 = arith.constant 0 : i32
      %dma_start3A_54 = arith.constant 0 : i32
      %dma_start3A_55 = arith.constant 0 : i32
      %dma_start3A_56 = tpu.memref_slice %arg7[%dma_start3A_52, %dma_start3A_54, %dma_start3A_55] : memref<13x128x16xf32, #tpu.memory_space<vmem>> -> memref<1x128x16xf32, #tpu.memory_space<vmem>>
      %dma_start3A_57 = tpu.memref_squeeze %dma_start3A_56 : memref<1x128x16xf32, #tpu.memory_space<vmem>> -> memref<128x16xf32, #tpu.memory_space<vmem>>
      %dma_start3A_58 = arith.constant 0 : i32
      %dma_start3A_59 = tpu.memref_slice %arg6[%add3A_51, %dma_start3A, %dma_start3A_58] : memref<79x2x128xi32, #tpu.memory_space<vmem>> -> memref<1x1x128xi32, #tpu.memory_space<vmem>>
      %dma_start3A_60 = tpu.memref_squeeze %dma_start3A_59 : memref<1x1x128xi32, #tpu.memory_space<vmem>> -> memref<128xi32, #tpu.memory_space<vmem>>
      %dma_start3A_61 = arith.constant 0 : i32
      %dma_start3A_62 = arith.constant 0 : i32
      %dma_start3A_63 = tpu.memref_slice %arg9[%dma_start3A_61, %dma_start3A_62] : memref<10000x16xf32, #tpu.memory_space<vmem_shared>> -> memref<10000x16xf32, #tpu.memory_space<vmem_shared>>
      %dma_start3A_64 = tpu.memref_slice %arg10[%dma_start3A_53] : memref<13x!tpu.dma_semaphore, #tpu.memory_space<semaphore_mem>> -> memref<1x!tpu.dma_semaphore, #tpu.memory_space<semaphore_mem>>
      %dma_start3A_65 = tpu.memref_squeeze %dma_start3A_64 : memref<1x!tpu.dma_semaphore, #tpu.memory_space<semaphore_mem>> -> memref<!tpu.dma_semaphore, #tpu.memory_space<semaphore_mem>>
      tpu.enqueue_indirect_dma source(%dma_start3A_63 : memref<10000x16xf32, #tpu.memory_space<vmem_shared>>) target(%dma_start3A_57 : memref<128x16xf32, #tpu.memory_space<vmem>>) offsets(%dma_start3A_60 : memref<128xi32, #tpu.memory_space<vmem>>) semaphore(%dma_start3A_65 : memref<!tpu.dma_semaphore, #tpu.memory_space<semaphore_mem>>)
      %add3A_66 = arith.constant 1 : i32
      %add3A_67 = arith.addi %mul3A_49, %add3A_66 : i32
      %dma_start3A_68 = arith.constant 0 : i32
      %dma_start3A_69 = arith.constant 1 : i32
      %dma_start3A_70 = arith.constant 1 : i32
      %dma_start3A_71 = arith.constant 0 : i32
      %dma_start3A_72 = arith.constant 0 : i32
      %dma_start3A_73 = tpu.memref_slice %arg7[%dma_start3A_69, %dma_start3A_71, %dma_start3A_72] : memref<13x128x16xf32, #tpu.memory_space<vmem>> -> memref<1x128x16xf32, #tpu.memory_space<vmem>>
      %dma_start3A_74 = tpu.memref_squeeze %dma_start3A_73 : memref<1x128x16xf32, #tpu.memory_space<vmem>> -> memref<128x16xf32, #tpu.memory_space<vmem>>
      %dma_start3A_75 = arith.constant 0 : i32
      %dma_start3A_76 = tpu.memref_slice %arg6[%add3A_67, %dma_start3A_68, %dma_start3A_75] : memref<79x2x128xi32, #tpu.memory_space<vmem>> -> memref<1x1x128xi32, #tpu.memory_space<vmem>>
      %dma_start3A_77 = tpu.memref_squeeze %dma_start3A_76 : memref<1x1x128xi32, #tpu.memory_space<vmem>> -> memref<128xi32, #tpu.memory_space<vmem>>
      %dma_start3A_78 = arith.constant 0 : i32
      %dma_start3A_79 = arith.constant 0 : i32
      %dma_start3A_80 = tpu.memref_slice %arg9[%dma_start3A_78, %dma_start3A_79] : memref<10000x16xf32, #tpu.memory_space<vmem_shared>> -> memref<10000x16xf32, #tpu.memory_space<vmem_shared>>
      %dma_start3A_81 = tpu.memref_slice %arg10[%dma_start3A_70] : memref<13x!tpu.dma_semaphore, #tpu.memory_space<semaphore_mem>> -> memref<1x!tpu.dma_semaphore, #tpu.memory_space<semaphore_mem>>
      %dma_start3A_82 = tpu.memref_squeeze %dma_start3A_81 : memref<1x!tpu.dma_semaphore, #tpu.memory_space<semaphore_mem>> -> memref<!tpu.dma_semaphore, #tpu.memory_space<semaphore_mem>>
      tpu.enqueue_indirect_dma source(%dma_start3A_80 : memref<10000x16xf32, #tpu.memory_space<vmem_shared>>) target(%dma_start3A_74 : memref<128x16xf32, #tpu.memory_space<vmem>>) offsets(%dma_start3A_77 : memref<128xi32, #tpu.memory_space<vmem>>) semaphore(%dma_start3A_82 : memref<!tpu.dma_semaphore, #tpu.memory_space<semaphore_mem>>)
      %add3A_83 = arith.constant 2 : i32
      %add3A_84 = arith.addi %mul3A_49, %add3A_83 : i32
      %dma_start3A_85 = arith.constant 0 : i32
      %dma_start3A_86 = arith.constant 2 : i32
      %dma_start3A_87 = arith.constant 2 : i32
      %dma_start3A_88 = arith.constant 0 : i32
      %dma_start3A_89 = arith.constant 0 : i32
      %dma_start3A_90 = tpu.memref_slice %arg7[%dma_start3A_86, %dma_start3A_88, %dma_start3A_89] : memref<13x128x16xf32, #tpu.memory_space<vmem>> -> memref<1x128x16xf32, #tpu.memory_space<vmem>>
      %dma_start3A_91 = tpu.memref_squeeze %dma_start3A_90 : memref<1x128x16xf32, #tpu.memory_space<vmem>> -> memref<128x16xf32, #tpu.memory_space<vmem>>
      %dma_start3A_92 = arith.constant 0 : i32
      %dma_start3A_93 = tpu.memref_slice %arg6[%add3A_84, %dma_start3A_85, %dma_start3A_92] : memref<79x2x128xi32, #tpu.memory_space<vmem>> -> memref<1x1x128xi32, #tpu.memory_space<vmem>>
      %dma_start3A_94 = tpu.memref_squeeze %dma_start3A_93 : memref<1x1x128xi32, #tpu.memory_space<vmem>> -> memref<128xi32, #tpu.memory_space<vmem>>
      %dma_start3A_95 = arith.constant 0 : i32
      %dma_start3A_96 = arith.constant 0 : i32
      %dma_start3A_97 = tpu.memref_slice %arg9[%dma_start3A_95, %dma_start3A_96] : memref<10000x16xf32, #tpu.memory_space<vmem_shared>> -> memref<10000x16xf32, #tpu.memory_space<vmem_shared>>
      %dma_start3A_98 = tpu.memref_slice %arg10[%dma_start3A_87] : memref<13x!tpu.dma_semaphore, #tpu.memory_space<semaphore_mem>> -> memref<1x!tpu.dma_semaphore, #tpu.memory_space<semaphore_mem>>
      %dma_start3A_99 = tpu.memref_squeeze %dma_start3A_98 : memref<1x!tpu.dma_semaphore, #tpu.memory_space<semaphore_mem>> -> memref<!tpu.dma_semaphore, #tpu.memory_space<semaphore_mem>>
      tpu.enqueue_indirect_dma source(%dma_start3A_97 : memref<10000x16xf32, #tpu.memory_space<vmem_shared>>) target(%dma_start3A_91 : memref<128x16xf32, #tpu.memory_space<vmem>>) offsets(%dma_start3A_94 : memref<128xi32, #tpu.memory_space<vmem>>) semaphore(%dma_start3A_99 : memref<!tpu.dma_semaphore, #tpu.memory_space<semaphore_mem>>)
      %add3A_100 = arith.constant 3 : i32
      %add3A_101 = arith.addi %mul3A_49, %add3A_100 : i32
      %dma_start3A_102 = arith.constant 0 : i32
      %dma_start3A_103 = arith.constant 3 : i32
      %dma_start3A_104 = arith.constant 3 : i32
      %dma_start3A_105 = arith.constant 0 : i32
      %dma_start3A_106 = arith.constant 0 : i32
      %dma_start3A_107 = tpu.memref_slice %arg7[%dma_start3A_103, %dma_start3A_105, %dma_start3A_106] : memref<13x128x16xf32, #tpu.memory_space<vmem>> -> memref<1x128x16xf32, #tpu.memory_space<vmem>>
      %dma_start3A_108 = tpu.memref_squeeze %dma_start3A_107 : memref<1x128x16xf32, #tpu.memory_space<vmem>> -> memref<128x16xf32, #tpu.memory_space<vmem>>
      %dma_start3A_109 = arith.constant 0 : i32
      %dma_start3A_110 = tpu.memref_slice %arg6[%add3A_101, %dma_start3A_102, %dma_start3A_109] : memref<79x2x128xi32, #tpu.memory_space<vmem>> -> memref<1x1x128xi32, #tpu.memory_space<vmem>>
      %dma_start3A_111 = tpu.memref_squeeze %dma_start3A_110 : memref<1x1x128xi32, #tpu.memory_space<vmem>> -> memref<128xi32, #tpu.memory_space<vmem>>
      %dma_start3A_112 = arith.constant 0 : i32
      %dma_start3A_113 = arith.constant 0 : i32
      %dma_start3A_114 = tpu.memref_slice %arg9[%dma_start3A_112, %dma_start3A_113] : memref<10000x16xf32, #tpu.memory_space<vmem_shared>> -> memref<10000x16xf32, #tpu.memory_space<vmem_shared>>
      %dma_start3A_115 = tpu.memref_slice %arg10[%dma_start3A_104] : memref<13x!tpu.dma_semaphore, #tpu.memory_space<semaphore_mem>> -> memref<1x!tpu.dma_semaphore, #tpu.memory_space<semaphore_mem>>
      %dma_start3A_116 = tpu.memref_squeeze %dma_start3A_115 : memref<1x!tpu.dma_semaphore, #tpu.memory_space<semaphore_mem>> -> memref<!tpu.dma_semaphore, #tpu.memory_space<semaphore_mem>>
      tpu.enqueue_indirect_dma source(%dma_start3A_114 : memref<10000x16xf32, #tpu.memory_space<vmem_shared>>) target(%dma_start3A_108 : memref<128x16xf32, #tpu.memory_space<vmem>>) offsets(%dma_start3A_111 : memref<128xi32, #tpu.memory_space<vmem>>) semaphore(%dma_start3A_116 : memref<!tpu.dma_semaphore, #tpu.memory_space<semaphore_mem>>)
      %add3A_117 = arith.constant 4 : i32
      %add3A_118 = arith.addi %mul3A_49, %add3A_117 : i32
      %dma_start3A_119 = arith.constant 0 : i32
      %dma_start3A_120 = arith.constant 4 : i32
      %dma_start3A_121 = arith.constant 4 : i32
      %dma_start3A_122 = arith.constant 0 : i32
      %dma_start3A_123 = arith.constant 0 : i32
      %dma_start3A_124 = tpu.memref_slice %arg7[%dma_start3A_120, %dma_start3A_122, %dma_start3A_123] : memref<13x128x16xf32, #tpu.memory_space<vmem>> -> memref<1x128x16xf32, #tpu.memory_space<vmem>>
      %dma_start3A_125 = tpu.memref_squeeze %dma_start3A_124 : memref<1x128x16xf32, #tpu.memory_space<vmem>> -> memref<128x16xf32, #tpu.memory_space<vmem>>
      %dma_start3A_126 = arith.constant 0 : i32
      %dma_start3A_127 = tpu.memref_slice %arg6[%add3A_118, %dma_start3A_119, %dma_start3A_126] : memref<79x2x128xi32, #tpu.memory_space<vmem>> -> memref<1x1x128xi32, #tpu.memory_space<vmem>>
      %dma_start3A_128 = tpu.memref_squeeze %dma_start3A_127 : memref<1x1x128xi32, #tpu.memory_space<vmem>> -> memref<128xi32, #tpu.memory_space<vmem>>
      %dma_start3A_129 = arith.constant 0 : i32
      %dma_start3A_130 = arith.constant 0 : i32
      %dma_start3A_131 = tpu.memref_slice %arg9[%dma_start3A_129, %dma_start3A_130] : memref<10000x16xf32, #tpu.memory_space<vmem_shared>> -> memref<10000x16xf32, #tpu.memory_space<vmem_shared>>
      %dma_start3A_132 = tpu.memref_slice %arg10[%dma_start3A_121] : memref<13x!tpu.dma_semaphore, #tpu.memory_space<semaphore_mem>> -> memref<1x!tpu.dma_semaphore, #tpu.memory_space<semaphore_mem>>
      %dma_start3A_133 = tpu.memref_squeeze %dma_start3A_132 : memref<1x!tpu.dma_semaphore, #tpu.memory_space<semaphore_mem>> -> memref<!tpu.dma_semaphore, #tpu.memory_space<semaphore_mem>>
      tpu.enqueue_indirect_dma source(%dma_start3A_131 : memref<10000x16xf32, #tpu.memory_space<vmem_shared>>) target(%dma_start3A_125 : memref<128x16xf32, #tpu.memory_space<vmem>>) offsets(%dma_start3A_128 : memref<128xi32, #tpu.memory_space<vmem>>) semaphore(%dma_start3A_133 : memref<!tpu.dma_semaphore, #tpu.memory_space<semaphore_mem>>)
      %add3A_134 = arith.constant 5 : i32
      %add3A_135 = arith.addi %mul3A_49, %add3A_134 : i32
      %dma_start3A_136 = arith.constant 0 : i32
      %dma_start3A_137 = arith.constant 5 : i32
      %dma_start3A_138 = arith.constant 5 : i32
      %dma_start3A_139 = arith.constant 0 : i32
      %dma_start3A_140 = arith.constant 0 : i32
      %dma_start3A_141 = tpu.memref_slice %arg7[%dma_start3A_137, %dma_start3A_139, %dma_start3A_140] : memref<13x128x16xf32, #tpu.memory_space<vmem>> -> memref<1x128x16xf32, #tpu.memory_space<vmem>>
      %dma_start3A_142 = tpu.memref_squeeze %dma_start3A_141 : memref<1x128x16xf32, #tpu.memory_space<vmem>> -> memref<128x16xf32, #tpu.memory_space<vmem>>
      %dma_start3A_143 = arith.constant 0 : i32
      %dma_start3A_144 = tpu.memref_slice %arg6[%add3A_135, %dma_start3A_136, %dma_start3A_143] : memref<79x2x128xi32, #tpu.memory_space<vmem>> -> memref<1x1x128xi32, #tpu.memory_space<vmem>>
      %dma_start3A_145 = tpu.memref_squeeze %dma_start3A_144 : memref<1x1x128xi32, #tpu.memory_space<vmem>> -> memref<128xi32, #tpu.memory_space<vmem>>
      %dma_start3A_146 = arith.constant 0 : i32
      %dma_start3A_147 = arith.constant 0 : i32
      %dma_start3A_148 = tpu.memref_slice %arg9[%dma_start3A_146, %dma_start3A_147] : memref<10000x16xf32, #tpu.memory_space<vmem_shared>> -> memref<10000x16xf32, #tpu.memory_space<vmem_shared>>
      %dma_start3A_149 = tpu.memref_slice %arg10[%dma_start3A_138] : memref<13x!tpu.dma_semaphore, #tpu.memory_space<semaphore_mem>> -> memref<1x!tpu.dma_semaphore, #tpu.memory_space<semaphore_mem>>
      %dma_start3A_150 = tpu.memref_squeeze %dma_start3A_149 : memref<1x!tpu.dma_semaphore, #tpu.memory_space<semaphore_mem>> -> memref<!tpu.dma_semaphore, #tpu.memory_space<semaphore_mem>>
      tpu.enqueue_indirect_dma source(%dma_start3A_148 : memref<10000x16xf32, #tpu.memory_space<vmem_shared>>) target(%dma_start3A_142 : memref<128x16xf32, #tpu.memory_space<vmem>>) offsets(%dma_start3A_145 : memref<128xi32, #tpu.memory_space<vmem>>) semaphore(%dma_start3A_150 : memref<!tpu.dma_semaphore, #tpu.memory_space<semaphore_mem>>)
      %add3A_151 = arith.constant 6 : i32
      %add3A_152 = arith.addi %mul3A_49, %add3A_151 : i32
      %dma_start3A_153 = arith.constant 0 : i32
      %dma_start3A_154 = arith.constant 6 : i32
      %dma_start3A_155 = arith.constant 6 : i32
      %dma_start3A_156 = arith.constant 0 : i32
      %dma_start3A_157 = arith.constant 0 : i32
      %dma_start3A_158 = tpu.memref_slice %arg7[%dma_start3A_154, %dma_start3A_156, %dma_start3A_157] : memref<13x128x16xf32, #tpu.memory_space<vmem>> -> memref<1x128x16xf32, #tpu.memory_space<vmem>>
      %dma_start3A_159 = tpu.memref_squeeze %dma_start3A_158 : memref<1x128x16xf32, #tpu.memory_space<vmem>> -> memref<128x16xf32, #tpu.memory_space<vmem>>
      %dma_start3A_160 = arith.constant 0 : i32
      %dma_start3A_161 = tpu.memref_slice %arg6[%add3A_152, %dma_start3A_153, %dma_start3A_160] : memref<79x2x128xi32, #tpu.memory_space<vmem>> -> memref<1x1x128xi32, #tpu.memory_space<vmem>>
      %dma_start3A_162 = tpu.memref_squeeze %dma_start3A_161 : memref<1x1x128xi32, #tpu.memory_space<vmem>> -> memref<128xi32, #tpu.memory_space<vmem>>
      %dma_start3A_163 = arith.constant 0 : i32
      %dma_start3A_164 = arith.constant 0 : i32
      %dma_start3A_165 = tpu.memref_slice %arg9[%dma_start3A_163, %dma_start3A_164] : memref<10000x16xf32, #tpu.memory_space<vmem_shared>> -> memref<10000x16xf32, #tpu.memory_space<vmem_shared>>
      %dma_start3A_166 = tpu.memref_slice %arg10[%dma_start3A_155] : memref<13x!tpu.dma_semaphore, #tpu.memory_space<semaphore_mem>> -> memref<1x!tpu.dma_semaphore, #tpu.memory_space<semaphore_mem>>
      %dma_start3A_167 = tpu.memref_squeeze %dma_start3A_166 : memref<1x!tpu.dma_semaphore, #tpu.memory_space<semaphore_mem>> -> memref<!tpu.dma_semaphore, #tpu.memory_space<semaphore_mem>>
      tpu.enqueue_indirect_dma source(%dma_start3A_165 : memref<10000x16xf32, #tpu.memory_space<vmem_shared>>) target(%dma_start3A_159 : memref<128x16xf32, #tpu.memory_space<vmem>>) offsets(%dma_start3A_162 : memref<128xi32, #tpu.memory_space<vmem>>) semaphore(%dma_start3A_167 : memref<!tpu.dma_semaphore, #tpu.memory_space<semaphore_mem>>)
      %add3A_168 = arith.constant 7 : i32
      %add3A_169 = arith.addi %mul3A_49, %add3A_168 : i32
      %dma_start3A_170 = arith.constant 0 : i32
      %dma_start3A_171 = arith.constant 7 : i32
      %dma_start3A_172 = arith.constant 7 : i32
      %dma_start3A_173 = arith.constant 0 : i32
      %dma_start3A_174 = arith.constant 0 : i32
      %dma_start3A_175 = tpu.memref_slice %arg7[%dma_start3A_171, %dma_start3A_173, %dma_start3A_174] : memref<13x128x16xf32, #tpu.memory_space<vmem>> -> memref<1x128x16xf32, #tpu.memory_space<vmem>>
      %dma_start3A_176 = tpu.memref_squeeze %dma_start3A_175 : memref<1x128x16xf32, #tpu.memory_space<vmem>> -> memref<128x16xf32, #tpu.memory_space<vmem>>
      %dma_start3A_177 = arith.constant 0 : i32
      %dma_start3A_178 = tpu.memref_slice %arg6[%add3A_169, %dma_start3A_170, %dma_start3A_177] : memref<79x2x128xi32, #tpu.memory_space<vmem>> -> memref<1x1x128xi32, #tpu.memory_space<vmem>>
      %dma_start3A_179 = tpu.memref_squeeze %dma_start3A_178 : memref<1x1x128xi32, #tpu.memory_space<vmem>> -> memref<128xi32, #tpu.memory_space<vmem>>
      %dma_start3A_180 = arith.constant 0 : i32
      %dma_start3A_181 = arith.constant 0 : i32
      %dma_start3A_182 = tpu.memref_slice %arg9[%dma_start3A_180, %dma_start3A_181] : memref<10000x16xf32, #tpu.memory_space<vmem_shared>> -> memref<10000x16xf32, #tpu.memory_space<vmem_shared>>
      %dma_start3A_183 = tpu.memref_slice %arg10[%dma_start3A_172] : memref<13x!tpu.dma_semaphore, #tpu.memory_space<semaphore_mem>> -> memref<1x!tpu.dma_semaphore, #tpu.memory_space<semaphore_mem>>
      %dma_start3A_184 = tpu.memref_squeeze %dma_start3A_183 : memref<1x!tpu.dma_semaphore, #tpu.memory_space<semaphore_mem>> -> memref<!tpu.dma_semaphore, #tpu.memory_space<semaphore_mem>>
      tpu.enqueue_indirect_dma source(%dma_start3A_182 : memref<10000x16xf32, #tpu.memory_space<vmem_shared>>) target(%dma_start3A_176 : memref<128x16xf32, #tpu.memory_space<vmem>>) offsets(%dma_start3A_179 : memref<128xi32, #tpu.memory_space<vmem>>) semaphore(%dma_start3A_184 : memref<!tpu.dma_semaphore, #tpu.memory_space<semaphore_mem>>)
      %add3A_185 = arith.constant 8 : i32
      %add3A_186 = arith.addi %mul3A_49, %add3A_185 : i32
      %dma_start3A_187 = arith.constant 0 : i32
      %dma_start3A_188 = arith.constant 8 : i32
      %dma_start3A_189 = arith.constant 8 : i32
      %dma_start3A_190 = arith.constant 0 : i32
      %dma_start3A_191 = arith.constant 0 : i32
      %dma_start3A_192 = tpu.memref_slice %arg7[%dma_start3A_188, %dma_start3A_190, %dma_start3A_191] : memref<13x128x16xf32, #tpu.memory_space<vmem>> -> memref<1x128x16xf32, #tpu.memory_space<vmem>>
      %dma_start3A_193 = tpu.memref_squeeze %dma_start3A_192 : memref<1x128x16xf32, #tpu.memory_space<vmem>> -> memref<128x16xf32, #tpu.memory_space<vmem>>
      %dma_start3A_194 = arith.constant 0 : i32
      %dma_start3A_195 = tpu.memref_slice %arg6[%add3A_186, %dma_start3A_187, %dma_start3A_194] : memref<79x2x128xi32, #tpu.memory_space<vmem>> -> memref<1x1x128xi32, #tpu.memory_space<vmem>>
      %dma_start3A_196 = tpu.memref_squeeze %dma_start3A_195 : memref<1x1x128xi32, #tpu.memory_space<vmem>> -> memref<128xi32, #tpu.memory_space<vmem>>
      %dma_start3A_197 = arith.constant 0 : i32
      %dma_start3A_198 = arith.constant 0 : i32
      %dma_start3A_199 = tpu.memref_slice %arg9[%dma_start3A_197, %dma_start3A_198] : memref<10000x16xf32, #tpu.memory_space<vmem_shared>> -> memref<10000x16xf32, #tpu.memory_space<vmem_shared>>
      %dma_start3A_200 = tpu.memref_slice %arg10[%dma_start3A_189] : memref<13x!tpu.dma_semaphore, #tpu.memory_space<semaphore_mem>> -> memref<1x!tpu.dma_semaphore, #tpu.memory_space<semaphore_mem>>
      %dma_start3A_201 = tpu.memref_squeeze %dma_start3A_200 : memref<1x!tpu.dma_semaphore, #tpu.memory_space<semaphore_mem>> -> memref<!tpu.dma_semaphore, #tpu.memory_space<semaphore_mem>>
      tpu.enqueue_indirect_dma source(%dma_start3A_199 : memref<10000x16xf32, #tpu.memory_space<vmem_shared>>) target(%dma_start3A_193 : memref<128x16xf32, #tpu.memory_space<vmem>>) offsets(%dma_start3A_196 : memref<128xi32, #tpu.memory_space<vmem>>) semaphore(%dma_start3A_201 : memref<!tpu.dma_semaphore, #tpu.memory_space<semaphore_mem>>)
      %add3A_202 = arith.constant 9 : i32
      %add3A_203 = arith.addi %mul3A_49, %add3A_202 : i32
      %dma_start3A_204 = arith.constant 0 : i32
      %dma_start3A_205 = arith.constant 9 : i32
      %dma_start3A_206 = arith.constant 9 : i32
      %dma_start3A_207 = arith.constant 0 : i32
      %dma_start3A_208 = arith.constant 0 : i32
      %dma_start3A_209 = tpu.memref_slice %arg7[%dma_start3A_205, %dma_start3A_207, %dma_start3A_208] : memref<13x128x16xf32, #tpu.memory_space<vmem>> -> memref<1x128x16xf32, #tpu.memory_space<vmem>>
      %dma_start3A_210 = tpu.memref_squeeze %dma_start3A_209 : memref<1x128x16xf32, #tpu.memory_space<vmem>> -> memref<128x16xf32, #tpu.memory_space<vmem>>
      %dma_start3A_211 = arith.constant 0 : i32
      %dma_start3A_212 = tpu.memref_slice %arg6[%add3A_203, %dma_start3A_204, %dma_start3A_211] : memref<79x2x128xi32, #tpu.memory_space<vmem>> -> memref<1x1x128xi32, #tpu.memory_space<vmem>>
      %dma_start3A_213 = tpu.memref_squeeze %dma_start3A_212 : memref<1x1x128xi32, #tpu.memory_space<vmem>> -> memref<128xi32, #tpu.memory_space<vmem>>
      %dma_start3A_214 = arith.constant 0 : i32
      %dma_start3A_215 = arith.constant 0 : i32
      %dma_start3A_216 = tpu.memref_slice %arg9[%dma_start3A_214, %dma_start3A_215] : memref<10000x16xf32, #tpu.memory_space<vmem_shared>> -> memref<10000x16xf32, #tpu.memory_space<vmem_shared>>
      %dma_start3A_217 = tpu.memref_slice %arg10[%dma_start3A_206] : memref<13x!tpu.dma_semaphore, #tpu.memory_space<semaphore_mem>> -> memref<1x!tpu.dma_semaphore, #tpu.memory_space<semaphore_mem>>
      %dma_start3A_218 = tpu.memref_squeeze %dma_start3A_217 : memref<1x!tpu.dma_semaphore, #tpu.memory_space<semaphore_mem>> -> memref<!tpu.dma_semaphore, #tpu.memory_space<semaphore_mem>>
      tpu.enqueue_indirect_dma source(%dma_start3A_216 : memref<10000x16xf32, #tpu.memory_space<vmem_shared>>) target(%dma_start3A_210 : memref<128x16xf32, #tpu.memory_space<vmem>>) offsets(%dma_start3A_213 : memref<128xi32, #tpu.memory_space<vmem>>) semaphore(%dma_start3A_218 : memref<!tpu.dma_semaphore, #tpu.memory_space<semaphore_mem>>)
      %add3A_219 = arith.constant 10 : i32
      %add3A_220 = arith.addi %mul3A_49, %add3A_219 : i32
      %dma_start3A_221 = arith.constant 0 : i32
      %dma_start3A_222 = arith.constant 10 : i32
      %dma_start3A_223 = arith.constant 10 : i32
      %dma_start3A_224 = arith.constant 0 : i32
      %dma_start3A_225 = arith.constant 0 : i32
      %dma_start3A_226 = tpu.memref_slice %arg7[%dma_start3A_222, %dma_start3A_224, %dma_start3A_225] : memref<13x128x16xf32, #tpu.memory_space<vmem>> -> memref<1x128x16xf32, #tpu.memory_space<vmem>>
      %dma_start3A_227 = tpu.memref_squeeze %dma_start3A_226 : memref<1x128x16xf32, #tpu.memory_space<vmem>> -> memref<128x16xf32, #tpu.memory_space<vmem>>
      %dma_start3A_228 = arith.constant 0 : i32
      %dma_start3A_229 = tpu.memref_slice %arg6[%add3A_220, %dma_start3A_221, %dma_start3A_228] : memref<79x2x128xi32, #tpu.memory_space<vmem>> -> memref<1x1x128xi32, #tpu.memory_space<vmem>>
      %dma_start3A_230 = tpu.memref_squeeze %dma_start3A_229 : memref<1x1x128xi32, #tpu.memory_space<vmem>> -> memref<128xi32, #tpu.memory_space<vmem>>
      %dma_start3A_231 = arith.constant 0 : i32
      %dma_start3A_232 = arith.constant 0 : i32
      %dma_start3A_233 = tpu.memref_slice %arg9[%dma_start3A_231, %dma_start3A_232] : memref<10000x16xf32, #tpu.memory_space<vmem_shared>> -> memref<10000x16xf32, #tpu.memory_space<vmem_shared>>
      %dma_start3A_234 = tpu.memref_slice %arg10[%dma_start3A_223] : memref<13x!tpu.dma_semaphore, #tpu.memory_space<semaphore_mem>> -> memref<1x!tpu.dma_semaphore, #tpu.memory_space<semaphore_mem>>
      %dma_start3A_235 = tpu.memref_squeeze %dma_start3A_234 : memref<1x!tpu.dma_semaphore, #tpu.memory_space<semaphore_mem>> -> memref<!tpu.dma_semaphore, #tpu.memory_space<semaphore_mem>>
      tpu.enqueue_indirect_dma source(%dma_start3A_233 : memref<10000x16xf32, #tpu.memory_space<vmem_shared>>) target(%dma_start3A_227 : memref<128x16xf32, #tpu.memory_space<vmem>>) offsets(%dma_start3A_230 : memref<128xi32, #tpu.memory_space<vmem>>) semaphore(%dma_start3A_235 : memref<!tpu.dma_semaphore, #tpu.memory_space<semaphore_mem>>)
      %add3A_236 = arith.constant 11 : i32
      %add3A_237 = arith.addi %mul3A_49, %add3A_236 : i32
      %dma_start3A_238 = arith.constant 0 : i32
      %dma_start3A_239 = arith.constant 11 : i32
      %dma_start3A_240 = arith.constant 11 : i32
      %dma_start3A_241 = arith.constant 0 : i32
      %dma_start3A_242 = arith.constant 0 : i32
      %dma_start3A_243 = tpu.memref_slice %arg7[%dma_start3A_239, %dma_start3A_241, %dma_start3A_242] : memref<13x128x16xf32, #tpu.memory_space<vmem>> -> memref<1x128x16xf32, #tpu.memory_space<vmem>>
      %dma_start3A_244 = tpu.memref_squeeze %dma_start3A_243 : memref<1x128x16xf32, #tpu.memory_space<vmem>> -> memref<128x16xf32, #tpu.memory_space<vmem>>
      %dma_start3A_245 = arith.constant 0 : i32
      %dma_start3A_246 = tpu.memref_slice %arg6[%add3A_237, %dma_start3A_238, %dma_start3A_245] : memref<79x2x128xi32, #tpu.memory_space<vmem>> -> memref<1x1x128xi32, #tpu.memory_space<vmem>>
      %dma_start3A_247 = tpu.memref_squeeze %dma_start3A_246 : memref<1x1x128xi32, #tpu.memory_space<vmem>> -> memref<128xi32, #tpu.memory_space<vmem>>
      %dma_start3A_248 = arith.constant 0 : i32
      %dma_start3A_249 = arith.constant 0 : i32
      %dma_start3A_250 = tpu.memref_slice %arg9[%dma_start3A_248, %dma_start3A_249] : memref<10000x16xf32, #tpu.memory_space<vmem_shared>> -> memref<10000x16xf32, #tpu.memory_space<vmem_shared>>
      %dma_start3A_251 = tpu.memref_slice %arg10[%dma_start3A_240] : memref<13x!tpu.dma_semaphore, #tpu.memory_space<semaphore_mem>> -> memref<1x!tpu.dma_semaphore, #tpu.memory_space<semaphore_mem>>
      %dma_start3A_252 = tpu.memref_squeeze %dma_start3A_251 : memref<1x!tpu.dma_semaphore, #tpu.memory_space<semaphore_mem>> -> memref<!tpu.dma_semaphore, #tpu.memory_space<semaphore_mem>>
      tpu.enqueue_indirect_dma source(%dma_start3A_250 : memref<10000x16xf32, #tpu.memory_space<vmem_shared>>) target(%dma_start3A_244 : memref<128x16xf32, #tpu.memory_space<vmem>>) offsets(%dma_start3A_247 : memref<128xi32, #tpu.memory_space<vmem>>) semaphore(%dma_start3A_252 : memref<!tpu.dma_semaphore, #tpu.memory_space<semaphore_mem>>)
      %add3A_253 = arith.constant 12 : i32
      %add3A_254 = arith.addi %mul3A_49, %add3A_253 : i32
      %dma_start3A_255 = arith.constant 0 : i32
      %dma_start3A_256 = arith.constant 12 : i32
      %dma_start3A_257 = arith.constant 12 : i32
      %dma_start3A_258 = arith.constant 0 : i32
      %dma_start3A_259 = arith.constant 0 : i32
      %dma_start3A_260 = tpu.memref_slice %arg7[%dma_start3A_256, %dma_start3A_258, %dma_start3A_259] : memref<13x128x16xf32, #tpu.memory_space<vmem>> -> memref<1x128x16xf32, #tpu.memory_space<vmem>>
      %dma_start3A_261 = tpu.memref_squeeze %dma_start3A_260 : memref<1x128x16xf32, #tpu.memory_space<vmem>> -> memref<128x16xf32, #tpu.memory_space<vmem>>
      %dma_start3A_262 = arith.constant 0 : i32
      %dma_start3A_263 = tpu.memref_slice %arg6[%add3A_254, %dma_start3A_255, %dma_start3A_262] : memref<79x2x128xi32, #tpu.memory_space<vmem>> -> memref<1x1x128xi32, #tpu.memory_space<vmem>>
      %dma_start3A_264 = tpu.memref_squeeze %dma_start3A_263 : memref<1x1x128xi32, #tpu.memory_space<vmem>> -> memref<128xi32, #tpu.memory_space<vmem>>
      %dma_start3A_265 = arith.constant 0 : i32
      %dma_start3A_266 = arith.constant 0 : i32
      %dma_start3A_267 = tpu.memref_slice %arg9[%dma_start3A_265, %dma_start3A_266] : memref<10000x16xf32, #tpu.memory_space<vmem_shared>> -> memref<10000x16xf32, #tpu.memory_space<vmem_shared>>
      %dma_start3A_268 = tpu.memref_slice %arg10[%dma_start3A_257] : memref<13x!tpu.dma_semaphore, #tpu.memory_space<semaphore_mem>> -> memref<1x!tpu.dma_semaphore, #tpu.memory_space<semaphore_mem>>
      %dma_start3A_269 = tpu.memref_squeeze %dma_start3A_268 : memref<1x!tpu.dma_semaphore, #tpu.memory_space<semaphore_mem>> -> memref<!tpu.dma_semaphore, #tpu.memory_space<semaphore_mem>>
      tpu.enqueue_indirect_dma source(%dma_start3A_267 : memref<10000x16xf32, #tpu.memory_space<vmem_shared>>) target(%dma_start3A_261 : memref<128x16xf32, #tpu.memory_space<vmem>>) offsets(%dma_start3A_264 : memref<128xi32, #tpu.memory_space<vmem>>) semaphore(%dma_start3A_269 : memref<!tpu.dma_semaphore, #tpu.memory_space<semaphore_mem>>)
      %add3A_270 = arith.constant 0 : i32
      %add3A_271 = arith.addi %mul3A_49, %add3A_270 : i32
      %dma_wait3A = arith.constant 0 : i32
      %dma_wait3A_272 = arith.constant 0 : i32
      %dma_wait3A_273 = arith.constant 0 : i32
      %dma_wait3A_274 = arith.constant 0 : i32
      %dma_wait3A_275 = arith.constant 0 : i32
      %dma_wait3A_276 = tpu.memref_slice %arg7[%dma_wait3A_272, %dma_wait3A_274, %dma_wait3A_275] : memref<13x128x16xf32, #tpu.memory_space<vmem>> -> memref<1x128x16xf32, #tpu.memory_space<vmem>>
      %dma_wait3A_277 = tpu.memref_squeeze %dma_wait3A_276 : memref<1x128x16xf32, #tpu.memory_space<vmem>> -> memref<128x16xf32, #tpu.memory_space<vmem>>
      %dma_wait3A_278 = arith.constant 0 : i32
      %dma_wait3A_279 = tpu.memref_slice %arg6[%add3A_271, %dma_wait3A, %dma_wait3A_278] : memref<79x2x128xi32, #tpu.memory_space<vmem>> -> memref<1x1x128xi32, #tpu.memory_space<vmem>>
      %dma_wait3A_280 = tpu.memref_squeeze %dma_wait3A_279 : memref<1x1x128xi32, #tpu.memory_space<vmem>> -> memref<128xi32, #tpu.memory_space<vmem>>
      %dma_wait3A_281 = arith.constant 0 : i32
      %dma_wait3A_282 = arith.constant 0 : i32
      %dma_wait3A_283 = tpu.memref_slice %arg9[%dma_wait3A_281, %dma_wait3A_282] : memref<10000x16xf32, #tpu.memory_space<vmem_shared>> -> memref<10000x16xf32, #tpu.memory_space<vmem_shared>>
      %dma_wait3A_284 = tpu.memref_slice %arg10[%dma_wait3A_273] : memref<13x!tpu.dma_semaphore, #tpu.memory_space<semaphore_mem>> -> memref<1x!tpu.dma_semaphore, #tpu.memory_space<semaphore_mem>>
      %dma_wait3A_285 = tpu.memref_squeeze %dma_wait3A_284 : memref<1x!tpu.dma_semaphore, #tpu.memory_space<semaphore_mem>> -> memref<!tpu.dma_semaphore, #tpu.memory_space<semaphore_mem>>
      tpu.wait_indirect_dma semaphore(%dma_wait3A_285 : memref<!tpu.dma_semaphore, #tpu.memory_space<semaphore_mem>>) src(%dma_wait3A_283 : memref<10000x16xf32, #tpu.memory_space<vmem_shared>>) dst(%dma_wait3A_277 : memref<128x16xf32, #tpu.memory_space<vmem>>)
      %add3A_286 = arith.constant 0 : i32
      %add3A_287 = arith.addi %mul3A_49, %add3A_286 : i32
      %dma_start3A_288 = arith.constant 0 : i32
      %dma_start3A_289 = arith.constant 1 : i32
      %dma_start3A_290 = arith.constant 0 : i32
      %dma_start3A_291 = arith.constant 0 : i32
      %dma_start3A_292 = arith.constant 0 : i32
      %dma_start3A_293 = tpu.memref_slice %arg7[%dma_start3A_288, %dma_start3A_291, %dma_start3A_292] : memref<13x128x16xf32, #tpu.memory_space<vmem>> -> memref<1x128x16xf32, #tpu.memory_space<vmem>>
      %dma_start3A_294 = tpu.memref_squeeze %dma_start3A_293 : memref<1x128x16xf32, #tpu.memory_space<vmem>> -> memref<128x16xf32, #tpu.memory_space<vmem>>
      %dma_start3A_295 = arith.constant 0 : i32
      %dma_start3A_296 = tpu.memref_slice %arg6[%add3A_287, %dma_start3A_289, %dma_start3A_295] : memref<79x2x128xi32, #tpu.memory_space<vmem>> -> memref<1x1x128xi32, #tpu.memory_space<vmem>>
      %dma_start3A_297 = tpu.memref_squeeze %dma_start3A_296 : memref<1x1x128xi32, #tpu.memory_space<vmem>> -> memref<128xi32, #tpu.memory_space<vmem>>
      %dma_start3A_298 = arith.constant 0 : i32
      %dma_start3A_299 = arith.constant 0 : i32
      %dma_start3A_300 = tpu.memref_slice %arg8[%dma_start3A_298, %dma_start3A_299] : memref<10112x16xf32, #tpu.memory_space<vmem_shared>> -> memref<10112x16xf32, #tpu.memory_space<vmem_shared>>
      %dma_start3A_301 = tpu.memref_slice %arg11[%dma_start3A_290] : memref<13x!tpu.dma_semaphore, #tpu.memory_space<semaphore_mem>> -> memref<1x!tpu.dma_semaphore, #tpu.memory_space<semaphore_mem>>
      %dma_start3A_302 = tpu.memref_squeeze %dma_start3A_301 : memref<1x!tpu.dma_semaphore, #tpu.memory_space<semaphore_mem>> -> memref<!tpu.dma_semaphore, #tpu.memory_space<semaphore_mem>>
      tpu.enqueue_indirect_dma source(%dma_start3A_294 : memref<128x16xf32, #tpu.memory_space<vmem>>) target(%dma_start3A_300 : memref<10112x16xf32, #tpu.memory_space<vmem_shared>>) offsets(%dma_start3A_297 : memref<128xi32, #tpu.memory_space<vmem>>) semaphore(%dma_start3A_302 : memref<!tpu.dma_semaphore, #tpu.memory_space<semaphore_mem>>) {add = true}
      %add3A_303 = arith.constant 1 : i32
      %add3A_304 = arith.addi %mul3A_49, %add3A_303 : i32
      %dma_wait3A_305 = arith.constant 0 : i32
      %dma_wait3A_306 = arith.constant 1 : i32
      %dma_wait3A_307 = arith.constant 1 : i32
      %dma_wait3A_308 = arith.constant 0 : i32
      %dma_wait3A_309 = arith.constant 0 : i32
      %dma_wait3A_310 = tpu.memref_slice %arg7[%dma_wait3A_306, %dma_wait3A_308, %dma_wait3A_309] : memref<13x128x16xf32, #tpu.memory_space<vmem>> -> memref<1x128x16xf32, #tpu.memory_space<vmem>>
      %dma_wait3A_311 = tpu.memref_squeeze %dma_wait3A_310 : memref<1x128x16xf32, #tpu.memory_space<vmem>> -> memref<128x16xf32, #tpu.memory_space<vmem>>
      %dma_wait3A_312 = arith.constant 0 : i32
      %dma_wait3A_313 = tpu.memref_slice %arg6[%add3A_304, %dma_wait3A_305, %dma_wait3A_312] : memref<79x2x128xi32, #tpu.memory_space<vmem>> -> memref<1x1x128xi32, #tpu.memory_space<vmem>>
      %dma_wait3A_314 = tpu.memref_squeeze %dma_wait3A_313 : memref<1x1x128xi32, #tpu.memory_space<vmem>> -> memref<128xi32, #tpu.memory_space<vmem>>
      %dma_wait3A_315 = arith.constant 0 : i32
      %dma_wait3A_316 = arith.constant 0 : i32
      %dma_wait3A_317 = tpu.memref_slice %arg9[%dma_wait3A_315, %dma_wait3A_316] : memref<10000x16xf32, #tpu.memory_space<vmem_shared>> -> memref<10000x16xf32, #tpu.memory_space<vmem_shared>>
      %dma_wait3A_318 = tpu.memref_slice %arg10[%dma_wait3A_307] : memref<13x!tpu.dma_semaphore, #tpu.memory_space<semaphore_mem>> -> memref<1x!tpu.dma_semaphore, #tpu.memory_space<semaphore_mem>>
      %dma_wait3A_319 = tpu.memref_squeeze %dma_wait3A_318 : memref<1x!tpu.dma_semaphore, #tpu.memory_space<semaphore_mem>> -> memref<!tpu.dma_semaphore, #tpu.memory_space<semaphore_mem>>
      tpu.wait_indirect_dma semaphore(%dma_wait3A_319 : memref<!tpu.dma_semaphore, #tpu.memory_space<semaphore_mem>>) src(%dma_wait3A_317 : memref<10000x16xf32, #tpu.memory_space<vmem_shared>>) dst(%dma_wait3A_311 : memref<128x16xf32, #tpu.memory_space<vmem>>)
      %add3A_320 = arith.constant 1 : i32
      %add3A_321 = arith.addi %mul3A_49, %add3A_320 : i32
      %dma_start3A_322 = arith.constant 1 : i32
      %dma_start3A_323 = arith.constant 1 : i32
      %dma_start3A_324 = arith.constant 1 : i32
      %dma_start3A_325 = arith.constant 0 : i32
      %dma_start3A_326 = arith.constant 0 : i32
      %dma_start3A_327 = tpu.memref_slice %arg7[%dma_start3A_322, %dma_start3A_325, %dma_start3A_326] : memref<13x128x16xf32, #tpu.memory_space<vmem>> -> memref<1x128x16xf32, #tpu.memory_space<vmem>>
      %dma_start3A_328 = tpu.memref_squeeze %dma_start3A_327 : memref<1x128x16xf32, #tpu.memory_space<vmem>> -> memref<128x16xf32, #tpu.memory_space<vmem>>
      %dma_start3A_329 = arith.constant 0 : i32
      %dma_start3A_330 = tpu.memref_slice %arg6[%add3A_321, %dma_start3A_323, %dma_start3A_329] : memref<79x2x128xi32, #tpu.memory_space<vmem>> -> memref<1x1x128xi32, #tpu.memory_space<vmem>>
      %dma_start3A_331 = tpu.memref_squeeze %dma_start3A_330 : memref<1x1x128xi32, #tpu.memory_space<vmem>> -> memref<128xi32, #tpu.memory_space<vmem>>
      %dma_start3A_332 = arith.constant 0 : i32
      %dma_start3A_333 = arith.constant 0 : i32
      %dma_start3A_334 = tpu.memref_slice %arg8[%dma_start3A_332, %dma_start3A_333] : memref<10112x16xf32, #tpu.memory_space<vmem_shared>> -> memref<10112x16xf32, #tpu.memory_space<vmem_shared>>
      %dma_start3A_335 = tpu.memref_slice %arg11[%dma_start3A_324] : memref<13x!tpu.dma_semaphore, #tpu.memory_space<semaphore_mem>> -> memref<1x!tpu.dma_semaphore, #tpu.memory_space<semaphore_mem>>
      %dma_start3A_336 = tpu.memref_squeeze %dma_start3A_335 : memref<1x!tpu.dma_semaphore, #tpu.memory_space<semaphore_mem>> -> memref<!tpu.dma_semaphore, #tpu.memory_space<semaphore_mem>>
      tpu.enqueue_indirect_dma source(%dma_start3A_328 : memref<128x16xf32, #tpu.memory_space<vmem>>) target(%dma_start3A_334 : memref<10112x16xf32, #tpu.memory_space<vmem_shared>>) offsets(%dma_start3A_331 : memref<128xi32, #tpu.memory_space<vmem>>) semaphore(%dma_start3A_336 : memref<!tpu.dma_semaphore, #tpu.memory_space<semaphore_mem>>) {add = true}
      %add3A_337 = arith.constant 2 : i32
      %add3A_338 = arith.addi %mul3A_49, %add3A_337 : i32
      %dma_wait3A_339 = arith.constant 0 : i32
      %dma_wait3A_340 = arith.constant 2 : i32
      %dma_wait3A_341 = arith.constant 2 : i32
      %dma_wait3A_342 = arith.constant 0 : i32
      %dma_wait3A_343 = arith.constant 0 : i32
      %dma_wait3A_344 = tpu.memref_slice %arg7[%dma_wait3A_340, %dma_wait3A_342, %dma_wait3A_343] : memref<13x128x16xf32, #tpu.memory_space<vmem>> -> memref<1x128x16xf32, #tpu.memory_space<vmem>>
      %dma_wait3A_345 = tpu.memref_squeeze %dma_wait3A_344 : memref<1x128x16xf32, #tpu.memory_space<vmem>> -> memref<128x16xf32, #tpu.memory_space<vmem>>
      %dma_wait3A_346 = arith.constant 0 : i32
      %dma_wait3A_347 = tpu.memref_slice %arg6[%add3A_338, %dma_wait3A_339, %dma_wait3A_346] : memref<79x2x128xi32, #tpu.memory_space<vmem>> -> memref<1x1x128xi32, #tpu.memory_space<vmem>>
      %dma_wait3A_348 = tpu.memref_squeeze %dma_wait3A_347 : memref<1x1x128xi32, #tpu.memory_space<vmem>> -> memref<128xi32, #tpu.memory_space<vmem>>
      %dma_wait3A_349 = arith.constant 0 : i32
      %dma_wait3A_350 = arith.constant 0 : i32
      %dma_wait3A_351 = tpu.memref_slice %arg9[%dma_wait3A_349, %dma_wait3A_350] : memref<10000x16xf32, #tpu.memory_space<vmem_shared>> -> memref<10000x16xf32, #tpu.memory_space<vmem_shared>>
      %dma_wait3A_352 = tpu.memref_slice %arg10[%dma_wait3A_341] : memref<13x!tpu.dma_semaphore, #tpu.memory_space<semaphore_mem>> -> memref<1x!tpu.dma_semaphore, #tpu.memory_space<semaphore_mem>>
      %dma_wait3A_353 = tpu.memref_squeeze %dma_wait3A_352 : memref<1x!tpu.dma_semaphore, #tpu.memory_space<semaphore_mem>> -> memref<!tpu.dma_semaphore, #tpu.memory_space<semaphore_mem>>
      tpu.wait_indirect_dma semaphore(%dma_wait3A_353 : memref<!tpu.dma_semaphore, #tpu.memory_space<semaphore_mem>>) src(%dma_wait3A_351 : memref<10000x16xf32, #tpu.memory_space<vmem_shared>>) dst(%dma_wait3A_345 : memref<128x16xf32, #tpu.memory_space<vmem>>)
      %add3A_354 = arith.constant 2 : i32
      %add3A_355 = arith.addi %mul3A_49, %add3A_354 : i32
      %dma_start3A_356 = arith.constant 2 : i32
      %dma_start3A_357 = arith.constant 1 : i32
      %dma_start3A_358 = arith.constant 2 : i32
      %dma_start3A_359 = arith.constant 0 : i32
      %dma_start3A_360 = arith.constant 0 : i32
      %dma_start3A_361 = tpu.memref_slice %arg7[%dma_start3A_356, %dma_start3A_359, %dma_start3A_360] : memref<13x128x16xf32, #tpu.memory_space<vmem>> -> memref<1x128x16xf32, #tpu.memory_space<vmem>>
      %dma_start3A_362 = tpu.memref_squeeze %dma_start3A_361 : memref<1x128x16xf32, #tpu.memory_space<vmem>> -> memref<128x16xf32, #tpu.memory_space<vmem>>
      %dma_start3A_363 = arith.constant 0 : i32
      %dma_start3A_364 = tpu.memref_slice %arg6[%add3A_355, %dma_start3A_357, %dma_start3A_363] : memref<79x2x128xi32, #tpu.memory_space<vmem>> -> memref<1x1x128xi32, #tpu.memory_space<vmem>>
      %dma_start3A_365 = tpu.memref_squeeze %dma_start3A_364 : memref<1x1x128xi32, #tpu.memory_space<vmem>> -> memref<128xi32, #tpu.memory_space<vmem>>
      %dma_start3A_366 = arith.constant 0 : i32
      %dma_start3A_367 = arith.constant 0 : i32
      %dma_start3A_368 = tpu.memref_slice %arg8[%dma_start3A_366, %dma_start3A_367] : memref<10112x16xf32, #tpu.memory_space<vmem_shared>> -> memref<10112x16xf32, #tpu.memory_space<vmem_shared>>
      %dma_start3A_369 = tpu.memref_slice %arg11[%dma_start3A_358] : memref<13x!tpu.dma_semaphore, #tpu.memory_space<semaphore_mem>> -> memref<1x!tpu.dma_semaphore, #tpu.memory_space<semaphore_mem>>
      %dma_start3A_370 = tpu.memref_squeeze %dma_start3A_369 : memref<1x!tpu.dma_semaphore, #tpu.memory_space<semaphore_mem>> -> memref<!tpu.dma_semaphore, #tpu.memory_space<semaphore_mem>>
      tpu.enqueue_indirect_dma source(%dma_start3A_362 : memref<128x16xf32, #tpu.memory_space<vmem>>) target(%dma_start3A_368 : memref<10112x16xf32, #tpu.memory_space<vmem_shared>>) offsets(%dma_start3A_365 : memref<128xi32, #tpu.memory_space<vmem>>) semaphore(%dma_start3A_370 : memref<!tpu.dma_semaphore, #tpu.memory_space<semaphore_mem>>) {add = true}
      %add3A_371 = arith.constant 3 : i32
      %add3A_372 = arith.addi %mul3A_49, %add3A_371 : i32
      %dma_wait3A_373 = arith.constant 0 : i32
      %dma_wait3A_374 = arith.constant 3 : i32
      %dma_wait3A_375 = arith.constant 3 : i32
      %dma_wait3A_376 = arith.constant 0 : i32
      %dma_wait3A_377 = arith.constant 0 : i32
      %dma_wait3A_378 = tpu.memref_slice %arg7[%dma_wait3A_374, %dma_wait3A_376, %dma_wait3A_377] : memref<13x128x16xf32, #tpu.memory_space<vmem>> -> memref<1x128x16xf32, #tpu.memory_space<vmem>>
      %dma_wait3A_379 = tpu.memref_squeeze %dma_wait3A_378 : memref<1x128x16xf32, #tpu.memory_space<vmem>> -> memref<128x16xf32, #tpu.memory_space<vmem>>
      %dma_wait3A_380 = arith.constant 0 : i32
      %dma_wait3A_381 = tpu.memref_slice %arg6[%add3A_372, %dma_wait3A_373, %dma_wait3A_380] : memref<79x2x128xi32, #tpu.memory_space<vmem>> -> memref<1x1x128xi32, #tpu.memory_space<vmem>>
      %dma_wait3A_382 = tpu.memref_squeeze %dma_wait3A_381 : memref<1x1x128xi32, #tpu.memory_space<vmem>> -> memref<128xi32, #tpu.memory_space<vmem>>
      %dma_wait3A_383 = arith.constant 0 : i32
      %dma_wait3A_384 = arith.constant 0 : i32
      %dma_wait3A_385 = tpu.memref_slice %arg9[%dma_wait3A_383, %dma_wait3A_384] : memref<10000x16xf32, #tpu.memory_space<vmem_shared>> -> memref<10000x16xf32, #tpu.memory_space<vmem_shared>>
      %dma_wait3A_386 = tpu.memref_slice %arg10[%dma_wait3A_375] : memref<13x!tpu.dma_semaphore, #tpu.memory_space<semaphore_mem>> -> memref<1x!tpu.dma_semaphore, #tpu.memory_space<semaphore_mem>>
      %dma_wait3A_387 = tpu.memref_squeeze %dma_wait3A_386 : memref<1x!tpu.dma_semaphore, #tpu.memory_space<semaphore_mem>> -> memref<!tpu.dma_semaphore, #tpu.memory_space<semaphore_mem>>
      tpu.wait_indirect_dma semaphore(%dma_wait3A_387 : memref<!tpu.dma_semaphore, #tpu.memory_space<semaphore_mem>>) src(%dma_wait3A_385 : memref<10000x16xf32, #tpu.memory_space<vmem_shared>>) dst(%dma_wait3A_379 : memref<128x16xf32, #tpu.memory_space<vmem>>)
      %add3A_388 = arith.constant 3 : i32
      %add3A_389 = arith.addi %mul3A_49, %add3A_388 : i32
      %dma_start3A_390 = arith.constant 3 : i32
      %dma_start3A_391 = arith.constant 1 : i32
      %dma_start3A_392 = arith.constant 3 : i32
      %dma_start3A_393 = arith.constant 0 : i32
      %dma_start3A_394 = arith.constant 0 : i32
      %dma_start3A_395 = tpu.memref_slice %arg7[%dma_start3A_390, %dma_start3A_393, %dma_start3A_394] : memref<13x128x16xf32, #tpu.memory_space<vmem>> -> memref<1x128x16xf32, #tpu.memory_space<vmem>>
      %dma_start3A_396 = tpu.memref_squeeze %dma_start3A_395 : memref<1x128x16xf32, #tpu.memory_space<vmem>> -> memref<128x16xf32, #tpu.memory_space<vmem>>
      %dma_start3A_397 = arith.constant 0 : i32
      %dma_start3A_398 = tpu.memref_slice %arg6[%add3A_389, %dma_start3A_391, %dma_start3A_397] : memref<79x2x128xi32, #tpu.memory_space<vmem>> -> memref<1x1x128xi32, #tpu.memory_space<vmem>>
      %dma_start3A_399 = tpu.memref_squeeze %dma_start3A_398 : memref<1x1x128xi32, #tpu.memory_space<vmem>> -> memref<128xi32, #tpu.memory_space<vmem>>
      %dma_start3A_400 = arith.constant 0 : i32
      %dma_start3A_401 = arith.constant 0 : i32
      %dma_start3A_402 = tpu.memref_slice %arg8[%dma_start3A_400, %dma_start3A_401] : memref<10112x16xf32, #tpu.memory_space<vmem_shared>> -> memref<10112x16xf32, #tpu.memory_space<vmem_shared>>
      %dma_start3A_403 = tpu.memref_slice %arg11[%dma_start3A_392] : memref<13x!tpu.dma_semaphore, #tpu.memory_space<semaphore_mem>> -> memref<1x!tpu.dma_semaphore, #tpu.memory_space<semaphore_mem>>
      %dma_start3A_404 = tpu.memref_squeeze %dma_start3A_403 : memref<1x!tpu.dma_semaphore, #tpu.memory_space<semaphore_mem>> -> memref<!tpu.dma_semaphore, #tpu.memory_space<semaphore_mem>>
      tpu.enqueue_indirect_dma source(%dma_start3A_396 : memref<128x16xf32, #tpu.memory_space<vmem>>) target(%dma_start3A_402 : memref<10112x16xf32, #tpu.memory_space<vmem_shared>>) offsets(%dma_start3A_399 : memref<128xi32, #tpu.memory_space<vmem>>) semaphore(%dma_start3A_404 : memref<!tpu.dma_semaphore, #tpu.memory_space<semaphore_mem>>) {add = true}
      %add3A_405 = arith.constant 4 : i32
      %add3A_406 = arith.addi %mul3A_49, %add3A_405 : i32
      %dma_wait3A_407 = arith.constant 0 : i32
      %dma_wait3A_408 = arith.constant 4 : i32
      %dma_wait3A_409 = arith.constant 4 : i32
      %dma_wait3A_410 = arith.constant 0 : i32
      %dma_wait3A_411 = arith.constant 0 : i32
      %dma_wait3A_412 = tpu.memref_slice %arg7[%dma_wait3A_408, %dma_wait3A_410, %dma_wait3A_411] : memref<13x128x16xf32, #tpu.memory_space<vmem>> -> memref<1x128x16xf32, #tpu.memory_space<vmem>>
      %dma_wait3A_413 = tpu.memref_squeeze %dma_wait3A_412 : memref<1x128x16xf32, #tpu.memory_space<vmem>> -> memref<128x16xf32, #tpu.memory_space<vmem>>
      %dma_wait3A_414 = arith.constant 0 : i32
      %dma_wait3A_415 = tpu.memref_slice %arg6[%add3A_406, %dma_wait3A_407, %dma_wait3A_414] : memref<79x2x128xi32, #tpu.memory_space<vmem>> -> memref<1x1x128xi32, #tpu.memory_space<vmem>>
      %dma_wait3A_416 = tpu.memref_squeeze %dma_wait3A_415 : memref<1x1x128xi32, #tpu.memory_space<vmem>> -> memref<128xi32, #tpu.memory_space<vmem>>
      %dma_wait3A_417 = arith.constant 0 : i32
      %dma_wait3A_418 = arith.constant 0 : i32
      %dma_wait3A_419 = tpu.memref_slice %arg9[%dma_wait3A_417, %dma_wait3A_418] : memref<10000x16xf32, #tpu.memory_space<vmem_shared>> -> memref<10000x16xf32, #tpu.memory_space<vmem_shared>>
      %dma_wait3A_420 = tpu.memref_slice %arg10[%dma_wait3A_409] : memref<13x!tpu.dma_semaphore, #tpu.memory_space<semaphore_mem>> -> memref<1x!tpu.dma_semaphore, #tpu.memory_space<semaphore_mem>>
      %dma_wait3A_421 = tpu.memref_squeeze %dma_wait3A_420 : memref<1x!tpu.dma_semaphore, #tpu.memory_space<semaphore_mem>> -> memref<!tpu.dma_semaphore, #tpu.memory_space<semaphore_mem>>
      tpu.wait_indirect_dma semaphore(%dma_wait3A_421 : memref<!tpu.dma_semaphore, #tpu.memory_space<semaphore_mem>>) src(%dma_wait3A_419 : memref<10000x16xf32, #tpu.memory_space<vmem_shared>>) dst(%dma_wait3A_413 : memref<128x16xf32, #tpu.memory_space<vmem>>)
      %add3A_422 = arith.constant 4 : i32
      %add3A_423 = arith.addi %mul3A_49, %add3A_422 : i32
      %dma_start3A_424 = arith.constant 4 : i32
      %dma_start3A_425 = arith.constant 1 : i32
      %dma_start3A_426 = arith.constant 4 : i32
      %dma_start3A_427 = arith.constant 0 : i32
      %dma_start3A_428 = arith.constant 0 : i32
      %dma_start3A_429 = tpu.memref_slice %arg7[%dma_start3A_424, %dma_start3A_427, %dma_start3A_428] : memref<13x128x16xf32, #tpu.memory_space<vmem>> -> memref<1x128x16xf32, #tpu.memory_space<vmem>>
      %dma_start3A_430 = tpu.memref_squeeze %dma_start3A_429 : memref<1x128x16xf32, #tpu.memory_space<vmem>> -> memref<128x16xf32, #tpu.memory_space<vmem>>
      %dma_start3A_431 = arith.constant 0 : i32
      %dma_start3A_432 = tpu.memref_slice %arg6[%add3A_423, %dma_start3A_425, %dma_start3A_431] : memref<79x2x128xi32, #tpu.memory_space<vmem>> -> memref<1x1x128xi32, #tpu.memory_space<vmem>>
      %dma_start3A_433 = tpu.memref_squeeze %dma_start3A_432 : memref<1x1x128xi32, #tpu.memory_space<vmem>> -> memref<128xi32, #tpu.memory_space<vmem>>
      %dma_start3A_434 = arith.constant 0 : i32
      %dma_start3A_435 = arith.constant 0 : i32
      %dma_start3A_436 = tpu.memref_slice %arg8[%dma_start3A_434, %dma_start3A_435] : memref<10112x16xf32, #tpu.memory_space<vmem_shared>> -> memref<10112x16xf32, #tpu.memory_space<vmem_shared>>
      %dma_start3A_437 = tpu.memref_slice %arg11[%dma_start3A_426] : memref<13x!tpu.dma_semaphore, #tpu.memory_space<semaphore_mem>> -> memref<1x!tpu.dma_semaphore, #tpu.memory_space<semaphore_mem>>
      %dma_start3A_438 = tpu.memref_squeeze %dma_start3A_437 : memref<1x!tpu.dma_semaphore, #tpu.memory_space<semaphore_mem>> -> memref<!tpu.dma_semaphore, #tpu.memory_space<semaphore_mem>>
      tpu.enqueue_indirect_dma source(%dma_start3A_430 : memref<128x16xf32, #tpu.memory_space<vmem>>) target(%dma_start3A_436 : memref<10112x16xf32, #tpu.memory_space<vmem_shared>>) offsets(%dma_start3A_433 : memref<128xi32, #tpu.memory_space<vmem>>) semaphore(%dma_start3A_438 : memref<!tpu.dma_semaphore, #tpu.memory_space<semaphore_mem>>) {add = true}
      %add3A_439 = arith.constant 5 : i32
      %add3A_440 = arith.addi %mul3A_49, %add3A_439 : i32
      %dma_wait3A_441 = arith.constant 0 : i32
      %dma_wait3A_442 = arith.constant 5 : i32
      %dma_wait3A_443 = arith.constant 5 : i32
      %dma_wait3A_444 = arith.constant 0 : i32
      %dma_wait3A_445 = arith.constant 0 : i32
      %dma_wait3A_446 = tpu.memref_slice %arg7[%dma_wait3A_442, %dma_wait3A_444, %dma_wait3A_445] : memref<13x128x16xf32, #tpu.memory_space<vmem>> -> memref<1x128x16xf32, #tpu.memory_space<vmem>>
      %dma_wait3A_447 = tpu.memref_squeeze %dma_wait3A_446 : memref<1x128x16xf32, #tpu.memory_space<vmem>> -> memref<128x16xf32, #tpu.memory_space<vmem>>
      %dma_wait3A_448 = arith.constant 0 : i32
      %dma_wait3A_449 = tpu.memref_slice %arg6[%add3A_440, %dma_wait3A_441, %dma_wait3A_448] : memref<79x2x128xi32, #tpu.memory_space<vmem>> -> memref<1x1x128xi32, #tpu.memory_space<vmem>>
      %dma_wait3A_450 = tpu.memref_squeeze %dma_wait3A_449 : memref<1x1x128xi32, #tpu.memory_space<vmem>> -> memref<128xi32, #tpu.memory_space<vmem>>
      %dma_wait3A_451 = arith.constant 0 : i32
      %dma_wait3A_452 = arith.constant 0 : i32
      %dma_wait3A_453 = tpu.memref_slice %arg9[%dma_wait3A_451, %dma_wait3A_452] : memref<10000x16xf32, #tpu.memory_space<vmem_shared>> -> memref<10000x16xf32, #tpu.memory_space<vmem_shared>>
      %dma_wait3A_454 = tpu.memref_slice %arg10[%dma_wait3A_443] : memref<13x!tpu.dma_semaphore, #tpu.memory_space<semaphore_mem>> -> memref<1x!tpu.dma_semaphore, #tpu.memory_space<semaphore_mem>>
      %dma_wait3A_455 = tpu.memref_squeeze %dma_wait3A_454 : memref<1x!tpu.dma_semaphore, #tpu.memory_space<semaphore_mem>> -> memref<!tpu.dma_semaphore, #tpu.memory_space<semaphore_mem>>
      tpu.wait_indirect_dma semaphore(%dma_wait3A_455 : memref<!tpu.dma_semaphore, #tpu.memory_space<semaphore_mem>>) src(%dma_wait3A_453 : memref<10000x16xf32, #tpu.memory_space<vmem_shared>>) dst(%dma_wait3A_447 : memref<128x16xf32, #tpu.memory_space<vmem>>)
      %add3A_456 = arith.constant 5 : i32
      %add3A_457 = arith.addi %mul3A_49, %add3A_456 : i32
      %dma_start3A_458 = arith.constant 5 : i32
      %dma_start3A_459 = arith.constant 1 : i32
      %dma_start3A_460 = arith.constant 5 : i32
      %dma_start3A_461 = arith.constant 0 : i32
      %dma_start3A_462 = arith.constant 0 : i32
      %dma_start3A_463 = tpu.memref_slice %arg7[%dma_start3A_458, %dma_start3A_461, %dma_start3A_462] : memref<13x128x16xf32, #tpu.memory_space<vmem>> -> memref<1x128x16xf32, #tpu.memory_space<vmem>>
      %dma_start3A_464 = tpu.memref_squeeze %dma_start3A_463 : memref<1x128x16xf32, #tpu.memory_space<vmem>> -> memref<128x16xf32, #tpu.memory_space<vmem>>
      %dma_start3A_465 = arith.constant 0 : i32
      %dma_start3A_466 = tpu.memref_slice %arg6[%add3A_457, %dma_start3A_459, %dma_start3A_465] : memref<79x2x128xi32, #tpu.memory_space<vmem>> -> memref<1x1x128xi32, #tpu.memory_space<vmem>>
      %dma_start3A_467 = tpu.memref_squeeze %dma_start3A_466 : memref<1x1x128xi32, #tpu.memory_space<vmem>> -> memref<128xi32, #tpu.memory_space<vmem>>
      %dma_start3A_468 = arith.constant 0 : i32
      %dma_start3A_469 = arith.constant 0 : i32
      %dma_start3A_470 = tpu.memref_slice %arg8[%dma_start3A_468, %dma_start3A_469] : memref<10112x16xf32, #tpu.memory_space<vmem_shared>> -> memref<10112x16xf32, #tpu.memory_space<vmem_shared>>
      %dma_start3A_471 = tpu.memref_slice %arg11[%dma_start3A_460] : memref<13x!tpu.dma_semaphore, #tpu.memory_space<semaphore_mem>> -> memref<1x!tpu.dma_semaphore, #tpu.memory_space<semaphore_mem>>
      %dma_start3A_472 = tpu.memref_squeeze %dma_start3A_471 : memref<1x!tpu.dma_semaphore, #tpu.memory_space<semaphore_mem>> -> memref<!tpu.dma_semaphore, #tpu.memory_space<semaphore_mem>>
      tpu.enqueue_indirect_dma source(%dma_start3A_464 : memref<128x16xf32, #tpu.memory_space<vmem>>) target(%dma_start3A_470 : memref<10112x16xf32, #tpu.memory_space<vmem_shared>>) offsets(%dma_start3A_467 : memref<128xi32, #tpu.memory_space<vmem>>) semaphore(%dma_start3A_472 : memref<!tpu.dma_semaphore, #tpu.memory_space<semaphore_mem>>) {add = true}
      %add3A_473 = arith.constant 6 : i32
      %add3A_474 = arith.addi %mul3A_49, %add3A_473 : i32
      %dma_wait3A_475 = arith.constant 0 : i32
      %dma_wait3A_476 = arith.constant 6 : i32
      %dma_wait3A_477 = arith.constant 6 : i32
      %dma_wait3A_478 = arith.constant 0 : i32
      %dma_wait3A_479 = arith.constant 0 : i32
      %dma_wait3A_480 = tpu.memref_slice %arg7[%dma_wait3A_476, %dma_wait3A_478, %dma_wait3A_479] : memref<13x128x16xf32, #tpu.memory_space<vmem>> -> memref<1x128x16xf32, #tpu.memory_space<vmem>>
      %dma_wait3A_481 = tpu.memref_squeeze %dma_wait3A_480 : memref<1x128x16xf32, #tpu.memory_space<vmem>> -> memref<128x16xf32, #tpu.memory_space<vmem>>
      %dma_wait3A_482 = arith.constant 0 : i32
      %dma_wait3A_483 = tpu.memref_slice %arg6[%add3A_474, %dma_wait3A_475, %dma_wait3A_482] : memref<79x2x128xi32, #tpu.memory_space<vmem>> -> memref<1x1x128xi32, #tpu.memory_space<vmem>>
      %dma_wait3A_484 = tpu.memref_squeeze %dma_wait3A_483 : memref<1x1x128xi32, #tpu.memory_space<vmem>> -> memref<128xi32, #tpu.memory_space<vmem>>
      %dma_wait3A_485 = arith.constant 0 : i32
      %dma_wait3A_486 = arith.constant 0 : i32
      %dma_wait3A_487 = tpu.memref_slice %arg9[%dma_wait3A_485, %dma_wait3A_486] : memref<10000x16xf32, #tpu.memory_space<vmem_shared>> -> memref<10000x16xf32, #tpu.memory_space<vmem_shared>>
      %dma_wait3A_488 = tpu.memref_slice %arg10[%dma_wait3A_477] : memref<13x!tpu.dma_semaphore, #tpu.memory_space<semaphore_mem>> -> memref<1x!tpu.dma_semaphore, #tpu.memory_space<semaphore_mem>>
      %dma_wait3A_489 = tpu.memref_squeeze %dma_wait3A_488 : memref<1x!tpu.dma_semaphore, #tpu.memory_space<semaphore_mem>> -> memref<!tpu.dma_semaphore, #tpu.memory_space<semaphore_mem>>
      tpu.wait_indirect_dma semaphore(%dma_wait3A_489 : memref<!tpu.dma_semaphore, #tpu.memory_space<semaphore_mem>>) src(%dma_wait3A_487 : memref<10000x16xf32, #tpu.memory_space<vmem_shared>>) dst(%dma_wait3A_481 : memref<128x16xf32, #tpu.memory_space<vmem>>)
      %add3A_490 = arith.constant 6 : i32
      %add3A_491 = arith.addi %mul3A_49, %add3A_490 : i32
      %dma_start3A_492 = arith.constant 6 : i32
      %dma_start3A_493 = arith.constant 1 : i32
      %dma_start3A_494 = arith.constant 6 : i32
      %dma_start3A_495 = arith.constant 0 : i32
      %dma_start3A_496 = arith.constant 0 : i32
      %dma_start3A_497 = tpu.memref_slice %arg7[%dma_start3A_492, %dma_start3A_495, %dma_start3A_496] : memref<13x128x16xf32, #tpu.memory_space<vmem>> -> memref<1x128x16xf32, #tpu.memory_space<vmem>>
      %dma_start3A_498 = tpu.memref_squeeze %dma_start3A_497 : memref<1x128x16xf32, #tpu.memory_space<vmem>> -> memref<128x16xf32, #tpu.memory_space<vmem>>
      %dma_start3A_499 = arith.constant 0 : i32
      %dma_start3A_500 = tpu.memref_slice %arg6[%add3A_491, %dma_start3A_493, %dma_start3A_499] : memref<79x2x128xi32, #tpu.memory_space<vmem>> -> memref<1x1x128xi32, #tpu.memory_space<vmem>>
      %dma_start3A_501 = tpu.memref_squeeze %dma_start3A_500 : memref<1x1x128xi32, #tpu.memory_space<vmem>> -> memref<128xi32, #tpu.memory_space<vmem>>
      %dma_start3A_502 = arith.constant 0 : i32
      %dma_start3A_503 = arith.constant 0 : i32
      %dma_start3A_504 = tpu.memref_slice %arg8[%dma_start3A_502, %dma_start3A_503] : memref<10112x16xf32, #tpu.memory_space<vmem_shared>> -> memref<10112x16xf32, #tpu.memory_space<vmem_shared>>
      %dma_start3A_505 = tpu.memref_slice %arg11[%dma_start3A_494] : memref<13x!tpu.dma_semaphore, #tpu.memory_space<semaphore_mem>> -> memref<1x!tpu.dma_semaphore, #tpu.memory_space<semaphore_mem>>
      %dma_start3A_506 = tpu.memref_squeeze %dma_start3A_505 : memref<1x!tpu.dma_semaphore, #tpu.memory_space<semaphore_mem>> -> memref<!tpu.dma_semaphore, #tpu.memory_space<semaphore_mem>>
      tpu.enqueue_indirect_dma source(%dma_start3A_498 : memref<128x16xf32, #tpu.memory_space<vmem>>) target(%dma_start3A_504 : memref<10112x16xf32, #tpu.memory_space<vmem_shared>>) offsets(%dma_start3A_501 : memref<128xi32, #tpu.memory_space<vmem>>) semaphore(%dma_start3A_506 : memref<!tpu.dma_semaphore, #tpu.memory_space<semaphore_mem>>) {add = true}
      %add3A_507 = arith.constant 7 : i32
      %add3A_508 = arith.addi %mul3A_49, %add3A_507 : i32
      %dma_wait3A_509 = arith.constant 0 : i32
      %dma_wait3A_510 = arith.constant 7 : i32
      %dma_wait3A_511 = arith.constant 7 : i32
      %dma_wait3A_512 = arith.constant 0 : i32
      %dma_wait3A_513 = arith.constant 0 : i32
      %dma_wait3A_514 = tpu.memref_slice %arg7[%dma_wait3A_510, %dma_wait3A_512, %dma_wait3A_513] : memref<13x128x16xf32, #tpu.memory_space<vmem>> -> memref<1x128x16xf32, #tpu.memory_space<vmem>>
      %dma_wait3A_515 = tpu.memref_squeeze %dma_wait3A_514 : memref<1x128x16xf32, #tpu.memory_space<vmem>> -> memref<128x16xf32, #tpu.memory_space<vmem>>
      %dma_wait3A_516 = arith.constant 0 : i32
      %dma_wait3A_517 = tpu.memref_slice %arg6[%add3A_508, %dma_wait3A_509, %dma_wait3A_516] : memref<79x2x128xi32, #tpu.memory_space<vmem>> -> memref<1x1x128xi32, #tpu.memory_space<vmem>>
      %dma_wait3A_518 = tpu.memref_squeeze %dma_wait3A_517 : memref<1x1x128xi32, #tpu.memory_space<vmem>> -> memref<128xi32, #tpu.memory_space<vmem>>
      %dma_wait3A_519 = arith.constant 0 : i32
      %dma_wait3A_520 = arith.constant 0 : i32
      %dma_wait3A_521 = tpu.memref_slice %arg9[%dma_wait3A_519, %dma_wait3A_520] : memref<10000x16xf32, #tpu.memory_space<vmem_shared>> -> memref<10000x16xf32, #tpu.memory_space<vmem_shared>>
      %dma_wait3A_522 = tpu.memref_slice %arg10[%dma_wait3A_511] : memref<13x!tpu.dma_semaphore, #tpu.memory_space<semaphore_mem>> -> memref<1x!tpu.dma_semaphore, #tpu.memory_space<semaphore_mem>>
      %dma_wait3A_523 = tpu.memref_squeeze %dma_wait3A_522 : memref<1x!tpu.dma_semaphore, #tpu.memory_space<semaphore_mem>> -> memref<!tpu.dma_semaphore, #tpu.memory_space<semaphore_mem>>
      tpu.wait_indirect_dma semaphore(%dma_wait3A_523 : memref<!tpu.dma_semaphore, #tpu.memory_space<semaphore_mem>>) src(%dma_wait3A_521 : memref<10000x16xf32, #tpu.memory_space<vmem_shared>>) dst(%dma_wait3A_515 : memref<128x16xf32, #tpu.memory_space<vmem>>)
      %add3A_524 = arith.constant 7 : i32
      %add3A_525 = arith.addi %mul3A_49, %add3A_524 : i32
      %dma_start3A_526 = arith.constant 7 : i32
      %dma_start3A_527 = arith.constant 1 : i32
      %dma_start3A_528 = arith.constant 7 : i32
      %dma_start3A_529 = arith.constant 0 : i32
      %dma_start3A_530 = arith.constant 0 : i32
      %dma_start3A_531 = tpu.memref_slice %arg7[%dma_start3A_526, %dma_start3A_529, %dma_start3A_530] : memref<13x128x16xf32, #tpu.memory_space<vmem>> -> memref<1x128x16xf32, #tpu.memory_space<vmem>>
      %dma_start3A_532 = tpu.memref_squeeze %dma_start3A_531 : memref<1x128x16xf32, #tpu.memory_space<vmem>> -> memref<128x16xf32, #tpu.memory_space<vmem>>
      %dma_start3A_533 = arith.constant 0 : i32
      %dma_start3A_534 = tpu.memref_slice %arg6[%add3A_525, %dma_start3A_527, %dma_start3A_533] : memref<79x2x128xi32, #tpu.memory_space<vmem>> -> memref<1x1x128xi32, #tpu.memory_space<vmem>>
      %dma_start3A_535 = tpu.memref_squeeze %dma_start3A_534 : memref<1x1x128xi32, #tpu.memory_space<vmem>> -> memref<128xi32, #tpu.memory_space<vmem>>
      %dma_start3A_536 = arith.constant 0 : i32
      %dma_start3A_537 = arith.constant 0 : i32
      %dma_start3A_538 = tpu.memref_slice %arg8[%dma_start3A_536, %dma_start3A_537] : memref<10112x16xf32, #tpu.memory_space<vmem_shared>> -> memref<10112x16xf32, #tpu.memory_space<vmem_shared>>
      %dma_start3A_539 = tpu.memref_slice %arg11[%dma_start3A_528] : memref<13x!tpu.dma_semaphore, #tpu.memory_space<semaphore_mem>> -> memref<1x!tpu.dma_semaphore, #tpu.memory_space<semaphore_mem>>
      %dma_start3A_540 = tpu.memref_squeeze %dma_start3A_539 : memref<1x!tpu.dma_semaphore, #tpu.memory_space<semaphore_mem>> -> memref<!tpu.dma_semaphore, #tpu.memory_space<semaphore_mem>>
      tpu.enqueue_indirect_dma source(%dma_start3A_532 : memref<128x16xf32, #tpu.memory_space<vmem>>) target(%dma_start3A_538 : memref<10112x16xf32, #tpu.memory_space<vmem_shared>>) offsets(%dma_start3A_535 : memref<128xi32, #tpu.memory_space<vmem>>) semaphore(%dma_start3A_540 : memref<!tpu.dma_semaphore, #tpu.memory_space<semaphore_mem>>) {add = true}
      %add3A_541 = arith.constant 8 : i32
      %add3A_542 = arith.addi %mul3A_49, %add3A_541 : i32
      %dma_wait3A_543 = arith.constant 0 : i32
      %dma_wait3A_544 = arith.constant 8 : i32
      %dma_wait3A_545 = arith.constant 8 : i32
      %dma_wait3A_546 = arith.constant 0 : i32
      %dma_wait3A_547 = arith.constant 0 : i32
      %dma_wait3A_548 = tpu.memref_slice %arg7[%dma_wait3A_544, %dma_wait3A_546, %dma_wait3A_547] : memref<13x128x16xf32, #tpu.memory_space<vmem>> -> memref<1x128x16xf32, #tpu.memory_space<vmem>>
      %dma_wait3A_549 = tpu.memref_squeeze %dma_wait3A_548 : memref<1x128x16xf32, #tpu.memory_space<vmem>> -> memref<128x16xf32, #tpu.memory_space<vmem>>
      %dma_wait3A_550 = arith.constant 0 : i32
      %dma_wait3A_551 = tpu.memref_slice %arg6[%add3A_542, %dma_wait3A_543, %dma_wait3A_550] : memref<79x2x128xi32, #tpu.memory_space<vmem>> -> memref<1x1x128xi32, #tpu.memory_space<vmem>>
      %dma_wait3A_552 = tpu.memref_squeeze %dma_wait3A_551 : memref<1x1x128xi32, #tpu.memory_space<vmem>> -> memref<128xi32, #tpu.memory_space<vmem>>
      %dma_wait3A_553 = arith.constant 0 : i32
      %dma_wait3A_554 = arith.constant 0 : i32
      %dma_wait3A_555 = tpu.memref_slice %arg9[%dma_wait3A_553, %dma_wait3A_554] : memref<10000x16xf32, #tpu.memory_space<vmem_shared>> -> memref<10000x16xf32, #tpu.memory_space<vmem_shared>>
      %dma_wait3A_556 = tpu.memref_slice %arg10[%dma_wait3A_545] : memref<13x!tpu.dma_semaphore, #tpu.memory_space<semaphore_mem>> -> memref<1x!tpu.dma_semaphore, #tpu.memory_space<semaphore_mem>>
      %dma_wait3A_557 = tpu.memref_squeeze %dma_wait3A_556 : memref<1x!tpu.dma_semaphore, #tpu.memory_space<semaphore_mem>> -> memref<!tpu.dma_semaphore, #tpu.memory_space<semaphore_mem>>
      tpu.wait_indirect_dma semaphore(%dma_wait3A_557 : memref<!tpu.dma_semaphore, #tpu.memory_space<semaphore_mem>>) src(%dma_wait3A_555 : memref<10000x16xf32, #tpu.memory_space<vmem_shared>>) dst(%dma_wait3A_549 : memref<128x16xf32, #tpu.memory_space<vmem>>)
      %add3A_558 = arith.constant 8 : i32
      %add3A_559 = arith.addi %mul3A_49, %add3A_558 : i32
      %dma_start3A_560 = arith.constant 8 : i32
      %dma_start3A_561 = arith.constant 1 : i32
      %dma_start3A_562 = arith.constant 8 : i32
      %dma_start3A_563 = arith.constant 0 : i32
      %dma_start3A_564 = arith.constant 0 : i32
      %dma_start3A_565 = tpu.memref_slice %arg7[%dma_start3A_560, %dma_start3A_563, %dma_start3A_564] : memref<13x128x16xf32, #tpu.memory_space<vmem>> -> memref<1x128x16xf32, #tpu.memory_space<vmem>>
      %dma_start3A_566 = tpu.memref_squeeze %dma_start3A_565 : memref<1x128x16xf32, #tpu.memory_space<vmem>> -> memref<128x16xf32, #tpu.memory_space<vmem>>
      %dma_start3A_567 = arith.constant 0 : i32
      %dma_start3A_568 = tpu.memref_slice %arg6[%add3A_559, %dma_start3A_561, %dma_start3A_567] : memref<79x2x128xi32, #tpu.memory_space<vmem>> -> memref<1x1x128xi32, #tpu.memory_space<vmem>>
      %dma_start3A_569 = tpu.memref_squeeze %dma_start3A_568 : memref<1x1x128xi32, #tpu.memory_space<vmem>> -> memref<128xi32, #tpu.memory_space<vmem>>
      %dma_start3A_570 = arith.constant 0 : i32
      %dma_start3A_571 = arith.constant 0 : i32
      %dma_start3A_572 = tpu.memref_slice %arg8[%dma_start3A_570, %dma_start3A_571] : memref<10112x16xf32, #tpu.memory_space<vmem_shared>> -> memref<10112x16xf32, #tpu.memory_space<vmem_shared>>
      %dma_start3A_573 = tpu.memref_slice %arg11[%dma_start3A_562] : memref<13x!tpu.dma_semaphore, #tpu.memory_space<semaphore_mem>> -> memref<1x!tpu.dma_semaphore, #tpu.memory_space<semaphore_mem>>
      %dma_start3A_574 = tpu.memref_squeeze %dma_start3A_573 : memref<1x!tpu.dma_semaphore, #tpu.memory_space<semaphore_mem>> -> memref<!tpu.dma_semaphore, #tpu.memory_space<semaphore_mem>>
      tpu.enqueue_indirect_dma source(%dma_start3A_566 : memref<128x16xf32, #tpu.memory_space<vmem>>) target(%dma_start3A_572 : memref<10112x16xf32, #tpu.memory_space<vmem_shared>>) offsets(%dma_start3A_569 : memref<128xi32, #tpu.memory_space<vmem>>) semaphore(%dma_start3A_574 : memref<!tpu.dma_semaphore, #tpu.memory_space<semaphore_mem>>) {add = true}
      %add3A_575 = arith.constant 9 : i32
      %add3A_576 = arith.addi %mul3A_49, %add3A_575 : i32
      %dma_wait3A_577 = arith.constant 0 : i32
      %dma_wait3A_578 = arith.constant 9 : i32
      %dma_wait3A_579 = arith.constant 9 : i32
      %dma_wait3A_580 = arith.constant 0 : i32
      %dma_wait3A_581 = arith.constant 0 : i32
      %dma_wait3A_582 = tpu.memref_slice %arg7[%dma_wait3A_578, %dma_wait3A_580, %dma_wait3A_581] : memref<13x128x16xf32, #tpu.memory_space<vmem>> -> memref<1x128x16xf32, #tpu.memory_space<vmem>>
      %dma_wait3A_583 = tpu.memref_squeeze %dma_wait3A_582 : memref<1x128x16xf32, #tpu.memory_space<vmem>> -> memref<128x16xf32, #tpu.memory_space<vmem>>
      %dma_wait3A_584 = arith.constant 0 : i32
      %dma_wait3A_585 = tpu.memref_slice %arg6[%add3A_576, %dma_wait3A_577, %dma_wait3A_584] : memref<79x2x128xi32, #tpu.memory_space<vmem>> -> memref<1x1x128xi32, #tpu.memory_space<vmem>>
      %dma_wait3A_586 = tpu.memref_squeeze %dma_wait3A_585 : memref<1x1x128xi32, #tpu.memory_space<vmem>> -> memref<128xi32, #tpu.memory_space<vmem>>
      %dma_wait3A_587 = arith.constant 0 : i32
      %dma_wait3A_588 = arith.constant 0 : i32
      %dma_wait3A_589 = tpu.memref_slice %arg9[%dma_wait3A_587, %dma_wait3A_588] : memref<10000x16xf32, #tpu.memory_space<vmem_shared>> -> memref<10000x16xf32, #tpu.memory_space<vmem_shared>>
      %dma_wait3A_590 = tpu.memref_slice %arg10[%dma_wait3A_579] : memref<13x!tpu.dma_semaphore, #tpu.memory_space<semaphore_mem>> -> memref<1x!tpu.dma_semaphore, #tpu.memory_space<semaphore_mem>>
      %dma_wait3A_591 = tpu.memref_squeeze %dma_wait3A_590 : memref<1x!tpu.dma_semaphore, #tpu.memory_space<semaphore_mem>> -> memref<!tpu.dma_semaphore, #tpu.memory_space<semaphore_mem>>
      tpu.wait_indirect_dma semaphore(%dma_wait3A_591 : memref<!tpu.dma_semaphore, #tpu.memory_space<semaphore_mem>>) src(%dma_wait3A_589 : memref<10000x16xf32, #tpu.memory_space<vmem_shared>>) dst(%dma_wait3A_583 : memref<128x16xf32, #tpu.memory_space<vmem>>)
      %add3A_592 = arith.constant 9 : i32
      %add3A_593 = arith.addi %mul3A_49, %add3A_592 : i32
      %dma_start3A_594 = arith.constant 9 : i32
      %dma_start3A_595 = arith.constant 1 : i32
      %dma_start3A_596 = arith.constant 9 : i32
      %dma_start3A_597 = arith.constant 0 : i32
      %dma_start3A_598 = arith.constant 0 : i32
      %dma_start3A_599 = tpu.memref_slice %arg7[%dma_start3A_594, %dma_start3A_597, %dma_start3A_598] : memref<13x128x16xf32, #tpu.memory_space<vmem>> -> memref<1x128x16xf32, #tpu.memory_space<vmem>>
      %dma_start3A_600 = tpu.memref_squeeze %dma_start3A_599 : memref<1x128x16xf32, #tpu.memory_space<vmem>> -> memref<128x16xf32, #tpu.memory_space<vmem>>
      %dma_start3A_601 = arith.constant 0 : i32
      %dma_start3A_602 = tpu.memref_slice %arg6[%add3A_593, %dma_start3A_595, %dma_start3A_601] : memref<79x2x128xi32, #tpu.memory_space<vmem>> -> memref<1x1x128xi32, #tpu.memory_space<vmem>>
      %dma_start3A_603 = tpu.memref_squeeze %dma_start3A_602 : memref<1x1x128xi32, #tpu.memory_space<vmem>> -> memref<128xi32, #tpu.memory_space<vmem>>
      %dma_start3A_604 = arith.constant 0 : i32
      %dma_start3A_605 = arith.constant 0 : i32
      %dma_start3A_606 = tpu.memref_slice %arg8[%dma_start3A_604, %dma_start3A_605] : memref<10112x16xf32, #tpu.memory_space<vmem_shared>> -> memref<10112x16xf32, #tpu.memory_space<vmem_shared>>
      %dma_start3A_607 = tpu.memref_slice %arg11[%dma_start3A_596] : memref<13x!tpu.dma_semaphore, #tpu.memory_space<semaphore_mem>> -> memref<1x!tpu.dma_semaphore, #tpu.memory_space<semaphore_mem>>
      %dma_start3A_608 = tpu.memref_squeeze %dma_start3A_607 : memref<1x!tpu.dma_semaphore, #tpu.memory_space<semaphore_mem>> -> memref<!tpu.dma_semaphore, #tpu.memory_space<semaphore_mem>>
      tpu.enqueue_indirect_dma source(%dma_start3A_600 : memref<128x16xf32, #tpu.memory_space<vmem>>) target(%dma_start3A_606 : memref<10112x16xf32, #tpu.memory_space<vmem_shared>>) offsets(%dma_start3A_603 : memref<128xi32, #tpu.memory_space<vmem>>) semaphore(%dma_start3A_608 : memref<!tpu.dma_semaphore, #tpu.memory_space<semaphore_mem>>) {add = true}
      %add3A_609 = arith.constant 10 : i32
      %add3A_610 = arith.addi %mul3A_49, %add3A_609 : i32
      %dma_wait3A_611 = arith.constant 0 : i32
      %dma_wait3A_612 = arith.constant 10 : i32
      %dma_wait3A_613 = arith.constant 10 : i32
      %dma_wait3A_614 = arith.constant 0 : i32
      %dma_wait3A_615 = arith.constant 0 : i32
      %dma_wait3A_616 = tpu.memref_slice %arg7[%dma_wait3A_612, %dma_wait3A_614, %dma_wait3A_615] : memref<13x128x16xf32, #tpu.memory_space<vmem>> -> memref<1x128x16xf32, #tpu.memory_space<vmem>>
      %dma_wait3A_617 = tpu.memref_squeeze %dma_wait3A_616 : memref<1x128x16xf32, #tpu.memory_space<vmem>> -> memref<128x16xf32, #tpu.memory_space<vmem>>
      %dma_wait3A_618 = arith.constant 0 : i32
      %dma_wait3A_619 = tpu.memref_slice %arg6[%add3A_610, %dma_wait3A_611, %dma_wait3A_618] : memref<79x2x128xi32, #tpu.memory_space<vmem>> -> memref<1x1x128xi32, #tpu.memory_space<vmem>>
      %dma_wait3A_620 = tpu.memref_squeeze %dma_wait3A_619 : memref<1x1x128xi32, #tpu.memory_space<vmem>> -> memref<128xi32, #tpu.memory_space<vmem>>
      %dma_wait3A_621 = arith.constant 0 : i32
      %dma_wait3A_622 = arith.constant 0 : i32
      %dma_wait3A_623 = tpu.memref_slice %arg9[%dma_wait3A_621, %dma_wait3A_622] : memref<10000x16xf32, #tpu.memory_space<vmem_shared>> -> memref<10000x16xf32, #tpu.memory_space<vmem_shared>>
      %dma_wait3A_624 = tpu.memref_slice %arg10[%dma_wait3A_613] : memref<13x!tpu.dma_semaphore, #tpu.memory_space<semaphore_mem>> -> memref<1x!tpu.dma_semaphore, #tpu.memory_space<semaphore_mem>>
      %dma_wait3A_625 = tpu.memref_squeeze %dma_wait3A_624 : memref<1x!tpu.dma_semaphore, #tpu.memory_space<semaphore_mem>> -> memref<!tpu.dma_semaphore, #tpu.memory_space<semaphore_mem>>
      tpu.wait_indirect_dma semaphore(%dma_wait3A_625 : memref<!tpu.dma_semaphore, #tpu.memory_space<semaphore_mem>>) src(%dma_wait3A_623 : memref<10000x16xf32, #tpu.memory_space<vmem_shared>>) dst(%dma_wait3A_617 : memref<128x16xf32, #tpu.memory_space<vmem>>)
      %add3A_626 = arith.constant 10 : i32
      %add3A_627 = arith.addi %mul3A_49, %add3A_626 : i32
      %dma_start3A_628 = arith.constant 10 : i32
      %dma_start3A_629 = arith.constant 1 : i32
      %dma_start3A_630 = arith.constant 10 : i32
      %dma_start3A_631 = arith.constant 0 : i32
      %dma_start3A_632 = arith.constant 0 : i32
      %dma_start3A_633 = tpu.memref_slice %arg7[%dma_start3A_628, %dma_start3A_631, %dma_start3A_632] : memref<13x128x16xf32, #tpu.memory_space<vmem>> -> memref<1x128x16xf32, #tpu.memory_space<vmem>>
      %dma_start3A_634 = tpu.memref_squeeze %dma_start3A_633 : memref<1x128x16xf32, #tpu.memory_space<vmem>> -> memref<128x16xf32, #tpu.memory_space<vmem>>
      %dma_start3A_635 = arith.constant 0 : i32
      %dma_start3A_636 = tpu.memref_slice %arg6[%add3A_627, %dma_start3A_629, %dma_start3A_635] : memref<79x2x128xi32, #tpu.memory_space<vmem>> -> memref<1x1x128xi32, #tpu.memory_space<vmem>>
      %dma_start3A_637 = tpu.memref_squeeze %dma_start3A_636 : memref<1x1x128xi32, #tpu.memory_space<vmem>> -> memref<128xi32, #tpu.memory_space<vmem>>
      %dma_start3A_638 = arith.constant 0 : i32
      %dma_start3A_639 = arith.constant 0 : i32
      %dma_start3A_640 = tpu.memref_slice %arg8[%dma_start3A_638, %dma_start3A_639] : memref<10112x16xf32, #tpu.memory_space<vmem_shared>> -> memref<10112x16xf32, #tpu.memory_space<vmem_shared>>
      %dma_start3A_641 = tpu.memref_slice %arg11[%dma_start3A_630] : memref<13x!tpu.dma_semaphore, #tpu.memory_space<semaphore_mem>> -> memref<1x!tpu.dma_semaphore, #tpu.memory_space<semaphore_mem>>
      %dma_start3A_642 = tpu.memref_squeeze %dma_start3A_641 : memref<1x!tpu.dma_semaphore, #tpu.memory_space<semaphore_mem>> -> memref<!tpu.dma_semaphore, #tpu.memory_space<semaphore_mem>>
      tpu.enqueue_indirect_dma source(%dma_start3A_634 : memref<128x16xf32, #tpu.memory_space<vmem>>) target(%dma_start3A_640 : memref<10112x16xf32, #tpu.memory_space<vmem_shared>>) offsets(%dma_start3A_637 : memref<128xi32, #tpu.memory_space<vmem>>) semaphore(%dma_start3A_642 : memref<!tpu.dma_semaphore, #tpu.memory_space<semaphore_mem>>) {add = true}
      %add3A_643 = arith.constant 11 : i32
      %add3A_644 = arith.addi %mul3A_49, %add3A_643 : i32
      %dma_wait3A_645 = arith.constant 0 : i32
      %dma_wait3A_646 = arith.constant 11 : i32
      %dma_wait3A_647 = arith.constant 11 : i32
      %dma_wait3A_648 = arith.constant 0 : i32
      %dma_wait3A_649 = arith.constant 0 : i32
      %dma_wait3A_650 = tpu.memref_slice %arg7[%dma_wait3A_646, %dma_wait3A_648, %dma_wait3A_649] : memref<13x128x16xf32, #tpu.memory_space<vmem>> -> memref<1x128x16xf32, #tpu.memory_space<vmem>>
      %dma_wait3A_651 = tpu.memref_squeeze %dma_wait3A_650 : memref<1x128x16xf32, #tpu.memory_space<vmem>> -> memref<128x16xf32, #tpu.memory_space<vmem>>
      %dma_wait3A_652 = arith.constant 0 : i32
      %dma_wait3A_653 = tpu.memref_slice %arg6[%add3A_644, %dma_wait3A_645, %dma_wait3A_652] : memref<79x2x128xi32, #tpu.memory_space<vmem>> -> memref<1x1x128xi32, #tpu.memory_space<vmem>>
      %dma_wait3A_654 = tpu.memref_squeeze %dma_wait3A_653 : memref<1x1x128xi32, #tpu.memory_space<vmem>> -> memref<128xi32, #tpu.memory_space<vmem>>
      %dma_wait3A_655 = arith.constant 0 : i32
      %dma_wait3A_656 = arith.constant 0 : i32
      %dma_wait3A_657 = tpu.memref_slice %arg9[%dma_wait3A_655, %dma_wait3A_656] : memref<10000x16xf32, #tpu.memory_space<vmem_shared>> -> memref<10000x16xf32, #tpu.memory_space<vmem_shared>>
      %dma_wait3A_658 = tpu.memref_slice %arg10[%dma_wait3A_647] : memref<13x!tpu.dma_semaphore, #tpu.memory_space<semaphore_mem>> -> memref<1x!tpu.dma_semaphore, #tpu.memory_space<semaphore_mem>>
      %dma_wait3A_659 = tpu.memref_squeeze %dma_wait3A_658 : memref<1x!tpu.dma_semaphore, #tpu.memory_space<semaphore_mem>> -> memref<!tpu.dma_semaphore, #tpu.memory_space<semaphore_mem>>
      tpu.wait_indirect_dma semaphore(%dma_wait3A_659 : memref<!tpu.dma_semaphore, #tpu.memory_space<semaphore_mem>>) src(%dma_wait3A_657 : memref<10000x16xf32, #tpu.memory_space<vmem_shared>>) dst(%dma_wait3A_651 : memref<128x16xf32, #tpu.memory_space<vmem>>)
      %add3A_660 = arith.constant 11 : i32
      %add3A_661 = arith.addi %mul3A_49, %add3A_660 : i32
      %dma_start3A_662 = arith.constant 11 : i32
      %dma_start3A_663 = arith.constant 1 : i32
      %dma_start3A_664 = arith.constant 11 : i32
      %dma_start3A_665 = arith.constant 0 : i32
      %dma_start3A_666 = arith.constant 0 : i32
      %dma_start3A_667 = tpu.memref_slice %arg7[%dma_start3A_662, %dma_start3A_665, %dma_start3A_666] : memref<13x128x16xf32, #tpu.memory_space<vmem>> -> memref<1x128x16xf32, #tpu.memory_space<vmem>>
      %dma_start3A_668 = tpu.memref_squeeze %dma_start3A_667 : memref<1x128x16xf32, #tpu.memory_space<vmem>> -> memref<128x16xf32, #tpu.memory_space<vmem>>
      %dma_start3A_669 = arith.constant 0 : i32
      %dma_start3A_670 = tpu.memref_slice %arg6[%add3A_661, %dma_start3A_663, %dma_start3A_669] : memref<79x2x128xi32, #tpu.memory_space<vmem>> -> memref<1x1x128xi32, #tpu.memory_space<vmem>>
      %dma_start3A_671 = tpu.memref_squeeze %dma_start3A_670 : memref<1x1x128xi32, #tpu.memory_space<vmem>> -> memref<128xi32, #tpu.memory_space<vmem>>
      %dma_start3A_672 = arith.constant 0 : i32
      %dma_start3A_673 = arith.constant 0 : i32
      %dma_start3A_674 = tpu.memref_slice %arg8[%dma_start3A_672, %dma_start3A_673] : memref<10112x16xf32, #tpu.memory_space<vmem_shared>> -> memref<10112x16xf32, #tpu.memory_space<vmem_shared>>
      %dma_start3A_675 = tpu.memref_slice %arg11[%dma_start3A_664] : memref<13x!tpu.dma_semaphore, #tpu.memory_space<semaphore_mem>> -> memref<1x!tpu.dma_semaphore, #tpu.memory_space<semaphore_mem>>
      %dma_start3A_676 = tpu.memref_squeeze %dma_start3A_675 : memref<1x!tpu.dma_semaphore, #tpu.memory_space<semaphore_mem>> -> memref<!tpu.dma_semaphore, #tpu.memory_space<semaphore_mem>>
      tpu.enqueue_indirect_dma source(%dma_start3A_668 : memref<128x16xf32, #tpu.memory_space<vmem>>) target(%dma_start3A_674 : memref<10112x16xf32, #tpu.memory_space<vmem_shared>>) offsets(%dma_start3A_671 : memref<128xi32, #tpu.memory_space<vmem>>) semaphore(%dma_start3A_676 : memref<!tpu.dma_semaphore, #tpu.memory_space<semaphore_mem>>) {add = true}
      %add3A_677 = arith.constant 12 : i32
      %add3A_678 = arith.addi %mul3A_49, %add3A_677 : i32
      %dma_wait3A_679 = arith.constant 0 : i32
      %dma_wait3A_680 = arith.constant 12 : i32
      %dma_wait3A_681 = arith.constant 12 : i32
      %dma_wait3A_682 = arith.constant 0 : i32
      %dma_wait3A_683 = arith.constant 0 : i32
      %dma_wait3A_684 = tpu.memref_slice %arg7[%dma_wait3A_680, %dma_wait3A_682, %dma_wait3A_683] : memref<13x128x16xf32, #tpu.memory_space<vmem>> -> memref<1x128x16xf32, #tpu.memory_space<vmem>>
      %dma_wait3A_685 = tpu.memref_squeeze %dma_wait3A_684 : memref<1x128x16xf32, #tpu.memory_space<vmem>> -> memref<128x16xf32, #tpu.memory_space<vmem>>
      %dma_wait3A_686 = arith.constant 0 : i32
      %dma_wait3A_687 = tpu.memref_slice %arg6[%add3A_678, %dma_wait3A_679, %dma_wait3A_686] : memref<79x2x128xi32, #tpu.memory_space<vmem>> -> memref<1x1x128xi32, #tpu.memory_space<vmem>>
      %dma_wait3A_688 = tpu.memref_squeeze %dma_wait3A_687 : memref<1x1x128xi32, #tpu.memory_space<vmem>> -> memref<128xi32, #tpu.memory_space<vmem>>
      %dma_wait3A_689 = arith.constant 0 : i32
      %dma_wait3A_690 = arith.constant 0 : i32
      %dma_wait3A_691 = tpu.memref_slice %arg9[%dma_wait3A_689, %dma_wait3A_690] : memref<10000x16xf32, #tpu.memory_space<vmem_shared>> -> memref<10000x16xf32, #tpu.memory_space<vmem_shared>>
      %dma_wait3A_692 = tpu.memref_slice %arg10[%dma_wait3A_681] : memref<13x!tpu.dma_semaphore, #tpu.memory_space<semaphore_mem>> -> memref<1x!tpu.dma_semaphore, #tpu.memory_space<semaphore_mem>>
      %dma_wait3A_693 = tpu.memref_squeeze %dma_wait3A_692 : memref<1x!tpu.dma_semaphore, #tpu.memory_space<semaphore_mem>> -> memref<!tpu.dma_semaphore, #tpu.memory_space<semaphore_mem>>
      tpu.wait_indirect_dma semaphore(%dma_wait3A_693 : memref<!tpu.dma_semaphore, #tpu.memory_space<semaphore_mem>>) src(%dma_wait3A_691 : memref<10000x16xf32, #tpu.memory_space<vmem_shared>>) dst(%dma_wait3A_685 : memref<128x16xf32, #tpu.memory_space<vmem>>)
      %add3A_694 = arith.constant 12 : i32
      %add3A_695 = arith.addi %mul3A_49, %add3A_694 : i32
      %dma_start3A_696 = arith.constant 12 : i32
      %dma_start3A_697 = arith.constant 1 : i32
      %dma_start3A_698 = arith.constant 12 : i32
      %dma_start3A_699 = arith.constant 0 : i32
      %dma_start3A_700 = arith.constant 0 : i32
      %dma_start3A_701 = tpu.memref_slice %arg7[%dma_start3A_696, %dma_start3A_699, %dma_start3A_700] : memref<13x128x16xf32, #tpu.memory_space<vmem>> -> memref<1x128x16xf32, #tpu.memory_space<vmem>>
      %dma_start3A_702 = tpu.memref_squeeze %dma_start3A_701 : memref<1x128x16xf32, #tpu.memory_space<vmem>> -> memref<128x16xf32, #tpu.memory_space<vmem>>
      %dma_start3A_703 = arith.constant 0 : i32
      %dma_start3A_704 = tpu.memref_slice %arg6[%add3A_695, %dma_start3A_697, %dma_start3A_703] : memref<79x2x128xi32, #tpu.memory_space<vmem>> -> memref<1x1x128xi32, #tpu.memory_space<vmem>>
      %dma_start3A_705 = tpu.memref_squeeze %dma_start3A_704 : memref<1x1x128xi32, #tpu.memory_space<vmem>> -> memref<128xi32, #tpu.memory_space<vmem>>
      %dma_start3A_706 = arith.constant 0 : i32
      %dma_start3A_707 = arith.constant 0 : i32
      %dma_start3A_708 = tpu.memref_slice %arg8[%dma_start3A_706, %dma_start3A_707] : memref<10112x16xf32, #tpu.memory_space<vmem_shared>> -> memref<10112x16xf32, #tpu.memory_space<vmem_shared>>
      %dma_start3A_709 = tpu.memref_slice %arg11[%dma_start3A_698] : memref<13x!tpu.dma_semaphore, #tpu.memory_space<semaphore_mem>> -> memref<1x!tpu.dma_semaphore, #tpu.memory_space<semaphore_mem>>
      %dma_start3A_710 = tpu.memref_squeeze %dma_start3A_709 : memref<1x!tpu.dma_semaphore, #tpu.memory_space<semaphore_mem>> -> memref<!tpu.dma_semaphore, #tpu.memory_space<semaphore_mem>>
      tpu.enqueue_indirect_dma source(%dma_start3A_702 : memref<128x16xf32, #tpu.memory_space<vmem>>) target(%dma_start3A_708 : memref<10112x16xf32, #tpu.memory_space<vmem_shared>>) offsets(%dma_start3A_705 : memref<128xi32, #tpu.memory_space<vmem>>) semaphore(%dma_start3A_710 : memref<!tpu.dma_semaphore, #tpu.memory_space<semaphore_mem>>) {add = true}
      %add3A_711 = arith.constant 0 : i32
      %add3A_712 = arith.addi %mul3A_49, %add3A_711 : i32
      %dma_wait3A_713 = arith.constant 0 : i32
      %dma_wait3A_714 = arith.constant 1 : i32
      %dma_wait3A_715 = arith.constant 0 : i32
      %dma_wait3A_716 = arith.constant 0 : i32
      %dma_wait3A_717 = arith.constant 0 : i32
      %dma_wait3A_718 = tpu.memref_slice %arg7[%dma_wait3A_713, %dma_wait3A_716, %dma_wait3A_717] : memref<13x128x16xf32, #tpu.memory_space<vmem>> -> memref<1x128x16xf32, #tpu.memory_space<vmem>>
      %dma_wait3A_719 = tpu.memref_squeeze %dma_wait3A_718 : memref<1x128x16xf32, #tpu.memory_space<vmem>> -> memref<128x16xf32, #tpu.memory_space<vmem>>
      %dma_wait3A_720 = arith.constant 0 : i32
      %dma_wait3A_721 = tpu.memref_slice %arg6[%add3A_712, %dma_wait3A_714, %dma_wait3A_720] : memref<79x2x128xi32, #tpu.memory_space<vmem>> -> memref<1x1x128xi32, #tpu.memory_space<vmem>>
      %dma_wait3A_722 = tpu.memref_squeeze %dma_wait3A_721 : memref<1x1x128xi32, #tpu.memory_space<vmem>> -> memref<128xi32, #tpu.memory_space<vmem>>
      %dma_wait3A_723 = arith.constant 0 : i32
      %dma_wait3A_724 = arith.constant 0 : i32
      %dma_wait3A_725 = tpu.memref_slice %arg8[%dma_wait3A_723, %dma_wait3A_724] : memref<10112x16xf32, #tpu.memory_space<vmem_shared>> -> memref<10112x16xf32, #tpu.memory_space<vmem_shared>>
      %dma_wait3A_726 = tpu.memref_slice %arg11[%dma_wait3A_715] : memref<13x!tpu.dma_semaphore, #tpu.memory_space<semaphore_mem>> -> memref<1x!tpu.dma_semaphore, #tpu.memory_space<semaphore_mem>>
      %dma_wait3A_727 = tpu.memref_squeeze %dma_wait3A_726 : memref<1x!tpu.dma_semaphore, #tpu.memory_space<semaphore_mem>> -> memref<!tpu.dma_semaphore, #tpu.memory_space<semaphore_mem>>
      tpu.wait_indirect_dma semaphore(%dma_wait3A_727 : memref<!tpu.dma_semaphore, #tpu.memory_space<semaphore_mem>>) src(%dma_wait3A_719 : memref<128x16xf32, #tpu.memory_space<vmem>>) dst(%dma_wait3A_725 : memref<10112x16xf32, #tpu.memory_space<vmem_shared>>)
      %add3A_728 = arith.constant 1 : i32
      %add3A_729 = arith.addi %mul3A_49, %add3A_728 : i32
      %dma_wait3A_730 = arith.constant 1 : i32
      %dma_wait3A_731 = arith.constant 1 : i32
      %dma_wait3A_732 = arith.constant 1 : i32
      %dma_wait3A_733 = arith.constant 0 : i32
      %dma_wait3A_734 = arith.constant 0 : i32
      %dma_wait3A_735 = tpu.memref_slice %arg7[%dma_wait3A_730, %dma_wait3A_733, %dma_wait3A_734] : memref<13x128x16xf32, #tpu.memory_space<vmem>> -> memref<1x128x16xf32, #tpu.memory_space<vmem>>
      %dma_wait3A_736 = tpu.memref_squeeze %dma_wait3A_735 : memref<1x128x16xf32, #tpu.memory_space<vmem>> -> memref<128x16xf32, #tpu.memory_space<vmem>>
      %dma_wait3A_737 = arith.constant 0 : i32
      %dma_wait3A_738 = tpu.memref_slice %arg6[%add3A_729, %dma_wait3A_731, %dma_wait3A_737] : memref<79x2x128xi32, #tpu.memory_space<vmem>> -> memref<1x1x128xi32, #tpu.memory_space<vmem>>
      %dma_wait3A_739 = tpu.memref_squeeze %dma_wait3A_738 : memref<1x1x128xi32, #tpu.memory_space<vmem>> -> memref<128xi32, #tpu.memory_space<vmem>>
      %dma_wait3A_740 = arith.constant 0 : i32
      %dma_wait3A_741 = arith.constant 0 : i32
      %dma_wait3A_742 = tpu.memref_slice %arg8[%dma_wait3A_740, %dma_wait3A_741] : memref<10112x16xf32, #tpu.memory_space<vmem_shared>> -> memref<10112x16xf32, #tpu.memory_space<vmem_shared>>
      %dma_wait3A_743 = tpu.memref_slice %arg11[%dma_wait3A_732] : memref<13x!tpu.dma_semaphore, #tpu.memory_space<semaphore_mem>> -> memref<1x!tpu.dma_semaphore, #tpu.memory_space<semaphore_mem>>
      %dma_wait3A_744 = tpu.memref_squeeze %dma_wait3A_743 : memref<1x!tpu.dma_semaphore, #tpu.memory_space<semaphore_mem>> -> memref<!tpu.dma_semaphore, #tpu.memory_space<semaphore_mem>>
      tpu.wait_indirect_dma semaphore(%dma_wait3A_744 : memref<!tpu.dma_semaphore, #tpu.memory_space<semaphore_mem>>) src(%dma_wait3A_736 : memref<128x16xf32, #tpu.memory_space<vmem>>) dst(%dma_wait3A_742 : memref<10112x16xf32, #tpu.memory_space<vmem_shared>>)
      %add3A_745 = arith.constant 2 : i32
      %add3A_746 = arith.addi %mul3A_49, %add3A_745 : i32
      %dma_wait3A_747 = arith.constant 2 : i32
      %dma_wait3A_748 = arith.constant 1 : i32
      %dma_wait3A_749 = arith.constant 2 : i32
      %dma_wait3A_750 = arith.constant 0 : i32
      %dma_wait3A_751 = arith.constant 0 : i32
      %dma_wait3A_752 = tpu.memref_slice %arg7[%dma_wait3A_747, %dma_wait3A_750, %dma_wait3A_751] : memref<13x128x16xf32, #tpu.memory_space<vmem>> -> memref<1x128x16xf32, #tpu.memory_space<vmem>>
      %dma_wait3A_753 = tpu.memref_squeeze %dma_wait3A_752 : memref<1x128x16xf32, #tpu.memory_space<vmem>> -> memref<128x16xf32, #tpu.memory_space<vmem>>
      %dma_wait3A_754 = arith.constant 0 : i32
      %dma_wait3A_755 = tpu.memref_slice %arg6[%add3A_746, %dma_wait3A_748, %dma_wait3A_754] : memref<79x2x128xi32, #tpu.memory_space<vmem>> -> memref<1x1x128xi32, #tpu.memory_space<vmem>>
      %dma_wait3A_756 = tpu.memref_squeeze %dma_wait3A_755 : memref<1x1x128xi32, #tpu.memory_space<vmem>> -> memref<128xi32, #tpu.memory_space<vmem>>
      %dma_wait3A_757 = arith.constant 0 : i32
      %dma_wait3A_758 = arith.constant 0 : i32
      %dma_wait3A_759 = tpu.memref_slice %arg8[%dma_wait3A_757, %dma_wait3A_758] : memref<10112x16xf32, #tpu.memory_space<vmem_shared>> -> memref<10112x16xf32, #tpu.memory_space<vmem_shared>>
      %dma_wait3A_760 = tpu.memref_slice %arg11[%dma_wait3A_749] : memref<13x!tpu.dma_semaphore, #tpu.memory_space<semaphore_mem>> -> memref<1x!tpu.dma_semaphore, #tpu.memory_space<semaphore_mem>>
      %dma_wait3A_761 = tpu.memref_squeeze %dma_wait3A_760 : memref<1x!tpu.dma_semaphore, #tpu.memory_space<semaphore_mem>> -> memref<!tpu.dma_semaphore, #tpu.memory_space<semaphore_mem>>
      tpu.wait_indirect_dma semaphore(%dma_wait3A_761 : memref<!tpu.dma_semaphore, #tpu.memory_space<semaphore_mem>>) src(%dma_wait3A_753 : memref<128x16xf32, #tpu.memory_space<vmem>>) dst(%dma_wait3A_759 : memref<10112x16xf32, #tpu.memory_space<vmem_shared>>)
      %add3A_762 = arith.constant 3 : i32
      %add3A_763 = arith.addi %mul3A_49, %add3A_762 : i32
      %dma_wait3A_764 = arith.constant 3 : i32
      %dma_wait3A_765 = arith.constant 1 : i32
      %dma_wait3A_766 = arith.constant 3 : i32
      %dma_wait3A_767 = arith.constant 0 : i32
      %dma_wait3A_768 = arith.constant 0 : i32
      %dma_wait3A_769 = tpu.memref_slice %arg7[%dma_wait3A_764, %dma_wait3A_767, %dma_wait3A_768] : memref<13x128x16xf32, #tpu.memory_space<vmem>> -> memref<1x128x16xf32, #tpu.memory_space<vmem>>
      %dma_wait3A_770 = tpu.memref_squeeze %dma_wait3A_769 : memref<1x128x16xf32, #tpu.memory_space<vmem>> -> memref<128x16xf32, #tpu.memory_space<vmem>>
      %dma_wait3A_771 = arith.constant 0 : i32
      %dma_wait3A_772 = tpu.memref_slice %arg6[%add3A_763, %dma_wait3A_765, %dma_wait3A_771] : memref<79x2x128xi32, #tpu.memory_space<vmem>> -> memref<1x1x128xi32, #tpu.memory_space<vmem>>
      %dma_wait3A_773 = tpu.memref_squeeze %dma_wait3A_772 : memref<1x1x128xi32, #tpu.memory_space<vmem>> -> memref<128xi32, #tpu.memory_space<vmem>>
      %dma_wait3A_774 = arith.constant 0 : i32
      %dma_wait3A_775 = arith.constant 0 : i32
      %dma_wait3A_776 = tpu.memref_slice %arg8[%dma_wait3A_774, %dma_wait3A_775] : memref<10112x16xf32, #tpu.memory_space<vmem_shared>> -> memref<10112x16xf32, #tpu.memory_space<vmem_shared>>
      %dma_wait3A_777 = tpu.memref_slice %arg11[%dma_wait3A_766] : memref<13x!tpu.dma_semaphore, #tpu.memory_space<semaphore_mem>> -> memref<1x!tpu.dma_semaphore, #tpu.memory_space<semaphore_mem>>
      %dma_wait3A_778 = tpu.memref_squeeze %dma_wait3A_777 : memref<1x!tpu.dma_semaphore, #tpu.memory_space<semaphore_mem>> -> memref<!tpu.dma_semaphore, #tpu.memory_space<semaphore_mem>>
      tpu.wait_indirect_dma semaphore(%dma_wait3A_778 : memref<!tpu.dma_semaphore, #tpu.memory_space<semaphore_mem>>) src(%dma_wait3A_770 : memref<128x16xf32, #tpu.memory_space<vmem>>) dst(%dma_wait3A_776 : memref<10112x16xf32, #tpu.memory_space<vmem_shared>>)
      %add3A_779 = arith.constant 4 : i32
      %add3A_780 = arith.addi %mul3A_49, %add3A_779 : i32
      %dma_wait3A_781 = arith.constant 4 : i32
      %dma_wait3A_782 = arith.constant 1 : i32
      %dma_wait3A_783 = arith.constant 4 : i32
      %dma_wait3A_784 = arith.constant 0 : i32
      %dma_wait3A_785 = arith.constant 0 : i32
      %dma_wait3A_786 = tpu.memref_slice %arg7[%dma_wait3A_781, %dma_wait3A_784, %dma_wait3A_785] : memref<13x128x16xf32, #tpu.memory_space<vmem>> -> memref<1x128x16xf32, #tpu.memory_space<vmem>>
      %dma_wait3A_787 = tpu.memref_squeeze %dma_wait3A_786 : memref<1x128x16xf32, #tpu.memory_space<vmem>> -> memref<128x16xf32, #tpu.memory_space<vmem>>
      %dma_wait3A_788 = arith.constant 0 : i32
      %dma_wait3A_789 = tpu.memref_slice %arg6[%add3A_780, %dma_wait3A_782, %dma_wait3A_788] : memref<79x2x128xi32, #tpu.memory_space<vmem>> -> memref<1x1x128xi32, #tpu.memory_space<vmem>>
      %dma_wait3A_790 = tpu.memref_squeeze %dma_wait3A_789 : memref<1x1x128xi32, #tpu.memory_space<vmem>> -> memref<128xi32, #tpu.memory_space<vmem>>
      %dma_wait3A_791 = arith.constant 0 : i32
      %dma_wait3A_792 = arith.constant 0 : i32
      %dma_wait3A_793 = tpu.memref_slice %arg8[%dma_wait3A_791, %dma_wait3A_792] : memref<10112x16xf32, #tpu.memory_space<vmem_shared>> -> memref<10112x16xf32, #tpu.memory_space<vmem_shared>>
      %dma_wait3A_794 = tpu.memref_slice %arg11[%dma_wait3A_783] : memref<13x!tpu.dma_semaphore, #tpu.memory_space<semaphore_mem>> -> memref<1x!tpu.dma_semaphore, #tpu.memory_space<semaphore_mem>>
      %dma_wait3A_795 = tpu.memref_squeeze %dma_wait3A_794 : memref<1x!tpu.dma_semaphore, #tpu.memory_space<semaphore_mem>> -> memref<!tpu.dma_semaphore, #tpu.memory_space<semaphore_mem>>
      tpu.wait_indirect_dma semaphore(%dma_wait3A_795 : memref<!tpu.dma_semaphore, #tpu.memory_space<semaphore_mem>>) src(%dma_wait3A_787 : memref<128x16xf32, #tpu.memory_space<vmem>>) dst(%dma_wait3A_793 : memref<10112x16xf32, #tpu.memory_space<vmem_shared>>)
      %add3A_796 = arith.constant 5 : i32
      %add3A_797 = arith.addi %mul3A_49, %add3A_796 : i32
      %dma_wait3A_798 = arith.constant 5 : i32
      %dma_wait3A_799 = arith.constant 1 : i32
      %dma_wait3A_800 = arith.constant 5 : i32
      %dma_wait3A_801 = arith.constant 0 : i32
      %dma_wait3A_802 = arith.constant 0 : i32
      %dma_wait3A_803 = tpu.memref_slice %arg7[%dma_wait3A_798, %dma_wait3A_801, %dma_wait3A_802] : memref<13x128x16xf32, #tpu.memory_space<vmem>> -> memref<1x128x16xf32, #tpu.memory_space<vmem>>
      %dma_wait3A_804 = tpu.memref_squeeze %dma_wait3A_803 : memref<1x128x16xf32, #tpu.memory_space<vmem>> -> memref<128x16xf32, #tpu.memory_space<vmem>>
      %dma_wait3A_805 = arith.constant 0 : i32
      %dma_wait3A_806 = tpu.memref_slice %arg6[%add3A_797, %dma_wait3A_799, %dma_wait3A_805] : memref<79x2x128xi32, #tpu.memory_space<vmem>> -> memref<1x1x128xi32, #tpu.memory_space<vmem>>
      %dma_wait3A_807 = tpu.memref_squeeze %dma_wait3A_806 : memref<1x1x128xi32, #tpu.memory_space<vmem>> -> memref<128xi32, #tpu.memory_space<vmem>>
      %dma_wait3A_808 = arith.constant 0 : i32
      %dma_wait3A_809 = arith.constant 0 : i32
      %dma_wait3A_810 = tpu.memref_slice %arg8[%dma_wait3A_808, %dma_wait3A_809] : memref<10112x16xf32, #tpu.memory_space<vmem_shared>> -> memref<10112x16xf32, #tpu.memory_space<vmem_shared>>
      %dma_wait3A_811 = tpu.memref_slice %arg11[%dma_wait3A_800] : memref<13x!tpu.dma_semaphore, #tpu.memory_space<semaphore_mem>> -> memref<1x!tpu.dma_semaphore, #tpu.memory_space<semaphore_mem>>
      %dma_wait3A_812 = tpu.memref_squeeze %dma_wait3A_811 : memref<1x!tpu.dma_semaphore, #tpu.memory_space<semaphore_mem>> -> memref<!tpu.dma_semaphore, #tpu.memory_space<semaphore_mem>>
      tpu.wait_indirect_dma semaphore(%dma_wait3A_812 : memref<!tpu.dma_semaphore, #tpu.memory_space<semaphore_mem>>) src(%dma_wait3A_804 : memref<128x16xf32, #tpu.memory_space<vmem>>) dst(%dma_wait3A_810 : memref<10112x16xf32, #tpu.memory_space<vmem_shared>>)
      %add3A_813 = arith.constant 6 : i32
      %add3A_814 = arith.addi %mul3A_49, %add3A_813 : i32
      %dma_wait3A_815 = arith.constant 6 : i32
      %dma_wait3A_816 = arith.constant 1 : i32
      %dma_wait3A_817 = arith.constant 6 : i32
      %dma_wait3A_818 = arith.constant 0 : i32
      %dma_wait3A_819 = arith.constant 0 : i32
      %dma_wait3A_820 = tpu.memref_slice %arg7[%dma_wait3A_815, %dma_wait3A_818, %dma_wait3A_819] : memref<13x128x16xf32, #tpu.memory_space<vmem>> -> memref<1x128x16xf32, #tpu.memory_space<vmem>>
      %dma_wait3A_821 = tpu.memref_squeeze %dma_wait3A_820 : memref<1x128x16xf32, #tpu.memory_space<vmem>> -> memref<128x16xf32, #tpu.memory_space<vmem>>
      %dma_wait3A_822 = arith.constant 0 : i32
      %dma_wait3A_823 = tpu.memref_slice %arg6[%add3A_814, %dma_wait3A_816, %dma_wait3A_822] : memref<79x2x128xi32, #tpu.memory_space<vmem>> -> memref<1x1x128xi32, #tpu.memory_space<vmem>>
      %dma_wait3A_824 = tpu.memref_squeeze %dma_wait3A_823 : memref<1x1x128xi32, #tpu.memory_space<vmem>> -> memref<128xi32, #tpu.memory_space<vmem>>
      %dma_wait3A_825 = arith.constant 0 : i32
      %dma_wait3A_826 = arith.constant 0 : i32
      %dma_wait3A_827 = tpu.memref_slice %arg8[%dma_wait3A_825, %dma_wait3A_826] : memref<10112x16xf32, #tpu.memory_space<vmem_shared>> -> memref<10112x16xf32, #tpu.memory_space<vmem_shared>>
      %dma_wait3A_828 = tpu.memref_slice %arg11[%dma_wait3A_817] : memref<13x!tpu.dma_semaphore, #tpu.memory_space<semaphore_mem>> -> memref<1x!tpu.dma_semaphore, #tpu.memory_space<semaphore_mem>>
      %dma_wait3A_829 = tpu.memref_squeeze %dma_wait3A_828 : memref<1x!tpu.dma_semaphore, #tpu.memory_space<semaphore_mem>> -> memref<!tpu.dma_semaphore, #tpu.memory_space<semaphore_mem>>
      tpu.wait_indirect_dma semaphore(%dma_wait3A_829 : memref<!tpu.dma_semaphore, #tpu.memory_space<semaphore_mem>>) src(%dma_wait3A_821 : memref<128x16xf32, #tpu.memory_space<vmem>>) dst(%dma_wait3A_827 : memref<10112x16xf32, #tpu.memory_space<vmem_shared>>)
      %add3A_830 = arith.constant 7 : i32
      %add3A_831 = arith.addi %mul3A_49, %add3A_830 : i32
      %dma_wait3A_832 = arith.constant 7 : i32
      %dma_wait3A_833 = arith.constant 1 : i32
      %dma_wait3A_834 = arith.constant 7 : i32
      %dma_wait3A_835 = arith.constant 0 : i32
      %dma_wait3A_836 = arith.constant 0 : i32
      %dma_wait3A_837 = tpu.memref_slice %arg7[%dma_wait3A_832, %dma_wait3A_835, %dma_wait3A_836] : memref<13x128x16xf32, #tpu.memory_space<vmem>> -> memref<1x128x16xf32, #tpu.memory_space<vmem>>
      %dma_wait3A_838 = tpu.memref_squeeze %dma_wait3A_837 : memref<1x128x16xf32, #tpu.memory_space<vmem>> -> memref<128x16xf32, #tpu.memory_space<vmem>>
      %dma_wait3A_839 = arith.constant 0 : i32
      %dma_wait3A_840 = tpu.memref_slice %arg6[%add3A_831, %dma_wait3A_833, %dma_wait3A_839] : memref<79x2x128xi32, #tpu.memory_space<vmem>> -> memref<1x1x128xi32, #tpu.memory_space<vmem>>
      %dma_wait3A_841 = tpu.memref_squeeze %dma_wait3A_840 : memref<1x1x128xi32, #tpu.memory_space<vmem>> -> memref<128xi32, #tpu.memory_space<vmem>>
      %dma_wait3A_842 = arith.constant 0 : i32
      %dma_wait3A_843 = arith.constant 0 : i32
      %dma_wait3A_844 = tpu.memref_slice %arg8[%dma_wait3A_842, %dma_wait3A_843] : memref<10112x16xf32, #tpu.memory_space<vmem_shared>> -> memref<10112x16xf32, #tpu.memory_space<vmem_shared>>
      %dma_wait3A_845 = tpu.memref_slice %arg11[%dma_wait3A_834] : memref<13x!tpu.dma_semaphore, #tpu.memory_space<semaphore_mem>> -> memref<1x!tpu.dma_semaphore, #tpu.memory_space<semaphore_mem>>
      %dma_wait3A_846 = tpu.memref_squeeze %dma_wait3A_845 : memref<1x!tpu.dma_semaphore, #tpu.memory_space<semaphore_mem>> -> memref<!tpu.dma_semaphore, #tpu.memory_space<semaphore_mem>>
      tpu.wait_indirect_dma semaphore(%dma_wait3A_846 : memref<!tpu.dma_semaphore, #tpu.memory_space<semaphore_mem>>) src(%dma_wait3A_838 : memref<128x16xf32, #tpu.memory_space<vmem>>) dst(%dma_wait3A_844 : memref<10112x16xf32, #tpu.memory_space<vmem_shared>>)
      %add3A_847 = arith.constant 8 : i32
      %add3A_848 = arith.addi %mul3A_49, %add3A_847 : i32
      %dma_wait3A_849 = arith.constant 8 : i32
      %dma_wait3A_850 = arith.constant 1 : i32
      %dma_wait3A_851 = arith.constant 8 : i32
      %dma_wait3A_852 = arith.constant 0 : i32
      %dma_wait3A_853 = arith.constant 0 : i32
      %dma_wait3A_854 = tpu.memref_slice %arg7[%dma_wait3A_849, %dma_wait3A_852, %dma_wait3A_853] : memref<13x128x16xf32, #tpu.memory_space<vmem>> -> memref<1x128x16xf32, #tpu.memory_space<vmem>>
      %dma_wait3A_855 = tpu.memref_squeeze %dma_wait3A_854 : memref<1x128x16xf32, #tpu.memory_space<vmem>> -> memref<128x16xf32, #tpu.memory_space<vmem>>
      %dma_wait3A_856 = arith.constant 0 : i32
      %dma_wait3A_857 = tpu.memref_slice %arg6[%add3A_848, %dma_wait3A_850, %dma_wait3A_856] : memref<79x2x128xi32, #tpu.memory_space<vmem>> -> memref<1x1x128xi32, #tpu.memory_space<vmem>>
      %dma_wait3A_858 = tpu.memref_squeeze %dma_wait3A_857 : memref<1x1x128xi32, #tpu.memory_space<vmem>> -> memref<128xi32, #tpu.memory_space<vmem>>
      %dma_wait3A_859 = arith.constant 0 : i32
      %dma_wait3A_860 = arith.constant 0 : i32
      %dma_wait3A_861 = tpu.memref_slice %arg8[%dma_wait3A_859, %dma_wait3A_860] : memref<10112x16xf32, #tpu.memory_space<vmem_shared>> -> memref<10112x16xf32, #tpu.memory_space<vmem_shared>>
      %dma_wait3A_862 = tpu.memref_slice %arg11[%dma_wait3A_851] : memref<13x!tpu.dma_semaphore, #tpu.memory_space<semaphore_mem>> -> memref<1x!tpu.dma_semaphore, #tpu.memory_space<semaphore_mem>>
      %dma_wait3A_863 = tpu.memref_squeeze %dma_wait3A_862 : memref<1x!tpu.dma_semaphore, #tpu.memory_space<semaphore_mem>> -> memref<!tpu.dma_semaphore, #tpu.memory_space<semaphore_mem>>
      tpu.wait_indirect_dma semaphore(%dma_wait3A_863 : memref<!tpu.dma_semaphore, #tpu.memory_space<semaphore_mem>>) src(%dma_wait3A_855 : memref<128x16xf32, #tpu.memory_space<vmem>>) dst(%dma_wait3A_861 : memref<10112x16xf32, #tpu.memory_space<vmem_shared>>)
      %add3A_864 = arith.constant 9 : i32
      %add3A_865 = arith.addi %mul3A_49, %add3A_864 : i32
      %dma_wait3A_866 = arith.constant 9 : i32
      %dma_wait3A_867 = arith.constant 1 : i32
      %dma_wait3A_868 = arith.constant 9 : i32
      %dma_wait3A_869 = arith.constant 0 : i32
      %dma_wait3A_870 = arith.constant 0 : i32
      %dma_wait3A_871 = tpu.memref_slice %arg7[%dma_wait3A_866, %dma_wait3A_869, %dma_wait3A_870] : memref<13x128x16xf32, #tpu.memory_space<vmem>> -> memref<1x128x16xf32, #tpu.memory_space<vmem>>
      %dma_wait3A_872 = tpu.memref_squeeze %dma_wait3A_871 : memref<1x128x16xf32, #tpu.memory_space<vmem>> -> memref<128x16xf32, #tpu.memory_space<vmem>>
      %dma_wait3A_873 = arith.constant 0 : i32
      %dma_wait3A_874 = tpu.memref_slice %arg6[%add3A_865, %dma_wait3A_867, %dma_wait3A_873] : memref<79x2x128xi32, #tpu.memory_space<vmem>> -> memref<1x1x128xi32, #tpu.memory_space<vmem>>
      %dma_wait3A_875 = tpu.memref_squeeze %dma_wait3A_874 : memref<1x1x128xi32, #tpu.memory_space<vmem>> -> memref<128xi32, #tpu.memory_space<vmem>>
      %dma_wait3A_876 = arith.constant 0 : i32
      %dma_wait3A_877 = arith.constant 0 : i32
      %dma_wait3A_878 = tpu.memref_slice %arg8[%dma_wait3A_876, %dma_wait3A_877] : memref<10112x16xf32, #tpu.memory_space<vmem_shared>> -> memref<10112x16xf32, #tpu.memory_space<vmem_shared>>
      %dma_wait3A_879 = tpu.memref_slice %arg11[%dma_wait3A_868] : memref<13x!tpu.dma_semaphore, #tpu.memory_space<semaphore_mem>> -> memref<1x!tpu.dma_semaphore, #tpu.memory_space<semaphore_mem>>
      %dma_wait3A_880 = tpu.memref_squeeze %dma_wait3A_879 : memref<1x!tpu.dma_semaphore, #tpu.memory_space<semaphore_mem>> -> memref<!tpu.dma_semaphore, #tpu.memory_space<semaphore_mem>>
      tpu.wait_indirect_dma semaphore(%dma_wait3A_880 : memref<!tpu.dma_semaphore, #tpu.memory_space<semaphore_mem>>) src(%dma_wait3A_872 : memref<128x16xf32, #tpu.memory_space<vmem>>) dst(%dma_wait3A_878 : memref<10112x16xf32, #tpu.memory_space<vmem_shared>>)
      %add3A_881 = arith.constant 10 : i32
      %add3A_882 = arith.addi %mul3A_49, %add3A_881 : i32
      %dma_wait3A_883 = arith.constant 10 : i32
      %dma_wait3A_884 = arith.constant 1 : i32
      %dma_wait3A_885 = arith.constant 10 : i32
      %dma_wait3A_886 = arith.constant 0 : i32
      %dma_wait3A_887 = arith.constant 0 : i32
      %dma_wait3A_888 = tpu.memref_slice %arg7[%dma_wait3A_883, %dma_wait3A_886, %dma_wait3A_887] : memref<13x128x16xf32, #tpu.memory_space<vmem>> -> memref<1x128x16xf32, #tpu.memory_space<vmem>>
      %dma_wait3A_889 = tpu.memref_squeeze %dma_wait3A_888 : memref<1x128x16xf32, #tpu.memory_space<vmem>> -> memref<128x16xf32, #tpu.memory_space<vmem>>
      %dma_wait3A_890 = arith.constant 0 : i32
      %dma_wait3A_891 = tpu.memref_slice %arg6[%add3A_882, %dma_wait3A_884, %dma_wait3A_890] : memref<79x2x128xi32, #tpu.memory_space<vmem>> -> memref<1x1x128xi32, #tpu.memory_space<vmem>>
      %dma_wait3A_892 = tpu.memref_squeeze %dma_wait3A_891 : memref<1x1x128xi32, #tpu.memory_space<vmem>> -> memref<128xi32, #tpu.memory_space<vmem>>
      %dma_wait3A_893 = arith.constant 0 : i32
      %dma_wait3A_894 = arith.constant 0 : i32
      %dma_wait3A_895 = tpu.memref_slice %arg8[%dma_wait3A_893, %dma_wait3A_894] : memref<10112x16xf32, #tpu.memory_space<vmem_shared>> -> memref<10112x16xf32, #tpu.memory_space<vmem_shared>>
      %dma_wait3A_896 = tpu.memref_slice %arg11[%dma_wait3A_885] : memref<13x!tpu.dma_semaphore, #tpu.memory_space<semaphore_mem>> -> memref<1x!tpu.dma_semaphore, #tpu.memory_space<semaphore_mem>>
      %dma_wait3A_897 = tpu.memref_squeeze %dma_wait3A_896 : memref<1x!tpu.dma_semaphore, #tpu.memory_space<semaphore_mem>> -> memref<!tpu.dma_semaphore, #tpu.memory_space<semaphore_mem>>
      tpu.wait_indirect_dma semaphore(%dma_wait3A_897 : memref<!tpu.dma_semaphore, #tpu.memory_space<semaphore_mem>>) src(%dma_wait3A_889 : memref<128x16xf32, #tpu.memory_space<vmem>>) dst(%dma_wait3A_895 : memref<10112x16xf32, #tpu.memory_space<vmem_shared>>)
      %add3A_898 = arith.constant 11 : i32
      %add3A_899 = arith.addi %mul3A_49, %add3A_898 : i32
      %dma_wait3A_900 = arith.constant 11 : i32
      %dma_wait3A_901 = arith.constant 1 : i32
      %dma_wait3A_902 = arith.constant 11 : i32
      %dma_wait3A_903 = arith.constant 0 : i32
      %dma_wait3A_904 = arith.constant 0 : i32
      %dma_wait3A_905 = tpu.memref_slice %arg7[%dma_wait3A_900, %dma_wait3A_903, %dma_wait3A_904] : memref<13x128x16xf32, #tpu.memory_space<vmem>> -> memref<1x128x16xf32, #tpu.memory_space<vmem>>
      %dma_wait3A_906 = tpu.memref_squeeze %dma_wait3A_905 : memref<1x128x16xf32, #tpu.memory_space<vmem>> -> memref<128x16xf32, #tpu.memory_space<vmem>>
      %dma_wait3A_907 = arith.constant 0 : i32
      %dma_wait3A_908 = tpu.memref_slice %arg6[%add3A_899, %dma_wait3A_901, %dma_wait3A_907] : memref<79x2x128xi32, #tpu.memory_space<vmem>> -> memref<1x1x128xi32, #tpu.memory_space<vmem>>
      %dma_wait3A_909 = tpu.memref_squeeze %dma_wait3A_908 : memref<1x1x128xi32, #tpu.memory_space<vmem>> -> memref<128xi32, #tpu.memory_space<vmem>>
      %dma_wait3A_910 = arith.constant 0 : i32
      %dma_wait3A_911 = arith.constant 0 : i32
      %dma_wait3A_912 = tpu.memref_slice %arg8[%dma_wait3A_910, %dma_wait3A_911] : memref<10112x16xf32, #tpu.memory_space<vmem_shared>> -> memref<10112x16xf32, #tpu.memory_space<vmem_shared>>
      %dma_wait3A_913 = tpu.memref_slice %arg11[%dma_wait3A_902] : memref<13x!tpu.dma_semaphore, #tpu.memory_space<semaphore_mem>> -> memref<1x!tpu.dma_semaphore, #tpu.memory_space<semaphore_mem>>
      %dma_wait3A_914 = tpu.memref_squeeze %dma_wait3A_913 : memref<1x!tpu.dma_semaphore, #tpu.memory_space<semaphore_mem>> -> memref<!tpu.dma_semaphore, #tpu.memory_space<semaphore_mem>>
      tpu.wait_indirect_dma semaphore(%dma_wait3A_914 : memref<!tpu.dma_semaphore, #tpu.memory_space<semaphore_mem>>) src(%dma_wait3A_906 : memref<128x16xf32, #tpu.memory_space<vmem>>) dst(%dma_wait3A_912 : memref<10112x16xf32, #tpu.memory_space<vmem_shared>>)
      %add3A_915 = arith.constant 12 : i32
      %add3A_916 = arith.addi %mul3A_49, %add3A_915 : i32
      %dma_wait3A_917 = arith.constant 12 : i32
      %dma_wait3A_918 = arith.constant 1 : i32
      %dma_wait3A_919 = arith.constant 12 : i32
      %dma_wait3A_920 = arith.constant 0 : i32
      %dma_wait3A_921 = arith.constant 0 : i32
      %dma_wait3A_922 = tpu.memref_slice %arg7[%dma_wait3A_917, %dma_wait3A_920, %dma_wait3A_921] : memref<13x128x16xf32, #tpu.memory_space<vmem>> -> memref<1x128x16xf32, #tpu.memory_space<vmem>>
      %dma_wait3A_923 = tpu.memref_squeeze %dma_wait3A_922 : memref<1x128x16xf32, #tpu.memory_space<vmem>> -> memref<128x16xf32, #tpu.memory_space<vmem>>
      %dma_wait3A_924 = arith.constant 0 : i32
      %dma_wait3A_925 = tpu.memref_slice %arg6[%add3A_916, %dma_wait3A_918, %dma_wait3A_924] : memref<79x2x128xi32, #tpu.memory_space<vmem>> -> memref<1x1x128xi32, #tpu.memory_space<vmem>>
      %dma_wait3A_926 = tpu.memref_squeeze %dma_wait3A_925 : memref<1x1x128xi32, #tpu.memory_space<vmem>> -> memref<128xi32, #tpu.memory_space<vmem>>
      %dma_wait3A_927 = arith.constant 0 : i32
      %dma_wait3A_928 = arith.constant 0 : i32
      %dma_wait3A_929 = tpu.memref_slice %arg8[%dma_wait3A_927, %dma_wait3A_928] : memref<10112x16xf32, #tpu.memory_space<vmem_shared>> -> memref<10112x16xf32, #tpu.memory_space<vmem_shared>>
      %dma_wait3A_930 = tpu.memref_slice %arg11[%dma_wait3A_919] : memref<13x!tpu.dma_semaphore, #tpu.memory_space<semaphore_mem>> -> memref<1x!tpu.dma_semaphore, #tpu.memory_space<semaphore_mem>>
      %dma_wait3A_931 = tpu.memref_squeeze %dma_wait3A_930 : memref<1x!tpu.dma_semaphore, #tpu.memory_space<semaphore_mem>> -> memref<!tpu.dma_semaphore, #tpu.memory_space<semaphore_mem>>
      tpu.wait_indirect_dma semaphore(%dma_wait3A_931 : memref<!tpu.dma_semaphore, #tpu.memory_space<semaphore_mem>>) src(%dma_wait3A_923 : memref<128x16xf32, #tpu.memory_space<vmem>>) dst(%dma_wait3A_929 : memref<10112x16xf32, #tpu.memory_space<vmem_shared>>)
    }
    %scan3A_21 = arith.constant 6 : i32
    %sub3A = arith.constant 78 : i32
    %sub3A_22 = arith.subi %add3A_8, %sub3A : i32
    %sub3A_23 = arith.constant 1 : i32
    %sub3A_24 = arith.constant 1 : i32
    %sub3A_25 = arith.subi %sub3A_23, %sub3A_24 : i32
    %add3A_26 = arith.addi %sub3A_22, %sub3A_25 : i32
    %div3A = arith.constant 1 : i32
    %div3A_27 = arith.divsi %add3A_26, %div3A : i32
    %while3A = arith.constant 1 : i32
    %while3A_28 = arith.constant 78 : i32
    %while3A_29 = arith.constant 0 : i32
    %while3A_30 = arith.subi %div3A_27, %while3A_29 : i32
    %while3A_31 = arith.addi %while3A_29, %while3A_30 : i32
    %while3A_32 = arith.constant 1 : i32
    %while3A_33 = arith.divsi %while3A_30, %while3A_32 : i32
    %while3A_34 = arith.muli %while3A_33, %while3A_32 : i32
    %while3A_35 = arith.addi %while3A_29, %while3A_34 : i32
    %while3A_36 = arith.constant 1 : i32
    scf.for %while3A_43 = %while3A_29 to %while3A_35 step %while3A_36  : i32 {
      %mul3A_44 = arith.muli %while3A_43, %while3A : i32
      %add3A_45 = arith.addi %while3A_28, %mul3A_44 : i32
      %dma_start3A = arith.constant 0 : i32
      %dma_start3A_46 = arith.constant 0 : i32
      %dma_start3A_47 = arith.constant 0 : i32
      %dma_start3A_48 = arith.constant 0 : i32
      %dma_start3A_49 = arith.constant 0 : i32
      %dma_start3A_50 = tpu.memref_slice %arg7[%dma_start3A_46, %dma_start3A_48, %dma_start3A_49] : memref<13x128x16xf32, #tpu.memory_space<vmem>> -> memref<1x128x16xf32, #tpu.memory_space<vmem>>
      %dma_start3A_51 = tpu.memref_squeeze %dma_start3A_50 : memref<1x128x16xf32, #tpu.memory_space<vmem>> -> memref<128x16xf32, #tpu.memory_space<vmem>>
      %dma_start3A_52 = arith.constant 0 : i32
      %dma_start3A_53 = tpu.memref_slice %arg6[%add3A_45, %dma_start3A, %dma_start3A_52] : memref<79x2x128xi32, #tpu.memory_space<vmem>> -> memref<1x1x128xi32, #tpu.memory_space<vmem>>
      %dma_start3A_54 = tpu.memref_squeeze %dma_start3A_53 : memref<1x1x128xi32, #tpu.memory_space<vmem>> -> memref<128xi32, #tpu.memory_space<vmem>>
      %dma_start3A_55 = arith.constant 0 : i32
      %dma_start3A_56 = arith.constant 0 : i32
      %dma_start3A_57 = tpu.memref_slice %arg9[%dma_start3A_55, %dma_start3A_56] : memref<10000x16xf32, #tpu.memory_space<vmem_shared>> -> memref<10000x16xf32, #tpu.memory_space<vmem_shared>>
      %dma_start3A_58 = tpu.memref_slice %arg10[%dma_start3A_47] : memref<13x!tpu.dma_semaphore, #tpu.memory_space<semaphore_mem>> -> memref<1x!tpu.dma_semaphore, #tpu.memory_space<semaphore_mem>>
      %dma_start3A_59 = tpu.memref_squeeze %dma_start3A_58 : memref<1x!tpu.dma_semaphore, #tpu.memory_space<semaphore_mem>> -> memref<!tpu.dma_semaphore, #tpu.memory_space<semaphore_mem>>
      tpu.enqueue_indirect_dma source(%dma_start3A_57 : memref<10000x16xf32, #tpu.memory_space<vmem_shared>>) target(%dma_start3A_51 : memref<128x16xf32, #tpu.memory_space<vmem>>) offsets(%dma_start3A_54 : memref<128xi32, #tpu.memory_space<vmem>>) semaphore(%dma_start3A_59 : memref<!tpu.dma_semaphore, #tpu.memory_space<semaphore_mem>>)
      %dma_wait3A = arith.constant 0 : i32
      %dma_wait3A_60 = arith.constant 0 : i32
      %dma_wait3A_61 = arith.constant 0 : i32
      %dma_wait3A_62 = arith.constant 0 : i32
      %dma_wait3A_63 = arith.constant 0 : i32
      %dma_wait3A_64 = tpu.memref_slice %arg7[%dma_wait3A_60, %dma_wait3A_62, %dma_wait3A_63] : memref<13x128x16xf32, #tpu.memory_space<vmem>> -> memref<1x128x16xf32, #tpu.memory_space<vmem>>
      %dma_wait3A_65 = tpu.memref_squeeze %dma_wait3A_64 : memref<1x128x16xf32, #tpu.memory_space<vmem>> -> memref<128x16xf32, #tpu.memory_space<vmem>>
      %dma_wait3A_66 = arith.constant 0 : i32
      %dma_wait3A_67 = tpu.memref_slice %arg6[%add3A_45, %dma_wait3A, %dma_wait3A_66] : memref<79x2x128xi32, #tpu.memory_space<vmem>> -> memref<1x1x128xi32, #tpu.memory_space<vmem>>
      %dma_wait3A_68 = tpu.memref_squeeze %dma_wait3A_67 : memref<1x1x128xi32, #tpu.memory_space<vmem>> -> memref<128xi32, #tpu.memory_space<vmem>>
      %dma_wait3A_69 = arith.constant 0 : i32
      %dma_wait3A_70 = arith.constant 0 : i32
      %dma_wait3A_71 = tpu.memref_slice %arg9[%dma_wait3A_69, %dma_wait3A_70] : memref<10000x16xf32, #tpu.memory_space<vmem_shared>> -> memref<10000x16xf32, #tpu.memory_space<vmem_shared>>
      %dma_wait3A_72 = tpu.memref_slice %arg10[%dma_wait3A_61] : memref<13x!tpu.dma_semaphore, #tpu.memory_space<semaphore_mem>> -> memref<1x!tpu.dma_semaphore, #tpu.memory_space<semaphore_mem>>
      %dma_wait3A_73 = tpu.memref_squeeze %dma_wait3A_72 : memref<1x!tpu.dma_semaphore, #tpu.memory_space<semaphore_mem>> -> memref<!tpu.dma_semaphore, #tpu.memory_space<semaphore_mem>>
      tpu.wait_indirect_dma semaphore(%dma_wait3A_73 : memref<!tpu.dma_semaphore, #tpu.memory_space<semaphore_mem>>) src(%dma_wait3A_71 : memref<10000x16xf32, #tpu.memory_space<vmem_shared>>) dst(%dma_wait3A_65 : memref<128x16xf32, #tpu.memory_space<vmem>>)
      %run_scoped3A = arith.constant 0 : i32
      %run_scoped3A_74 = arith.constant 1 : i32
      "tpu.region"() ({
        %run_scoped3A_75 = tpu.sem_alloc : memref<!tpu.dma_semaphore, #tpu.memory_space<semaphore_mem>>
        %dma_start3A_76 = arith.constant 0 : i32
        %dma_start3A_77 = arith.constant 0 : i32
        %dma_start3A_78 = tpu.memref_slice %arg7[%run_scoped3A, %dma_start3A_76, %dma_start3A_77] : memref<13x128x16xf32, #tpu.memory_space<vmem>> -> memref<1x128x16xf32, #tpu.memory_space<vmem>>
        %dma_start3A_79 = tpu.memref_squeeze %dma_start3A_78 : memref<1x128x16xf32, #tpu.memory_space<vmem>> -> memref<128x16xf32, #tpu.memory_space<vmem>>
        %dma_start3A_80 = arith.constant 0 : i32
        %dma_start3A_81 = tpu.memref_slice %arg6[%add3A_45, %run_scoped3A_74, %dma_start3A_80] : memref<79x2x128xi32, #tpu.memory_space<vmem>> -> memref<1x1x128xi32, #tpu.memory_space<vmem>>
        %dma_start3A_82 = tpu.memref_squeeze %dma_start3A_81 : memref<1x1x128xi32, #tpu.memory_space<vmem>> -> memref<128xi32, #tpu.memory_space<vmem>>
        %dma_start3A_83 = arith.constant 0 : i32
        %dma_start3A_84 = arith.constant 0 : i32
        %dma_start3A_85 = tpu.memref_slice %arg8[%dma_start3A_83, %dma_start3A_84] : memref<10112x16xf32, #tpu.memory_space<vmem_shared>> -> memref<10112x16xf32, #tpu.memory_space<vmem_shared>>
        tpu.enqueue_indirect_dma source(%dma_start3A_79 : memref<128x16xf32, #tpu.memory_space<vmem>>) target(%dma_start3A_85 : memref<10112x16xf32, #tpu.memory_space<vmem_shared>>) offsets(%dma_start3A_82 : memref<128xi32, #tpu.memory_space<vmem>>) semaphore(%run_scoped3A_75 : memref<!tpu.dma_semaphore, #tpu.memory_space<semaphore_mem>>) {add = true}
        %dma_wait3A_86 = arith.constant 0 : i32
        %dma_wait3A_87 = arith.constant 0 : i32
        %dma_wait3A_88 = tpu.memref_slice %arg7[%run_scoped3A, %dma_wait3A_86, %dma_wait3A_87] : memref<13x128x16xf32, #tpu.memory_space<vmem>> -> memref<1x128x16xf32, #tpu.memory_space<vmem>>
        %dma_wait3A_89 = tpu.memref_squeeze %dma_wait3A_88 : memref<1x128x16xf32, #tpu.memory_space<vmem>> -> memref<128x16xf32, #tpu.memory_space<vmem>>
        %dma_wait3A_90 = arith.constant 0 : i32
        %dma_wait3A_91 = tpu.memref_slice %arg6[%add3A_45, %run_scoped3A_74, %dma_wait3A_90] : memref<79x2x128xi32, #tpu.memory_space<vmem>> -> memref<1x1x128xi32, #tpu.memory_space<vmem>>
        %dma_wait3A_92 = tpu.memref_squeeze %dma_wait3A_91 : memref<1x1x128xi32, #tpu.memory_space<vmem>> -> memref<128xi32, #tpu.memory_space<vmem>>
        %dma_wait3A_93 = arith.constant 0 : i32
        %dma_wait3A_94 = arith.constant 0 : i32
        %dma_wait3A_95 = tpu.memref_slice %arg8[%dma_wait3A_93, %dma_wait3A_94] : memref<10112x16xf32, #tpu.memory_space<vmem_shared>> -> memref<10112x16xf32, #tpu.memory_space<vmem_shared>>
        tpu.wait_indirect_dma semaphore(%run_scoped3A_75 : memref<!tpu.dma_semaphore, #tpu.memory_space<semaphore_mem>>) src(%dma_wait3A_89 : memref<128x16xf32, #tpu.memory_space<vmem>>) dst(%dma_wait3A_95 : memref<10112x16xf32, #tpu.memory_space<vmem_shared>>)
        tpu.yield
      }) : () -> ()
    }
    %while3A_37 = arith.constant 1 : i32
    scf.for %while3A_43 = %while3A_35 to %while3A_31 step %while3A_37  : i32 {
      %mul3A_44 = arith.muli %while3A_43, %while3A : i32
      %add3A_45 = arith.addi %while3A_28, %mul3A_44 : i32
      %dma_start3A = arith.constant 0 : i32
      %dma_start3A_46 = arith.constant 0 : i32
      %dma_start3A_47 = arith.constant 0 : i32
      %dma_start3A_48 = arith.constant 0 : i32
      %dma_start3A_49 = arith.constant 0 : i32
      %dma_start3A_50 = tpu.memref_slice %arg7[%dma_start3A_46, %dma_start3A_48, %dma_start3A_49] : memref<13x128x16xf32, #tpu.memory_space<vmem>> -> memref<1x128x16xf32, #tpu.memory_space<vmem>>
      %dma_start3A_51 = tpu.memref_squeeze %dma_start3A_50 : memref<1x128x16xf32, #tpu.memory_space<vmem>> -> memref<128x16xf32, #tpu.memory_space<vmem>>
      %dma_start3A_52 = arith.constant 0 : i32
      %dma_start3A_53 = tpu.memref_slice %arg6[%add3A_45, %dma_start3A, %dma_start3A_52] : memref<79x2x128xi32, #tpu.memory_space<vmem>> -> memref<1x1x128xi32, #tpu.memory_space<vmem>>
      %dma_start3A_54 = tpu.memref_squeeze %dma_start3A_53 : memref<1x1x128xi32, #tpu.memory_space<vmem>> -> memref<128xi32, #tpu.memory_space<vmem>>
      %dma_start3A_55 = arith.constant 0 : i32
      %dma_start3A_56 = arith.constant 0 : i32
      %dma_start3A_57 = tpu.memref_slice %arg9[%dma_start3A_55, %dma_start3A_56] : memref<10000x16xf32, #tpu.memory_space<vmem_shared>> -> memref<10000x16xf32, #tpu.memory_space<vmem_shared>>
      %dma_start3A_58 = tpu.memref_slice %arg10[%dma_start3A_47] : memref<13x!tpu.dma_semaphore, #tpu.memory_space<semaphore_mem>> -> memref<1x!tpu.dma_semaphore, #tpu.memory_space<semaphore_mem>>
      %dma_start3A_59 = tpu.memref_squeeze %dma_start3A_58 : memref<1x!tpu.dma_semaphore, #tpu.memory_space<semaphore_mem>> -> memref<!tpu.dma_semaphore, #tpu.memory_space<semaphore_mem>>
      tpu.enqueue_indirect_dma source(%dma_start3A_57 : memref<10000x16xf32, #tpu.memory_space<vmem_shared>>) target(%dma_start3A_51 : memref<128x16xf32, #tpu.memory_space<vmem>>) offsets(%dma_start3A_54 : memref<128xi32, #tpu.memory_space<vmem>>) semaphore(%dma_start3A_59 : memref<!tpu.dma_semaphore, #tpu.memory_space<semaphore_mem>>)
      %dma_wait3A = arith.constant 0 : i32
      %dma_wait3A_60 = arith.constant 0 : i32
      %dma_wait3A_61 = arith.constant 0 : i32
      %dma_wait3A_62 = arith.constant 0 : i32
      %dma_wait3A_63 = arith.constant 0 : i32
      %dma_wait3A_64 = tpu.memref_slice %arg7[%dma_wait3A_60, %dma_wait3A_62, %dma_wait3A_63] : memref<13x128x16xf32, #tpu.memory_space<vmem>> -> memref<1x128x16xf32, #tpu.memory_space<vmem>>
      %dma_wait3A_65 = tpu.memref_squeeze %dma_wait3A_64 : memref<1x128x16xf32, #tpu.memory_space<vmem>> -> memref<128x16xf32, #tpu.memory_space<vmem>>
      %dma_wait3A_66 = arith.constant 0 : i32
      %dma_wait3A_67 = tpu.memref_slice %arg6[%add3A_45, %dma_wait3A, %dma_wait3A_66] : memref<79x2x128xi32, #tpu.memory_space<vmem>> -> memref<1x1x128xi32, #tpu.memory_space<vmem>>
      %dma_wait3A_68 = tpu.memref_squeeze %dma_wait3A_67 : memref<1x1x128xi32, #tpu.memory_space<vmem>> -> memref<128xi32, #tpu.memory_space<vmem>>
      %dma_wait3A_69 = arith.constant 0 : i32
      %dma_wait3A_70 = arith.constant 0 : i32
      %dma_wait3A_71 = tpu.memref_slice %arg9[%dma_wait3A_69, %dma_wait3A_70] : memref<10000x16xf32, #tpu.memory_space<vmem_shared>> -> memref<10000x16xf32, #tpu.memory_space<vmem_shared>>
      %dma_wait3A_72 = tpu.memref_slice %arg10[%dma_wait3A_61] : memref<13x!tpu.dma_semaphore, #tpu.memory_space<semaphore_mem>> -> memref<1x!tpu.dma_semaphore, #tpu.memory_space<semaphore_mem>>
      %dma_wait3A_73 = tpu.memref_squeeze %dma_wait3A_72 : memref<1x!tpu.dma_semaphore, #tpu.memory_space<semaphore_mem>> -> memref<!tpu.dma_semaphore, #tpu.memory_space<semaphore_mem>>
      tpu.wait_indirect_dma semaphore(%dma_wait3A_73 : memref<!tpu.dma_semaphore, #tpu.memory_space<semaphore_mem>>) src(%dma_wait3A_71 : memref<10000x16xf32, #tpu.memory_space<vmem_shared>>) dst(%dma_wait3A_65 : memref<128x16xf32, #tpu.memory_space<vmem>>)
      %run_scoped3A = arith.constant 0 : i32
      %run_scoped3A_74 = arith.constant 1 : i32
      "tpu.region"() ({
        %run_scoped3A_75 = tpu.sem_alloc : memref<!tpu.dma_semaphore, #tpu.memory_space<semaphore_mem>>
        %dma_start3A_76 = arith.constant 0 : i32
        %dma_start3A_77 = arith.constant 0 : i32
        %dma_start3A_78 = tpu.memref_slice %arg7[%run_scoped3A, %dma_start3A_76, %dma_start3A_77] : memref<13x128x16xf32, #tpu.memory_space<vmem>> -> memref<1x128x16xf32, #tpu.memory_space<vmem>>
        %dma_start3A_79 = tpu.memref_squeeze %dma_start3A_78 : memref<1x128x16xf32, #tpu.memory_space<vmem>> -> memref<128x16xf32, #tpu.memory_space<vmem>>
        %dma_start3A_80 = arith.constant 0 : i32
        %dma_start3A_81 = tpu.memref_slice %arg6[%add3A_45, %run_scoped3A_74, %dma_start3A_80] : memref<79x2x128xi32, #tpu.memory_space<vmem>> -> memref<1x1x128xi32, #tpu.memory_space<vmem>>
        %dma_start3A_82 = tpu.memref_squeeze %dma_start3A_81 : memref<1x1x128xi32, #tpu.memory_space<vmem>> -> memref<128xi32, #tpu.memory_space<vmem>>
        %dma_start3A_83 = arith.constant 0 : i32
        %dma_start3A_84 = arith.constant 0 : i32
        %dma_start3A_85 = tpu.memref_slice %arg8[%dma_start3A_83, %dma_start3A_84] : memref<10112x16xf32, #tpu.memory_space<vmem_shared>> -> memref<10112x16xf32, #tpu.memory_space<vmem_shared>>
        tpu.enqueue_indirect_dma source(%dma_start3A_79 : memref<128x16xf32, #tpu.memory_space<vmem>>) target(%dma_start3A_85 : memref<10112x16xf32, #tpu.memory_space<vmem_shared>>) offsets(%dma_start3A_82 : memref<128xi32, #tpu.memory_space<vmem>>) semaphore(%run_scoped3A_75 : memref<!tpu.dma_semaphore, #tpu.memory_space<semaphore_mem>>) {add = true}
        %dma_wait3A_86 = arith.constant 0 : i32
        %dma_wait3A_87 = arith.constant 0 : i32
        %dma_wait3A_88 = tpu.memref_slice %arg7[%run_scoped3A, %dma_wait3A_86, %dma_wait3A_87] : memref<13x128x16xf32, #tpu.memory_space<vmem>> -> memref<1x128x16xf32, #tpu.memory_space<vmem>>
        %dma_wait3A_89 = tpu.memref_squeeze %dma_wait3A_88 : memref<1x128x16xf32, #tpu.memory_space<vmem>> -> memref<128x16xf32, #tpu.memory_space<vmem>>
        %dma_wait3A_90 = arith.constant 0 : i32
        %dma_wait3A_91 = tpu.memref_slice %arg6[%add3A_45, %run_scoped3A_74, %dma_wait3A_90] : memref<79x2x128xi32, #tpu.memory_space<vmem>> -> memref<1x1x128xi32, #tpu.memory_space<vmem>>
        %dma_wait3A_92 = tpu.memref_squeeze %dma_wait3A_91 : memref<1x1x128xi32, #tpu.memory_space<vmem>> -> memref<128xi32, #tpu.memory_space<vmem>>
        %dma_wait3A_93 = arith.constant 0 : i32
        %dma_wait3A_94 = arith.constant 0 : i32
        %dma_wait3A_95 = tpu.memref_slice %arg8[%dma_wait3A_93, %dma_wait3A_94] : memref<10112x16xf32, #tpu.memory_space<vmem_shared>> -> memref<10112x16xf32, #tpu.memory_space<vmem_shared>>
        tpu.wait_indirect_dma semaphore(%run_scoped3A_75 : memref<!tpu.dma_semaphore, #tpu.memory_space<semaphore_mem>>) src(%dma_wait3A_89 : memref<128x16xf32, #tpu.memory_space<vmem>>) dst(%dma_wait3A_95 : memref<10112x16xf32, #tpu.memory_space<vmem_shared>>)
        tpu.yield
      }) : () -> ()
    }
    %barrier3A_38 = arith.constant 0 : index
    tpu.barrier barrier_id(%barrier3A_38)
    %mul3A_39 = arith.constant 632 : i32
    %mul3A_40 = arith.muli %arg1, %mul3A_39 : i32
    %mul3A_41 = arith.constant 632 : i32
    %mul3A_42 = arith.muli %arg1, %mul3A_41 : i32
    "tpu.region"() ({
      %run_scoped3A = tpu.sem_alloc : memref<!tpu.dma_semaphore, #tpu.memory_space<semaphore_mem>>
      %dma_start3A = arith.constant 0 : i32
      %dma_start3A_43 = tpu.memref_slice %arg5[%arg0, %mul3A_42, %dma_start3A] : memref<2x10112x16xf32, #tpu.memory_space<hbm>> -> memref<1x632x16xf32, #tpu.memory_space<hbm>>
      %dma_start3A_44 = tpu.memref_squeeze %dma_start3A_43 : memref<1x632x16xf32, #tpu.memory_space<hbm>> -> memref<632x16xf32, #tpu.memory_space<hbm>>
      %dma_start3A_45 = arith.constant 0 : i32
      %dma_start3A_46 = tpu.memref_slice %arg8[%mul3A_40, %dma_start3A_45] : memref<10112x16xf32, #tpu.memory_space<vmem_shared>> -> memref<632x16xf32, #tpu.memory_space<vmem_shared>>
      tpu.enqueue_dma source(%dma_start3A_46 : memref<632x16xf32, #tpu.memory_space<vmem_shared>>) target(%dma_start3A_44 : memref<632x16xf32, #tpu.memory_space<hbm>>) target_semaphore(%run_scoped3A : memref<!tpu.dma_semaphore, #tpu.memory_space<semaphore_mem>>)
      %dma_wait3A = arith.constant 0 : i32
      %dma_wait3A_47 = tpu.memref_slice %arg5[%arg0, %mul3A_42, %dma_wait3A] : memref<2x10112x16xf32, #tpu.memory_space<hbm>> -> memref<1x632x16xf32, #tpu.memory_space<hbm>>
      %dma_wait3A_48 = tpu.memref_squeeze %dma_wait3A_47 : memref<1x632x16xf32, #tpu.memory_space<hbm>> -> memref<632x16xf32, #tpu.memory_space<hbm>>
      %dma_wait3A_49 = arith.constant 0 : i32
      %dma_wait3A_50 = tpu.memref_slice %arg8[%mul3A_40, %dma_wait3A_49] : memref<10112x16xf32, #tpu.memory_space<vmem_shared>> -> memref<632x16xf32, #tpu.memory_space<vmem_shared>>
      tpu.wait_dma2 semaphore(%run_scoped3A : memref<!tpu.dma_semaphore, #tpu.memory_space<semaphore_mem>>) src(%dma_wait3A_50 : memref<632x16xf32, #tpu.memory_space<vmem_shared>>) dst(%dma_wait3A_48 : memref<632x16xf32, #tpu.memory_space<hbm>>)
      tpu.yield
    }) : () -> ()
    return
  }
}

module attributes {stable_mosaic.version = 14 : i64} {
  func.func @_tcmm_body(%arg0: i32, %arg1: memref<2000x128xf32, #tpu.memory_space<vmem>>, %arg2: memref<128x32xf32, #tpu.memory_space<vmem>>, %arg3: memref<2000x32xf32, #tpu.memory_space<vmem>>) attributes {dimension_semantics = [#tpu.dimension_semantics<arbitrary>], iteration_bounds = array<i64: 5>, scalar_prefetch = 0 : i64, scratch_operands = 0 : i64, tpu.core_type = #tpu.core_type<tc>, window_params = [{transform_indices = @transform_0, window_bounds = array<i64: 2000, 128>}, {pipeline_mode = #tpu.pipeline_mode<synchronous>, transform_indices = @transform_1, window_bounds = array<i64: 128, 32>}, {transform_indices = @transform_2, window_bounds = array<i64: 2000, 32>}]} {
    %get3A = arith.constant 0 : index
    %get3A_0 = arith.constant 0 : index
    %get3A_1 = vector.load %arg1[%get3A, %get3A_0] : memref<2000x128xf32, #tpu.memory_space<vmem>>, vector<2000x128xf32>
    %get3A_2 = arith.constant 0 : index
    %get3A_3 = arith.constant 0 : index
    %get3A_4 = vector.load %arg2[%get3A_2, %get3A_3] : memref<128x32xf32, #tpu.memory_space<vmem>>, vector<128x32xf32>
    %dot_general3A = arith.constant dense<0.000000e+00> : vector<2000x32xf32>
    %dot_general3A_5 = tpu.matmul %get3A_1, %get3A_4, %dot_general3A {dimension_numbers = #tpu.dot_dimension_numbers<[1], [0], [0], [1], [0, 0, 1, 1], [], []>, transpose_lhs_hint = false} : vector<2000x128xf32>, vector<128x32xf32>, vector<2000x32xf32> -> vector<2000x32xf32>
    %swap3A = arith.constant 0 : index
    %swap3A_6 = arith.constant 0 : index
    %swap3A_7 = vector.load %arg3[%swap3A, %swap3A_6] : memref<2000x32xf32, #tpu.memory_space<vmem>>, vector<2000x32xf32>
    tpu.vector_store %arg3[%swap3A, %swap3A_6], %dot_general3A_5 {strides = array<i32>} : memref<2000x32xf32, #tpu.memory_space<vmem>>, vector<2000x32xf32>,
    return
  }
  func.func @transform_0(%arg0: i32) -> (i32, i32) {
    %c0_i32 = arith.constant 0 : i32
    %c0_i32_0 = arith.constant 0 : i32
    return %arg0, %c0_i32 : i32, i32
  }
  func.func @transform_1(%arg0: i32) -> (i32, i32) {
    %c0_i32 = arith.constant 0 : i32
    %c0_i32_0 = arith.constant 0 : i32
    %c0_i32_1 = arith.constant 0 : i32
    return %c0_i32, %c0_i32_0 : i32, i32
  }
  func.func @transform_2(%arg0: i32) -> (i32, i32) {
    %c0_i32 = arith.constant 0 : i32
    %c0_i32_0 = arith.constant 0 : i32
    return %arg0, %c0_i32 : i32, i32
  }
}

module attributes {stable_mosaic.version = 14 : i64} {
  func.func @_tcs_body(%arg0: i32, %arg1: memref<2x2000x8xf32, #tpu.memory_space<vmem>>, %arg2: memref<2000x32xf32, #tpu.memory_space<vmem>>, %arg3: memref<2000x32xf32, #tpu.memory_space<vmem>>, %arg4: memref<2000x1xf32, #tpu.memory_space<vmem>>) attributes {dimension_semantics = [#tpu.dimension_semantics<arbitrary>], iteration_bounds = array<i64: 5>, scalar_prefetch = 0 : i64, scratch_operands = 0 : i64, tpu.core_type = #tpu.core_type<tc>, window_params = [{transform_indices = @transform_0, window_bounds = array<i64: 2, 2000, 8>}, {transform_indices = @transform_1, window_bounds = array<i64: 2000, 32>}, {transform_indices = @transform_2, window_bounds = array<i64: 2000, 32>}, {transform_indices = @transform_3, window_bounds = array<i64: 2000, 1>}]} {
    %get3A = arith.constant 0 : index
    %get3A_0 = arith.constant 0 : index
    %get3A_1 = arith.constant 0 : index
    %get3A_2 = vector.load %arg1[%get3A, %get3A_0, %get3A_1] : memref<2x2000x8xf32, #tpu.memory_space<vmem>>, vector<1x2000x8xf32>
    %get3A_3 = vector.shape_cast %get3A_2 : vector<1x2000x8xf32> to vector<2000x8xf32>
    %reduce_sum3A = arith.constant dense<0.000000e+00> : vector<2000xf32>
    %reduce_sum3A_4 = vector.multi_reduction <add>, %get3A_3, %reduce_sum3A [1] : vector<2000x8xf32> to vector<2000xf32>
    %broadcast_in_dim3A = vector.shape_cast %reduce_sum3A_4 : vector<2000xf32> to vector<2000x1xf32>
    %get3A_5 = arith.constant 1 : index
    %get3A_6 = arith.constant 0 : index
    %get3A_7 = arith.constant 0 : index
    %get3A_8 = vector.load %arg1[%get3A_5, %get3A_6, %get3A_7] : memref<2x2000x8xf32, #tpu.memory_space<vmem>>, vector<1x2000x8xf32>
    %get3A_9 = vector.shape_cast %get3A_8 : vector<1x2000x8xf32> to vector<2000x8xf32>
    %reduce_sum3A_10 = arith.constant dense<0.000000e+00> : vector<2000xf32>
    %reduce_sum3A_11 = vector.multi_reduction <add>, %get3A_9, %reduce_sum3A_10 [1] : vector<2000x8xf32> to vector<2000xf32>
    %broadcast_in_dim3A_12 = vector.shape_cast %reduce_sum3A_11 : vector<2000xf32> to vector<2000x1xf32>
    %add3A = arith.addf %broadcast_in_dim3A, %broadcast_in_dim3A_12 : vector<2000x1xf32>
    %add3A_13 = arith.constant 1.000000e+00 : f32
    %add3A_14 = vector.broadcast %add3A_13 : f32 to vector<2000x1xf32>
    %add3A_15 = arith.addf %add3A, %add3A_14 : vector<2000x1xf32>
    %rsqrt3A = math.rsqrt %add3A_15 : vector<2000x1xf32>
    %get3A_16 = arith.constant 0 : index
    %get3A_17 = arith.constant 0 : index
    %get3A_18 = vector.load %arg2[%get3A_16, %get3A_17] : memref<2000x32xf32, #tpu.memory_space<vmem>>, vector<2000x32xf32>
    %mul3A = vector.broadcast %rsqrt3A : vector<2000x1xf32> to vector<2000x32xf32>
    %mul3A_19 = arith.mulf %get3A_18, %mul3A : vector<2000x32xf32>
    %swap3A = arith.constant 0 : index
    %swap3A_20 = arith.constant 0 : index
    %swap3A_21 = vector.load %arg3[%swap3A, %swap3A_20] : memref<2000x32xf32, #tpu.memory_space<vmem>>, vector<2000x32xf32>
    tpu.vector_store %arg3[%swap3A, %swap3A_20], %mul3A_19 {strides = array<i32>} : memref<2000x32xf32, #tpu.memory_space<vmem>>, vector<2000x32xf32>,
    %swap3A_22 = arith.constant 0 : index
    %swap3A_23 = arith.constant 0 : index
    %swap3A_24 = vector.load %arg4[%swap3A_22, %swap3A_23] : memref<2000x1xf32, #tpu.memory_space<vmem>>, vector<2000x1xf32>
    tpu.vector_store %arg4[%swap3A_22, %swap3A_23], %rsqrt3A {strides = array<i32>} : memref<2000x1xf32, #tpu.memory_space<vmem>>, vector<2000x1xf32>,
    return
  }
  func.func @transform_0(%arg0: i32) -> (i32, i32, i32) {
    %c0_i32 = arith.constant 0 : i32
    %c0_i32_0 = arith.constant 0 : i32
    %c0_i32_1 = arith.constant 0 : i32
    return %c0_i32, %arg0, %c0_i32_0 : i32, i32, i32
  }
  func.func @transform_1(%arg0: i32) -> (i32, i32) {
    %c0_i32 = arith.constant 0 : i32
    %c0_i32_0 = arith.constant 0 : i32
    return %arg0, %c0_i32 : i32, i32
  }
  func.func @transform_2(%arg0: i32) -> (i32, i32) {
    %c0_i32 = arith.constant 0 : i32
    %c0_i32_0 = arith.constant 0 : i32
    return %arg0, %c0_i32 : i32, i32
  }
  func.func @transform_3(%arg0: i32) -> (i32, i32) {
    %c0_i32 = arith.constant 0 : i32
    %c0_i32_0 = arith.constant 0 : i32
    return %arg0, %c0_i32 : i32, i32
  }
}

module attributes {stable_mosaic.version = 14 : i64} {
  func.func @_tcd_body(%arg0: i32, %arg1: memref<2x2000x32xf32, #tpu.memory_space<vmem>>, %arg2: memref<2000x32xf32, #tpu.memory_space<vmem>>, %arg3: memref<2000x1xf32, #tpu.memory_space<vmem>>, %arg4: memref<1x32xf32, #tpu.memory_space<vmem>>, %arg5: memref<32x16xf32, #tpu.memory_space<vmem>>, %arg6: memref<2000x16xf32, #tpu.memory_space<vmem>>) attributes {dimension_semantics = [#tpu.dimension_semantics<arbitrary>], iteration_bounds = array<i64: 5>, scalar_prefetch = 0 : i64, scratch_operands = 0 : i64, tpu.core_type = #tpu.core_type<tc>, window_params = [{transform_indices = @transform_0, window_bounds = array<i64: 2, 2000, 32>}, {transform_indices = @transform_1, window_bounds = array<i64: 2000, 32>}, {transform_indices = @transform_2, window_bounds = array<i64: 2000, 1>}, {pipeline_mode = #tpu.pipeline_mode<synchronous>, transform_indices = @transform_3, window_bounds = array<i64: 1, 32>}, {pipeline_mode = #tpu.pipeline_mode<synchronous>, transform_indices = @transform_4, window_bounds = array<i64: 32, 16>}, {transform_indices = @transform_5, window_bounds = array<i64: 2000, 16>}]} {
    %get3A = arith.constant 0 : index
    %get3A_0 = arith.constant 0 : index
    %get3A_1 = arith.constant 0 : index
    %get3A_2 = vector.load %arg1[%get3A, %get3A_0, %get3A_1] : memref<2x2000x32xf32, #tpu.memory_space<vmem>>, vector<1x2000x32xf32>
    %get3A_3 = vector.shape_cast %get3A_2 : vector<1x2000x32xf32> to vector<2000x32xf32>
    %get3A_4 = arith.constant 1 : index
    %get3A_5 = arith.constant 0 : index
    %get3A_6 = arith.constant 0 : index
    %get3A_7 = vector.load %arg1[%get3A_4, %get3A_5, %get3A_6] : memref<2x2000x32xf32, #tpu.memory_space<vmem>>, vector<1x2000x32xf32>
    %get3A_8 = vector.shape_cast %get3A_7 : vector<1x2000x32xf32> to vector<2000x32xf32>
    %add3A = arith.addf %get3A_3, %get3A_8 : vector<2000x32xf32>
    %get3A_9 = arith.constant 0 : index
    %get3A_10 = arith.constant 0 : index
    %get3A_11 = vector.load %arg2[%get3A_9, %get3A_10] : memref<2000x32xf32, #tpu.memory_space<vmem>>, vector<2000x32xf32>
    %add3A_12 = arith.addf %add3A, %get3A_11 : vector<2000x32xf32>
    %get3A_13 = arith.constant 0 : index
    %get3A_14 = arith.constant 0 : index
    %get3A_15 = vector.load %arg3[%get3A_13, %get3A_14] : memref<2000x1xf32, #tpu.memory_space<vmem>>, vector<2000x1xf32>
    %mul3A = vector.broadcast %get3A_15 : vector<2000x1xf32> to vector<2000x32xf32>
    %mul3A_16 = arith.mulf %add3A_12, %mul3A : vector<2000x32xf32>
    %get3A_17 = arith.constant 0 : index
    %get3A_18 = arith.constant 0 : index
    %get3A_19 = vector.load %arg4[%get3A_17, %get3A_18] : memref<1x32xf32, #tpu.memory_space<vmem>>, vector<1x32xf32>
    %add3A_20 = vector.broadcast %get3A_19 : vector<1x32xf32> to vector<2000x32xf32>
    %add3A_21 = arith.addf %mul3A_16, %add3A_20 : vector<2000x32xf32>
    %max3A = arith.constant 0.000000e+00 : f32
    %max3A_22 = vector.broadcast %max3A : f32 to vector<2000x32xf32>
    %max3A_23 = arith.maximumf %add3A_21, %max3A_22 : vector<2000x32xf32>
    %get3A_24 = arith.constant 0 : index
    %get3A_25 = arith.constant 0 : index
    %get3A_26 = vector.load %arg5[%get3A_24, %get3A_25] : memref<32x16xf32, #tpu.memory_space<vmem>>, vector<32x16xf32>
    %dot_general3A = arith.constant dense<0.000000e+00> : vector<2000x16xf32>
    %dot_general3A_27 = tpu.matmul %max3A_23, %get3A_26, %dot_general3A {dimension_numbers = #tpu.dot_dimension_numbers<[1], [0], [0], [1], [0, 0, 1, 1], [], []>, transpose_lhs_hint = false} : vector<2000x32xf32>, vector<32x16xf32>, vector<2000x16xf32> -> vector<2000x16xf32>
    %get3A_28 = arith.constant 0 : index
    %get3A_29 = arith.constant 0 : index
    %get3A_30 = vector.load %arg3[%get3A_28, %get3A_29] : memref<2000x1xf32, #tpu.memory_space<vmem>>, vector<2000x1xf32>
    %mul3A_31 = vector.broadcast %get3A_30 : vector<2000x1xf32> to vector<2000x16xf32>
    %mul3A_32 = arith.mulf %dot_general3A_27, %mul3A_31 : vector<2000x16xf32>
    %swap3A = arith.constant 0 : index
    %swap3A_33 = arith.constant 0 : index
    %swap3A_34 = vector.load %arg6[%swap3A, %swap3A_33] : memref<2000x16xf32, #tpu.memory_space<vmem>>, vector<2000x16xf32>
    tpu.vector_store %arg6[%swap3A, %swap3A_33], %mul3A_32 {strides = array<i32>} : memref<2000x16xf32, #tpu.memory_space<vmem>>, vector<2000x16xf32>,
    return
  }
  func.func @transform_0(%arg0: i32) -> (i32, i32, i32) {
    %c0_i32 = arith.constant 0 : i32
    %c0_i32_0 = arith.constant 0 : i32
    %c0_i32_1 = arith.constant 0 : i32
    return %c0_i32, %arg0, %c0_i32_0 : i32, i32, i32
  }
  func.func @transform_1(%arg0: i32) -> (i32, i32) {
    %c0_i32 = arith.constant 0 : i32
    %c0_i32_0 = arith.constant 0 : i32
    return %arg0, %c0_i32 : i32, i32
  }
  func.func @transform_2(%arg0: i32) -> (i32, i32) {
    %c0_i32 = arith.constant 0 : i32
    %c0_i32_0 = arith.constant 0 : i32
    return %arg0, %c0_i32 : i32, i32
  }
  func.func @transform_3(%arg0: i32) -> (i32, i32) {
    %c0_i32 = arith.constant 0 : i32
    %c0_i32_0 = arith.constant 0 : i32
    %c0_i32_1 = arith.constant 0 : i32
    return %c0_i32, %c0_i32_0 : i32, i32
  }
  func.func @transform_4(%arg0: i32) -> (i32, i32) {
    %c0_i32 = arith.constant 0 : i32
    %c0_i32_0 = arith.constant 0 : i32
    %c0_i32_1 = arith.constant 0 : i32
    return %c0_i32, %c0_i32_0 : i32, i32
  }
  func.func @transform_5(%arg0: i32) -> (i32, i32) {
    %c0_i32 = arith.constant 0 : i32
    %c0_i32_0 = arith.constant 0 : i32
    return %arg0, %c0_i32 : i32, i32
  }
}

module attributes {stable_mosaic.version = 14 : i64} {
  func.func @_tcf_body(%arg0: i32, %arg1: memref<2x2000x16xf32, #tpu.memory_space<vmem>>, %arg2: memref<2000x16xf32, #tpu.memory_space<vmem>>, %arg3: memref<2000x1xf32, #tpu.memory_space<vmem>>, %arg4: memref<1x16xf32, #tpu.memory_space<vmem>>, %arg5: memref<2000x16xf32, #tpu.memory_space<vmem>>) attributes {dimension_semantics = [#tpu.dimension_semantics<arbitrary>], iteration_bounds = array<i64: 5>, scalar_prefetch = 0 : i64, scratch_operands = 0 : i64, tpu.core_type = #tpu.core_type<tc>, window_params = [{transform_indices = @transform_0, window_bounds = array<i64: 2, 2000, 16>}, {transform_indices = @transform_1, window_bounds = array<i64: 2000, 16>}, {transform_indices = @transform_2, window_bounds = array<i64: 2000, 1>}, {pipeline_mode = #tpu.pipeline_mode<synchronous>, transform_indices = @transform_3, window_bounds = array<i64: 1, 16>}, {transform_indices = @transform_4, window_bounds = array<i64: 2000, 16>}]} {
    %get3A = arith.constant 0 : index
    %get3A_0 = arith.constant 0 : index
    %get3A_1 = arith.constant 0 : index
    %get3A_2 = vector.load %arg1[%get3A, %get3A_0, %get3A_1] : memref<2x2000x16xf32, #tpu.memory_space<vmem>>, vector<1x2000x16xf32>
    %get3A_3 = vector.shape_cast %get3A_2 : vector<1x2000x16xf32> to vector<2000x16xf32>
    %get3A_4 = arith.constant 1 : index
    %get3A_5 = arith.constant 0 : index
    %get3A_6 = arith.constant 0 : index
    %get3A_7 = vector.load %arg1[%get3A_4, %get3A_5, %get3A_6] : memref<2x2000x16xf32, #tpu.memory_space<vmem>>, vector<1x2000x16xf32>
    %get3A_8 = vector.shape_cast %get3A_7 : vector<1x2000x16xf32> to vector<2000x16xf32>
    %add3A = arith.addf %get3A_3, %get3A_8 : vector<2000x16xf32>
    %get3A_9 = arith.constant 0 : index
    %get3A_10 = arith.constant 0 : index
    %get3A_11 = vector.load %arg2[%get3A_9, %get3A_10] : memref<2000x16xf32, #tpu.memory_space<vmem>>, vector<2000x16xf32>
    %add3A_12 = arith.addf %add3A, %get3A_11 : vector<2000x16xf32>
    %get3A_13 = arith.constant 0 : index
    %get3A_14 = arith.constant 0 : index
    %get3A_15 = vector.load %arg3[%get3A_13, %get3A_14] : memref<2000x1xf32, #tpu.memory_space<vmem>>, vector<2000x1xf32>
    %mul3A = vector.broadcast %get3A_15 : vector<2000x1xf32> to vector<2000x16xf32>
    %mul3A_16 = arith.mulf %add3A_12, %mul3A : vector<2000x16xf32>
    %get3A_17 = arith.constant 0 : index
    %get3A_18 = arith.constant 0 : index
    %get3A_19 = vector.load %arg4[%get3A_17, %get3A_18] : memref<1x16xf32, #tpu.memory_space<vmem>>, vector<1x16xf32>
    %add3A_20 = vector.broadcast %get3A_19 : vector<1x16xf32> to vector<2000x16xf32>
    %add3A_21 = arith.addf %mul3A_16, %add3A_20 : vector<2000x16xf32>
    %swap3A = arith.constant 0 : index
    %swap3A_22 = arith.constant 0 : index
    %swap3A_23 = vector.load %arg5[%swap3A, %swap3A_22] : memref<2000x16xf32, #tpu.memory_space<vmem>>, vector<2000x16xf32>
    tpu.vector_store %arg5[%swap3A, %swap3A_22], %add3A_21 {strides = array<i32>} : memref<2000x16xf32, #tpu.memory_space<vmem>>, vector<2000x16xf32>,
    return
  }
  func.func @transform_0(%arg0: i32) -> (i32, i32, i32) {
    %c0_i32 = arith.constant 0 : i32
    %c0_i32_0 = arith.constant 0 : i32
    %c0_i32_1 = arith.constant 0 : i32
    return %c0_i32, %arg0, %c0_i32_0 : i32, i32, i32
  }
  func.func @transform_1(%arg0: i32) -> (i32, i32) {
    %c0_i32 = arith.constant 0 : i32
    %c0_i32_0 = arith.constant 0 : i32
    return %arg0, %c0_i32 : i32, i32
  }
  func.func @transform_2(%arg0: i32) -> (i32, i32) {
    %c0_i32 = arith.constant 0 : i32
    %c0_i32_0 = arith.constant 0 : i32
    return %arg0, %c0_i32 : i32, i32
  }
  func.func @transform_3(%arg0: i32) -> (i32, i32) {
    %c0_i32 = arith.constant 0 : i32
    %c0_i32_0 = arith.constant 0 : i32
    %c0_i32_1 = arith.constant 0 : i32
    return %c0_i32, %c0_i32_0 : i32, i32
  }
  func.func @transform_4(%arg0: i32) -> (i32, i32) {
    %c0_i32 = arith.constant 0 : i32
    %c0_i32_0 = arith.constant 0 : i32
    return %arg0, %c0_i32 : i32, i32
  }
}

</mosaic_0001>

<sc_bundles>
// kernel: kernel.12.cloned.1.call-start
scs
__scs_entry_jumppad:
0x0: {  	(pc) =	sbr.rel $0x88, $3  }
0x1: {  	(tag) =	ssettag $0x0;
	lr =	simm.s32 $0x1  }
0x2: {  	[smem:$0x3F9B] =	sst lr;
	_ =	strace $0xD0000000  }
0x3: {  	_ = 	snop  }
0x4: {  	_ = 	snop  }
0x5: {  	_ = 	snop  }
0x6: {  	_ = 	snop  }
0x7: {  	_ = 	snop  }
__scs_overlays_trampoline_lowered:
0x8: {  	[smem:$0x3FAA] =	sst s0  }
0x9: {  	[smem:$0x3FAB] =	sst s1  }
0xa: {  	[smem:$0x3FAC] =	sst s2  }
0xb: {  	[smem:$0x3FAD] =	sst s3  }
0xc: {  	[smem:$0x3FAE] =	sst s4  }
0xd: {  	[smem:$0x3FAF] =	sst s5  }
0xe: {  	[smem:$0x3FB0] =	sst s6  }
0xf: {  	[smem:$0x3FB1] =	sst s7  }
0x10: {  	[smem:$0x3FB2] =	sst s8  }
0x11: {  	[smem:$0x3FB3] =	sst s9;
	s0 =	simm.s32 @!p0 $0x0  }
0x12: {  	s1 =	sld [smem:$0x3F99];
	s0 =	simm.s32 @p0 $0x1  }
0x13: {  	[smem:$0x3FB4] =	sst s0;
	s0 =	simm.s32 @!p1 $0x0  }
0x14: {  	s2 =	sld [smem:$0x3F98];
	s0 =	simm.s32 @p1 $0x1  }
0x15: {  	[smem:$0x3FB5] =	sst s0;
	s0 =	simm.s32 @!p2 $0x0  }
0x16: {  	s3 =	sld [smem:$0x3FDB];
	s0 =	simm.s32 @p2 $0x1  }
0x17: {  	s4 =	simm.s32 $0x1BF5;
	[smem:$0x3FB7] =	sst s0  }
0x18: {  	s0 =	sld [smem:$0x3F9A];
	_ =	swait.ge [sflag:s4], $0x0  }
0x19: {  	s7 =	sld [smem:$0x3F9B]  }
0x1a: {  	s8 =	sadd.s32 $0xFFFFE003, lr  }
0x1b: {  	s9 =	sadd.s32 $0xFFFFFEF7, lr;
	s5 =	simm.s32 $0xFFFFFFFF;
	p2 =	slt.u32 s8, $0xFFFFF086  }
0x1c: {  	p1 =	slt.u32 s9, $0xF7A;
	s5 =	simm.s32 @!p2 $0x0  }
0x1d: {  	s5 =	simm.s32 @p1 $0x1;
	p0 =	seq.s32 s7, s2  }
0x1e: {  	s7 =	smul.u32 @!p0 $0xF7A, s2;
	p2 =	seq.s32 @!p0 s5, $0x0  }
0x1f: {  	s9 =	smul.u32 $0xF7A, s1;
	s8 =	simm.s32 @!p0 $0x1BF5;
	p2 =	por !p2, p0  }
0x20: {  	[sflag:s8] =	ssyncset.s32 @!p0 $0xFFFFF086;
	s6 =	sadd.s32 @!p0 s3, s7;
	s7 =	simm.s32 @!p0 $0x108  }
0x21: {  	s3 =	sadd.s32 s3, s9;
	s6 =	sadd.s32 @!p0 $0x88, s6;
	s7 =	simm.s32 @p2 $0x1082  }
0x22: {  	[simem:s7], [sflag:s8] =	dma.local @!p0 [hbm:s6], $0xF7A  }
0x23: {  	s9 =	sor.u32 $0xD0000000, s2;
	s6 =	simm.s32 $0x108;
	_ =	swait.ge @!p0 [sflag:s8], $0x0  }
0x24: {  	s3 =	sadd.s32 $0x88, s3;
	s6 =	simm.s32 @!p1 $0x1082;
	[sflag:s4] =	ssyncset.s32 $0xFFFFF086  }
0x25: {  	[simem:s6], [sflag:s4] =	dma.local [hbm:s3], $0xF7A  }
0x26: {  	[smem:$0x3F9B] =	sst s1;
	(tag) =	ssettag s2;
	_ =	strace s9  }
0x27: {  	s1 =	sld [smem:$0x3FAB]  }
0x28: {  	s2 =	sld [smem:$0x3FAC]  }
0x29: {  	s4 =	sld [smem:$0x3FAE]  }
0x2a: {  	p0 =	seq.s32 s5, $0x0;
	s5 =	sld [smem:$0x3FAF]  }
0x2b: {  	s6 =	sld [smem:$0x3FB0]  }
0x2c: {  	s7 =	sld [smem:$0x3FB1]  }
0x2d: {  	s3 =	simm.s32 $0x108;
	s8 =	sld [smem:$0x3FB2]  }
0x2e: {  	s3 =	simm.s32 @!p0 $0x1082;
	s9 =	sld [smem:$0x3FB3]  }
0x2f: {  	lr =	sadd.s32 s0, s3;
	s0 =	sld [smem:$0x3FAA]  }
0x30: {  	s3 =	sld [smem:$0x3FAD]  }
0x31: {  	[smem:$0x3FB6] =	sst s10  }
0x32: {  	s10 =	sld [smem:$0x3FB4];
	_ =	sdelay $0x3  }
0x33: {  	p0 =	seq.s32 s10, $0x1;
	s10 =	sld [smem:$0x3FB6];
	_ =	sdelay $0x3  }
0x34: {  	[smem:$0x3FB6] =	sst s10  }
0x35: {  	s10 =	sld [smem:$0x3FB5];
	_ =	sdelay $0x3  }
0x36: {  	p1 =	seq.s32 s10, $0x1;
	s10 =	sld [smem:$0x3FB6];
	_ =	sdelay $0x3  }
0x37: {  	[smem:$0x3FB6] =	sst s10  }
0x38: {  	s10 =	sld [smem:$0x3FB7]  }
0x39: {  	_ = 	snop;
	(pc) =	sbr.ind lr, $3  }
0x3a: {  	_ = 	snop  }
0x3b: {  	_ = 	snop  }
0x3c: {  	p2 =	seq.s32 s10, $0x1;
	s10 =	sld [smem:$0x3FB6]  }
0x3d: {  	_ =	shalt  }
0x3e: {  	_ =	shalt  }
0x3f: {  	_ =	shalt  }
0x40: {  	_ =	shalt  }
0x41: {  	_ =	shalt  }
0x42: {  	_ =	shalt  }
0x43: {  	_ =	shalt  }
0x44: {  	_ =	shalt  }
0x45: {  	_ =	shalt  }
0x46: {  	_ =	shalt  }
0x47: {  	_ =	shalt  }
0x48: {  	_ =	shalt  }
0x49: {  	_ =	shalt  }
0x4a: {  	_ =	shalt  }
0x4b: {  	_ =	shalt  }
0x4c: {  	_ =	shalt  }
0x4d: {  	_ =	shalt  }
0x4e: {  	_ =	shalt  }
0x4f: {  	_ =	shalt  }
0x50: {  	_ =	shalt  }
0x51: {  	_ =	shalt  }
0x52: {  	_ =	shalt  }
0x53: {  	_ =	shalt  }
0x54: {  	_ =	shalt  }
0x55: {  	_ =	shalt  }
0x56: {  	_ =	shalt  }
0x57: {  	_ =	shalt  }
0x58: {  	_ =	shalt  }
0x59: {  	_ =	shalt  }
0x5a: {  	_ =	shalt  }
0x5b: {  	_ =	shalt  }
0x5c: {  	_ =	shalt  }
0x5d: {  	_ =	shalt  }
0x5e: {  	_ =	shalt  }
0x5f: {  	_ =	shalt  }
0x60: {  	_ =	shalt  }
0x61: {  	_ =	shalt  }
0x62: {  	_ =	shalt  }
0x63: {  	_ =	shalt  }
0x64: {  	_ =	shalt  }
0x65: {  	_ =	shalt  }
0x66: {  	_ =	shalt  }
0x67: {  	_ =	shalt  }
0x68: {  	_ =	shalt  }
0x69: {  	_ =	shalt  }
0x6a: {  	_ =	shalt  }
0x6b: {  	_ =	shalt  }
0x6c: {  	_ =	shalt  }
0x6d: {  	_ =	shalt  }
0x6e: {  	_ =	shalt  }
0x6f: {  	_ =	shalt  }
0x70: {  	_ =	shalt  }
0x71: {  	_ =	shalt  }
0x72: {  	_ =	shalt  }
0x73: {  	_ =	shalt  }
0x74: {  	_ =	shalt  }
0x75: {  	_ =	shalt  }
0x76: {  	_ =	shalt  }
0x77: {  	_ =	shalt  }
0x78: {  	_ =	shalt  }
0x79: {  	_ =	shalt  }
0x7a: {  	_ =	shalt  }
0x7b: {  	_ =	shalt  }
0x7c: {  	_ =	shalt  }
0x7d: {  	_ =	shalt  }
0x7e: {  	_ =	shalt  }
0x7f: {  	_ =	shalt  }
0x80: {  	_ =	shalt  }
0x81: {  	_ =	shalt  }
0x82: {  	_ =	shalt  }
0x83: {  	_ =	shalt  }
0x84: {  	_ =	shalt  }
0x85: {  	_ =	shalt  }
0x86: {  	_ =	shalt  }
0x87: {  	_ =	shalt  }
.Lfunc_end0:
.L_simem_size_0:
called_computation.1_lowered:
.L_overlay_start_0:
0x88: {  	s2 =	sld [smem:$0x3FD9]  }
0x89: {  	s3 =	sld [smem:$0x3FFE];
	_ =	sdelay $0x1  }
0x8a: {  	s1 =	srdreg.scid  }
0x8b: {  	s0 =	sand.u32 $0x1, s1  }
0x8c: {  	s17 =	sshll.u32 s0, $0xA;
	s2 =	sadd.s32 s3, s2  }
0x8d: {  	s2 =	sadd.s32 s2, s17  }
0x8e: {  	[smem:$0x3FC2] =	sst s2  }
0x8f: {  	_ = 	snop  }
0x90: {  	s2 =	sld [smem:$0x3FC8]  }
0x91: {  	s18 =	sld [smem:$0x3FD0];
	(tm) =	ssettm $0x1  }
0x92: {  	s4 =	sld [smem:$0x3FFB];
	_ =	sdelay $0x3  }
0x93: {  	_ =	strace s4  }
0x94: {  	s4 =	sld [smem:$0x3FFC];
	_ =	sdelay $0x3  }
0x95: {  	_ =	strace s4  }
0x96: {  	s4 =	sld [smem:$0x3FFD];
	_ =	sdelay $0x3  }
0x97: {  	_ =	strace s4  }
0x98: {  	_ =	strace $0x8FFFFFFF  }
0x99: {  	s19 =	sld [smem:$0x3FDB];
	_ =	sdelay $0x1  }
0x9a: {  	s5 =	simm.s32 $_scs_section_size  }
0x9b: {  	s6 =	simm.s32 $_size__tile_overlayer_lowered;
	s7 =	simm.s32 $_tile_overlayer_lowered  }
0x9c: {  	s22 =	simm.s32 $0x1BFF;
	s21 =	sshll.u32 s7, $0x1;
	s4 =	sadd.s32 s5, s19  }
0x9d: {  	s8 =	simm.s32 $0x0;
	s20 =	sshll.u32 s6, $0x1;
	s6 =	sadd.s32 s21, s4  }
0x9e: {  	[timem:s8], [sflag:s22] =	dma.local [hbm:s6], s20  }
0x9f: {  	_ =	swait.ge [sflag:s22], s20  }
0xa0: {  	s5 =	ssub.s32 $0x0, s20;
	[sflag:s22] =	ssyncset.done $0x0  }
0xa1: {  	[sflag:s22] =	ssyncadd.s32 s5;
	_ =	sdelay $0x1  }
0xa2: {  	s23 =	simm.s32 $0x1B8B  }
0xa3: {  	_ =	swait.ge [sflag:s23], $0x1  }
0xa4: {  	[sflag:s23] =	ssyncset.done $0x0  }
0xa5: {  	s25 =	simm.s32 $0x1B8E;
	s24 =	sld [smem:$0x3FFE];
	[sflag:s23] =	ssyncadd.s32 $0xFFFFFFFF  }
0xa6: {  	s26 =	simm.s32 $execute0_lowered;
	[smem:$0x3FD2] =	sst s25  }
0xa7: {  	s6 =	sshll.u32 s26, $0x1;
	_ =	strace $0x80000049;
	[dreg:$0x1] =	wrdreg $0xFFFFFFFF  }
0xa8: {  	s28 =	simm.s32 $_size_execute0_lowered;
	s4 =	sadd.s32 s4, s6;
	[dreg:$0x0] =	wrdreg $0x0  }
0xa9: {  	s6 =	sshll.u32 s28, $0x1;
	[dreg:$0x2] =	wrdreg s4  }
0xaa: {  	[dreg:$0x3] =	wrdreg s6  }
0xab: {  	[dreg:$0x4] =	wrdreg $0xC0  }
0xac: {  	_ =	task [dreg:s8], $0x5FFFF  }
0xad: {  	[dreg:$0x1] =	wrdreg $0xFFFFFFFF  }
0xae: {  	[dreg:$0x0] =	wrdreg $0x60  }
0xaf: {  	[dreg:$0x2] =	wrdreg s24  }
0xb0: {  	[dreg:$0x3] =	wrdreg s2  }
0xb1: {  	[dreg:$0x4] =	wrdreg s18  }
0xb2: {  	[dreg:$0x5] =	wrdreg $0x11F000  }
0xb3: {  	[dreg:$0x6] =	wrdreg $0x16E000  }
0xb4: {  	[dreg:$0x7] =	wrdreg $0x9  }
0xb5: {  	_ =	task.clear_ibuf [dreg:s8], $0x8FFFF;
	_ =	strace $0x90000049  }
0xb6: {  	s29 =	simm.s32 $0x9;
	_ =	strace $0x8000004B  }
0xb7: {  	_ =	swait.ge [sflag:s29], $0x1  }
0xb8: {  	[sflag:s29] =	ssyncadd.s32 $0xFFFFFFFF  }
0xb9: {  	_ =	strace $0x9000004B  }
0xba: {  	_ =	sfence  }
0xbb: {  	s30 =	sld [smem:$0x0];
	_ =	sdelay $0x2  }
0xbc: {  	s31 =	sshll.u32 s1, $0xD;
	s1 =	sshrl.u32 s1, $0x2  }
0xbd: {  	s3 =	sand.u32 $0x4000, s31;
	s1 =	sadd.s32 s1, s30  }
0xbe: {  	s0 =	sor.u32 s3, s0;
	s1 =	sshll.u32 s1, $0x11  }
0xbf: {  	s0 =	sor.u32 s1, s0  }
0xc0: {  	s0 =	sadd.s32 $0x8F2B, s0  }
0xc1: {  	[sflag:s0] =	ssyncadd.remote.s32 $0x1  }
0xc2: {  	_ =	sfence.sel $0xFFFF  }
0xc3: {  	[dreg:$0x0] =	wrdreg $0xFFFFFFFF;
	(pc) =	sbr.abs _section_cstart, $3  }
0xc4: {  	[dreg:$0x1] =	wrdreg $0xFFFFFFFF  }
0xc5: {  	_ =	task.clear_ibuf [dreg:s8], $0x2FFFF;
	_ =	strace $0x9FFFFFFF  }
0xc6: {  	(tm) =	ssettm $0x7FFFFFFF  }
0xc7: {  	_ =	shalt  }
tec
execute0_lowered:
.L_overlay_start_1:
0x0: {  	(tag) =	ssettag $0x1  }
0x1: {  	s0 =	rddreg [dreg:$0x0]  }
0x2: {  	s1 =	rddreg [dreg:$0x1]  }
0x3: {  	s3 =	rddreg [dreg:$0x3]  }
0x4: {  	s12 =	stileid.u32;
	s2 =	srdreg.scid  }
0x5: {  	s4 =	rddreg [dreg:$0x4];
	s9 =	simm.s32 $0x0;
	s31 =	simm.s32 $0x1B  }
0x6: {  	s15 =	simm.s32 $0x80;
	s17 =	simm.s32 $0xF;
	s18 =	simm.s32 $0x10  }
0x7: {  	s19 =	simm.s32 $0x11;
	s20 =	simm.s32 $0x12;
	s5 =	smul.u32 $0x4E20, s12  }
0x8: {  	s2 =	sand.u32 $0x1, s2;
	s6 =	smul.u32 $0x4F00, s12;
	[smem:$0x7FF] =	sst s9  }
0x9: {  	s26 =	sshll.u32 s12, $0x6;
	s7 =	sshll.u32 s2, $0x4;
	s8 =	smul.u32 $0x4F000, s2  }
0xa: {  	_ =	strace $0x8000004A;
	s2 =	ssub.s32 $0x2, s2;
	s29 =	sor.u32 $0x1C1B, s26  }
0xb: {  	s26 =	simm.s32 $0x18;
	s7 =	sor.u32 s12, s7;
	s21 =	sshrl.u32 s5, $0x3  }
0xc: {  	s22 =	sshrl.u32 s2, $0x1;
	s23 =	sadd.s32 s6, s3;
	s5 =	sadd.s32 s5, s4  }
0xd: {  	[dreg:$0xb] =	wrdreg s29;
	s10 =	smul.u32 $0x4E, s7;
	s9 =	sadd.s32 s21, s0  }
0xe: {  	s11 =	smin.u32 s7, $0x4;
	s8 =	sadd.s32 s6, s8;
	s2 =	ssub.s32 s2, s22  }
0xf: {  	p0 =	sgt.u32 s7, $0x3;
	s30 =	sshrl.u32 s23, $0x3;
	s28 =	sshrl.u32 s5, $0x3  }
0x10: {  	p1 =	slt.u32 s7, $0x4;
	s21 =	simm.s32 $0x13;
	s22 =	simm.s32 $0x14  }
0x11: {  	s23 =	simm.s32 $0x15;
	s8 =	sshrl.u32 s8, $0x3;
	[dreg:$0xd] =	wrdreg s28  }
0x12: {  	s24 =	sadd.s32 $0x1A00, s9;
	s25 =	smax.u32 s2, $0x1;
	[dreg:$0xc] =	wrdreg s30  }
0x13: {  	s10 =	sadd.s32 s11, s10;
	s0 =	sadd.s32 s8, s0;
	[dreg:$0x8] =	wrdreg s24  }
0x14: {  	[dreg:$0xa] =	wrdreg s25;
	s10 =	sshll.u32 s10, $0x5;
	s0 =	sadd.s32 $0xB800, s0  }
0x15: {  	s2 =	simm.s32 $0x1;
	s1 =	sadd.s32 s1, s10;
	[dreg:$0x9] =	wrdreg s0  }
0x16: {  	s24 =	simm.s32 $0x16;
	[dreg:$0x6] =	wrdreg s1;
	s1 =	sadd.s32 $0x9C0, s1  }
0x17: {  	s25 =	simm.s32 $0x17;
	s0 =	simm.s32 $0x0;
	[dreg:$0x7] =	wrdreg s1  }
.LBB2_1:
0x18: {  	[dreg:$0xe] =	wrdreg s0  }
0x19: {  	s28 =	simm.s32 $0x0;
	s16 =	smov.u32 s29;
	s29 =	rddreg [dreg:$0x6]  }
0x1a: {  	[tilespmem:s28], [sflag:$0x1B] =	stream.linear.gather [hbm4b:s29+s28], $0x4E00, $0x38;
	[tilespmem:$0x1BC20] =	vst v63  }
0x1b: {  	_ =	swait.ge [sflag:s31], $0x4E00  }
0x1c: {  	s1 =	smov.u32 s30;
	s28 =	simm.s32 @!p0 $0x0;
	[sflag:s31] =	ssyncset.done $0x0  }
0x1d: {  	s29 =	simm.s32 @!p0 $0x4E00;
	s30 =	rddreg [dreg:$0x7];
	[sflag:s31] =	ssyncadd.s32 $0xFFFFB200  }
0x1e: {  	[tilespmem:s29], [sflag:$0x1B] =	stream.linear.gather @!p0 [hbm4b:s30+s28], $0x100, $0x38;
	[tilespmem:$0x1BC20] =	vst v63  }
0x1f: {  	s28 =	simm.s32 @!p0 $0x1B  }
0x20: {  	_ =	swait.ge @!p0 [sflag:s28], $0x100  }
0x21: {  	[sflag:s28] =	ssyncset.done @!p0 $0x0  }
0x22: {  	[sflag:s28] =	ssyncadd.s32 @!p0 $0xFFFFFF00  }
0x23: {  	s28 =	rddreg [dreg:$0x2]  }
0x24: {  	[spmem:s1], [sflag:s16] =	dma.local [hbm:s28], $0x9E0  }
0x25: {  	_ =	swait.ge [sflag:s31], $0x9E0  }
0x26: {  	[sflag:s31] =	ssyncset.done $0x0;
	s28 =	rddreg [dreg:$0x8]  }
0x27: {  	s29 =	rddreg [dreg:$0xd];
	[sflag:s31] =	ssyncadd.s32 $0xFFFFF620  }
0x28: {  	[spmem:s29], [sflag:s16] =	dma.local [hbm:s28], $0x9C4  }
0x29: {  	_ =	swait.ge [sflag:s31], $0x9C4  }
0x2a: {  	[sflag:s31] =	ssyncset.done $0x0  }
0x2b: {  	[sflag:s31] =	ssyncadd.s32 $0xFFFFF63C  }
0x2c: {  	s14 =	simm.s32 $0x4F00;
	s28 =	simm.s32 $0x0;
	[bflag:$0x0] =	sbarrier.arrive $0xFFFF  }
0x2d: {  	[tilespmem:s14], [sflag:$0x1] =	stream.indirect.gather [spmem:s4], $0x20, s28, s15, $0xb8;
	[tilespmem:$0x1BC20] =	vst v63  }
0x2e: {  	s13 =	simm.s32 $0x5F00;
	s28 =	simm.s32 $0x100  }
0x2f: {  	[tilespmem:s13], [sflag:$0x2] =	stream.indirect.gather [spmem:s4], $0x20, s28, s15, $0xb8;
	[tilespmem:$0x1BC20] =	vst v63  }
0x30: {  	s12 =	simm.s32 $0x6F00;
	s28 =	simm.s32 $0x200  }
0x31: {  	[tilespmem:s12], [sflag:$0x3] =	stream.indirect.gather [spmem:s4], $0x20, s28, s15, $0xb8;
	[tilespmem:$0x1BC20] =	vst v63  }
0x32: {  	s11 =	simm.s32 $0x7F00;
	s28 =	simm.s32 $0x300  }
0x33: {  	[tilespmem:s11], [sflag:$0x4] =	stream.indirect.gather [spmem:s4], $0x20, s28, s15, $0xb8;
	[tilespmem:$0x1BC20] =	vst v63  }
0x34: {  	s10 =	simm.s32 $0x8F00;
	s28 =	simm.s32 $0x400  }
0x35: {  	[tilespmem:s10], [sflag:$0x5] =	stream.indirect.gather [spmem:s4], $0x20, s28, s15, $0xb8;
	[tilespmem:$0x1BC20] =	vst v63  }
0x36: {  	s9 =	simm.s32 $0x9F00;
	s28 =	simm.s32 $0x500  }
0x37: {  	[tilespmem:s9], [sflag:$0x6] =	stream.indirect.gather [spmem:s4], $0x20, s28, s15, $0xb8;
	[tilespmem:$0x1BC20] =	vst v63  }
0x38: {  	s8 =	simm.s32 $0xAF00;
	s28 =	simm.s32 $0x600  }
0x39: {  	[tilespmem:s8], [sflag:$0x7] =	stream.indirect.gather [spmem:s4], $0x20, s28, s15, $0xb8;
	[tilespmem:$0x1BC20] =	vst v63  }
0x3a: {  	s7 =	simm.s32 $0xBF00;
	s28 =	simm.s32 $0x700  }
0x3b: {  	[tilespmem:s7], [sflag:$0x8] =	stream.indirect.gather [spmem:s4], $0x20, s28, s15, $0xb8;
	[tilespmem:$0x1BC20] =	vst v63  }
0x3c: {  	s6 =	simm.s32 $0xCF00;
	s28 =	simm.s32 $0x800  }
0x3d: {  	[tilespmem:s6], [sflag:$0x9] =	stream.indirect.gather [spmem:s4], $0x20, s28, s15, $0xb8;
	[tilespmem:$0x1BC20] =	vst v63  }
0x3e: {  	s5 =	simm.s32 $0xDF00;
	s28 =	simm.s32 $0x900  }
0x3f: {  	[tilespmem:s5], [sflag:$0xA] =	stream.indirect.gather [spmem:s4], $0x20, s28, s15, $0xb8;
	[tilespmem:$0x1BC20] =	vst v63  }
0x40: {  	s1 =	simm.s32 $0xEF00;
	s28 =	simm.s32 $0xA00  }
0x41: {  	[tilespmem:s1], [sflag:$0xB] =	stream.indirect.gather [spmem:s4], $0x20, s28, s15, $0xb8;
	[tilespmem:$0x1BC20] =	vst v63  }
0x42: {  	s0 =	simm.s32 $0xFF00;
	s28 =	simm.s32 $0xB00  }
0x43: {  	[tilespmem:s0], [sflag:$0xC] =	stream.indirect.gather [spmem:s4], $0x20, s28, s15, $0xb8;
	[tilespmem:$0x1BC20] =	vst v63  }
0x44: {  	s29 =	simm.s32 $0x10F00;
	s28 =	simm.s32 $0xC00  }
0x45: {  	[tilespmem:s29], [sflag:$0xD] =	stream.indirect.gather [spmem:s4], $0x20, s28, s15, $0xb8;
	[tilespmem:$0x1BC20] =	vst v63  }
0x46: {  	_ =	swait.ge [sflag:s2], $0x1000  }
0x47: {  	[sflag:s2] =	ssyncset.done $0x0  }
0x48: {  	s31 =	simm.s32 $0x2;
	s28 =	simm.s32 $0x80;
	[sflag:s2] =	ssyncadd.s32 $0xFFFFF000  }
0x49: {  	[spmem:s3] =	stream.indirect.scatter.add.f32 [tilespmem:s14], [sflag:$0xE], $0x20, s28, s15, $0xb8;
	[tilespmem:$0x1BC20] =	vst v63  }
0x4a: {  	_ =	swait.ge [sflag:s31], $0x1000  }
0x4b: {  	[sflag:s31] =	ssyncset.done $0x0  }
0x4c: {  	s28 =	simm.s32 $0x180;
	[sflag:s31] =	ssyncadd.s32 $0xFFFFF000  }
0x4d: {  	[spmem:s3] =	stream.indirect.scatter.add.f32 [tilespmem:s13], [sflag:$0xF], $0x20, s28, s15, $0xb8;
	[tilespmem:$0x1BC20] =	vst v63  }
0x4e: {  	s13 =	simm.s32 $0x3  }
0x4f: {  	_ =	swait.ge [sflag:s13], $0x1000  }
0x50: {  	[sflag:s13] =	ssyncset.done $0x0  }
0x51: {  	s14 =	simm.s32 $0x4;
	s28 =	simm.s32 $0x280;
	[sflag:s13] =	ssyncadd.s32 $0xFFFFF000  }
0x52: {  	[spmem:s3] =	stream.indirect.scatter.add.f32 [tilespmem:s12], [sflag:$0x10], $0x20, s28, s15, $0xb8;
	[tilespmem:$0x1BC20] =	vst v63  }
0x53: {  	_ =	swait.ge [sflag:s14], $0x1000  }
0x54: {  	[sflag:s14] =	ssyncset.done $0x0  }
0x55: {  	s16 =	simm.s32 $0x5;
	s28 =	simm.s32 $0x380;
	[sflag:s14] =	ssyncadd.s32 $0xFFFFF000  }
0x56: {  	[spmem:s3] =	stream.indirect.scatter.add.f32 [tilespmem:s11], [sflag:$0x11], $0x20, s28, s15, $0xb8;
	[tilespmem:$0x1BC20] =	vst v63  }
0x57: {  	_ =	swait.ge [sflag:s16], $0x1000  }
0x58: {  	[sflag:s16] =	ssyncset.done $0x0  }
0x59: {  	s30 =	simm.s32 $0x6;
	s28 =	simm.s32 $0x480;
	[sflag:s16] =	ssyncadd.s32 $0xFFFFF000  }
0x5a: {  	[spmem:s3] =	stream.indirect.scatter.add.f32 [tilespmem:s10], [sflag:$0x12], $0x20, s28, s15, $0xb8;
	[tilespmem:$0x1BC20] =	vst v63  }
0x5b: {  	_ =	swait.ge [sflag:s30], $0x1000  }
0x5c: {  	[sflag:s30] =	ssyncset.done $0x0  }
0x5d: {  	s31 =	simm.s32 $0x7;
	s28 =	simm.s32 $0x580;
	[sflag:s30] =	ssyncadd.s32 $0xFFFFF000  }
0x5e: {  	[spmem:s3] =	stream.indirect.scatter.add.f32 [tilespmem:s9], [sflag:$0x13], $0x20, s28, s15, $0xb8;
	[tilespmem:$0x1BC20] =	vst v63  }
0x5f: {  	_ =	swait.ge [sflag:s31], $0x1000  }
0x60: {  	[sflag:s31] =	ssyncset.done $0x0  }
0x61: {  	s28 =	simm.s32 $0x680;
	s9 =	simm.s32 $0x8;
	[sflag:s31] =	ssyncadd.s32 $0xFFFFF000  }
0x62: {  	[spmem:s3] =	stream.indirect.scatter.add.f32 [tilespmem:s8], [sflag:$0x14], $0x20, s28, s15, $0xb8;
	[tilespmem:$0x1BC20] =	vst v63  }
0x63: {  	_ =	swait.ge [sflag:s9], $0x1000  }
0x64: {  	[sflag:s9] =	ssyncset.done $0x0  }
0x65: {  	s10 =	simm.s32 $0x9;
	s28 =	simm.s32 $0x780;
	[sflag:s9] =	ssyncadd.s32 $0xFFFFF000  }
0x66: {  	[spmem:s3] =	stream.indirect.scatter.add.f32 [tilespmem:s7], [sflag:$0x15], $0x20, s28, s15, $0xb8;
	[tilespmem:$0x1BC20] =	vst v63  }
0x67: {  	_ =	swait.ge [sflag:s10], $0x1000  }
0x68: {  	[sflag:s10] =	ssyncset.done $0x0  }
0x69: {  	s11 =	simm.s32 $0xA;
	s28 =	simm.s32 $0x880;
	[sflag:s10] =	ssyncadd.s32 $0xFFFFF000  }
0x6a: {  	[spmem:s3] =	stream.indirect.scatter.add.f32 [tilespmem:s6], [sflag:$0x16], $0x20, s28, s15, $0xb8;
	[tilespmem:$0x1BC20] =	vst v63  }
0x6b: {  	_ =	swait.ge [sflag:s11], $0x1000  }
0x6c: {  	[sflag:s11] =	ssyncset.done $0x0  }
0x6d: {  	s12 =	simm.s32 $0xB;
	s28 =	simm.s32 $0x980;
	[sflag:s11] =	ssyncadd.s32 $0xFFFFF000  }
0x6e: {  	[spmem:s3] =	stream.indirect.scatter.add.f32 [tilespmem:s5], [sflag:$0x17], $0x20, s28, s15, $0xb8;
	[tilespmem:$0x1BC20] =	vst v63  }
0x6f: {  	_ =	swait.ge [sflag:s12], $0x1000  }
0x70: {  	[sflag:s12] =	ssyncset.done $0x0  }
0x71: {  	s13 =	simm.s32 $0xC;
	s28 =	simm.s32 $0xA80;
	[sflag:s12] =	ssyncadd.s32 $0xFFFFF000  }
0x72: {  	[spmem:s3] =	stream.indirect.scatter.add.f32 [tilespmem:s1], [sflag:$0x18], $0x20, s28, s15, $0xb8;
	[tilespmem:$0x1BC20] =	vst v63  }
0x73: {  	_ =	swait.ge [sflag:s13], $0x1000  }
0x74: {  	[sflag:s13] =	ssyncset.done $0x0  }
0x75: {  	s14 =	simm.s32 $0xD;
	s28 =	simm.s32 $0xB80;
	[sflag:s13] =	ssyncadd.s32 $0xFFFFF000  }
0x76: {  	[spmem:s3] =	stream.indirect.scatter.add.f32 [tilespmem:s0], [sflag:$0x19], $0x20, s28, s15, $0xb8;
	[tilespmem:$0x1BC20] =	vst v63  }
0x77: {  	_ =	swait.ge [sflag:s14], $0x1000  }
0x78: {  	[sflag:s14] =	ssyncset.done $0x0  }
0x79: {  	s16 =	simm.s32 $0xE;
	s28 =	simm.s32 $0xC80;
	[sflag:s14] =	ssyncadd.s32 $0xFFFFF000  }
0x7a: {  	[spmem:s3] =	stream.indirect.scatter.add.f32 [tilespmem:s29], [sflag:$0x1A], $0x20, s28, s15, $0xb8;
	[tilespmem:$0x1BC20] =	vst v63  }
0x7b: {  	_ =	swait.ge [sflag:s16], $0x1000  }
0x7c: {  	[sflag:s16] =	ssyncset.done $0x0  }
0x7d: {  	[sflag:s16] =	ssyncadd.s32 $0xFFFFF000  }
0x7e: {  	_ =	swait.ge [sflag:s17], $0x1000  }
0x7f: {  	[sflag:s17] =	ssyncset.done $0x0  }
0x80: {  	[sflag:s17] =	ssyncadd.s32 $0xFFFFF000  }
0x81: {  	_ =	swait.ge [sflag:s18], $0x1000  }
0x82: {  	[sflag:s18] =	ssyncset.done $0x0  }
0x83: {  	[sflag:s18] =	ssyncadd.s32 $0xFFFFF000  }
0x84: {  	_ =	swait.ge [sflag:s19], $0x1000  }
0x85: {  	[sflag:s19] =	ssyncset.done $0x0  }
0x86: {  	[sflag:s19] =	ssyncadd.s32 $0xFFFFF000  }
0x87: {  	_ =	swait.ge [sflag:s20], $0x1000  }
0x88: {  	[sflag:s20] =	ssyncset.done $0x0  }
0x89: {  	[sflag:s20] =	ssyncadd.s32 $0xFFFFF000  }
0x8a: {  	_ =	swait.ge [sflag:s21], $0x1000  }
0x8b: {  	[sflag:s21] =	ssyncset.done $0x0  }
0x8c: {  	[sflag:s21] =	ssyncadd.s32 $0xFFFFF000  }
0x8d: {  	_ =	swait.ge [sflag:s22], $0x1000  }
0x8e: {  	[sflag:s22] =	ssyncset.done $0x0  }
0x8f: {  	[sflag:s22] =	ssyncadd.s32 $0xFFFFF000  }
0x90: {  	_ =	swait.ge [sflag:s23], $0x1000  }
0x91: {  	[sflag:s23] =	ssyncset.done $0x0  }
0x92: {  	[sflag:s23] =	ssyncadd.s32 $0xFFFFF000  }
0x93: {  	_ =	swait.ge [sflag:s24], $0x1000  }
0x94: {  	[sflag:s24] =	ssyncset.done $0x0  }
0x95: {  	[sflag:s24] =	ssyncadd.s32 $0xFFFFF000  }
0x96: {  	_ =	swait.ge [sflag:s25], $0x1000  }
0x97: {  	[sflag:s25] =	ssyncset.done $0x0  }
0x98: {  	[sflag:s25] =	ssyncadd.s32 $0xFFFFF000  }
0x99: {  	_ =	swait.ge [sflag:s26], $0x1000  }
0x9a: {  	[sflag:s26] =	ssyncset.done $0x0  }
0x9b: {  	s30 =	simm.s32 $0x19;
	[sflag:s26] =	ssyncadd.s32 $0xFFFFF000  }
0x9c: {  	_ =	swait.ge [sflag:s30], $0x1000  }
0x9d: {  	[sflag:s30] =	ssyncset.done $0x0  }
0x9e: {  	s31 =	simm.s32 $0x1A;
	[sflag:s30] =	ssyncadd.s32 $0xFFFFF000  }
0x9f: {  	_ =	swait.ge [sflag:s31], $0x1000  }
0xa0: {  	s28 =	simm.s32 $0x3400;
	s29 =	simm.s32 $0x6800;
	[sflag:s31] =	ssyncset.done $0x0  }
.LBB2_2:
0xa1: {  	s2 =	simm.s32 $0x10F00  }
0xa2: {  	s30 =	sshra.s32 s28, $0x2;
	s16 =	simm.s32 $0x1A;
	s28 =	smov.u32 s29  }
0xa3: {  	s31 =	sadd.s32 $0x3400, s29;
	s14 =	simm.s32 $0x4F00;
	[sflag:s16] =	ssyncadd.s32 $0xFFFFF000  }
0xa4: {  	[tilespmem:s14], [sflag:$0x1] =	stream.indirect.gather [spmem:s4], $0x20, s30, s15, $0xb8;
	[tilespmem:$0x1BC20] =	vst v63  }
0xa5: {  	p2 =	seq.s32 s29, $0x10400;
	s13 =	simm.s32 $0x5F00;
	s29 =	sadd.s32 $0x100, s30  }
0xa6: {  	[tilespmem:s13], [sflag:$0x2] =	stream.indirect.gather [spmem:s4], $0x20, s29, s15, $0xb8;
	[tilespmem:$0x1BC20] =	vst v63  }
0xa7: {  	s12 =	simm.s32 $0x6F00;
	s29 =	sadd.s32 $0x200, s30  }
0xa8: {  	[tilespmem:s12], [sflag:$0x3] =	stream.indirect.gather [spmem:s4], $0x20, s29, s15, $0xb8;
	[tilespmem:$0x1BC20] =	vst v63  }
0xa9: {  	s11 =	simm.s32 $0x7F00;
	s29 =	sadd.s32 $0x300, s30  }
0xaa: {  	[tilespmem:s11], [sflag:$0x4] =	stream.indirect.gather [spmem:s4], $0x20, s29, s15, $0xb8;
	[tilespmem:$0x1BC20] =	vst v63  }
0xab: {  	s10 =	simm.s32 $0x8F00;
	s29 =	sadd.s32 $0x400, s30  }
0xac: {  	[tilespmem:s10], [sflag:$0x5] =	stream.indirect.gather [spmem:s4], $0x20, s29, s15, $0xb8;
	[tilespmem:$0x1BC20] =	vst v63  }
0xad: {  	s9 =	simm.s32 $0x9F00;
	s29 =	sadd.s32 $0x500, s30  }
0xae: {  	[tilespmem:s9], [sflag:$0x6] =	stream.indirect.gather [spmem:s4], $0x20, s29, s15, $0xb8;
	[tilespmem:$0x1BC20] =	vst v63  }
0xaf: {  	s8 =	simm.s32 $0xAF00;
	s29 =	sadd.s32 $0x600, s30  }
0xb0: {  	[tilespmem:s8], [sflag:$0x7] =	stream.indirect.gather [spmem:s4], $0x20, s29, s15, $0xb8;
	[tilespmem:$0x1BC20] =	vst v63  }
0xb1: {  	s7 =	simm.s32 $0xBF00;
	s29 =	sadd.s32 $0x700, s30  }
0xb2: {  	[tilespmem:s7], [sflag:$0x8] =	stream.indirect.gather [spmem:s4], $0x20, s29, s15, $0xb8;
	[tilespmem:$0x1BC20] =	vst v63  }
0xb3: {  	s6 =	simm.s32 $0xCF00;
	s29 =	sadd.s32 $0x800, s30  }
0xb4: {  	[tilespmem:s6], [sflag:$0x9] =	stream.indirect.gather [spmem:s4], $0x20, s29, s15, $0xb8;
	[tilespmem:$0x1BC20] =	vst v63  }
0xb5: {  	s5 =	simm.s32 $0xDF00;
	s29 =	sadd.s32 $0x900, s30  }
0xb6: {  	[tilespmem:s5], [sflag:$0xA] =	stream.indirect.gather [spmem:s4], $0x20, s29, s15, $0xb8;
	[tilespmem:$0x1BC20] =	vst v63  }
0xb7: {  	s1 =	simm.s32 $0xEF00;
	s29 =	sadd.s32 $0xA00, s30  }
0xb8: {  	[tilespmem:s1], [sflag:$0xB] =	stream.indirect.gather [spmem:s4], $0x20, s29, s15, $0xb8;
	[tilespmem:$0x1BC20] =	vst v63  }
0xb9: {  	s0 =	simm.s32 $0xFF00;
	s29 =	sadd.s32 $0xB00, s30  }
0xba: {  	[tilespmem:s0], [sflag:$0xC] =	stream.indirect.gather [spmem:s4], $0x20, s29, s15, $0xb8;
	[tilespmem:$0x1BC20] =	vst v63  }
0xbb: {  	s29 =	sadd.s32 $0xC00, s30  }
0xbc: {  	[tilespmem:s2], [sflag:$0xD] =	stream.indirect.gather [spmem:s4], $0x20, s29, s15, $0xb8;
	[tilespmem:$0x1BC20] =	vst v63  }
0xbd: {  	s2 =	simm.s32 $0x1  }
0xbe: {  	_ =	swait.ge [sflag:s2], $0x1000  }
0xbf: {  	[sflag:s2] =	ssyncset.done $0x0  }
0xc0: {  	s29 =	sadd.s32 $0x80, s30;
	[sflag:s2] =	ssyncadd.s32 $0xFFFFF000  }
0xc1: {  	[spmem:s3] =	stream.indirect.scatter.add.f32 [tilespmem:s14], [sflag:$0xE], $0x20, s29, s15, $0xb8;
	[tilespmem:$0x1BC20] =	vst v63  }
0xc2: {  	s14 =	simm.s32 $0x2  }
0xc3: {  	_ =	swait.ge [sflag:s14], $0x1000  }
0xc4: {  	[sflag:s14] =	ssyncset.done $0x0  }
0xc5: {  	s29 =	sadd.s32 $0x180, s30;
	[sflag:s14] =	ssyncadd.s32 $0xFFFFF000  }
0xc6: {  	[spmem:s3] =	stream.indirect.scatter.add.f32 [tilespmem:s13], [sflag:$0xF], $0x20, s29, s15, $0xb8;
	[tilespmem:$0x1BC20] =	vst v63  }
0xc7: {  	s13 =	simm.s32 $0x3  }
0xc8: {  	_ =	swait.ge [sflag:s13], $0x1000  }
0xc9: {  	[sflag:s13] =	ssyncset.done $0x0  }
0xca: {  	s29 =	sadd.s32 $0x280, s30;
	[sflag:s13] =	ssyncadd.s32 $0xFFFFF000  }
0xcb: {  	[spmem:s3] =	stream.indirect.scatter.add.f32 [tilespmem:s12], [sflag:$0x10], $0x20, s29, s15, $0xb8;
	[tilespmem:$0x1BC20] =	vst v63  }
0xcc: {  	s12 =	simm.s32 $0x4  }
0xcd: {  	_ =	swait.ge [sflag:s12], $0x1000  }
0xce: {  	[sflag:s12] =	ssyncset.done $0x0  }
0xcf: {  	s29 =	sadd.s32 $0x380, s30;
	[sflag:s12] =	ssyncadd.s32 $0xFFFFF000  }
0xd0: {  	[spmem:s3] =	stream.indirect.scatter.add.f32 [tilespmem:s11], [sflag:$0x11], $0x20, s29, s15, $0xb8;
	[tilespmem:$0x1BC20] =	vst v63  }
0xd1: {  	s11 =	simm.s32 $0x5  }
0xd2: {  	_ =	swait.ge [sflag:s11], $0x1000  }
0xd3: {  	[sflag:s11] =	ssyncset.done $0x0  }
0xd4: {  	s29 =	sadd.s32 $0x480, s30;
	[sflag:s11] =	ssyncadd.s32 $0xFFFFF000  }
0xd5: {  	[spmem:s3] =	stream.indirect.scatter.add.f32 [tilespmem:s10], [sflag:$0x12], $0x20, s29, s15, $0xb8;
	[tilespmem:$0x1BC20] =	vst v63  }
0xd6: {  	s10 =	simm.s32 $0x6  }
0xd7: {  	_ =	swait.ge [sflag:s10], $0x1000  }
0xd8: {  	[sflag:s10] =	ssyncset.done $0x0  }
0xd9: {  	s29 =	sadd.s32 $0x580, s30;
	[sflag:s10] =	ssyncadd.s32 $0xFFFFF000  }
0xda: {  	[spmem:s3] =	stream.indirect.scatter.add.f32 [tilespmem:s9], [sflag:$0x13], $0x20, s29, s15, $0xb8;
	[tilespmem:$0x1BC20] =	vst v63  }
0xdb: {  	s9 =	simm.s32 $0x7  }
0xdc: {  	_ =	swait.ge [sflag:s9], $0x1000  }
0xdd: {  	[sflag:s9] =	ssyncset.done $0x0  }
0xde: {  	s29 =	sadd.s32 $0x680, s30;
	[sflag:s9] =	ssyncadd.s32 $0xFFFFF000  }
0xdf: {  	[spmem:s3] =	stream.indirect.scatter.add.f32 [tilespmem:s8], [sflag:$0x14], $0x20, s29, s15, $0xb8;
	[tilespmem:$0x1BC20] =	vst v63  }
0xe0: {  	s8 =	simm.s32 $0x8  }
0xe1: {  	_ =	swait.ge [sflag:s8], $0x1000  }
0xe2: {  	[sflag:s8] =	ssyncset.done $0x0  }
0xe3: {  	s29 =	sadd.s32 $0x780, s30;
	[sflag:s8] =	ssyncadd.s32 $0xFFFFF000  }
0xe4: {  	[spmem:s3] =	stream.indirect.scatter.add.f32 [tilespmem:s7], [sflag:$0x15], $0x20, s29, s15, $0xb8;
	[tilespmem:$0x1BC20] =	vst v63  }
0xe5: {  	s7 =	simm.s32 $0x9  }
0xe6: {  	_ =	swait.ge [sflag:s7], $0x1000  }
0xe7: {  	[sflag:s7] =	ssyncset.done $0x0  }
0xe8: {  	s29 =	sadd.s32 $0x880, s30;
	[sflag:s7] =	ssyncadd.s32 $0xFFFFF000  }
0xe9: {  	[spmem:s3] =	stream.indirect.scatter.add.f32 [tilespmem:s6], [sflag:$0x16], $0x20, s29, s15, $0xb8;
	[tilespmem:$0x1BC20] =	vst v63  }
0xea: {  	s6 =	simm.s32 $0xA  }
0xeb: {  	_ =	swait.ge [sflag:s6], $0x1000  }
0xec: {  	[sflag:s6] =	ssyncset.done $0x0  }
0xed: {  	s29 =	sadd.s32 $0x980, s30;
	[sflag:s6] =	ssyncadd.s32 $0xFFFFF000  }
0xee: {  	[spmem:s3] =	stream.indirect.scatter.add.f32 [tilespmem:s5], [sflag:$0x17], $0x20, s29, s15, $0xb8;
	[tilespmem:$0x1BC20] =	vst v63  }
0xef: {  	s5 =	simm.s32 $0xB  }
0xf0: {  	_ =	swait.ge [sflag:s5], $0x1000  }
0xf1: {  	[sflag:s5] =	ssyncset.done $0x0  }
0xf2: {  	s29 =	sadd.s32 $0xA80, s30;
	[sflag:s5] =	ssyncadd.s32 $0xFFFFF000  }
0xf3: {  	[spmem:s3] =	stream.indirect.scatter.add.f32 [tilespmem:s1], [sflag:$0x18], $0x20, s29, s15, $0xb8;
	[tilespmem:$0x1BC20] =	vst v63  }
0xf4: {  	s1 =	simm.s32 $0xC  }
0xf5: {  	_ =	swait.ge [sflag:s1], $0x1000  }
0xf6: {  	[sflag:s1] =	ssyncset.done $0x0  }
0xf7: {  	s29 =	sadd.s32 $0xB80, s30;
	[sflag:s1] =	ssyncadd.s32 $0xFFFFF000  }
0xf8: {  	[spmem:s3] =	stream.indirect.scatter.add.f32 [tilespmem:s0], [sflag:$0x19], $0x20, s29, s15, $0xb8;
	[tilespmem:$0x1BC20] =	vst v63  }
0xf9: {  	s0 =	simm.s32 $0xD  }
0xfa: {  	_ =	swait.ge [sflag:s0], $0x1000  }
0xfb: {  	s29 =	sadd.s32 $0xC80, s30;
	[sflag:s0] =	ssyncset.done $0x0  }
0xfc: {  	s30 =	simm.s32 $0x10F00;
	[sflag:s0] =	ssyncadd.s32 $0xFFFFF000;
	s0 =	simm.s32 $0xE  }
0xfd: {  	[spmem:s3] =	stream.indirect.scatter.add.f32 [tilespmem:s30], [sflag:$0x1A], $0x20, s29, s15, $0xb8;
	[tilespmem:$0x1BC20] =	vst v63  }
0xfe: {  	_ =	swait.ge [sflag:s0], $0x1000  }
0xff: {  	[sflag:s0] =	ssyncset.done $0x0  }
0x100: {  	[sflag:s0] =	ssyncadd.s32 $0xFFFFF000  }
0x101: {  	_ =	swait.ge [sflag:s17], $0x1000  }
0x102: {  	[sflag:s17] =	ssyncset.done $0x0  }
0x103: {  	[sflag:s17] =	ssyncadd.s32 $0xFFFFF000  }
0x104: {  	_ =	swait.ge [sflag:s18], $0x1000  }
0x105: {  	[sflag:s18] =	ssyncset.done $0x0  }
0x106: {  	[sflag:s18] =	ssyncadd.s32 $0xFFFFF000  }
0x107: {  	_ =	swait.ge [sflag:s19], $0x1000  }
0x108: {  	[sflag:s19] =	ssyncset.done $0x0  }
0x109: {  	[sflag:s19] =	ssyncadd.s32 $0xFFFFF000  }
0x10a: {  	_ =	swait.ge [sflag:s20], $0x1000  }
0x10b: {  	[sflag:s20] =	ssyncset.done $0x0  }
0x10c: {  	[sflag:s20] =	ssyncadd.s32 $0xFFFFF000  }
0x10d: {  	_ =	swait.ge [sflag:s21], $0x1000  }
0x10e: {  	[sflag:s21] =	ssyncset.done $0x0  }
0x10f: {  	[sflag:s21] =	ssyncadd.s32 $0xFFFFF000  }
0x110: {  	_ =	swait.ge [sflag:s22], $0x1000  }
0x111: {  	[sflag:s22] =	ssyncset.done $0x0  }
0x112: {  	[sflag:s22] =	ssyncadd.s32 $0xFFFFF000  }
0x113: {  	_ =	swait.ge [sflag:s23], $0x1000  }
0x114: {  	[sflag:s23] =	ssyncset.done $0x0  }
0x115: {  	[sflag:s23] =	ssyncadd.s32 $0xFFFFF000  }
0x116: {  	_ =	swait.ge [sflag:s24], $0x1000  }
0x117: {  	[sflag:s24] =	ssyncset.done $0x0  }
0x118: {  	[sflag:s24] =	ssyncadd.s32 $0xFFFFF000  }
0x119: {  	_ =	swait.ge [sflag:s25], $0x1000  }
0x11a: {  	[sflag:s25] =	ssyncset.done $0x0  }
0x11b: {  	[sflag:s25] =	ssyncadd.s32 $0xFFFFF000  }
0x11c: {  	_ =	swait.ge [sflag:s26], $0x1000  }
0x11d: {  	[sflag:s26] =	ssyncset.done $0x0  }
0x11e: {  	s0 =	simm.s32 $0x19;
	[sflag:s26] =	ssyncadd.s32 $0xFFFFF000  }
.Ltmp0:
0x11f: {  	_ =	swait.ge [sflag:s0], $0x1000;
	(pc) =	sbr.rel @!p2 .LBB2_2-.Ltmp0, $4  }
0x120: {  	[sflag:s0] =	ssyncset.done $0x0  }
0x121: {  	[sflag:s0] =	ssyncadd.s32 $0xFFFFF000  }
0x122: {  	_ =	swait.ge [sflag:s16], $0x1000  }
0x123: {  	s29 =	smov.u32 s31;
	[sflag:s16] =	ssyncset.done $0x0  }
0x124: {  	s16 =	simm.s32 $0x1A  }
0x125: {  	s28 =	sshra.s32 s28, $0x2;
	s14 =	simm.s32 $0x4F00;
	[sflag:s16] =	ssyncadd.s32 $0xFFFFF000  }
0x126: {  	[tilespmem:s14], [sflag:$0x1] =	stream.indirect.gather [spmem:s4], $0x20, s28, s15, $0xb8;
	[tilespmem:$0x1BC20] =	vst v63  }
0x127: {  	s13 =	simm.s32 $0x5F00;
	s29 =	sadd.s32 $0x100, s28  }
0x128: {  	[tilespmem:s13], [sflag:$0x2] =	stream.indirect.gather [spmem:s4], $0x20, s29, s15, $0xb8;
	[tilespmem:$0x1BC20] =	vst v63  }
0x129: {  	s12 =	simm.s32 $0x6F00;
	s29 =	sadd.s32 $0x200, s28  }
0x12a: {  	[tilespmem:s12], [sflag:$0x3] =	stream.indirect.gather [spmem:s4], $0x20, s29, s15, $0xb8;
	[tilespmem:$0x1BC20] =	vst v63  }
0x12b: {  	s11 =	simm.s32 $0x7F00;
	s29 =	sadd.s32 $0x300, s28  }
0x12c: {  	[tilespmem:s11], [sflag:$0x4] =	stream.indirect.gather [spmem:s4], $0x20, s29, s15, $0xb8;
	[tilespmem:$0x1BC20] =	vst v63  }
0x12d: {  	s10 =	simm.s32 $0x8F00;
	s29 =	sadd.s32 $0x400, s28  }
0x12e: {  	[tilespmem:s10], [sflag:$0x5] =	stream.indirect.gather [spmem:s4], $0x20, s29, s15, $0xb8;
	[tilespmem:$0x1BC20] =	vst v63  }
0x12f: {  	s9 =	simm.s32 $0x9F00;
	s29 =	sadd.s32 $0x500, s28  }
0x130: {  	[tilespmem:s9], [sflag:$0x6] =	stream.indirect.gather [spmem:s4], $0x20, s29, s15, $0xb8;
	[tilespmem:$0x1BC20] =	vst v63  }
0x131: {  	s8 =	simm.s32 $0xAF00;
	s29 =	sadd.s32 $0x600, s28  }
0x132: {  	[tilespmem:s8], [sflag:$0x7] =	stream.indirect.gather [spmem:s4], $0x20, s29, s15, $0xb8;
	[tilespmem:$0x1BC20] =	vst v63  }
0x133: {  	s7 =	simm.s32 $0xBF00;
	s29 =	sadd.s32 $0x700, s28  }
0x134: {  	[tilespmem:s7], [sflag:$0x8] =	stream.indirect.gather [spmem:s4], $0x20, s29, s15, $0xb8;
	[tilespmem:$0x1BC20] =	vst v63  }
0x135: {  	s6 =	simm.s32 $0xCF00;
	s29 =	sadd.s32 $0x800, s28  }
0x136: {  	[tilespmem:s6], [sflag:$0x9] =	stream.indirect.gather [spmem:s4], $0x20, s29, s15, $0xb8;
	[tilespmem:$0x1BC20] =	vst v63  }
0x137: {  	s5 =	simm.s32 $0xDF00;
	s29 =	sadd.s32 $0x900, s28  }
0x138: {  	[tilespmem:s5], [sflag:$0xA] =	stream.indirect.gather [spmem:s4], $0x20, s29, s15, $0xb8;
	[tilespmem:$0x1BC20] =	vst v63  }
0x139: {  	s1 =	simm.s32 $0xEF00;
	s29 =	sadd.s32 $0xA00, s28  }
0x13a: {  	[tilespmem:s1], [sflag:$0xB] =	stream.indirect.gather [spmem:s4], $0x20, s29, s15, $0xb8;
	[tilespmem:$0x1BC20] =	vst v63  }
0x13b: {  	s0 =	simm.s32 $0xFF00;
	s29 =	sadd.s32 $0xB00, s28  }
0x13c: {  	[tilespmem:s0], [sflag:$0xC] =	stream.indirect.gather [spmem:s4], $0x20, s29, s15, $0xb8;
	[tilespmem:$0x1BC20] =	vst v63  }
0x13d: {  	s29 =	sadd.s32 $0xC00, s28  }
0x13e: {  	[tilespmem:s30], [sflag:$0xD] =	stream.indirect.gather [spmem:s4], $0x20, s29, s15, $0xb8;
	[tilespmem:$0x1BC20] =	vst v63  }
0x13f: {  	_ =	swait.ge [sflag:s2], $0x1000  }
0x140: {  	[sflag:s2] =	ssyncset.done $0x0  }
0x141: {  	s29 =	sadd.s32 $0x80, s28;
	[sflag:s2] =	ssyncadd.s32 $0xFFFFF000  }
0x142: {  	[spmem:s3] =	stream.indirect.scatter.add.f32 [tilespmem:s14], [sflag:$0xE], $0x20, s29, s15, $0xb8;
	[tilespmem:$0x1BC20] =	vst v63  }
0x143: {  	s14 =	simm.s32 $0x2  }
0x144: {  	_ =	swait.ge [sflag:s14], $0x1000  }
0x145: {  	[sflag:s14] =	ssyncset.done $0x0  }
0x146: {  	s29 =	sadd.s32 $0x180, s28;
	[sflag:s14] =	ssyncadd.s32 $0xFFFFF000;
	s14 =	simm.s32 $0x3  }
0x147: {  	[spmem:s3] =	stream.indirect.scatter.add.f32 [tilespmem:s13], [sflag:$0xF], $0x20, s29, s15, $0xb8;
	[tilespmem:$0x1BC20] =	vst v63  }
0x148: {  	_ =	swait.ge [sflag:s14], $0x1000  }
0x149: {  	[sflag:s14] =	ssyncset.done $0x0  }
0x14a: {  	s29 =	sadd.s32 $0x280, s28;
	s13 =	simm.s32 $0x4;
	[sflag:s14] =	ssyncadd.s32 $0xFFFFF000  }
0x14b: {  	[spmem:s3] =	stream.indirect.scatter.add.f32 [tilespmem:s12], [sflag:$0x10], $0x20, s29, s15, $0xb8;
	[tilespmem:$0x1BC20] =	vst v63  }
0x14c: {  	_ =	swait.ge [sflag:s13], $0x1000  }
0x14d: {  	[sflag:s13] =	ssyncset.done $0x0  }
0x14e: {  	s14 =	simm.s32 $0x5;
	s29 =	sadd.s32 $0x380, s28;
	[sflag:s13] =	ssyncadd.s32 $0xFFFFF000  }
0x14f: {  	[spmem:s3] =	stream.indirect.scatter.add.f32 [tilespmem:s11], [sflag:$0x11], $0x20, s29, s15, $0xb8;
	[tilespmem:$0x1BC20] =	vst v63  }
0x150: {  	_ =	swait.ge [sflag:s14], $0x1000  }
0x151: {  	[sflag:s14] =	ssyncset.done $0x0  }
0x152: {  	s29 =	sadd.s32 $0x480, s28;
	s11 =	simm.s32 $0x6;
	[sflag:s14] =	ssyncadd.s32 $0xFFFFF000  }
0x153: {  	[spmem:s3] =	stream.indirect.scatter.add.f32 [tilespmem:s10], [sflag:$0x12], $0x20, s29, s15, $0xb8;
	[tilespmem:$0x1BC20] =	vst v63  }
0x154: {  	_ =	swait.ge [sflag:s11], $0x1000  }
0x155: {  	[sflag:s11] =	ssyncset.done $0x0  }
0x156: {  	s12 =	simm.s32 $0x7;
	s29 =	sadd.s32 $0x580, s28;
	[sflag:s11] =	ssyncadd.s32 $0xFFFFF000  }
0x157: {  	[spmem:s3] =	stream.indirect.scatter.add.f32 [tilespmem:s9], [sflag:$0x13], $0x20, s29, s15, $0xb8;
	[tilespmem:$0x1BC20] =	vst v63  }
0x158: {  	_ =	swait.ge [sflag:s12], $0x1000  }
0x159: {  	[sflag:s12] =	ssyncset.done $0x0  }
0x15a: {  	s13 =	simm.s32 $0x8;
	s29 =	sadd.s32 $0x680, s28;
	[sflag:s12] =	ssyncadd.s32 $0xFFFFF000  }
0x15b: {  	[spmem:s3] =	stream.indirect.scatter.add.f32 [tilespmem:s8], [sflag:$0x14], $0x20, s29, s15, $0xb8;
	[tilespmem:$0x1BC20] =	vst v63  }
0x15c: {  	_ =	swait.ge [sflag:s13], $0x1000  }
0x15d: {  	[sflag:s13] =	ssyncset.done $0x0  }
0x15e: {  	s14 =	simm.s32 $0x9;
	s29 =	sadd.s32 $0x780, s28;
	[sflag:s13] =	ssyncadd.s32 $0xFFFFF000  }
0x15f: {  	[spmem:s3] =	stream.indirect.scatter.add.f32 [tilespmem:s7], [sflag:$0x15], $0x20, s29, s15, $0xb8;
	[tilespmem:$0x1BC20] =	vst v63  }
0x160: {  	_ =	swait.ge [sflag:s14], $0x1000  }
0x161: {  	[sflag:s14] =	ssyncset.done $0x0  }
0x162: {  	s29 =	sadd.s32 $0x880, s28;
	s7 =	simm.s32 $0xA;
	[sflag:s14] =	ssyncadd.s32 $0xFFFFF000  }
0x163: {  	[spmem:s3] =	stream.indirect.scatter.add.f32 [tilespmem:s6], [sflag:$0x16], $0x20, s29, s15, $0xb8;
	[tilespmem:$0x1BC20] =	vst v63  }
0x164: {  	_ =	swait.ge [sflag:s7], $0x1000  }
0x165: {  	[sflag:s7] =	ssyncset.done $0x0  }
0x166: {  	s8 =	simm.s32 $0xB;
	s29 =	sadd.s32 $0x980, s28;
	[sflag:s7] =	ssyncadd.s32 $0xFFFFF000  }
0x167: {  	[spmem:s3] =	stream.indirect.scatter.add.f32 [tilespmem:s5], [sflag:$0x17], $0x20, s29, s15, $0xb8;
	[tilespmem:$0x1BC20] =	vst v63  }
0x168: {  	_ =	swait.ge [sflag:s8], $0x1000  }
0x169: {  	[sflag:s8] =	ssyncset.done $0x0  }
0x16a: {  	s9 =	simm.s32 $0xC;
	s29 =	sadd.s32 $0xA80, s28;
	[sflag:s8] =	ssyncadd.s32 $0xFFFFF000  }
0x16b: {  	[spmem:s3] =	stream.indirect.scatter.add.f32 [tilespmem:s1], [sflag:$0x18], $0x20, s29, s15, $0xb8;
	[tilespmem:$0x1BC20] =	vst v63  }
0x16c: {  	_ =	swait.ge [sflag:s9], $0x1000  }
0x16d: {  	[sflag:s9] =	ssyncset.done $0x0  }
0x16e: {  	s10 =	simm.s32 $0xD;
	s29 =	sadd.s32 $0xB80, s28;
	[sflag:s9] =	ssyncadd.s32 $0xFFFFF000  }
0x16f: {  	[spmem:s3] =	stream.indirect.scatter.add.f32 [tilespmem:s0], [sflag:$0x19], $0x20, s29, s15, $0xb8;
	[tilespmem:$0x1BC20] =	vst v63  }
0x170: {  	_ =	swait.ge [sflag:s10], $0x1000  }
0x171: {  	[sflag:s10] =	ssyncset.done $0x0  }
0x172: {  	s11 =	simm.s32 $0xE;
	s28 =	sadd.s32 $0xC80, s28;
	[sflag:s10] =	ssyncadd.s32 $0xFFFFF000  }
0x173: {  	[spmem:s3] =	stream.indirect.scatter.add.f32 [tilespmem:s30], [sflag:$0x1A], $0x20, s28, s15, $0xb8;
	[tilespmem:$0x1BC20] =	vst v63  }
0x174: {  	_ =	swait.ge [sflag:s11], $0x1000  }
0x175: {  	[sflag:s11] =	ssyncset.done $0x0  }
0x176: {  	[sflag:s11] =	ssyncadd.s32 $0xFFFFF000  }
0x177: {  	_ =	swait.ge [sflag:s17], $0x1000  }
0x178: {  	[sflag:s17] =	ssyncset.done $0x0  }
0x179: {  	[sflag:s17] =	ssyncadd.s32 $0xFFFFF000  }
0x17a: {  	_ =	swait.ge [sflag:s18], $0x1000  }
0x17b: {  	[sflag:s18] =	ssyncset.done $0x0  }
0x17c: {  	[sflag:s18] =	ssyncadd.s32 $0xFFFFF000  }
0x17d: {  	_ =	swait.ge [sflag:s19], $0x1000  }
0x17e: {  	[sflag:s19] =	ssyncset.done $0x0  }
0x17f: {  	[sflag:s19] =	ssyncadd.s32 $0xFFFFF000  }
0x180: {  	_ =	swait.ge [sflag:s20], $0x1000  }
0x181: {  	[sflag:s20] =	ssyncset.done $0x0  }
0x182: {  	[sflag:s20] =	ssyncadd.s32 $0xFFFFF000  }
0x183: {  	_ =	swait.ge [sflag:s21], $0x1000  }
0x184: {  	[sflag:s21] =	ssyncset.done $0x0  }
0x185: {  	[sflag:s21] =	ssyncadd.s32 $0xFFFFF000  }
0x186: {  	_ =	swait.ge [sflag:s22], $0x1000  }
0x187: {  	[sflag:s22] =	ssyncset.done $0x0  }
0x188: {  	[sflag:s22] =	ssyncadd.s32 $0xFFFFF000  }
0x189: {  	_ =	swait.ge [sflag:s23], $0x1000  }
0x18a: {  	[sflag:s23] =	ssyncset.done $0x0  }
0x18b: {  	[sflag:s23] =	ssyncadd.s32 $0xFFFFF000  }
0x18c: {  	_ =	swait.ge [sflag:s24], $0x1000  }
0x18d: {  	[sflag:s24] =	ssyncset.done $0x0  }
0x18e: {  	[sflag:s24] =	ssyncadd.s32 $0xFFFFF000  }
0x18f: {  	_ =	swait.ge [sflag:s25], $0x1000  }
0x190: {  	[sflag:s25] =	ssyncset.done $0x0  }
0x191: {  	[sflag:s25] =	ssyncadd.s32 $0xFFFFF000  }
0x192: {  	_ =	swait.ge [sflag:s26], $0x1000  }
0x193: {  	[sflag:s26] =	ssyncset.done $0x0  }
0x194: {  	s12 =	simm.s32 $0x19;
	[sflag:s26] =	ssyncadd.s32 $0xFFFFF000  }
0x195: {  	_ =	swait.ge [sflag:s12], $0x1000  }
0x196: {  	[sflag:s12] =	ssyncset.done $0x0  }
0x197: {  	[sflag:s12] =	ssyncadd.s32 $0xFFFFF000  }
0x198: {  	_ =	swait.ge [sflag:s16], $0x1000  }
0x199: {  	s29 =	simm.s32 @p1 $0x4E00;
	[sflag:s16] =	ssyncset.done $0x0  }
0x19a: {  	s28 =	simm.s32 @p1 $0x80;
	s30 =	simm.s32 @p1 $0x4F00;
	[sflag:s16] =	ssyncadd.s32 $0xFFFFF000  }
0x19b: {  	[tilespmem:s30], [sflag:$0x1] =	stream.indirect.gather @p1 [spmem:s4], $0x20, s29, s28, $0xb8;
	[tilespmem:$0x1BC20] =	vst v63  }
0x19c: {  	s29 =	simm.s32 @p1 $0x1  }
0x19d: {  	_ =	swait.ge @p1 [sflag:s29], $0x1000  }
0x19e: {  	[sflag:s29] =	ssyncset.done @p1 $0x0  }
0x19f: {  	[sflag:s29] =	ssyncadd.s32 @p1 $0xFFFFF000;
	s29 =	simm.s32 @p1 $0x4E80  }
0x1a0: {  	[spmem:s3] =	stream.indirect.scatter.add.f32 @p1 [tilespmem:s30], [sflag:$0x1B], $0x20, s29, s28, $0xb8;
	[tilespmem:$0x1BC20] =	vst v63  }
0x1a1: {  	s28 =	simm.s32 @p1 $0x1B  }
0x1a2: {  	_ =	swait.ge @p1 [sflag:s28], $0x1000  }
0x1a3: {  	[sflag:s28] =	ssyncset.done @p1 $0x0  }
0x1a4: {  	[sflag:s28] =	ssyncadd.s32 @p1 $0xFFFFF000  }
0x1a5: {  	s13 =	rddreg [dreg:$0xe];
	[bflag:$0x0] =	sbarrier.arrive $0xFFFF  }
0x1a6: {  	s14 =	rddreg [dreg:$0x9]  }
0x1a7: {  	s29 =	rddreg [dreg:$0xb]  }
0x1a8: {  	s31 =	simm.s32 $0x1B;
	s30 =	rddreg [dreg:$0xc]  }
0x1a9: {  	[hbm:s14], [sflag:s29] =	dma.local [spmem:s30], $0x9E0  }
0x1aa: {  	_ =	swait.ge [sflag:s31], $0x9E0  }
0x1ab: {  	s0 =	sadd.s32 $0x1, s13;
	s16 =	rddreg [dreg:$0xa]  }
0x1ac: {  	p2 =	sne.s32 s0, s16  }
.Ltmp1:
0x1ad: {  	_ = 	snop;
	(pc) =	sbr.rel @p2 .LBB2_1-.Ltmp1, $3  }
0x1ae: {  	_ =	sdelay $0x1  }
0x1af: {  	[sflag:s31] =	ssyncset.done $0x0  }
0x1b0: {  	[sflag:s31] =	ssyncadd.s32 $0xFFFFF620  }
0x1b1: {  	_ =	sfence.sel $0x180000  }
0x1b2: {  	[bflag:$0x0] =	sbarrier.arrive $0xFFFF  }
0x1b3: {  	_ =	strace $0x9000004A  }
0x1b4: {  	s0 =	stileid.u32;
	[bflag:$0x2] =	sbarrier.arrive $0xFFFF  }
0x1b5: {  	p0 =	sne.s32 s0, $0x0;
	s0 =	rddreg [dreg:$0x5]  }
0x1b6: {  	s0 =	sadd.s32 @!p0 $0x100000, s0  }
0x1b7: {  	[sflag:s0] =	ssyncadd.tile.s32 @!p0 $0x1;
	_ =	shalt  }
.Lfunc_end2:
_tile_overlayer_lowered:
.L_overlay_start_2:
0x1b8: {  	(tag) =	ssettag $0x2  }
0x1b9: {  	s0 =	rddreg [dreg:$0x0];
	s2 =	stileid.u32  }
0x1ba: {  	s1 =	rddreg [dreg:$0x1];
	p0 =	sne.s32 s2, $0x0  }
0x1bb: {  	s3 =	rddreg [dreg:$0x2];
	[bflag:$0x3] =	sbarrier.arrive $0xFFFF;
	s2 =	simm.s32 @!p0 $0x1C1B  }
0x1bc: {  	[timem:s3], [sflag:s2] =	dma.local @!p0 [hbm:s0], s1  }
0x1bd: {  	s0 =	simm.s32 @!p0 $0x1B  }
0x1be: {  	_ =	swait.ge @!p0 [sflag:s0], s1  }
0x1bf: {  	s1 =	ssub.s32 @!p0 $0x0, s1;
	[sflag:s0] =	ssyncset.done @!p0 $0x0  }
0x1c0: {  	[sflag:s0] =	ssyncadd.s32 @!p0 s1  }
0x1c1: {  	[bflag:$0x3] =	sbarrier.arrive $0xFFFF  }
0x1c2: {  	_ =	shalt  }

// kernel: kernel.15.cloned.1.call-start
scs
__scs_entry_jumppad:
0x0: {  	(pc) =	sbr.rel $0x88, $3  }
0x1: {  	(tag) =	ssettag $0x0;
	lr =	simm.s32 $0x1  }
0x2: {  	[smem:$0x3F9B] =	sst lr;
	_ =	strace $0xD0000000  }
0x3: {  	_ = 	snop  }
0x4: {  	_ = 	snop  }
0x5: {  	_ = 	snop  }
0x6: {  	_ = 	snop  }
0x7: {  	_ = 	snop  }
__scs_overlays_trampoline_lowered:
0x8: {  	[smem:$0x3FAA] =	sst s0  }
0x9: {  	[smem:$0x3FAB] =	sst s1  }
0xa: {  	[smem:$0x3FAC] =	sst s2  }
0xb: {  	[smem:$0x3FAD] =	sst s3  }
0xc: {  	[smem:$0x3FAE] =	sst s4  }
0xd: {  	[smem:$0x3FAF] =	sst s5  }
0xe: {  	[smem:$0x3FB0] =	sst s6  }
0xf: {  	[smem:$0x3FB1] =	sst s7  }
0x10: {  	[smem:$0x3FB2] =	sst s8  }
0x11: {  	[smem:$0x3FB3] =	sst s9;
	s0 =	simm.s32 @!p0 $0x0  }
0x12: {  	s1 =	sld [smem:$0x3F99];
	s0 =	simm.s32 @p0 $0x1  }
0x13: {  	[smem:$0x3FB4] =	sst s0;
	s0 =	simm.s32 @!p1 $0x0  }
0x14: {  	s2 =	sld [smem:$0x3F98];
	s0 =	simm.s32 @p1 $0x1  }
0x15: {  	[smem:$0x3FB5] =	sst s0;
	s0 =	simm.s32 @!p2 $0x0  }
0x16: {  	s3 =	sld [smem:$0x3FDB];
	s0 =	simm.s32 @p2 $0x1  }
0x17: {  	s4 =	simm.s32 $0x1BF5;
	[smem:$0x3FB7] =	sst s0  }
0x18: {  	s0 =	sld [smem:$0x3F9A];
	_ =	swait.ge [sflag:s4], $0x0  }
0x19: {  	s7 =	sld [smem:$0x3F9B]  }
0x1a: {  	s8 =	sadd.s32 $0xFFFFE003, lr  }
0x1b: {  	s9 =	sadd.s32 $0xFFFFFEF7, lr;
	s5 =	simm.s32 $0xFFFFFFFF;
	p2 =	slt.u32 s8, $0xFFFFF086  }
0x1c: {  	p1 =	slt.u32 s9, $0xF7A;
	s5 =	simm.s32 @!p2 $0x0  }
0x1d: {  	s5 =	simm.s32 @p1 $0x1;
	p0 =	seq.s32 s7, s2  }
0x1e: {  	s7 =	smul.u32 @!p0 $0xF7A, s2;
	p2 =	seq.s32 @!p0 s5, $0x0  }
0x1f: {  	s9 =	smul.u32 $0xF7A, s1;
	s8 =	simm.s32 @!p0 $0x1BF5;
	p2 =	por !p2, p0  }
0x20: {  	[sflag:s8] =	ssyncset.s32 @!p0 $0xFFFFF086;
	s6 =	sadd.s32 @!p0 s3, s7;
	s7 =	simm.s32 @!p0 $0x108  }
0x21: {  	s3 =	sadd.s32 s3, s9;
	s6 =	sadd.s32 @!p0 $0x88, s6;
	s7 =	simm.s32 @p2 $0x1082  }
0x22: {  	[simem:s7], [sflag:s8] =	dma.local @!p0 [hbm:s6], $0xF7A  }
0x23: {  	s9 =	sor.u32 $0xD0000000, s2;
	s6 =	simm.s32 $0x108;
	_ =	swait.ge @!p0 [sflag:s8], $0x0  }
0x24: {  	s3 =	sadd.s32 $0x88, s3;
	s6 =	simm.s32 @!p1 $0x1082;
	[sflag:s4] =	ssyncset.s32 $0xFFFFF086  }
0x25: {  	[simem:s6], [sflag:s4] =	dma.local [hbm:s3], $0xF7A  }
0x26: {  	[smem:$0x3F9B] =	sst s1;
	(tag) =	ssettag s2;
	_ =	strace s9  }
0x27: {  	s1 =	sld [smem:$0x3FAB]  }
0x28: {  	s2 =	sld [smem:$0x3FAC]  }
0x29: {  	s4 =	sld [smem:$0x3FAE]  }
0x2a: {  	p0 =	seq.s32 s5, $0x0;
	s5 =	sld [smem:$0x3FAF]  }
0x2b: {  	s6 =	sld [smem:$0x3FB0]  }
0x2c: {  	s7 =	sld [smem:$0x3FB1]  }
0x2d: {  	s3 =	simm.s32 $0x108;
	s8 =	sld [smem:$0x3FB2]  }
0x2e: {  	s3 =	simm.s32 @!p0 $0x1082;
	s9 =	sld [smem:$0x3FB3]  }
0x2f: {  	lr =	sadd.s32 s0, s3;
	s0 =	sld [smem:$0x3FAA]  }
0x30: {  	s3 =	sld [smem:$0x3FAD]  }
0x31: {  	[smem:$0x3FB6] =	sst s10  }
0x32: {  	s10 =	sld [smem:$0x3FB4];
	_ =	sdelay $0x3  }
0x33: {  	p0 =	seq.s32 s10, $0x1;
	s10 =	sld [smem:$0x3FB6];
	_ =	sdelay $0x3  }
0x34: {  	[smem:$0x3FB6] =	sst s10  }
0x35: {  	s10 =	sld [smem:$0x3FB5];
	_ =	sdelay $0x3  }
0x36: {  	p1 =	seq.s32 s10, $0x1;
	s10 =	sld [smem:$0x3FB6];
	_ =	sdelay $0x3  }
0x37: {  	[smem:$0x3FB6] =	sst s10  }
0x38: {  	s10 =	sld [smem:$0x3FB7]  }
0x39: {  	_ = 	snop;
	(pc) =	sbr.ind lr, $3  }
0x3a: {  	_ = 	snop  }
0x3b: {  	_ = 	snop  }
0x3c: {  	p2 =	seq.s32 s10, $0x1;
	s10 =	sld [smem:$0x3FB6]  }
0x3d: {  	_ =	shalt  }
0x3e: {  	_ =	shalt  }
0x3f: {  	_ =	shalt  }
0x40: {  	_ =	shalt  }
0x41: {  	_ =	shalt  }
0x42: {  	_ =	shalt  }
0x43: {  	_ =	shalt  }
0x44: {  	_ =	shalt  }
0x45: {  	_ =	shalt  }
0x46: {  	_ =	shalt  }
0x47: {  	_ =	shalt  }
0x48: {  	_ =	shalt  }
0x49: {  	_ =	shalt  }
0x4a: {  	_ =	shalt  }
0x4b: {  	_ =	shalt  }
0x4c: {  	_ =	shalt  }
0x4d: {  	_ =	shalt  }
0x4e: {  	_ =	shalt  }
0x4f: {  	_ =	shalt  }
0x50: {  	_ =	shalt  }
0x51: {  	_ =	shalt  }
0x52: {  	_ =	shalt  }
0x53: {  	_ =	shalt  }
0x54: {  	_ =	shalt  }
0x55: {  	_ =	shalt  }
0x56: {  	_ =	shalt  }
0x57: {  	_ =	shalt  }
0x58: {  	_ =	shalt  }
0x59: {  	_ =	shalt  }
0x5a: {  	_ =	shalt  }
0x5b: {  	_ =	shalt  }
0x5c: {  	_ =	shalt  }
0x5d: {  	_ =	shalt  }
0x5e: {  	_ =	shalt  }
0x5f: {  	_ =	shalt  }
0x60: {  	_ =	shalt  }
0x61: {  	_ =	shalt  }
0x62: {  	_ =	shalt  }
0x63: {  	_ =	shalt  }
0x64: {  	_ =	shalt  }
0x65: {  	_ =	shalt  }
0x66: {  	_ =	shalt  }
0x67: {  	_ =	shalt  }
0x68: {  	_ =	shalt  }
0x69: {  	_ =	shalt  }
0x6a: {  	_ =	shalt  }
0x6b: {  	_ =	shalt  }
0x6c: {  	_ =	shalt  }
0x6d: {  	_ =	shalt  }
0x6e: {  	_ =	shalt  }
0x6f: {  	_ =	shalt  }
0x70: {  	_ =	shalt  }
0x71: {  	_ =	shalt  }
0x72: {  	_ =	shalt  }
0x73: {  	_ =	shalt  }
0x74: {  	_ =	shalt  }
0x75: {  	_ =	shalt  }
0x76: {  	_ =	shalt  }
0x77: {  	_ =	shalt  }
0x78: {  	_ =	shalt  }
0x79: {  	_ =	shalt  }
0x7a: {  	_ =	shalt  }
0x7b: {  	_ =	shalt  }
0x7c: {  	_ =	shalt  }
0x7d: {  	_ =	shalt  }
0x7e: {  	_ =	shalt  }
0x7f: {  	_ =	shalt  }
0x80: {  	_ =	shalt  }
0x81: {  	_ =	shalt  }
0x82: {  	_ =	shalt  }
0x83: {  	_ =	shalt  }
0x84: {  	_ =	shalt  }
0x85: {  	_ =	shalt  }
0x86: {  	_ =	shalt  }
0x87: {  	_ =	shalt  }
.Lfunc_end0:
.L_simem_size_0:
called_computation.2_lowered:
.L_overlay_start_0:
0x88: {  	s2 =	sld [smem:$0x3FD9]  }
0x89: {  	s3 =	sld [smem:$0x3FFE];
	_ =	sdelay $0x1  }
0x8a: {  	s1 =	srdreg.scid  }
0x8b: {  	s0 =	sand.u32 $0x1, s1  }
0x8c: {  	s17 =	sshll.u32 s0, $0xA;
	s2 =	sadd.s32 s3, s2  }
0x8d: {  	s2 =	sadd.s32 s2, s17  }
0x8e: {  	[smem:$0x3FC2] =	sst s2  }
0x8f: {  	_ = 	snop  }
0x90: {  	s2 =	sld [smem:$0x3FC8]  }
0x91: {  	s18 =	sld [smem:$0x3FD0];
	(tm) =	ssettm $0x1  }
0x92: {  	s4 =	sld [smem:$0x3FFB];
	_ =	sdelay $0x3  }
0x93: {  	_ =	strace s4  }
0x94: {  	s4 =	sld [smem:$0x3FFC];
	_ =	sdelay $0x3  }
0x95: {  	_ =	strace s4  }
0x96: {  	s4 =	sld [smem:$0x3FFD];
	_ =	sdelay $0x3  }
0x97: {  	_ =	strace s4  }
0x98: {  	_ =	strace $0x8FFFFFFF  }
0x99: {  	s19 =	sld [smem:$0x3FDB];
	_ =	sdelay $0x1  }
0x9a: {  	s5 =	simm.s32 $_scs_section_size  }
0x9b: {  	s6 =	simm.s32 $_size__tile_overlayer_lowered;
	s7 =	simm.s32 $_tile_overlayer_lowered  }
0x9c: {  	s22 =	simm.s32 $0x1BFF;
	s21 =	sshll.u32 s7, $0x1;
	s4 =	sadd.s32 s5, s19  }
0x9d: {  	s8 =	simm.s32 $0x0;
	s20 =	sshll.u32 s6, $0x1;
	s6 =	sadd.s32 s21, s4  }
0x9e: {  	[timem:s8], [sflag:s22] =	dma.local [hbm:s6], s20  }
0x9f: {  	_ =	swait.ge [sflag:s22], s20  }
0xa0: {  	s5 =	ssub.s32 $0x0, s20;
	[sflag:s22] =	ssyncset.done $0x0  }
0xa1: {  	[sflag:s22] =	ssyncadd.s32 s5;
	_ =	sdelay $0x1  }
0xa2: {  	s23 =	simm.s32 $0x1B8B  }
0xa3: {  	_ =	swait.ge [sflag:s23], $0x1  }
0xa4: {  	[sflag:s23] =	ssyncset.done $0x0  }
0xa5: {  	s25 =	simm.s32 $0x1B8E;
	s24 =	sld [smem:$0x3FFE];
	[sflag:s23] =	ssyncadd.s32 $0xFFFFFFFF  }
0xa6: {  	s26 =	simm.s32 $execute0_lowered;
	[smem:$0x3FD2] =	sst s25  }
0xa7: {  	s6 =	sshll.u32 s26, $0x1;
	_ =	strace $0x8000004C;
	[dreg:$0x1] =	wrdreg $0xFFFFFFFF  }
0xa8: {  	s28 =	simm.s32 $_size_execute0_lowered;
	s4 =	sadd.s32 s4, s6;
	[dreg:$0x0] =	wrdreg $0x0  }
0xa9: {  	s6 =	sshll.u32 s28, $0x1;
	[dreg:$0x2] =	wrdreg s4  }
0xaa: {  	[dreg:$0x3] =	wrdreg s6  }
0xab: {  	[dreg:$0x4] =	wrdreg $0xC0  }
0xac: {  	_ =	task [dreg:s8], $0x5FFFF  }
0xad: {  	[dreg:$0x1] =	wrdreg $0xFFFFFFFF  }
0xae: {  	[dreg:$0x0] =	wrdreg $0x60  }
0xaf: {  	[dreg:$0x2] =	wrdreg s18  }
0xb0: {  	[dreg:$0x3] =	wrdreg s2  }
0xb1: {  	[dreg:$0x4] =	wrdreg s24  }
0xb2: {  	[dreg:$0x5] =	wrdreg $0xB7000  }
0xb3: {  	[dreg:$0x6] =	wrdreg $0xDE800  }
0xb4: {  	[dreg:$0x7] =	wrdreg $0x9  }
0xb5: {  	_ =	task.clear_ibuf [dreg:s8], $0x8FFFF;
	_ =	strace $0x9000004C  }
0xb6: {  	s29 =	simm.s32 $0x9;
	_ =	strace $0x8000004E  }
0xb7: {  	_ =	swait.ge [sflag:s29], $0x1  }
0xb8: {  	[sflag:s29] =	ssyncadd.s32 $0xFFFFFFFF  }
0xb9: {  	_ =	strace $0x9000004E  }
0xba: {  	_ =	sfence  }
0xbb: {  	s30 =	sld [smem:$0x0];
	_ =	sdelay $0x2  }
0xbc: {  	s31 =	sshll.u32 s1, $0xD;
	s1 =	sshrl.u32 s1, $0x2  }
0xbd: {  	s3 =	sand.u32 $0x4000, s31;
	s1 =	sadd.s32 s1, s30  }
0xbe: {  	s0 =	sor.u32 s3, s0;
	s1 =	sshll.u32 s1, $0x11  }
0xbf: {  	s0 =	sor.u32 s1, s0  }
0xc0: {  	s0 =	sadd.s32 $0x8F2B, s0  }
0xc1: {  	[sflag:s0] =	ssyncadd.remote.s32 $0x1  }
0xc2: {  	_ =	sfence.sel $0xFFFF  }
0xc3: {  	[dreg:$0x0] =	wrdreg $0xFFFFFFFF;
	(pc) =	sbr.abs _section_cstart, $3  }
0xc4: {  	[dreg:$0x1] =	wrdreg $0xFFFFFFFF  }
0xc5: {  	_ =	task.clear_ibuf [dreg:s8], $0x2FFFF;
	_ =	strace $0x9FFFFFFF  }
0xc6: {  	(tm) =	ssettm $0x7FFFFFFF  }
0xc7: {  	_ =	shalt  }
tec
execute0_lowered:
.L_overlay_start_1:
0x0: {  	(tag) =	ssettag $0x1  }
0x1: {  	s0 =	rddreg [dreg:$0x0]  }
0x2: {  	s1 =	rddreg [dreg:$0x1]  }
0x3: {  	s4 =	rddreg [dreg:$0x2]  }
0x4: {  	s2 =	rddreg [dreg:$0x3];
	s5 =	srdreg.scid  }
0x5: {  	s3 =	rddreg [dreg:$0x4];
	s11 =	stileid.u32  }
0x6: {  	s9 =	simm.s32 $0x0;
	s31 =	simm.s32 $0x1B;
	s15 =	simm.s32 $0x80  }
0x7: {  	s17 =	simm.s32 $0xF;
	s18 =	simm.s32 $0x10;
	s5 =	sand.u32 $0x1, s5  }
0x8: {  	s6 =	smul.u32 $0x2780, s11;
	[smem:$0x7FF] =	sst s9;
	s12 =	sadd.s32 $0x1A00, s4  }
0x9: {  	s21 =	smul.u32 $0x2710, s11;
	s26 =	sshll.u32 s11, $0x6;
	s7 =	sshll.u32 s5, $0x4  }
0xa: {  	s8 =	smul.u32 $0x27800, s5;
	_ =	strace $0x8000004D;
	[dreg:$0x6] =	wrdreg s12  }
0xb: {  	s5 =	ssub.s32 $0x2, s5;
	s29 =	sor.u32 $0x1C1B, s26;
	s26 =	simm.s32 $0x18  }
0xc: {  	s7 =	sor.u32 s11, s7;
	s20 =	sshrl.u32 s5, $0x1;
	s23 =	sadd.s32 s21, s3  }
0xd: {  	[dreg:$0xc] =	wrdreg s29;
	s19 =	smul.u32 $0x4E, s7;
	s10 =	smin.u32 s7, $0x4  }
0xe: {  	s8 =	sadd.s32 s6, s8;
	s5 =	ssub.s32 s5, s20;
	s6 =	sadd.s32 s6, s2  }
0xf: {  	p0 =	sgt.u32 s7, $0x3;
	s28 =	sshrl.u32 s23, $0x3;
	p1 =	slt.u32 s7, $0x4  }
0x10: {  	s20 =	simm.s32 $0x12;
	s23 =	simm.s32 $0x15;
	s8 =	sshrl.u32 s8, $0x3  }
0x11: {  	s25 =	smax.u32 s5, $0x1;
	s30 =	sshrl.u32 s6, $0x3;
	[dreg:$0xe] =	wrdreg s28  }
0x12: {  	s9 =	sadd.s32 s10, s19;
	s4 =	sadd.s32 s8, s4;
	[dreg:$0xb] =	wrdreg s25  }
0x13: {  	[dreg:$0xd] =	wrdreg s30;
	s19 =	simm.s32 $0x11;
	s9 =	sshll.u32 s9, $0x5  }
0x14: {  	s25 =	simm.s32 $0x17;
	s24 =	sadd.s32 $0x2000, s4;
	s9 =	sadd.s32 s1, s9  }
0x15: {  	s1 =	sshrl.u32 s21, $0x3;
	[dreg:$0xa] =	wrdreg s24;
	s21 =	simm.s32 $0x13  }
0x16: {  	s24 =	simm.s32 $0x16;
	[dreg:$0x7] =	wrdreg s9;
	s22 =	sadd.s32 $0x9C0, s9  }
0x17: {  	s0 =	sadd.s32 s0, s1;
	s1 =	simm.s32 $0x0;
	[dreg:$0x8] =	wrdreg s22  }
0x18: {  	[dreg:$0x9] =	wrdreg s0;
	s0 =	simm.s32 $0x1;
	s22 =	simm.s32 $0x14  }
.LBB2_1:
0x19: {  	[dreg:$0xf] =	wrdreg s1  }
0x1a: {  	s28 =	simm.s32 $0x0;
	s16 =	smov.u32 s29;
	s29 =	rddreg [dreg:$0x7]  }
0x1b: {  	[tilespmem:s28], [sflag:$0x1B] =	stream.linear.gather [hbm4b:s29+s28], $0x4E00, $0x38;
	[tilespmem:$0x10590] =	vst v63  }
0x1c: {  	_ =	swait.ge [sflag:s31], $0x4E00  }
0x1d: {  	s4 =	smov.u32 s30;
	s28 =	simm.s32 @!p0 $0x0;
	[sflag:s31] =	ssyncset.done $0x0  }
0x1e: {  	s29 =	simm.s32 @!p0 $0x4E00;
	s30 =	rddreg [dreg:$0x8];
	[sflag:s31] =	ssyncadd.s32 $0xFFFFB200  }
0x1f: {  	[tilespmem:s29], [sflag:$0x1B] =	stream.linear.gather @!p0 [hbm4b:s30+s28], $0x100, $0x38;
	[tilespmem:$0x10590] =	vst v63  }
0x20: {  	s28 =	simm.s32 @!p0 $0x1B  }
0x21: {  	_ =	swait.ge @!p0 [sflag:s28], $0x100  }
0x22: {  	[sflag:s28] =	ssyncset.done @!p0 $0x0  }
0x23: {  	[sflag:s28] =	ssyncadd.s32 @!p0 $0xFFFFFF00;
	s28 =	rddreg [dreg:$0x6]  }
0x24: {  	[spmem:s4], [sflag:s16] =	dma.local [hbm:s28], $0x4F0  }
0x25: {  	_ =	swait.ge [sflag:s31], $0x4F0  }
0x26: {  	[sflag:s31] =	ssyncset.done $0x0;
	s28 =	rddreg [dreg:$0x9]  }
0x27: {  	s29 =	rddreg [dreg:$0xe];
	[sflag:s31] =	ssyncadd.s32 $0xFFFFFB10  }
0x28: {  	[spmem:s29], [sflag:s16] =	dma.local [hbm:s28], $0x4E2  }
0x29: {  	_ =	swait.ge [sflag:s31], $0x4E2  }
0x2a: {  	[sflag:s31] =	ssyncset.done $0x0  }
0x2b: {  	[sflag:s31] =	ssyncadd.s32 $0xFFFFFB1E  }
0x2c: {  	s14 =	simm.s32 $0x4F00;
	s28 =	simm.s32 $0x0;
	[bflag:$0x0] =	sbarrier.arrive $0xFFFF  }
0x2d: {  	[tilespmem:s14], [sflag:$0x1] =	stream.indirect.gather [spmem:s3], $0x10, s28, s15, $0xb8;
	[tilespmem:$0x10590] =	vst v63  }
0x2e: {  	s13 =	simm.s32 $0x5700;
	s28 =	simm.s32 $0x100  }
0x2f: {  	[tilespmem:s13], [sflag:$0x2] =	stream.indirect.gather [spmem:s3], $0x10, s28, s15, $0xb8;
	[tilespmem:$0x10590] =	vst v63  }
0x30: {  	s12 =	simm.s32 $0x5F00;
	s28 =	simm.s32 $0x200  }
0x31: {  	[tilespmem:s12], [sflag:$0x3] =	stream.indirect.gather [spmem:s3], $0x10, s28, s15, $0xb8;
	[tilespmem:$0x10590] =	vst v63  }
0x32: {  	s11 =	simm.s32 $0x6700;
	s28 =	simm.s32 $0x300  }
0x33: {  	[tilespmem:s11], [sflag:$0x4] =	stream.indirect.gather [spmem:s3], $0x10, s28, s15, $0xb8;
	[tilespmem:$0x10590] =	vst v63  }
0x34: {  	s10 =	simm.s32 $0x6F00;
	s28 =	simm.s32 $0x400  }
0x35: {  	[tilespmem:s10], [sflag:$0x5] =	stream.indirect.gather [spmem:s3], $0x10, s28, s15, $0xb8;
	[tilespmem:$0x10590] =	vst v63  }
0x36: {  	s9 =	simm.s32 $0x7700;
	s28 =	simm.s32 $0x500  }
0x37: {  	[tilespmem:s9], [sflag:$0x6] =	stream.indirect.gather [spmem:s3], $0x10, s28, s15, $0xb8;
	[tilespmem:$0x10590] =	vst v63  }
0x38: {  	s8 =	simm.s32 $0x7F00;
	s28 =	simm.s32 $0x600  }
0x39: {  	[tilespmem:s8], [sflag:$0x7] =	stream.indirect.gather [spmem:s3], $0x10, s28, s15, $0xb8;
	[tilespmem:$0x10590] =	vst v63  }
0x3a: {  	s7 =	simm.s32 $0x8700;
	s28 =	simm.s32 $0x700  }
0x3b: {  	[tilespmem:s7], [sflag:$0x8] =	stream.indirect.gather [spmem:s3], $0x10, s28, s15, $0xb8;
	[tilespmem:$0x10590] =	vst v63  }
0x3c: {  	s6 =	simm.s32 $0x8F00;
	s28 =	simm.s32 $0x800  }
0x3d: {  	[tilespmem:s6], [sflag:$0x9] =	stream.indirect.gather [spmem:s3], $0x10, s28, s15, $0xb8;
	[tilespmem:$0x10590] =	vst v63  }
0x3e: {  	s5 =	simm.s32 $0x9700;
	s28 =	simm.s32 $0x900  }
0x3f: {  	[tilespmem:s5], [sflag:$0xA] =	stream.indirect.gather [spmem:s3], $0x10, s28, s15, $0xb8;
	[tilespmem:$0x10590] =	vst v63  }
0x40: {  	s4 =	simm.s32 $0x9F00;
	s28 =	simm.s32 $0xA00  }
0x41: {  	[tilespmem:s4], [sflag:$0xB] =	stream.indirect.gather [spmem:s3], $0x10, s28, s15, $0xb8;
	[tilespmem:$0x10590] =	vst v63  }
0x42: {  	s1 =	simm.s32 $0xA700;
	s28 =	simm.s32 $0xB00  }
0x43: {  	[tilespmem:s1], [sflag:$0xC] =	stream.indirect.gather [spmem:s3], $0x10, s28, s15, $0xb8;
	[tilespmem:$0x10590] =	vst v63  }
0x44: {  	s29 =	simm.s32 $0xAF00;
	s28 =	simm.s32 $0xC00  }
0x45: {  	[tilespmem:s29], [sflag:$0xD] =	stream.indirect.gather [spmem:s3], $0x10, s28, s15, $0xb8;
	[tilespmem:$0x10590] =	vst v63  }
0x46: {  	_ =	swait.ge [sflag:s0], $0x800  }
0x47: {  	[sflag:s0] =	ssyncset.done $0x0  }
0x48: {  	s31 =	simm.s32 $0x2;
	s28 =	simm.s32 $0x80;
	[sflag:s0] =	ssyncadd.s32 $0xFFFFF800  }
0x49: {  	[spmem:s2] =	stream.indirect.scatter.add.f32 [tilespmem:s14], [sflag:$0xE], $0x10, s28, s15, $0xb8;
	[tilespmem:$0x10590] =	vst v63  }
0x4a: {  	_ =	swait.ge [sflag:s31], $0x800  }
0x4b: {  	[sflag:s31] =	ssyncset.done $0x0  }
0x4c: {  	s28 =	simm.s32 $0x180;
	[sflag:s31] =	ssyncadd.s32 $0xFFFFF800  }
0x4d: {  	[spmem:s2] =	stream.indirect.scatter.add.f32 [tilespmem:s13], [sflag:$0xF], $0x10, s28, s15, $0xb8;
	[tilespmem:$0x10590] =	vst v63  }
0x4e: {  	s13 =	simm.s32 $0x3  }
0x4f: {  	_ =	swait.ge [sflag:s13], $0x800  }
0x50: {  	[sflag:s13] =	ssyncset.done $0x0  }
0x51: {  	s14 =	simm.s32 $0x4;
	s28 =	simm.s32 $0x280;
	[sflag:s13] =	ssyncadd.s32 $0xFFFFF800  }
0x52: {  	[spmem:s2] =	stream.indirect.scatter.add.f32 [tilespmem:s12], [sflag:$0x10], $0x10, s28, s15, $0xb8;
	[tilespmem:$0x10590] =	vst v63  }
0x53: {  	_ =	swait.ge [sflag:s14], $0x800  }
0x54: {  	[sflag:s14] =	ssyncset.done $0x0  }
0x55: {  	s16 =	simm.s32 $0x5;
	s28 =	simm.s32 $0x380;
	[sflag:s14] =	ssyncadd.s32 $0xFFFFF800  }
0x56: {  	[spmem:s2] =	stream.indirect.scatter.add.f32 [tilespmem:s11], [sflag:$0x11], $0x10, s28, s15, $0xb8;
	[tilespmem:$0x10590] =	vst v63  }
0x57: {  	_ =	swait.ge [sflag:s16], $0x800  }
0x58: {  	[sflag:s16] =	ssyncset.done $0x0  }
0x59: {  	s30 =	simm.s32 $0x6;
	s28 =	simm.s32 $0x480;
	[sflag:s16] =	ssyncadd.s32 $0xFFFFF800  }
0x5a: {  	[spmem:s2] =	stream.indirect.scatter.add.f32 [tilespmem:s10], [sflag:$0x12], $0x10, s28, s15, $0xb8;
	[tilespmem:$0x10590] =	vst v63  }
0x5b: {  	_ =	swait.ge [sflag:s30], $0x800  }
0x5c: {  	[sflag:s30] =	ssyncset.done $0x0  }
0x5d: {  	s31 =	simm.s32 $0x7;
	s28 =	simm.s32 $0x580;
	[sflag:s30] =	ssyncadd.s32 $0xFFFFF800  }
0x5e: {  	[spmem:s2] =	stream.indirect.scatter.add.f32 [tilespmem:s9], [sflag:$0x13], $0x10, s28, s15, $0xb8;
	[tilespmem:$0x10590] =	vst v63  }
0x5f: {  	_ =	swait.ge [sflag:s31], $0x800  }
0x60: {  	[sflag:s31] =	ssyncset.done $0x0  }
0x61: {  	s28 =	simm.s32 $0x680;
	s9 =	simm.s32 $0x8;
	[sflag:s31] =	ssyncadd.s32 $0xFFFFF800  }
0x62: {  	[spmem:s2] =	stream.indirect.scatter.add.f32 [tilespmem:s8], [sflag:$0x14], $0x10, s28, s15, $0xb8;
	[tilespmem:$0x10590] =	vst v63  }
0x63: {  	_ =	swait.ge [sflag:s9], $0x800  }
0x64: {  	[sflag:s9] =	ssyncset.done $0x0  }
0x65: {  	s10 =	simm.s32 $0x9;
	s28 =	simm.s32 $0x780;
	[sflag:s9] =	ssyncadd.s32 $0xFFFFF800  }
0x66: {  	[spmem:s2] =	stream.indirect.scatter.add.f32 [tilespmem:s7], [sflag:$0x15], $0x10, s28, s15, $0xb8;
	[tilespmem:$0x10590] =	vst v63  }
0x67: {  	_ =	swait.ge [sflag:s10], $0x800  }
0x68: {  	[sflag:s10] =	ssyncset.done $0x0  }
0x69: {  	s11 =	simm.s32 $0xA;
	s28 =	simm.s32 $0x880;
	[sflag:s10] =	ssyncadd.s32 $0xFFFFF800  }
0x6a: {  	[spmem:s2] =	stream.indirect.scatter.add.f32 [tilespmem:s6], [sflag:$0x16], $0x10, s28, s15, $0xb8;
	[tilespmem:$0x10590] =	vst v63  }
0x6b: {  	_ =	swait.ge [sflag:s11], $0x800  }
0x6c: {  	[sflag:s11] =	ssyncset.done $0x0  }
0x6d: {  	s12 =	simm.s32 $0xB;
	s28 =	simm.s32 $0x980;
	[sflag:s11] =	ssyncadd.s32 $0xFFFFF800  }
0x6e: {  	[spmem:s2] =	stream.indirect.scatter.add.f32 [tilespmem:s5], [sflag:$0x17], $0x10, s28, s15, $0xb8;
	[tilespmem:$0x10590] =	vst v63  }
0x6f: {  	_ =	swait.ge [sflag:s12], $0x800  }
0x70: {  	[sflag:s12] =	ssyncset.done $0x0  }
0x71: {  	s13 =	simm.s32 $0xC;
	s28 =	simm.s32 $0xA80;
	[sflag:s12] =	ssyncadd.s32 $0xFFFFF800  }
0x72: {  	[spmem:s2] =	stream.indirect.scatter.add.f32 [tilespmem:s4], [sflag:$0x18], $0x10, s28, s15, $0xb8;
	[tilespmem:$0x10590] =	vst v63  }
0x73: {  	_ =	swait.ge [sflag:s13], $0x800  }
0x74: {  	[sflag:s13] =	ssyncset.done $0x0  }
0x75: {  	s14 =	simm.s32 $0xD;
	s28 =	simm.s32 $0xB80;
	[sflag:s13] =	ssyncadd.s32 $0xFFFFF800  }
0x76: {  	[spmem:s2] =	stream.indirect.scatter.add.f32 [tilespmem:s1], [sflag:$0x19], $0x10, s28, s15, $0xb8;
	[tilespmem:$0x10590] =	vst v63  }
0x77: {  	_ =	swait.ge [sflag:s14], $0x800  }
0x78: {  	[sflag:s14] =	ssyncset.done $0x0  }
0x79: {  	s16 =	simm.s32 $0xE;
	s28 =	simm.s32 $0xC80;
	[sflag:s14] =	ssyncadd.s32 $0xFFFFF800  }
0x7a: {  	[spmem:s2] =	stream.indirect.scatter.add.f32 [tilespmem:s29], [sflag:$0x1A], $0x10, s28, s15, $0xb8;
	[tilespmem:$0x10590] =	vst v63  }
0x7b: {  	_ =	swait.ge [sflag:s16], $0x800  }
0x7c: {  	[sflag:s16] =	ssyncset.done $0x0  }
0x7d: {  	[sflag:s16] =	ssyncadd.s32 $0xFFFFF800  }
0x7e: {  	_ =	swait.ge [sflag:s17], $0x800  }
0x7f: {  	[sflag:s17] =	ssyncset.done $0x0  }
0x80: {  	[sflag:s17] =	ssyncadd.s32 $0xFFFFF800  }
0x81: {  	_ =	swait.ge [sflag:s18], $0x800  }
0x82: {  	[sflag:s18] =	ssyncset.done $0x0  }
0x83: {  	[sflag:s18] =	ssyncadd.s32 $0xFFFFF800  }
0x84: {  	_ =	swait.ge [sflag:s19], $0x800  }
0x85: {  	[sflag:s19] =	ssyncset.done $0x0  }
0x86: {  	[sflag:s19] =	ssyncadd.s32 $0xFFFFF800  }
0x87: {  	_ =	swait.ge [sflag:s20], $0x800  }
0x88: {  	[sflag:s20] =	ssyncset.done $0x0  }
0x89: {  	[sflag:s20] =	ssyncadd.s32 $0xFFFFF800  }
0x8a: {  	_ =	swait.ge [sflag:s21], $0x800  }
0x8b: {  	[sflag:s21] =	ssyncset.done $0x0  }
0x8c: {  	[sflag:s21] =	ssyncadd.s32 $0xFFFFF800  }
0x8d: {  	_ =	swait.ge [sflag:s22], $0x800  }
0x8e: {  	[sflag:s22] =	ssyncset.done $0x0  }
0x8f: {  	[sflag:s22] =	ssyncadd.s32 $0xFFFFF800  }
0x90: {  	_ =	swait.ge [sflag:s23], $0x800  }
0x91: {  	[sflag:s23] =	ssyncset.done $0x0  }
0x92: {  	[sflag:s23] =	ssyncadd.s32 $0xFFFFF800  }
0x93: {  	_ =	swait.ge [sflag:s24], $0x800  }
0x94: {  	[sflag:s24] =	ssyncset.done $0x0  }
0x95: {  	[sflag:s24] =	ssyncadd.s32 $0xFFFFF800  }
0x96: {  	_ =	swait.ge [sflag:s25], $0x800  }
0x97: {  	[sflag:s25] =	ssyncset.done $0x0  }
0x98: {  	[sflag:s25] =	ssyncadd.s32 $0xFFFFF800  }
0x99: {  	_ =	swait.ge [sflag:s26], $0x800  }
0x9a: {  	[sflag:s26] =	ssyncset.done $0x0  }
0x9b: {  	s30 =	simm.s32 $0x19;
	[sflag:s26] =	ssyncadd.s32 $0xFFFFF800  }
0x9c: {  	_ =	swait.ge [sflag:s30], $0x800  }
0x9d: {  	[sflag:s30] =	ssyncset.done $0x0  }
0x9e: {  	s31 =	simm.s32 $0x1A;
	[sflag:s30] =	ssyncadd.s32 $0xFFFFF800  }
0x9f: {  	_ =	swait.ge [sflag:s31], $0x800  }
0xa0: {  	s28 =	simm.s32 $0x3400;
	s29 =	simm.s32 $0x6800;
	[sflag:s31] =	ssyncset.done $0x0  }
.LBB2_2:
0xa1: {  	s0 =	simm.s32 $0xAF00  }
0xa2: {  	s30 =	sshra.s32 s28, $0x2;
	s16 =	simm.s32 $0x1A;
	s28 =	smov.u32 s29  }
0xa3: {  	s31 =	sadd.s32 $0x3400, s29;
	s14 =	simm.s32 $0x4F00;
	[sflag:s16] =	ssyncadd.s32 $0xFFFFF800  }
0xa4: {  	[tilespmem:s14], [sflag:$0x1] =	stream.indirect.gather [spmem:s3], $0x10, s30, s15, $0xb8;
	[tilespmem:$0x10590] =	vst v63  }
0xa5: {  	p2 =	seq.s32 s29, $0x10400;
	s13 =	simm.s32 $0x5700;
	s29 =	sadd.s32 $0x100, s30  }
0xa6: {  	[tilespmem:s13], [sflag:$0x2] =	stream.indirect.gather [spmem:s3], $0x10, s29, s15, $0xb8;
	[tilespmem:$0x10590] =	vst v63  }
0xa7: {  	s12 =	simm.s32 $0x5F00;
	s29 =	sadd.s32 $0x200, s30  }
0xa8: {  	[tilespmem:s12], [sflag:$0x3] =	stream.indirect.gather [spmem:s3], $0x10, s29, s15, $0xb8;
	[tilespmem:$0x10590] =	vst v63  }
0xa9: {  	s11 =	simm.s32 $0x6700;
	s29 =	sadd.s32 $0x300, s30  }
0xaa: {  	[tilespmem:s11], [sflag:$0x4] =	stream.indirect.gather [spmem:s3], $0x10, s29, s15, $0xb8;
	[tilespmem:$0x10590] =	vst v63  }
0xab: {  	s10 =	simm.s32 $0x6F00;
	s29 =	sadd.s32 $0x400, s30  }
0xac: {  	[tilespmem:s10], [sflag:$0x5] =	stream.indirect.gather [spmem:s3], $0x10, s29, s15, $0xb8;
	[tilespmem:$0x10590] =	vst v63  }
0xad: {  	s9 =	simm.s32 $0x7700;
	s29 =	sadd.s32 $0x500, s30  }
0xae: {  	[tilespmem:s9], [sflag:$0x6] =	stream.indirect.gather [spmem:s3], $0x10, s29, s15, $0xb8;
	[tilespmem:$0x10590] =	vst v63  }
0xaf: {  	s8 =	simm.s32 $0x7F00;
	s29 =	sadd.s32 $0x600, s30  }
0xb0: {  	[tilespmem:s8], [sflag:$0x7] =	stream.indirect.gather [spmem:s3], $0x10, s29, s15, $0xb8;
	[tilespmem:$0x10590] =	vst v63  }
0xb1: {  	s7 =	simm.s32 $0x8700;
	s29 =	sadd.s32 $0x700, s30  }
0xb2: {  	[tilespmem:s7], [sflag:$0x8] =	stream.indirect.gather [spmem:s3], $0x10, s29, s15, $0xb8;
	[tilespmem:$0x10590] =	vst v63  }
0xb3: {  	s6 =	simm.s32 $0x8F00;
	s29 =	sadd.s32 $0x800, s30  }
0xb4: {  	[tilespmem:s6], [sflag:$0x9] =	stream.indirect.gather [spmem:s3], $0x10, s29, s15, $0xb8;
	[tilespmem:$0x10590] =	vst v63  }
0xb5: {  	s5 =	simm.s32 $0x9700;
	s29 =	sadd.s32 $0x900, s30  }
0xb6: {  	[tilespmem:s5], [sflag:$0xA] =	stream.indirect.gather [spmem:s3], $0x10, s29, s15, $0xb8;
	[tilespmem:$0x10590] =	vst v63  }
0xb7: {  	s4 =	simm.s32 $0x9F00;
	s29 =	sadd.s32 $0xA00, s30  }
0xb8: {  	[tilespmem:s4], [sflag:$0xB] =	stream.indirect.gather [spmem:s3], $0x10, s29, s15, $0xb8;
	[tilespmem:$0x10590] =	vst v63  }
0xb9: {  	s1 =	simm.s32 $0xA700;
	s29 =	sadd.s32 $0xB00, s30  }
0xba: {  	[tilespmem:s1], [sflag:$0xC] =	stream.indirect.gather [spmem:s3], $0x10, s29, s15, $0xb8;
	[tilespmem:$0x10590] =	vst v63  }
0xbb: {  	s29 =	sadd.s32 $0xC00, s30  }
0xbc: {  	[tilespmem:s0], [sflag:$0xD] =	stream.indirect.gather [spmem:s3], $0x10, s29, s15, $0xb8;
	[tilespmem:$0x10590] =	vst v63  }
0xbd: {  	s0 =	simm.s32 $0x1  }
0xbe: {  	_ =	swait.ge [sflag:s0], $0x800  }
0xbf: {  	[sflag:s0] =	ssyncset.done $0x0  }
0xc0: {  	s29 =	sadd.s32 $0x80, s30;
	[sflag:s0] =	ssyncadd.s32 $0xFFFFF800  }
0xc1: {  	[spmem:s2] =	stream.indirect.scatter.add.f32 [tilespmem:s14], [sflag:$0xE], $0x10, s29, s15, $0xb8;
	[tilespmem:$0x10590] =	vst v63  }
0xc2: {  	s14 =	simm.s32 $0x2  }
0xc3: {  	_ =	swait.ge [sflag:s14], $0x800  }
0xc4: {  	[sflag:s14] =	ssyncset.done $0x0  }
0xc5: {  	s29 =	sadd.s32 $0x180, s30;
	[sflag:s14] =	ssyncadd.s32 $0xFFFFF800  }
0xc6: {  	[spmem:s2] =	stream.indirect.scatter.add.f32 [tilespmem:s13], [sflag:$0xF], $0x10, s29, s15, $0xb8;
	[tilespmem:$0x10590] =	vst v63  }
0xc7: {  	s13 =	simm.s32 $0x3  }
0xc8: {  	_ =	swait.ge [sflag:s13], $0x800  }
0xc9: {  	[sflag:s13] =	ssyncset.done $0x0  }
0xca: {  	s29 =	sadd.s32 $0x280, s30;
	[sflag:s13] =	ssyncadd.s32 $0xFFFFF800  }
0xcb: {  	[spmem:s2] =	stream.indirect.scatter.add.f32 [tilespmem:s12], [sflag:$0x10], $0x10, s29, s15, $0xb8;
	[tilespmem:$0x10590] =	vst v63  }
0xcc: {  	s12 =	simm.s32 $0x4  }
0xcd: {  	_ =	swait.ge [sflag:s12], $0x800  }
0xce: {  	[sflag:s12] =	ssyncset.done $0x0  }
0xcf: {  	s29 =	sadd.s32 $0x380, s30;
	[sflag:s12] =	ssyncadd.s32 $0xFFFFF800  }
0xd0: {  	[spmem:s2] =	stream.indirect.scatter.add.f32 [tilespmem:s11], [sflag:$0x11], $0x10, s29, s15, $0xb8;
	[tilespmem:$0x10590] =	vst v63  }
0xd1: {  	s11 =	simm.s32 $0x5  }
0xd2: {  	_ =	swait.ge [sflag:s11], $0x800  }
0xd3: {  	[sflag:s11] =	ssyncset.done $0x0  }
0xd4: {  	s29 =	sadd.s32 $0x480, s30;
	[sflag:s11] =	ssyncadd.s32 $0xFFFFF800  }
0xd5: {  	[spmem:s2] =	stream.indirect.scatter.add.f32 [tilespmem:s10], [sflag:$0x12], $0x10, s29, s15, $0xb8;
	[tilespmem:$0x10590] =	vst v63  }
0xd6: {  	s10 =	simm.s32 $0x6  }
0xd7: {  	_ =	swait.ge [sflag:s10], $0x800  }
0xd8: {  	[sflag:s10] =	ssyncset.done $0x0  }
0xd9: {  	s29 =	sadd.s32 $0x580, s30;
	[sflag:s10] =	ssyncadd.s32 $0xFFFFF800  }
0xda: {  	[spmem:s2] =	stream.indirect.scatter.add.f32 [tilespmem:s9], [sflag:$0x13], $0x10, s29, s15, $0xb8;
	[tilespmem:$0x10590] =	vst v63  }
0xdb: {  	s9 =	simm.s32 $0x7  }
0xdc: {  	_ =	swait.ge [sflag:s9], $0x800  }
0xdd: {  	[sflag:s9] =	ssyncset.done $0x0  }
0xde: {  	s29 =	sadd.s32 $0x680, s30;
	[sflag:s9] =	ssyncadd.s32 $0xFFFFF800  }
0xdf: {  	[spmem:s2] =	stream.indirect.scatter.add.f32 [tilespmem:s8], [sflag:$0x14], $0x10, s29, s15, $0xb8;
	[tilespmem:$0x10590] =	vst v63  }
0xe0: {  	s8 =	simm.s32 $0x8  }
0xe1: {  	_ =	swait.ge [sflag:s8], $0x800  }
0xe2: {  	[sflag:s8] =	ssyncset.done $0x0  }
0xe3: {  	s29 =	sadd.s32 $0x780, s30;
	[sflag:s8] =	ssyncadd.s32 $0xFFFFF800  }
0xe4: {  	[spmem:s2] =	stream.indirect.scatter.add.f32 [tilespmem:s7], [sflag:$0x15], $0x10, s29, s15, $0xb8;
	[tilespmem:$0x10590] =	vst v63  }
0xe5: {  	s7 =	simm.s32 $0x9  }
0xe6: {  	_ =	swait.ge [sflag:s7], $0x800  }
0xe7: {  	[sflag:s7] =	ssyncset.done $0x0  }
0xe8: {  	s29 =	sadd.s32 $0x880, s30;
	[sflag:s7] =	ssyncadd.s32 $0xFFFFF800  }
0xe9: {  	[spmem:s2] =	stream.indirect.scatter.add.f32 [tilespmem:s6], [sflag:$0x16], $0x10, s29, s15, $0xb8;
	[tilespmem:$0x10590] =	vst v63  }
0xea: {  	s6 =	simm.s32 $0xA  }
0xeb: {  	_ =	swait.ge [sflag:s6], $0x800  }
0xec: {  	[sflag:s6] =	ssyncset.done $0x0  }
0xed: {  	s29 =	sadd.s32 $0x980, s30;
	[sflag:s6] =	ssyncadd.s32 $0xFFFFF800  }
0xee: {  	[spmem:s2] =	stream.indirect.scatter.add.f32 [tilespmem:s5], [sflag:$0x17], $0x10, s29, s15, $0xb8;
	[tilespmem:$0x10590] =	vst v63  }
0xef: {  	s5 =	simm.s32 $0xB  }
0xf0: {  	_ =	swait.ge [sflag:s5], $0x800  }
0xf1: {  	[sflag:s5] =	ssyncset.done $0x0  }
0xf2: {  	s29 =	sadd.s32 $0xA80, s30;
	[sflag:s5] =	ssyncadd.s32 $0xFFFFF800  }
0xf3: {  	[spmem:s2] =	stream.indirect.scatter.add.f32 [tilespmem:s4], [sflag:$0x18], $0x10, s29, s15, $0xb8;
	[tilespmem:$0x10590] =	vst v63  }
0xf4: {  	s4 =	simm.s32 $0xC  }
0xf5: {  	_ =	swait.ge [sflag:s4], $0x800  }
0xf6: {  	[sflag:s4] =	ssyncset.done $0x0  }
0xf7: {  	s29 =	sadd.s32 $0xB80, s30;
	[sflag:s4] =	ssyncadd.s32 $0xFFFFF800  }
0xf8: {  	[spmem:s2] =	stream.indirect.scatter.add.f32 [tilespmem:s1], [sflag:$0x19], $0x10, s29, s15, $0xb8;
	[tilespmem:$0x10590] =	vst v63  }
0xf9: {  	s1 =	simm.s32 $0xD  }
0xfa: {  	_ =	swait.ge [sflag:s1], $0x800  }
0xfb: {  	s29 =	sadd.s32 $0xC80, s30;
	[sflag:s1] =	ssyncset.done $0x0  }
0xfc: {  	s30 =	simm.s32 $0xAF00;
	[sflag:s1] =	ssyncadd.s32 $0xFFFFF800;
	s1 =	simm.s32 $0xE  }
0xfd: {  	[spmem:s2] =	stream.indirect.scatter.add.f32 [tilespmem:s30], [sflag:$0x1A], $0x10, s29, s15, $0xb8;
	[tilespmem:$0x10590] =	vst v63  }
0xfe: {  	_ =	swait.ge [sflag:s1], $0x800  }
0xff: {  	[sflag:s1] =	ssyncset.done $0x0  }
0x100: {  	[sflag:s1] =	ssyncadd.s32 $0xFFFFF800  }
0x101: {  	_ =	swait.ge [sflag:s17], $0x800  }
0x102: {  	[sflag:s17] =	ssyncset.done $0x0  }
0x103: {  	[sflag:s17] =	ssyncadd.s32 $0xFFFFF800  }
0x104: {  	_ =	swait.ge [sflag:s18], $0x800  }
0x105: {  	[sflag:s18] =	ssyncset.done $0x0  }
0x106: {  	[sflag:s18] =	ssyncadd.s32 $0xFFFFF800  }
0x107: {  	_ =	swait.ge [sflag:s19], $0x800  }
0x108: {  	[sflag:s19] =	ssyncset.done $0x0  }
0x109: {  	[sflag:s19] =	ssyncadd.s32 $0xFFFFF800  }
0x10a: {  	_ =	swait.ge [sflag:s20], $0x800  }
0x10b: {  	[sflag:s20] =	ssyncset.done $0x0  }
0x10c: {  	[sflag:s20] =	ssyncadd.s32 $0xFFFFF800  }
0x10d: {  	_ =	swait.ge [sflag:s21], $0x800  }
0x10e: {  	[sflag:s21] =	ssyncset.done $0x0  }
0x10f: {  	[sflag:s21] =	ssyncadd.s32 $0xFFFFF800  }
0x110: {  	_ =	swait.ge [sflag:s22], $0x800  }
0x111: {  	[sflag:s22] =	ssyncset.done $0x0  }
0x112: {  	[sflag:s22] =	ssyncadd.s32 $0xFFFFF800  }
0x113: {  	_ =	swait.ge [sflag:s23], $0x800  }
0x114: {  	[sflag:s23] =	ssyncset.done $0x0  }
0x115: {  	[sflag:s23] =	ssyncadd.s32 $0xFFFFF800  }
0x116: {  	_ =	swait.ge [sflag:s24], $0x800  }
0x117: {  	[sflag:s24] =	ssyncset.done $0x0  }
0x118: {  	[sflag:s24] =	ssyncadd.s32 $0xFFFFF800  }
0x119: {  	_ =	swait.ge [sflag:s25], $0x800  }
0x11a: {  	[sflag:s25] =	ssyncset.done $0x0  }
0x11b: {  	[sflag:s25] =	ssyncadd.s32 $0xFFFFF800  }
0x11c: {  	_ =	swait.ge [sflag:s26], $0x800  }
0x11d: {  	[sflag:s26] =	ssyncset.done $0x0  }
0x11e: {  	s1 =	simm.s32 $0x19;
	[sflag:s26] =	ssyncadd.s32 $0xFFFFF800  }
.Ltmp0:
0x11f: {  	_ =	swait.ge [sflag:s1], $0x800;
	(pc) =	sbr.rel @!p2 .LBB2_2-.Ltmp0, $4  }
0x120: {  	[sflag:s1] =	ssyncset.done $0x0  }
0x121: {  	[sflag:s1] =	ssyncadd.s32 $0xFFFFF800  }
0x122: {  	_ =	swait.ge [sflag:s16], $0x800  }
0x123: {  	s29 =	smov.u32 s31;
	[sflag:s16] =	ssyncset.done $0x0  }
0x124: {  	s16 =	simm.s32 $0x1A  }
0x125: {  	s28 =	sshra.s32 s28, $0x2;
	s14 =	simm.s32 $0x4F00;
	[sflag:s16] =	ssyncadd.s32 $0xFFFFF800  }
0x126: {  	[tilespmem:s14], [sflag:$0x1] =	stream.indirect.gather [spmem:s3], $0x10, s28, s15, $0xb8;
	[tilespmem:$0x10590] =	vst v63  }
0x127: {  	s13 =	simm.s32 $0x5700;
	s29 =	sadd.s32 $0x100, s28  }
0x128: {  	[tilespmem:s13], [sflag:$0x2] =	stream.indirect.gather [spmem:s3], $0x10, s29, s15, $0xb8;
	[tilespmem:$0x10590] =	vst v63  }
0x129: {  	s12 =	simm.s32 $0x5F00;
	s29 =	sadd.s32 $0x200, s28  }
0x12a: {  	[tilespmem:s12], [sflag:$0x3] =	stream.indirect.gather [spmem:s3], $0x10, s29, s15, $0xb8;
	[tilespmem:$0x10590] =	vst v63  }
0x12b: {  	s11 =	simm.s32 $0x6700;
	s29 =	sadd.s32 $0x300, s28  }
0x12c: {  	[tilespmem:s11], [sflag:$0x4] =	stream.indirect.gather [spmem:s3], $0x10, s29, s15, $0xb8;
	[tilespmem:$0x10590] =	vst v63  }
0x12d: {  	s10 =	simm.s32 $0x6F00;
	s29 =	sadd.s32 $0x400, s28  }
0x12e: {  	[tilespmem:s10], [sflag:$0x5] =	stream.indirect.gather [spmem:s3], $0x10, s29, s15, $0xb8;
	[tilespmem:$0x10590] =	vst v63  }
0x12f: {  	s9 =	simm.s32 $0x7700;
	s29 =	sadd.s32 $0x500, s28  }
0x130: {  	[tilespmem:s9], [sflag:$0x6] =	stream.indirect.gather [spmem:s3], $0x10, s29, s15, $0xb8;
	[tilespmem:$0x10590] =	vst v63  }
0x131: {  	s8 =	simm.s32 $0x7F00;
	s29 =	sadd.s32 $0x600, s28  }
0x132: {  	[tilespmem:s8], [sflag:$0x7] =	stream.indirect.gather [spmem:s3], $0x10, s29, s15, $0xb8;
	[tilespmem:$0x10590] =	vst v63  }
0x133: {  	s7 =	simm.s32 $0x8700;
	s29 =	sadd.s32 $0x700, s28  }
0x134: {  	[tilespmem:s7], [sflag:$0x8] =	stream.indirect.gather [spmem:s3], $0x10, s29, s15, $0xb8;
	[tilespmem:$0x10590] =	vst v63  }
0x135: {  	s6 =	simm.s32 $0x8F00;
	s29 =	sadd.s32 $0x800, s28  }
0x136: {  	[tilespmem:s6], [sflag:$0x9] =	stream.indirect.gather [spmem:s3], $0x10, s29, s15, $0xb8;
	[tilespmem:$0x10590] =	vst v63  }
0x137: {  	s5 =	simm.s32 $0x9700;
	s29 =	sadd.s32 $0x900, s28  }
0x138: {  	[tilespmem:s5], [sflag:$0xA] =	stream.indirect.gather [spmem:s3], $0x10, s29, s15, $0xb8;
	[tilespmem:$0x10590] =	vst v63  }
0x139: {  	s4 =	simm.s32 $0x9F00;
	s29 =	sadd.s32 $0xA00, s28  }
0x13a: {  	[tilespmem:s4], [sflag:$0xB] =	stream.indirect.gather [spmem:s3], $0x10, s29, s15, $0xb8;
	[tilespmem:$0x10590] =	vst v63  }
0x13b: {  	s1 =	simm.s32 $0xA700;
	s29 =	sadd.s32 $0xB00, s28  }
0x13c: {  	[tilespmem:s1], [sflag:$0xC] =	stream.indirect.gather [spmem:s3], $0x10, s29, s15, $0xb8;
	[tilespmem:$0x10590] =	vst v63  }
0x13d: {  	s29 =	sadd.s32 $0xC00, s28  }
0x13e: {  	[tilespmem:s30], [sflag:$0xD] =	stream.indirect.gather [spmem:s3], $0x10, s29, s15, $0xb8;
	[tilespmem:$0x10590] =	vst v63  }
0x13f: {  	_ =	swait.ge [sflag:s0], $0x800  }
0x140: {  	[sflag:s0] =	ssyncset.done $0x0  }
0x141: {  	s29 =	sadd.s32 $0x80, s28;
	[sflag:s0] =	ssyncadd.s32 $0xFFFFF800  }
0x142: {  	[spmem:s2] =	stream.indirect.scatter.add.f32 [tilespmem:s14], [sflag:$0xE], $0x10, s29, s15, $0xb8;
	[tilespmem:$0x10590] =	vst v63  }
0x143: {  	s14 =	simm.s32 $0x2  }
0x144: {  	_ =	swait.ge [sflag:s14], $0x800  }
0x145: {  	[sflag:s14] =	ssyncset.done $0x0  }
0x146: {  	s29 =	sadd.s32 $0x180, s28;
	[sflag:s14] =	ssyncadd.s32 $0xFFFFF800;
	s14 =	simm.s32 $0x3  }
0x147: {  	[spmem:s2] =	stream.indirect.scatter.add.f32 [tilespmem:s13], [sflag:$0xF], $0x10, s29, s15, $0xb8;
	[tilespmem:$0x10590] =	vst v63  }
0x148: {  	_ =	swait.ge [sflag:s14], $0x800  }
0x149: {  	[sflag:s14] =	ssyncset.done $0x0  }
0x14a: {  	s29 =	sadd.s32 $0x280, s28;
	s13 =	simm.s32 $0x4;
	[sflag:s14] =	ssyncadd.s32 $0xFFFFF800  }
0x14b: {  	[spmem:s2] =	stream.indirect.scatter.add.f32 [tilespmem:s12], [sflag:$0x10], $0x10, s29, s15, $0xb8;
	[tilespmem:$0x10590] =	vst v63  }
0x14c: {  	_ =	swait.ge [sflag:s13], $0x800  }
0x14d: {  	[sflag:s13] =	ssyncset.done $0x0  }
0x14e: {  	s14 =	simm.s32 $0x5;
	s29 =	sadd.s32 $0x380, s28;
	[sflag:s13] =	ssyncadd.s32 $0xFFFFF800  }
0x14f: {  	[spmem:s2] =	stream.indirect.scatter.add.f32 [tilespmem:s11], [sflag:$0x11], $0x10, s29, s15, $0xb8;
	[tilespmem:$0x10590] =	vst v63  }
0x150: {  	_ =	swait.ge [sflag:s14], $0x800  }
0x151: {  	[sflag:s14] =	ssyncset.done $0x0  }
0x152: {  	s29 =	sadd.s32 $0x480, s28;
	s11 =	simm.s32 $0x6;
	[sflag:s14] =	ssyncadd.s32 $0xFFFFF800  }
0x153: {  	[spmem:s2] =	stream.indirect.scatter.add.f32 [tilespmem:s10], [sflag:$0x12], $0x10, s29, s15, $0xb8;
	[tilespmem:$0x10590] =	vst v63  }
0x154: {  	_ =	swait.ge [sflag:s11], $0x800  }
0x155: {  	[sflag:s11] =	ssyncset.done $0x0  }
0x156: {  	s12 =	simm.s32 $0x7;
	s29 =	sadd.s32 $0x580, s28;
	[sflag:s11] =	ssyncadd.s32 $0xFFFFF800  }
0x157: {  	[spmem:s2] =	stream.indirect.scatter.add.f32 [tilespmem:s9], [sflag:$0x13], $0x10, s29, s15, $0xb8;
	[tilespmem:$0x10590] =	vst v63  }
0x158: {  	_ =	swait.ge [sflag:s12], $0x800  }
0x159: {  	[sflag:s12] =	ssyncset.done $0x0  }
0x15a: {  	s13 =	simm.s32 $0x8;
	s29 =	sadd.s32 $0x680, s28;
	[sflag:s12] =	ssyncadd.s32 $0xFFFFF800  }
0x15b: {  	[spmem:s2] =	stream.indirect.scatter.add.f32 [tilespmem:s8], [sflag:$0x14], $0x10, s29, s15, $0xb8;
	[tilespmem:$0x10590] =	vst v63  }
0x15c: {  	_ =	swait.ge [sflag:s13], $0x800  }
0x15d: {  	[sflag:s13] =	ssyncset.done $0x0  }
0x15e: {  	s14 =	simm.s32 $0x9;
	s29 =	sadd.s32 $0x780, s28;
	[sflag:s13] =	ssyncadd.s32 $0xFFFFF800  }
0x15f: {  	[spmem:s2] =	stream.indirect.scatter.add.f32 [tilespmem:s7], [sflag:$0x15], $0x10, s29, s15, $0xb8;
	[tilespmem:$0x10590] =	vst v63  }
0x160: {  	_ =	swait.ge [sflag:s14], $0x800  }
0x161: {  	[sflag:s14] =	ssyncset.done $0x0  }
0x162: {  	s29 =	sadd.s32 $0x880, s28;
	s7 =	simm.s32 $0xA;
	[sflag:s14] =	ssyncadd.s32 $0xFFFFF800  }
0x163: {  	[spmem:s2] =	stream.indirect.scatter.add.f32 [tilespmem:s6], [sflag:$0x16], $0x10, s29, s15, $0xb8;
	[tilespmem:$0x10590] =	vst v63  }
0x164: {  	_ =	swait.ge [sflag:s7], $0x800  }
0x165: {  	[sflag:s7] =	ssyncset.done $0x0  }
0x166: {  	s8 =	simm.s32 $0xB;
	s29 =	sadd.s32 $0x980, s28;
	[sflag:s7] =	ssyncadd.s32 $0xFFFFF800  }
0x167: {  	[spmem:s2] =	stream.indirect.scatter.add.f32 [tilespmem:s5], [sflag:$0x17], $0x10, s29, s15, $0xb8;
	[tilespmem:$0x10590] =	vst v63  }
0x168: {  	_ =	swait.ge [sflag:s8], $0x800  }
0x169: {  	[sflag:s8] =	ssyncset.done $0x0  }
0x16a: {  	s9 =	simm.s32 $0xC;
	s29 =	sadd.s32 $0xA80, s28;
	[sflag:s8] =	ssyncadd.s32 $0xFFFFF800  }
0x16b: {  	[spmem:s2] =	stream.indirect.scatter.add.f32 [tilespmem:s4], [sflag:$0x18], $0x10, s29, s15, $0xb8;
	[tilespmem:$0x10590] =	vst v63  }
0x16c: {  	_ =	swait.ge [sflag:s9], $0x800  }
0x16d: {  	[sflag:s9] =	ssyncset.done $0x0  }
0x16e: {  	s10 =	simm.s32 $0xD;
	s29 =	sadd.s32 $0xB80, s28;
	[sflag:s9] =	ssyncadd.s32 $0xFFFFF800  }
0x16f: {  	[spmem:s2] =	stream.indirect.scatter.add.f32 [tilespmem:s1], [sflag:$0x19], $0x10, s29, s15, $0xb8;
	[tilespmem:$0x10590] =	vst v63  }
0x170: {  	_ =	swait.ge [sflag:s10], $0x800  }
0x171: {  	[sflag:s10] =	ssyncset.done $0x0  }
0x172: {  	s11 =	simm.s32 $0xE;
	s28 =	sadd.s32 $0xC80, s28;
	[sflag:s10] =	ssyncadd.s32 $0xFFFFF800  }
0x173: {  	[spmem:s2] =	stream.indirect.scatter.add.f32 [tilespmem:s30], [sflag:$0x1A], $0x10, s28, s15, $0xb8;
	[tilespmem:$0x10590] =	vst v63  }
0x174: {  	_ =	swait.ge [sflag:s11], $0x800  }
0x175: {  	[sflag:s11] =	ssyncset.done $0x0  }
0x176: {  	[sflag:s11] =	ssyncadd.s32 $0xFFFFF800  }
0x177: {  	_ =	swait.ge [sflag:s17], $0x800  }
0x178: {  	[sflag:s17] =	ssyncset.done $0x0  }
0x179: {  	[sflag:s17] =	ssyncadd.s32 $0xFFFFF800  }
0x17a: {  	_ =	swait.ge [sflag:s18], $0x800  }
0x17b: {  	[sflag:s18] =	ssyncset.done $0x0  }
0x17c: {  	[sflag:s18] =	ssyncadd.s32 $0xFFFFF800  }
0x17d: {  	_ =	swait.ge [sflag:s19], $0x800  }
0x17e: {  	[sflag:s19] =	ssyncset.done $0x0  }
0x17f: {  	[sflag:s19] =	ssyncadd.s32 $0xFFFFF800  }
0x180: {  	_ =	swait.ge [sflag:s20], $0x800  }
0x181: {  	[sflag:s20] =	ssyncset.done $0x0  }
0x182: {  	[sflag:s20] =	ssyncadd.s32 $0xFFFFF800  }
0x183: {  	_ =	swait.ge [sflag:s21], $0x800  }
0x184: {  	[sflag:s21] =	ssyncset.done $0x0  }
0x185: {  	[sflag:s21] =	ssyncadd.s32 $0xFFFFF800  }
0x186: {  	_ =	swait.ge [sflag:s22], $0x800  }
0x187: {  	[sflag:s22] =	ssyncset.done $0x0  }
0x188: {  	[sflag:s22] =	ssyncadd.s32 $0xFFFFF800  }
0x189: {  	_ =	swait.ge [sflag:s23], $0x800  }
0x18a: {  	[sflag:s23] =	ssyncset.done $0x0  }
0x18b: {  	[sflag:s23] =	ssyncadd.s32 $0xFFFFF800  }
0x18c: {  	_ =	swait.ge [sflag:s24], $0x800  }
0x18d: {  	[sflag:s24] =	ssyncset.done $0x0  }
0x18e: {  	[sflag:s24] =	ssyncadd.s32 $0xFFFFF800  }
0x18f: {  	_ =	swait.ge [sflag:s25], $0x800  }
0x190: {  	[sflag:s25] =	ssyncset.done $0x0  }
0x191: {  	[sflag:s25] =	ssyncadd.s32 $0xFFFFF800  }
0x192: {  	_ =	swait.ge [sflag:s26], $0x800  }
0x193: {  	[sflag:s26] =	ssyncset.done $0x0  }
0x194: {  	s12 =	simm.s32 $0x19;
	[sflag:s26] =	ssyncadd.s32 $0xFFFFF800  }
0x195: {  	_ =	swait.ge [sflag:s12], $0x800  }
0x196: {  	[sflag:s12] =	ssyncset.done $0x0  }
0x197: {  	[sflag:s12] =	ssyncadd.s32 $0xFFFFF800  }
0x198: {  	_ =	swait.ge [sflag:s16], $0x800  }
0x199: {  	s29 =	simm.s32 @p1 $0x4E00;
	[sflag:s16] =	ssyncset.done $0x0  }
0x19a: {  	s28 =	simm.s32 @p1 $0x80;
	s30 =	simm.s32 @p1 $0x4F00;
	[sflag:s16] =	ssyncadd.s32 $0xFFFFF800  }
0x19b: {  	[tilespmem:s30], [sflag:$0x1] =	stream.indirect.gather @p1 [spmem:s3], $0x10, s29, s28, $0xb8;
	[tilespmem:$0x10590] =	vst v63  }
0x19c: {  	s29 =	simm.s32 @p1 $0x1  }
0x19d: {  	_ =	swait.ge @p1 [sflag:s29], $0x800  }
0x19e: {  	[sflag:s29] =	ssyncset.done @p1 $0x0  }
0x19f: {  	[sflag:s29] =	ssyncadd.s32 @p1 $0xFFFFF800;
	s29 =	simm.s32 @p1 $0x4E80  }
0x1a0: {  	[spmem:s2] =	stream.indirect.scatter.add.f32 @p1 [tilespmem:s30], [sflag:$0x1B], $0x10, s29, s28, $0xb8;
	[tilespmem:$0x10590] =	vst v63  }
0x1a1: {  	s28 =	simm.s32 @p1 $0x1B  }
0x1a2: {  	_ =	swait.ge @p1 [sflag:s28], $0x800  }
0x1a3: {  	[sflag:s28] =	ssyncset.done @p1 $0x0  }
0x1a4: {  	[sflag:s28] =	ssyncadd.s32 @p1 $0xFFFFF800  }
0x1a5: {  	s13 =	rddreg [dreg:$0xf];
	[bflag:$0x0] =	sbarrier.arrive $0xFFFF  }
0x1a6: {  	s14 =	rddreg [dreg:$0xa]  }
0x1a7: {  	s29 =	rddreg [dreg:$0xc]  }
0x1a8: {  	s31 =	simm.s32 $0x1B;
	s30 =	rddreg [dreg:$0xd]  }
0x1a9: {  	[hbm:s14], [sflag:s29] =	dma.local [spmem:s30], $0x4F0  }
0x1aa: {  	_ =	swait.ge [sflag:s31], $0x4F0  }
0x1ab: {  	s1 =	sadd.s32 $0x1, s13;
	s16 =	rddreg [dreg:$0xb]  }
0x1ac: {  	p2 =	sne.s32 s1, s16  }
.Ltmp1:
0x1ad: {  	_ = 	snop;
	(pc) =	sbr.rel @p2 .LBB2_1-.Ltmp1, $3  }
0x1ae: {  	_ =	sdelay $0x1  }
0x1af: {  	[sflag:s31] =	ssyncset.done $0x0  }
0x1b0: {  	[sflag:s31] =	ssyncadd.s32 $0xFFFFFB10  }
0x1b1: {  	_ =	sfence.sel $0x180000  }
0x1b2: {  	[bflag:$0x0] =	sbarrier.arrive $0xFFFF  }
0x1b3: {  	_ =	strace $0x9000004D  }
0x1b4: {  	s0 =	stileid.u32;
	[bflag:$0x2] =	sbarrier.arrive $0xFFFF  }
0x1b5: {  	p0 =	sne.s32 s0, $0x0;
	s0 =	rddreg [dreg:$0x5]  }
0x1b6: {  	s0 =	sadd.s32 @!p0 $0x100000, s0  }
0x1b7: {  	[sflag:s0] =	ssyncadd.tile.s32 @!p0 $0x1;
	_ =	shalt  }
.Lfunc_end2:
_tile_overlayer_lowered:
.L_overlay_start_2:
0x1b8: {  	(tag) =	ssettag $0x2  }
0x1b9: {  	s0 =	rddreg [dreg:$0x0];
	s2 =	stileid.u32  }
0x1ba: {  	s1 =	rddreg [dreg:$0x1];
	p0 =	sne.s32 s2, $0x0  }
0x1bb: {  	s3 =	rddreg [dreg:$0x2];
	[bflag:$0x3] =	sbarrier.arrive $0xFFFF;
	s2 =	simm.s32 @!p0 $0x1C1B  }
0x1bc: {  	[timem:s3], [sflag:s2] =	dma.local @!p0 [hbm:s0], s1  }
0x1bd: {  	s0 =	simm.s32 @!p0 $0x1B  }
0x1be: {  	_ =	swait.ge @!p0 [sflag:s0], s1  }
0x1bf: {  	s1 =	ssub.s32 @!p0 $0x0, s1;
	[sflag:s0] =	ssyncset.done @!p0 $0x0  }
0x1c0: {  	[sflag:s0] =	ssyncadd.s32 @!p0 s1  }
0x1c1: {  	[bflag:$0x3] =	sbarrier.arrive $0xFFFF  }
0x1c2: {  	_ =	shalt  }

// kernel: kernel.9.cloned.1.call-start
scs
__scs_entry_jumppad:
0x0: {  	(pc) =	sbr.rel $0x88, $3  }
0x1: {  	(tag) =	ssettag $0x0;
	lr =	simm.s32 $0x1  }
0x2: {  	[smem:$0x3F9B] =	sst lr;
	_ =	strace $0xD0000000  }
0x3: {  	_ = 	snop  }
0x4: {  	_ = 	snop  }
0x5: {  	_ = 	snop  }
0x6: {  	_ = 	snop  }
0x7: {  	_ = 	snop  }
__scs_overlays_trampoline_lowered:
0x8: {  	[smem:$0x3FAA] =	sst s0  }
0x9: {  	[smem:$0x3FAB] =	sst s1  }
0xa: {  	[smem:$0x3FAC] =	sst s2  }
0xb: {  	[smem:$0x3FAD] =	sst s3  }
0xc: {  	[smem:$0x3FAE] =	sst s4  }
0xd: {  	[smem:$0x3FAF] =	sst s5  }
0xe: {  	[smem:$0x3FB0] =	sst s6  }
0xf: {  	[smem:$0x3FB1] =	sst s7  }
0x10: {  	[smem:$0x3FB2] =	sst s8  }
0x11: {  	[smem:$0x3FB3] =	sst s9;
	s0 =	simm.s32 @!p0 $0x0  }
0x12: {  	s1 =	sld [smem:$0x3F99];
	s0 =	simm.s32 @p0 $0x1  }
0x13: {  	[smem:$0x3FB4] =	sst s0;
	s0 =	simm.s32 @!p1 $0x0  }
0x14: {  	s2 =	sld [smem:$0x3F98];
	s0 =	simm.s32 @p1 $0x1  }
0x15: {  	[smem:$0x3FB5] =	sst s0;
	s0 =	simm.s32 @!p2 $0x0  }
0x16: {  	s3 =	sld [smem:$0x3FDB];
	s0 =	simm.s32 @p2 $0x1  }
0x17: {  	s4 =	simm.s32 $0x1BF5;
	[smem:$0x3FB7] =	sst s0  }
0x18: {  	s0 =	sld [smem:$0x3F9A];
	_ =	swait.ge [sflag:s4], $0x0  }
0x19: {  	s7 =	sld [smem:$0x3F9B]  }
0x1a: {  	s8 =	sadd.s32 $0xFFFFE003, lr  }
0x1b: {  	s9 =	sadd.s32 $0xFFFFFEF7, lr;
	s5 =	simm.s32 $0xFFFFFFFF;
	p2 =	slt.u32 s8, $0xFFFFF086  }
0x1c: {  	p1 =	slt.u32 s9, $0xF7A;
	s5 =	simm.s32 @!p2 $0x0  }
0x1d: {  	s5 =	simm.s32 @p1 $0x1;
	p0 =	seq.s32 s7, s2  }
0x1e: {  	s7 =	smul.u32 @!p0 $0xF7A, s2;
	p2 =	seq.s32 @!p0 s5, $0x0  }
0x1f: {  	s9 =	smul.u32 $0xF7A, s1;
	s8 =	simm.s32 @!p0 $0x1BF5;
	p2 =	por !p2, p0  }
0x20: {  	[sflag:s8] =	ssyncset.s32 @!p0 $0xFFFFF086;
	s6 =	sadd.s32 @!p0 s3, s7;
	s7 =	simm.s32 @!p0 $0x108  }
0x21: {  	s3 =	sadd.s32 s3, s9;
	s6 =	sadd.s32 @!p0 $0x88, s6;
	s7 =	simm.s32 @p2 $0x1082  }
0x22: {  	[simem:s7], [sflag:s8] =	dma.local @!p0 [hbm:s6], $0xF7A  }
0x23: {  	s9 =	sor.u32 $0xD0000000, s2;
	s6 =	simm.s32 $0x108;
	_ =	swait.ge @!p0 [sflag:s8], $0x0  }
0x24: {  	s3 =	sadd.s32 $0x88, s3;
	s6 =	simm.s32 @!p1 $0x1082;
	[sflag:s4] =	ssyncset.s32 $0xFFFFF086  }
0x25: {  	[simem:s6], [sflag:s4] =	dma.local [hbm:s3], $0xF7A  }
0x26: {  	[smem:$0x3F9B] =	sst s1;
	(tag) =	ssettag s2;
	_ =	strace s9  }
0x27: {  	s1 =	sld [smem:$0x3FAB]  }
0x28: {  	s2 =	sld [smem:$0x3FAC]  }
0x29: {  	s4 =	sld [smem:$0x3FAE]  }
0x2a: {  	p0 =	seq.s32 s5, $0x0;
	s5 =	sld [smem:$0x3FAF]  }
0x2b: {  	s6 =	sld [smem:$0x3FB0]  }
0x2c: {  	s7 =	sld [smem:$0x3FB1]  }
0x2d: {  	s3 =	simm.s32 $0x108;
	s8 =	sld [smem:$0x3FB2]  }
0x2e: {  	s3 =	simm.s32 @!p0 $0x1082;
	s9 =	sld [smem:$0x3FB3]  }
0x2f: {  	lr =	sadd.s32 s0, s3;
	s0 =	sld [smem:$0x3FAA]  }
0x30: {  	s3 =	sld [smem:$0x3FAD]  }
0x31: {  	[smem:$0x3FB6] =	sst s10  }
0x32: {  	s10 =	sld [smem:$0x3FB4];
	_ =	sdelay $0x3  }
0x33: {  	p0 =	seq.s32 s10, $0x1;
	s10 =	sld [smem:$0x3FB6];
	_ =	sdelay $0x3  }
0x34: {  	[smem:$0x3FB6] =	sst s10  }
0x35: {  	s10 =	sld [smem:$0x3FB5];
	_ =	sdelay $0x3  }
0x36: {  	p1 =	seq.s32 s10, $0x1;
	s10 =	sld [smem:$0x3FB6];
	_ =	sdelay $0x3  }
0x37: {  	[smem:$0x3FB6] =	sst s10  }
0x38: {  	s10 =	sld [smem:$0x3FB7]  }
0x39: {  	_ = 	snop;
	(pc) =	sbr.ind lr, $3  }
0x3a: {  	_ = 	snop  }
0x3b: {  	_ = 	snop  }
0x3c: {  	p2 =	seq.s32 s10, $0x1;
	s10 =	sld [smem:$0x3FB6]  }
0x3d: {  	_ =	shalt  }
0x3e: {  	_ =	shalt  }
0x3f: {  	_ =	shalt  }
0x40: {  	_ =	shalt  }
0x41: {  	_ =	shalt  }
0x42: {  	_ =	shalt  }
0x43: {  	_ =	shalt  }
0x44: {  	_ =	shalt  }
0x45: {  	_ =	shalt  }
0x46: {  	_ =	shalt  }
0x47: {  	_ =	shalt  }
0x48: {  	_ =	shalt  }
0x49: {  	_ =	shalt  }
0x4a: {  	_ =	shalt  }
0x4b: {  	_ =	shalt  }
0x4c: {  	_ =	shalt  }
0x4d: {  	_ =	shalt  }
0x4e: {  	_ =	shalt  }
0x4f: {  	_ =	shalt  }
0x50: {  	_ =	shalt  }
0x51: {  	_ =	shalt  }
0x52: {  	_ =	shalt  }
0x53: {  	_ =	shalt  }
0x54: {  	_ =	shalt  }
0x55: {  	_ =	shalt  }
0x56: {  	_ =	shalt  }
0x57: {  	_ =	shalt  }
0x58: {  	_ =	shalt  }
0x59: {  	_ =	shalt  }
0x5a: {  	_ =	shalt  }
0x5b: {  	_ =	shalt  }
0x5c: {  	_ =	shalt  }
0x5d: {  	_ =	shalt  }
0x5e: {  	_ =	shalt  }
0x5f: {  	_ =	shalt  }
0x60: {  	_ =	shalt  }
0x61: {  	_ =	shalt  }
0x62: {  	_ =	shalt  }
0x63: {  	_ =	shalt  }
0x64: {  	_ =	shalt  }
0x65: {  	_ =	shalt  }
0x66: {  	_ =	shalt  }
0x67: {  	_ =	shalt  }
0x68: {  	_ =	shalt  }
0x69: {  	_ =	shalt  }
0x6a: {  	_ =	shalt  }
0x6b: {  	_ =	shalt  }
0x6c: {  	_ =	shalt  }
0x6d: {  	_ =	shalt  }
0x6e: {  	_ =	shalt  }
0x6f: {  	_ =	shalt  }
0x70: {  	_ =	shalt  }
0x71: {  	_ =	shalt  }
0x72: {  	_ =	shalt  }
0x73: {  	_ =	shalt  }
0x74: {  	_ =	shalt  }
0x75: {  	_ =	shalt  }
0x76: {  	_ =	shalt  }
0x77: {  	_ =	shalt  }
0x78: {  	_ =	shalt  }
0x79: {  	_ =	shalt  }
0x7a: {  	_ =	shalt  }
0x7b: {  	_ =	shalt  }
0x7c: {  	_ =	shalt  }
0x7d: {  	_ =	shalt  }
0x7e: {  	_ =	shalt  }
0x7f: {  	_ =	shalt  }
0x80: {  	_ =	shalt  }
0x81: {  	_ =	shalt  }
0x82: {  	_ =	shalt  }
0x83: {  	_ =	shalt  }
0x84: {  	_ =	shalt  }
0x85: {  	_ =	shalt  }
0x86: {  	_ =	shalt  }
0x87: {  	_ =	shalt  }
.Lfunc_end0:
.L_simem_size_0:
called_computation_lowered:
.L_overlay_start_0:
0x88: {  	s2 =	sld [smem:$0x3FD9]  }
0x89: {  	s3 =	sld [smem:$0x3FFE];
	_ =	sdelay $0x1  }
0x8a: {  	s1 =	srdreg.scid  }
0x8b: {  	s0 =	sand.u32 $0x1, s1  }
0x8c: {  	s17 =	sshll.u32 s0, $0xA;
	s2 =	sadd.s32 s3, s2  }
0x8d: {  	s2 =	sadd.s32 s2, s17  }
0x8e: {  	[smem:$0x3FC2] =	sst s2  }
0x8f: {  	_ = 	snop  }
0x90: {  	s2 =	sld [smem:$0x3FC8]  }
0x91: {  	s18 =	sld [smem:$0x3FD0];
	(tm) =	ssettm $0x1  }
0x92: {  	s4 =	sld [smem:$0x3FFB];
	_ =	sdelay $0x3  }
0x93: {  	_ =	strace s4  }
0x94: {  	s4 =	sld [smem:$0x3FFC];
	_ =	sdelay $0x3  }
0x95: {  	_ =	strace s4  }
0x96: {  	s4 =	sld [smem:$0x3FFD];
	_ =	sdelay $0x3  }
0x97: {  	_ =	strace s4  }
0x98: {  	_ =	strace $0x8FFFFFFF  }
0x99: {  	s19 =	sld [smem:$0x3FDB];
	_ =	sdelay $0x1  }
0x9a: {  	s5 =	simm.s32 $_scs_section_size  }
0x9b: {  	s6 =	simm.s32 $_size__tile_overlayer_lowered;
	s7 =	simm.s32 $_tile_overlayer_lowered  }
0x9c: {  	s22 =	simm.s32 $0x1BFF;
	s21 =	sshll.u32 s7, $0x1;
	s4 =	sadd.s32 s5, s19  }
0x9d: {  	s8 =	simm.s32 $0x0;
	s20 =	sshll.u32 s6, $0x1;
	s6 =	sadd.s32 s21, s4  }
0x9e: {  	[timem:s8], [sflag:s22] =	dma.local [hbm:s6], s20  }
0x9f: {  	_ =	swait.ge [sflag:s22], s20  }
0xa0: {  	s5 =	ssub.s32 $0x0, s20;
	[sflag:s22] =	ssyncset.done $0x0  }
0xa1: {  	[sflag:s22] =	ssyncadd.s32 s5;
	_ =	sdelay $0x1  }
0xa2: {  	s23 =	simm.s32 $0x1B8B  }
0xa3: {  	_ =	swait.ge [sflag:s23], $0x1  }
0xa4: {  	[sflag:s23] =	ssyncset.done $0x0  }
0xa5: {  	s25 =	simm.s32 $0x1B8E;
	s24 =	sld [smem:$0x3FFE];
	[sflag:s23] =	ssyncadd.s32 $0xFFFFFFFF  }
0xa6: {  	s26 =	simm.s32 $execute0_lowered;
	[smem:$0x3FD2] =	sst s25  }
0xa7: {  	s6 =	sshll.u32 s26, $0x1;
	_ =	strace $0x80000046;
	[dreg:$0x1] =	wrdreg $0xFFFFFFFF  }
0xa8: {  	s28 =	simm.s32 $_size_execute0_lowered;
	s4 =	sadd.s32 s4, s6;
	[dreg:$0x0] =	wrdreg $0x0  }
0xa9: {  	s6 =	sshll.u32 s28, $0x1;
	[dreg:$0x2] =	wrdreg s4  }
0xaa: {  	[dreg:$0x3] =	wrdreg s6  }
0xab: {  	[dreg:$0x4] =	wrdreg $0xC0  }
0xac: {  	_ =	task [dreg:s8], $0x5FFFF  }
0xad: {  	[dreg:$0x1] =	wrdreg $0xFFFFFFFF  }
0xae: {  	[dreg:$0x0] =	wrdreg $0x60  }
0xaf: {  	[dreg:$0x2] =	wrdreg s2  }
0xb0: {  	[dreg:$0x3] =	wrdreg s24  }
0xb1: {  	[dreg:$0x4] =	wrdreg s18  }
0xb2: {  	[dreg:$0x5] =	wrdreg $0x53000  }
0xb3: {  	[dreg:$0x6] =	wrdreg $0x9  }
0xb4: {  	_ =	task.clear_ibuf [dreg:s8], $0x7FFFF;
	_ =	strace $0x90000046  }
0xb5: {  	s29 =	simm.s32 $0x9;
	_ =	strace $0x80000048  }
0xb6: {  	_ =	swait.ge [sflag:s29], $0x1  }
0xb7: {  	[sflag:s29] =	ssyncadd.s32 $0xFFFFFFFF  }
0xb8: {  	_ =	strace $0x90000048  }
0xb9: {  	_ =	sfence  }
0xba: {  	s30 =	sld [smem:$0x0];
	_ =	sdelay $0x2  }
0xbb: {  	s31 =	sshll.u32 s1, $0xD;
	s1 =	sshrl.u32 s1, $0x2  }
0xbc: {  	s3 =	sand.u32 $0x4000, s31;
	s1 =	sadd.s32 s1, s30  }
0xbd: {  	s0 =	sor.u32 s3, s0;
	s1 =	sshll.u32 s1, $0x11  }
0xbe: {  	s0 =	sor.u32 s1, s0  }
0xbf: {  	s0 =	sadd.s32 $0x8F2B, s0  }
0xc0: {  	[sflag:s0] =	ssyncadd.remote.s32 $0x1  }
0xc1: {  	_ =	sfence.sel $0xFFFF  }
0xc2: {  	[dreg:$0x0] =	wrdreg $0xFFFFFFFF;
	(pc) =	sbr.abs _section_cstart, $3  }
0xc3: {  	[dreg:$0x1] =	wrdreg $0xFFFFFFFF  }
0xc4: {  	_ =	task.clear_ibuf [dreg:s8], $0x2FFFF;
	_ =	strace $0x9FFFFFFF  }
0xc5: {  	(tm) =	ssettm $0x7FFFFFFF  }
tec
execute0_lowered:
.L_overlay_start_1:
0x0: {  	(tag) =	ssettag $0x1  }
0x1: {  	s7 =	rddreg [dreg:$0x0]  }
0x2: {  	s5 =	rddreg [dreg:$0x1]  }
0x3: {  	s9 =	rddreg [dreg:$0x2]  }
0x4: {  	s1 =	rddreg [dreg:$0x3]  }
0x5: {  	s2 =	srdreg.scid;
	s0 =	rddreg [dreg:$0x4]  }
0x6: {  	s3 =	simm.s32 $0x0;
	s16 =	simm.s32 $0x0;
	s6 =	sand.u32 $0x1, s2  }
0x7: {  	s2 =	stileid.u32;
	[smem:$0x7FF] =	sst s3;
	s4 =	sshll.u32 s6, $0x4  }
0x8: {  	_ =	strace $0x80000047;
	s10 =	ssub.s32 $0x2, s6;
	s12 =	smul.u32 $0x13C0, s2  }
0x9: {  	s15 =	smul.u32 $0x13C00, s6;
	s6 =	simm.s32 $0x4F;
	s31 =	sshll.u32 s2, $0x6  }
0xa: {  	s11 =	sor.u32 s2, s4;
	s4 =	sadd.s32 $0x1A00, s5;
	s5 =	sadd.s32 $0x1C00, s5  }
0xb: {  	s13 =	sshrl.u32 s10, $0x1;
	s8 =	smul.u32 $0x4E, s11;
	s14 =	smin.u32 s11, $0x4  }
0xc: {  	s10 =	ssub.s32 s10, s13;
	p0 =	slt.u32 s11, $0x4;
	s29 =	sadd.s32 s12, s15  }
0xd: {  	s30 =	sadd.s32 s12, s1;
	s12 =	simm.s32 $0x4F00;
	s15 =	simm.s32 $0x80  }
0xe: {  	s6 =	simm.s32 @!p0 $0x4E;
	s13 =	sshrl.u32 s29, $0x3;
	s8 =	sadd.s32 s14, s8  }
0xf: {  	s10 =	smax.u32 s10, $0x1;
	p0 =	sgt.u32 s11, $0x3;
	s8 =	sshll.u32 s8, $0x5  }
0x10: {  	s11 =	simm.s32 $0x1;
	s9 =	sadd.s32 s9, s13;
	s7 =	sadd.s32 s7, s8  }
0x11: {  	s13 =	sor.u32 $0x1C01, s31;
	s14 =	sshrl.u32 s30, $0x3;
	s8 =	sadd.s32 $0x9C0, s7  }
.LBB2_1:
0x12: {  	[tilespmem:s3], [sflag:$0x1] =	stream.linear.gather [hbm4b:s7+s3], $0x4E00, $0x38;
	[tilespmem:$0x66C0] =	vst v63  }
0x13: {  	_ =	swait.ge [sflag:s11], $0x4E00  }
0x14: {  	[sflag:s11] =	ssyncset.done $0x0  }
0x15: {  	s17 =	simm.s32 @!p0 $0x0;
	s18 =	simm.s32 @!p0 $0x4E00;
	[sflag:s11] =	ssyncadd.s32 $0xFFFFB200  }
0x16: {  	[tilespmem:s18], [sflag:$0x1] =	stream.linear.gather @!p0 [hbm4b:s8+s17], $0x100, $0x38;
	[tilespmem:$0x66C0] =	vst v63  }
0x17: {  	s17 =	simm.s32 @!p0 $0x1  }
0x18: {  	_ =	swait.ge @!p0 [sflag:s17], $0x100  }
0x19: {  	[sflag:s17] =	ssyncset.done @!p0 $0x0  }
0x1a: {  	[sflag:s17] =	ssyncadd.s32 @!p0 $0xFFFFFF00  }
0x1b: {  	[tilespmem:s12], [sflag:$0x1] =	stream.linear.gather [hbm4b:s4+s3], $0x400, $0x38;
	[tilespmem:$0x66C0] =	vst v63  }
0x1c: {  	_ =	swait.ge [sflag:s11], $0x400  }
0x1d: {  	[sflag:s11] =	ssyncset.done $0x0  }
0x1e: {  	[sflag:s11] =	ssyncadd.s32 $0xFFFFFC00  }
0x1f: {  	[spmem:s14], [sflag:s13] =	dma.local [hbm:s5], $0x278  }
0x20: {  	_ =	swait.ge [sflag:s11], $0x278  }
0x21: {  	p1 =	sne.s32 s6, $0x1;
	[sflag:s11] =	ssyncset.done $0x0  }
.Ltmp0:
0x22: {  	[sflag:s11] =	ssyncadd.s32 $0xFFFFFD88;
	(pc) =	sbr.rel @!p1 .LBB2_3-.Ltmp0, $4  }
0x23: {  	[bflag:$0x0] =	sbarrier.arrive $0xFFFF  }
0x24: {  	[spmem:s1] =	stream.indirect.scatter.add.f32 [tilespmem:s12], [sflag:$0x1], $0x8, s15, s15, $0xb8;
	[tilespmem:$0x66C0] =	vst v63  }
0x25: {  	_ =	swait.ge [sflag:s11], $0x400  }
0x26: {  	s18 =	simm.s32 $0x80;
	s17 =	sadd.s32 $0xFFFFFFFF, s6;
	[sflag:s11] =	ssyncset.done $0x0  }
.LBB2_2:
0x27: {  	p1 =	sne.s32 s17, $0x1;
	[sflag:s11] =	ssyncadd.s32 $0xFFFFFC00;
	s18 =	sadd.s32 $0x100, s18  }
.Ltmp1:
0x28: {  	s17 =	sadd.s32 $0xFFFFFFFF, s17;
	(pc) =	sbr.rel @p1 .LBB2_2-.Ltmp1, $4  }
0x29: {  	_ = 	snop  }
0x2a: {  	[spmem:s1] =	stream.indirect.scatter.add.f32 [tilespmem:s12], [sflag:$0x1], $0x8, s18, s15, $0xb8;
	[tilespmem:$0x66C0] =	vst v63  }
0x2b: {  	_ =	swait.ge [sflag:s11], $0x400  }
0x2c: {  	[sflag:s11] =	ssyncset.done $0x0  }
.LBB2_3:
0x2d: {  	s16 =	sadd.s32 $0x1, s16  }
0x2e: {  	[sflag:s11] =	ssyncadd.s32 $0xFFFFFC00;
	p1 =	sne.s32 s16, s10  }
.Ltmp2:
0x2f: {  	[bflag:$0x0] =	sbarrier.arrive $0xFFFF;
	(pc) =	sbr.rel @p1 .LBB2_1-.Ltmp2, $4  }
0x30: {  	[hbm:s9], [sflag:s13] =	dma.local [spmem:s14], $0x278  }
0x31: {  	_ =	swait.ge [sflag:s11], $0x278  }
0x32: {  	[sflag:s11] =	ssyncset.done $0x0  }
0x33: {  	[sflag:s11] =	ssyncadd.s32 $0xFFFFFD88  }
0x34: {  	_ =	sfence.sel $0x180000  }
0x35: {  	[bflag:$0x0] =	sbarrier.arrive $0xFFFF  }
0x36: {  	p0 =	sne.s32 s2, $0x0;
	_ =	strace $0x90000047  }
0x37: {  	s0 =	sadd.s32 @!p0 $0x100000, s0;
	[bflag:$0x2] =	sbarrier.arrive $0xFFFF  }
0x38: {  	[sflag:s0] =	ssyncadd.tile.s32 @!p0 $0x1;
	_ =	shalt  }
.Lfunc_end2:
_tile_overlayer_lowered:
.L_overlay_start_2:
0x39: {  	(tag) =	ssettag $0x2  }
0x3a: {  	s0 =	rddreg [dreg:$0x0];
	s2 =	stileid.u32  }
0x3b: {  	s1 =	rddreg [dreg:$0x1];
	p0 =	sne.s32 s2, $0x0  }
0x3c: {  	s3 =	rddreg [dreg:$0x2];
	[bflag:$0x3] =	sbarrier.arrive $0xFFFF;
	s2 =	simm.s32 @!p0 $0x1C01  }
0x3d: {  	[timem:s3], [sflag:s2] =	dma.local @!p0 [hbm:s0], s1  }
0x3e: {  	s0 =	simm.s32 @!p0 $0x1  }
0x3f: {  	_ =	swait.ge @!p0 [sflag:s0], s1  }
0x40: {  	s1 =	ssub.s32 @!p0 $0x0, s1;
	[sflag:s0] =	ssyncset.done @!p0 $0x0  }
0x41: {  	[sflag:s0] =	ssyncadd.s32 @!p0 s1  }
0x42: {  	[bflag:$0x3] =	sbarrier.arrive $0xFFFF  }
0x43: {  	_ =	shalt  }

</sc_bundles>
